<compile_context>
chip_gen: v7x
topology: tpu7x:2x2x1
jax: 0.10.2.dev20260603
libtpu: 0.0.44.dev20260713+nightly
codegen_flags: <defaults>
</compile_context>

<pallas_src>
import functools

import jax
import jax.numpy as jnp
import numpy as np
from jax.experimental import pallas as pl

_B, _K, _N, _D, _M, _H = 4, 16, 128, 256, 64, 32
_NTOP = 128
_UNARY_SCALES = [1.0, 0.5, 0.25, 0.125]


_GU = 4


def _unary_kernel(pf_ref, neg_ref, Wu1_ref, bu1_ref, wu2_ref, bu2_ref, out_ref):
    f0 = pf_ref[...]
    f1 = neg_ref[...]
    h0 = jnp.dot(
        f0.reshape(_GU * _N, _D), Wu1_ref[...], preferred_element_type=jnp.float32
    ).reshape(_GU, _N, _H)
    h1 = jnp.dot(
        f1.reshape(_GU * _M, _D), Wu1_ref[...], preferred_element_type=jnp.float32
    ).reshape(_GU, _M, _H)
    pair = jax.nn.relu(
        h0[:, :, None, :] + h1[:, None, :, :] + bu1_ref[0][None, None, None, :]
    )
    s = jnp.dot(
        pair.reshape(_GU * _N * _M, _H), wu2_ref[...],
        preferred_element_type=jnp.float32,
    ).reshape(_GU, _N, _M) + bu2_ref[0, 0]
    out_ref[:, 0, :] = jnp.mean(s, axis=-1)


def _unary_energy(pf, neg_fea, Wu1, bu1, wu2, bu2):
    bk = _B * _K
    return pl.pallas_call(
        _unary_kernel,
        grid=(bk // _GU,),
        in_specs=[
            pl.BlockSpec((_GU, _N, _D), lambda i: (i, 0, 0)),
            pl.BlockSpec((_GU, _M, _D), lambda i: (i, 0, 0)),
            pl.BlockSpec((_D, _H), lambda i: (0, 0)),
            pl.BlockSpec((1, _H), lambda i: (0, 0)),
            pl.BlockSpec((_H, 1), lambda i: (0, 0)),
            pl.BlockSpec((1, 1), lambda i: (0, 0)),
        ],
        out_specs=pl.BlockSpec((_GU, 1, _N), lambda i: (i, 0, 0)),
        out_shape=jax.ShapeDtypeStruct((bk, 1, _N), jnp.float32),
    )(pf, neg_fea, Wu1, bu1.reshape(1, _H), wu2, bu2.reshape(1, 1)).reshape(bk, _N)


def _level_kernel(scale, P, G, f0_ref, f1_ref, pe0_ref, pe1_ref, ue0_ref, ue1_ref,
                  W1_ref, b1_ref, w2_ref, b2_ref, scores_ref, total_ref):
    h0 = jnp.dot(
        f0_ref[...].reshape(G * P, _D), W1_ref[...],
        preferred_element_type=jnp.float32,
    ).reshape(G, P, _H)
    h1 = jnp.dot(
        f1_ref[...].reshape(G * P, _D), W1_ref[...],
        preferred_element_type=jnp.float32,
    ).reshape(G, P, _H)
    pair = jax.nn.relu(
        h0[:, :, None, :] + h1[:, None, :, :] + b1_ref[0][None, None, None, :]
    )
    s = jnp.dot(
        pair.reshape(G * P * P, _H), w2_ref[...], preferred_element_type=jnp.float32
    ).reshape(G, P, P) + b2_ref[0, 0]
    pe0 = pe0_ref[:, 0, :]
    pe1 = pe1_ref[:, 0, :]
    ue0 = ue0_ref[:, 0, :]
    ue1 = ue1_ref[:, 0, :]
    pw = (pe0[:, :, None] + pe1[:, None, :]) - s
    un = ue0[:, :, None] + ue1[:, None, :]
    scores_ref[...] = s
    total_ref[...] = pw + scale * un


def _level_scores(f0, f1, pe0, pe1, ue0, ue1, W1, b1, w2, b2, scale):
    B2, P, _ = f0.shape
    G = 2 if B2 >= 2 else 1
    kern = functools.partial(_level_kernel, scale, P, G)
    return pl.pallas_call(
        kern,
        grid=(B2 // G,),
        in_specs=[
            pl.BlockSpec((G, P, _D), lambda i: (i, 0, 0)),
            pl.BlockSpec((G, P, _D), lambda i: (i, 0, 0)),
            pl.BlockSpec((G, 1, P), lambda i: (i, 0, 0)),
            pl.BlockSpec((G, 1, P), lambda i: (i, 0, 0)),
            pl.BlockSpec((G, 1, P), lambda i: (i, 0, 0)),
            pl.BlockSpec((G, 1, P), lambda i: (i, 0, 0)),
            pl.BlockSpec((_D, _H), lambda i: (0, 0)),
            pl.BlockSpec((1, _H), lambda i: (0, 0)),
            pl.BlockSpec((_H, 1), lambda i: (0, 0)),
            pl.BlockSpec((1, 1), lambda i: (0, 0)),
        ],
        out_specs=[
            pl.BlockSpec((G, P, P), lambda i: (i, 0, 0)),
            pl.BlockSpec((G, P, P), lambda i: (i, 0, 0)),
        ],
        out_shape=[
            jax.ShapeDtypeStruct((B2, P, P), jnp.float32),
            jax.ShapeDtypeStruct((B2, P, P), jnp.float32),
        ],
    )(f0, f1, pe0[:, None, :], pe1[:, None, :], ue0[:, None, :], ue1[:, None, :],
      W1, b1.reshape(1, _H), w2, b2.reshape(1, 1))


def kernel(pos_fea, neg_fea, pos_classes, neg_classes, target_class,
           W1, b1, w2, b2, Wu1, bu1, wu2, bu2):
    pf = pos_fea.reshape(_B * _K, _N, _D)
    unary_energy = _unary_energy(pf, neg_fea, Wu1, bu1, wu2, bu2)

    subproblems = jnp.tile(jnp.arange(_N)[None, :, None], (_B * _K, 1, 1))
    pairwise_energy = jnp.zeros_like(unary_energy)
    tree_height = int(np.log2(_K))

    for i in range(tree_height):
        w = 2 ** i
        sub0, sub1 = subproblems[::2], subproblems[1::2]
        pe0, pe1 = pairwise_energy[::2], pairwise_energy[1::2]
        ue0, ue1 = unary_energy[::2], unary_energy[1::2]
        B2, P, _ = sub0.shape
        bags0 = (2 * jnp.arange(B2))[:, None] * w + jnp.arange(w)[None, :]
        bags1 = (2 * jnp.arange(B2) + 1)[:, None] * w + jnp.arange(w)[None, :]
        f0 = jnp.mean(pf[bags0[:, None, :], sub0], axis=2)
        f1 = jnp.mean(pf[bags1[:, None, :], sub1], axis=2)

        scores, total = _level_scores(
            f0, f1, pe0, pe1, ue0, ue1, W1, b1, w2, b2, _UNARY_SCALES[i]
        )

        total_flat = total.reshape(B2, P * P)
        topk = min(P * P, _NTOP) if i < tree_height - 1 else 1
        _, top_inds = jax.lax.top_k(-total_flat, topk)
        pI = top_inds // P
        qI = top_inds % P

        sub0_sel = jnp.take_along_axis(sub0, pI[..., None], axis=1)
        sub1_sel = jnp.take_along_axis(sub1, qI[..., None], axis=1)
        subproblems = jnp.concatenate([sub0_sel, sub1_sel], axis=-1)
        scores_sel = jnp.take_along_axis(scores.reshape(B2, P * P), top_inds, axis=1)
        pairwise_energy = (
            jnp.take_along_axis(pe0, pI, axis=1)
            + jnp.take_along_axis(pe1, qI, axis=1)
            - scores_sel
        )
        unary_energy = (
            jnp.take_along_axis(ue0, pI, axis=1)
            + jnp.take_along_axis(ue1, qI, axis=1)
        )

    tc = target_class.astype(jnp.float32)
    is_target = (pos_classes == tc[:, None, None]).astype(jnp.float32)
    return subproblems[:, 0], is_target

# --- scband reference (transcript-rebuilt; emitter-appended) ---
"""Pipeline reference for scband-inference-model-26877905339204 (READ-ONLY COPY).

The authoritative reference and input builder live on the scoring server;
editing this copy changes nothing except your own understanding.
"""

import jax, jax.numpy as jnp
import numpy as np

B, K, N, D, M, H = 4, 16, 128, 256, 64, 32
NTOP = 128
UNARY_SCALES = [1.0, 0.5, 0.25, 0.125]

def _relation(f0, f1, W1, b1, w2, b2):
    # RelationModule: pairwise relation scores between two proposal sets.
    h0 = jnp.einsum('bpd,dh->bph', f0, W1)
    h1 = jnp.einsum('bqd,dh->bqh', f1, W1)
    pair = jax.nn.relu(h0[:, :, None, :] + h1[:, None, :, :] + b1)
    return jnp.einsum('bpqh,ho->bpqo', pair, w2) + b2

def _unary(pf, neg, Wu1, bu1, wu2, bu2):
    # UnaryModule (mode=MEAN): relation of each positive proposal to negatives, reduced over negatives.
    s = _relation(pf, neg, Wu1, bu1, wu2, bu2)[..., 0]
    return jnp.mean(s, axis=-1)

def setup_inputs(seed: int = 0):
    key = jax.random.key(seed)
    ks = jax.random.split(key, 12)
    pos_fea = jax.random.normal(ks[0], (B, K, N, D), dtype=jnp.float32)
    neg_fea = jax.random.normal(ks[1], (B * K, M, D), dtype=jnp.float32)
    pos_classes = jax.random.randint(ks[2], (B, K, N), 0, 20).astype(jnp.float32)
    neg_classes = jax.random.randint(ks[3], (B * K, M), 0, 20).astype(jnp.float32)
    target_class = jax.random.randint(ks[4], (B,), 0, 20)
    s = 0.05
    W1 = jax.random.normal(ks[5], (D, H), dtype=jnp.float32) * s
    b1 = jnp.zeros((H,), jnp.float32)
    w2 = jax.random.normal(ks[6], (H, 1), dtype=jnp.float32) * s
    b2 = jnp.zeros((1,), jnp.float32)
    Wu1 = jax.random.normal(ks[7], (D, H), dtype=jnp.float32) * s
    bu1 = jnp.zeros((H,), jnp.float32)
    wu2 = jax.random.normal(ks[8], (H, 1), dtype=jnp.float32) * s
    bu2 = jnp.zeros((1,), jnp.float32)
    return {"pos_fea": pos_fea, "neg_fea": neg_fea, "pos_classes": pos_classes, "neg_classes": neg_classes, "target_class": target_class, "W1": W1, "b1": b1, "w2": w2, "b2": b2, "Wu1": Wu1, "bu1": bu1, "wu2": wu2, "bu2": bu2}

def _forward(pos_fea, neg_fea, pos_classes, target_class, W1, b1, w2, b2, Wu1, bu1, wu2, bu2):
    pf = pos_fea.reshape(B * K, N, D)
    unary_energy = _unary(pf, neg_fea, Wu1, bu1, wu2, bu2)  # [B*K, N]
    subproblems = jnp.tile(jnp.arange(N)[None, :, None], (B * K, 1, 1))  # [B*K, N, 1]
    pairwise_energy = jnp.zeros_like(unary_energy)
    tree_height = int(np.log2(K))
    for i in range(tree_height):
        w = 2 ** i
        sub0, sub1 = subproblems[::2], subproblems[1::2]
        pe0, pe1 = pairwise_energy[::2], pairwise_energy[1::2]
        ue0, ue1 = unary_energy[::2], unary_energy[1::2]
        B2, P, _ = sub0.shape
        # interleaved split maps subproblem (b, tuple-pos j) to original bag b*w + j
        bags0 = (2 * jnp.arange(B2))[:, None] * w + jnp.arange(w)[None, :]
        bags1 = (2 * jnp.arange(B2) + 1)[:, None] * w + jnp.arange(w)[None, :]
        f0 = jnp.mean(pf[bags0[:, None, :], sub0], axis=2)  # [B2, P, D]
        f1 = jnp.mean(pf[bags1[:, None, :], sub1], axis=2)
        scores_mat = _relation(f0, f1, W1, b1, w2, b2)[..., 0]  # [B2, P, P]
        p0 = jnp.repeat(jnp.arange(P), P)
        p1 = jnp.tile(jnp.arange(P), P)
        scores = scores_mat.reshape(B2, P * P)
        sub0g = sub0[:, p0]
        sub1g = sub1[:, p1]
        pairwise_energy = pe0[:, p0] + pe1[:, p1] - scores
        unary_energy = ue0[:, p0] + ue1[:, p1]
        total = pairwise_energy + UNARY_SCALES[i] * unary_energy
        subproblems = jnp.concatenate([sub0g, sub1g], axis=-1)
        topk = min(total.shape[-1], NTOP) if i < tree_height - 1 else 1
        _, top_inds = jax.lax.top_k(-total, topk)
        subproblems = jnp.take_along_axis(subproblems, top_inds[..., None], axis=1)
        unary_energy = jnp.take_along_axis(unary_energy, top_inds, axis=1)
        pairwise_energy = jnp.take_along_axis(pairwise_energy, top_inds, axis=1)
    tc = target_class.astype(jnp.float32)
    is_target = (pos_classes == tc[:, None, None]).astype(jnp.float32)
    return subproblems[:, 0], is_target

def reference(pos_fea, neg_fea, pos_classes, neg_classes, target_class, W1, b1, w2, b2, Wu1, bu1, wu2, bu2):
    return _forward(pos_fea, neg_fea, pos_classes, target_class, W1, b1, w2, b2, Wu1, bu1, wu2, bu2)

if __name__ == "__main__":
    import jax
    _d = setup_inputs()
    print(jax.jit(kernel)(*tuple(_d.values())))

</pallas_src>

<mosaic_0001>
module attributes {stable_mosaic.version = 14 : i64} {
  func.func @_unary_kernel(%arg0: i32, %arg1: memref<4x128x256xf32, #tpu.memory_space<vmem>>, %arg2: memref<4x64x256xf32, #tpu.memory_space<vmem>>, %arg3: memref<256x32xf32, #tpu.memory_space<vmem>>, %arg4: memref<1x32xf32, #tpu.memory_space<vmem>>, %arg5: memref<32x1xf32, #tpu.memory_space<vmem>>, %arg6: memref<1x1xf32, #tpu.memory_space<vmem>>, %arg7: memref<4x1x128xf32, #tpu.memory_space<vmem>>) attributes {dimension_semantics = [#tpu.dimension_semantics<arbitrary>], iteration_bounds = array<i64: 16>, scalar_prefetch = 0 : i64, scratch_operands = 0 : i64, tpu.core_type = #tpu.core_type<tc>, window_params = [{transform_indices = @transform_0, window_bounds = array<i64: 4, 128, 256>}, {transform_indices = @transform_1, window_bounds = array<i64: 4, 64, 256>}, {pipeline_mode = #tpu.pipeline_mode<synchronous>, transform_indices = @transform_2, window_bounds = array<i64: 256, 32>}, {pipeline_mode = #tpu.pipeline_mode<synchronous>, transform_indices = @transform_3, window_bounds = array<i64: 1, 32>}, {pipeline_mode = #tpu.pipeline_mode<synchronous>, transform_indices = @transform_4, window_bounds = array<i64: 32, 1>}, {pipeline_mode = #tpu.pipeline_mode<synchronous>, transform_indices = @transform_5, window_bounds = array<i64: 1, 1>}, {transform_indices = @transform_6, window_bounds = array<i64: 4, 1, 128>}]} {
    %get3A = arith.constant 0 : index
    %get3A_0 = arith.constant 0 : index
    %get3A_1 = arith.constant 0 : index
    %get3A_2 = vector.load %arg1[%get3A, %get3A_0, %get3A_1] : memref<4x128x256xf32, #tpu.memory_space<vmem>>, vector<4x128x256xf32>
    %get3A_3 = arith.constant 0 : index
    %get3A_4 = arith.constant 0 : index
    %get3A_5 = arith.constant 0 : index
    %get3A_6 = vector.load %arg2[%get3A_3, %get3A_4, %get3A_5] : memref<4x64x256xf32, #tpu.memory_space<vmem>>, vector<4x64x256xf32>
    %reshape3A = vector.shape_cast %get3A_2 : vector<4x128x256xf32> to vector<512x256xf32>
    %get3A_7 = arith.constant 0 : index
    %get3A_8 = arith.constant 0 : index
    %get3A_9 = vector.load %arg3[%get3A_7, %get3A_8] : memref<256x32xf32, #tpu.memory_space<vmem>>, vector<256x32xf32>
    %dot_general3A = arith.constant dense<0.000000e+00> : vector<512x32xf32>
    %dot_general3A_10 = tpu.matmul %reshape3A, %get3A_9, %dot_general3A {dimension_numbers = #tpu.dot_dimension_numbers<[1], [0], [0], [1], [0, 0, 1, 1], [], []>, transpose_lhs_hint = false} : vector<512x256xf32>, vector<256x32xf32>, vector<512x32xf32> -> vector<512x32xf32>
    %reshape3A_11 = vector.shape_cast %dot_general3A_10 : vector<512x32xf32> to vector<4x128x32xf32>
    %reshape3A_12 = vector.shape_cast %get3A_6 : vector<4x64x256xf32> to vector<256x256xf32>
    %get3A_13 = arith.constant 0 : index
    %get3A_14 = arith.constant 0 : index
    %get3A_15 = vector.load %arg3[%get3A_13, %get3A_14] : memref<256x32xf32, #tpu.memory_space<vmem>>, vector<256x32xf32>
    %dot_general3A_16 = arith.constant dense<0.000000e+00> : vector<256x32xf32>
    %dot_general3A_17 = tpu.matmul %reshape3A_12, %get3A_15, %dot_general3A_16 {dimension_numbers = #tpu.dot_dimension_numbers<[1], [0], [0], [1], [0, 0, 1, 1], [], []>, transpose_lhs_hint = false} : vector<256x256xf32>, vector<256x32xf32>, vector<256x32xf32> -> vector<256x32xf32>
    %reshape3A_18 = vector.shape_cast %dot_general3A_17 : vector<256x32xf32> to vector<4x64x32xf32>
    %broadcast_in_dim3A = vector.shape_cast %reshape3A_11 : vector<4x128x32xf32> to vector<4x128x1x32xf32>
    %broadcast_in_dim3A_19 = vector.shape_cast %reshape3A_18 : vector<4x64x32xf32> to vector<4x1x64x32xf32>
    %add3A = vector.broadcast %broadcast_in_dim3A : vector<4x128x1x32xf32> to vector<4x128x64x32xf32>
    %add3A_20 = vector.broadcast %broadcast_in_dim3A_19 : vector<4x1x64x32xf32> to vector<4x128x64x32xf32>
    %add3A_21 = arith.addf %add3A, %add3A_20 : vector<4x128x64x32xf32>
    %get3A_22 = arith.constant 0 : index
    %get3A_23 = arith.constant 0 : index
    %get3A_24 = vector.load %arg4[%get3A_22, %get3A_23] : memref<1x32xf32, #tpu.memory_space<vmem>>, vector<1x32xf32>
    %get3A_25 = vector.shape_cast %get3A_24 : vector<1x32xf32> to vector<32xf32>
    %broadcast_in_dim3A_26 = vector.shape_cast %get3A_25 : vector<32xf32> to vector<1x1x1x32xf32>
    %add3A_27 = vector.broadcast %broadcast_in_dim3A_26 : vector<1x1x1x32xf32> to vector<4x128x64x32xf32>
    %add3A_28 = arith.addf %add3A_21, %add3A_27 : vector<4x128x64x32xf32>
    %max3A = arith.constant 0.000000e+00 : f32
    %max3A_29 = vector.broadcast %max3A : f32 to vector<4x128x64x32xf32>
    %max3A_30 = arith.maximumf %add3A_28, %max3A_29 : vector<4x128x64x32xf32>
    %reshape3A_31 = vector.shape_cast %max3A_30 : vector<4x128x64x32xf32> to vector<32768x32xf32>
    %get3A_32 = arith.constant 0 : index
    %get3A_33 = arith.constant 0 : index
    %get3A_34 = vector.load %arg5[%get3A_32, %get3A_33] : memref<32x1xf32, #tpu.memory_space<vmem>>, vector<32x1xf32>
    %dot_general3A_35 = arith.constant dense<0.000000e+00> : vector<32768x1xf32>
    %dot_general3A_36 = tpu.matmul %reshape3A_31, %get3A_34, %dot_general3A_35 {dimension_numbers = #tpu.dot_dimension_numbers<[1], [0], [0], [1], [0, 0, 1, 1], [], []>, transpose_lhs_hint = false} : vector<32768x32xf32>, vector<32x1xf32>, vector<32768x1xf32> -> vector<32768x1xf32>
    %reshape3A_37 = vector.shape_cast %dot_general3A_36 : vector<32768x1xf32> to vector<4x128x64xf32>
    %get3A_38 = arith.constant 0 : index
    %get3A_39 = arith.constant 0 : index
    %get3A_40 = vector.load %arg6[%get3A_38, %get3A_39] : memref<1x1xf32, #tpu.memory_space<vmem>>, vector<1x1xf32>
    %get3A_41 = vector.extract %get3A_40[0, 0] : f32 from vector<1x1xf32>
    %add3A_42 = vector.broadcast %get3A_41 : f32 to vector<4x128x64xf32>
    %add3A_43 = arith.addf %reshape3A_37, %add3A_42 : vector<4x128x64xf32>
    %reduce_sum3A = arith.constant dense<0.000000e+00> : vector<4x128xf32>
    %reduce_sum3A_44 = vector.multi_reduction <add>, %add3A_43, %reduce_sum3A [2] : vector<4x128x64xf32> to vector<4x128xf32>
    %div3A = arith.constant 6.400000e+01 : f32
    %div3A_45 = vector.broadcast %div3A : f32 to vector<4x128xf32>
    %div3A_46 = arith.divf %reduce_sum3A_44, %div3A_45 : vector<4x128xf32>
    %swap3A = arith.constant 0 : index
    %swap3A_47 = arith.constant 0 : index
    %swap3A_48 = arith.constant 0 : index
    %swap3A_49 = vector.load %arg7[%swap3A, %swap3A_47, %swap3A_48] : memref<4x1x128xf32, #tpu.memory_space<vmem>>, vector<4x1x128xf32>
    %swap3A_50 = vector.shape_cast %swap3A_49 : vector<4x1x128xf32> to vector<4x128xf32>
    %swap3A_51 = vector.shape_cast %div3A_46 : vector<4x128xf32> to vector<4x1x128xf32>
    tpu.vector_store %arg7[%swap3A, %swap3A_47, %swap3A_48], %swap3A_51 {strides = array<i32>} : memref<4x1x128xf32, #tpu.memory_space<vmem>>, vector<4x1x128xf32>,
    return
  }
  func.func @transform_0(%arg0: i32) -> (i32, i32, i32) {
    %c0_i32 = arith.constant 0 : i32
    %c0_i32_0 = arith.constant 0 : i32
    %c0_i32_1 = arith.constant 0 : i32
    return %arg0, %c0_i32, %c0_i32_0 : i32, i32, i32
  }
  func.func @transform_1(%arg0: i32) -> (i32, i32, i32) {
    %c0_i32 = arith.constant 0 : i32
    %c0_i32_0 = arith.constant 0 : i32
    %c0_i32_1 = arith.constant 0 : i32
    return %arg0, %c0_i32, %c0_i32_0 : i32, i32, i32
  }
  func.func @transform_2(%arg0: i32) -> (i32, i32) {
    %c0_i32 = arith.constant 0 : i32
    %c0_i32_0 = arith.constant 0 : i32
    %c0_i32_1 = arith.constant 0 : i32
    return %c0_i32, %c0_i32_0 : i32, i32
  }
  func.func @transform_3(%arg0: i32) -> (i32, i32) {
    %c0_i32 = arith.constant 0 : i32
    %c0_i32_0 = arith.constant 0 : i32
    %c0_i32_1 = arith.constant 0 : i32
    return %c0_i32, %c0_i32_0 : i32, i32
  }
  func.func @transform_4(%arg0: i32) -> (i32, i32) {
    %c0_i32 = arith.constant 0 : i32
    %c0_i32_0 = arith.constant 0 : i32
    %c0_i32_1 = arith.constant 0 : i32
    return %c0_i32, %c0_i32_0 : i32, i32
  }
  func.func @transform_5(%arg0: i32) -> (i32, i32) {
    %c0_i32 = arith.constant 0 : i32
    %c0_i32_0 = arith.constant 0 : i32
    %c0_i32_1 = arith.constant 0 : i32
    return %c0_i32, %c0_i32_0 : i32, i32
  }
  func.func @transform_6(%arg0: i32) -> (i32, i32, i32) {
    %c0_i32 = arith.constant 0 : i32
    %c0_i32_0 = arith.constant 0 : i32
    %c0_i32_1 = arith.constant 0 : i32
    return %arg0, %c0_i32, %c0_i32_0 : i32, i32, i32
  }
}

module attributes {stable_mosaic.version = 14 : i64} {
  func.func @_level_kernel(%arg0: i32, %arg1: memref<2x128x256xf32, #tpu.memory_space<vmem>>, %arg2: memref<2x128x256xf32, #tpu.memory_space<vmem>>, %arg3: memref<2x1x128xf32, #tpu.memory_space<vmem>>, %arg4: memref<2x1x128xf32, #tpu.memory_space<vmem>>, %arg5: memref<2x1x128xf32, #tpu.memory_space<vmem>>, %arg6: memref<2x1x128xf32, #tpu.memory_space<vmem>>, %arg7: memref<256x32xf32, #tpu.memory_space<vmem>>, %arg8: memref<1x32xf32, #tpu.memory_space<vmem>>, %arg9: memref<32x1xf32, #tpu.memory_space<vmem>>, %arg10: memref<1x1xf32, #tpu.memory_space<vmem>>, %arg11: memref<2x128x128xf32, #tpu.memory_space<vmem>>, %arg12: memref<2x128x128xf32, #tpu.memory_space<vmem>>) attributes {dimension_semantics = [#tpu.dimension_semantics<arbitrary>], iteration_bounds = array<i64: 16>, scalar_prefetch = 0 : i64, scratch_operands = 0 : i64, tpu.core_type = #tpu.core_type<tc>, window_params = [{transform_indices = @transform_0, window_bounds = array<i64: 2, 128, 256>}, {transform_indices = @transform_1, window_bounds = array<i64: 2, 128, 256>}, {transform_indices = @transform_2, window_bounds = array<i64: 2, 1, 128>}, {transform_indices = @transform_3, window_bounds = array<i64: 2, 1, 128>}, {transform_indices = @transform_4, window_bounds = array<i64: 2, 1, 128>}, {transform_indices = @transform_5, window_bounds = array<i64: 2, 1, 128>}, {pipeline_mode = #tpu.pipeline_mode<synchronous>, transform_indices = @transform_6, window_bounds = array<i64: 256, 32>}, {pipeline_mode = #tpu.pipeline_mode<synchronous>, transform_indices = @transform_7, window_bounds = array<i64: 1, 32>}, {pipeline_mode = #tpu.pipeline_mode<synchronous>, transform_indices = @transform_8, window_bounds = array<i64: 32, 1>}, {pipeline_mode = #tpu.pipeline_mode<synchronous>, transform_indices = @transform_9, window_bounds = array<i64: 1, 1>}, {transform_indices = @transform_10, window_bounds = array<i64: 2, 128, 128>}, {transform_indices = @transform_11, window_bounds = array<i64: 2, 128, 128>}]} {
    %get3A = arith.constant 0 : index
    %get3A_0 = arith.constant 0 : index
    %get3A_1 = arith.constant 0 : index
    %get3A_2 = vector.load %arg1[%get3A, %get3A_0, %get3A_1] : memref<2x128x256xf32, #tpu.memory_space<vmem>>, vector<2x128x256xf32>
    %reshape3A = vector.shape_cast %get3A_2 : vector<2x128x256xf32> to vector<256x256xf32>
    %get3A_3 = arith.constant 0 : index
    %get3A_4 = arith.constant 0 : index
    %get3A_5 = vector.load %arg7[%get3A_3, %get3A_4] : memref<256x32xf32, #tpu.memory_space<vmem>>, vector<256x32xf32>
    %dot_general3A = arith.constant dense<0.000000e+00> : vector<256x32xf32>
    %dot_general3A_6 = tpu.matmul %reshape3A, %get3A_5, %dot_general3A {dimension_numbers = #tpu.dot_dimension_numbers<[1], [0], [0], [1], [0, 0, 1, 1], [], []>, transpose_lhs_hint = false} : vector<256x256xf32>, vector<256x32xf32>, vector<256x32xf32> -> vector<256x32xf32>
    %reshape3A_7 = vector.shape_cast %dot_general3A_6 : vector<256x32xf32> to vector<2x128x32xf32>
    %get3A_8 = arith.constant 0 : index
    %get3A_9 = arith.constant 0 : index
    %get3A_10 = arith.constant 0 : index
    %get3A_11 = vector.load %arg2[%get3A_8, %get3A_9, %get3A_10] : memref<2x128x256xf32, #tpu.memory_space<vmem>>, vector<2x128x256xf32>
    %reshape3A_12 = vector.shape_cast %get3A_11 : vector<2x128x256xf32> to vector<256x256xf32>
    %get3A_13 = arith.constant 0 : index
    %get3A_14 = arith.constant 0 : index
    %get3A_15 = vector.load %arg7[%get3A_13, %get3A_14] : memref<256x32xf32, #tpu.memory_space<vmem>>, vector<256x32xf32>
    %dot_general3A_16 = arith.constant dense<0.000000e+00> : vector<256x32xf32>
    %dot_general3A_17 = tpu.matmul %reshape3A_12, %get3A_15, %dot_general3A_16 {dimension_numbers = #tpu.dot_dimension_numbers<[1], [0], [0], [1], [0, 0, 1, 1], [], []>, transpose_lhs_hint = false} : vector<256x256xf32>, vector<256x32xf32>, vector<256x32xf32> -> vector<256x32xf32>
    %reshape3A_18 = vector.shape_cast %dot_general3A_17 : vector<256x32xf32> to vector<2x128x32xf32>
    %broadcast_in_dim3A = vector.shape_cast %reshape3A_7 : vector<2x128x32xf32> to vector<2x128x1x32xf32>
    %broadcast_in_dim3A_19 = vector.shape_cast %reshape3A_18 : vector<2x128x32xf32> to vector<2x1x128x32xf32>
    %add3A = vector.broadcast %broadcast_in_dim3A : vector<2x128x1x32xf32> to vector<2x128x128x32xf32>
    %add3A_20 = vector.broadcast %broadcast_in_dim3A_19 : vector<2x1x128x32xf32> to vector<2x128x128x32xf32>
    %add3A_21 = arith.addf %add3A, %add3A_20 : vector<2x128x128x32xf32>
    %get3A_22 = arith.constant 0 : index
    %get3A_23 = arith.constant 0 : index
    %get3A_24 = vector.load %arg8[%get3A_22, %get3A_23] : memref<1x32xf32, #tpu.memory_space<vmem>>, vector<1x32xf32>
    %get3A_25 = vector.shape_cast %get3A_24 : vector<1x32xf32> to vector<32xf32>
    %broadcast_in_dim3A_26 = vector.shape_cast %get3A_25 : vector<32xf32> to vector<1x1x1x32xf32>
    %add3A_27 = vector.broadcast %broadcast_in_dim3A_26 : vector<1x1x1x32xf32> to vector<2x128x128x32xf32>
    %add3A_28 = arith.addf %add3A_21, %add3A_27 : vector<2x128x128x32xf32>
    %max3A = arith.constant 0.000000e+00 : f32
    %max3A_29 = vector.broadcast %max3A : f32 to vector<2x128x128x32xf32>
    %max3A_30 = arith.maximumf %add3A_28, %max3A_29 : vector<2x128x128x32xf32>
    %reshape3A_31 = vector.shape_cast %max3A_30 : vector<2x128x128x32xf32> to vector<32768x32xf32>
    %get3A_32 = arith.constant 0 : index
    %get3A_33 = arith.constant 0 : index
    %get3A_34 = vector.load %arg9[%get3A_32, %get3A_33] : memref<32x1xf32, #tpu.memory_space<vmem>>, vector<32x1xf32>
    %dot_general3A_35 = arith.constant dense<0.000000e+00> : vector<32768x1xf32>
    %dot_general3A_36 = tpu.matmul %reshape3A_31, %get3A_34, %dot_general3A_35 {dimension_numbers = #tpu.dot_dimension_numbers<[1], [0], [0], [1], [0, 0, 1, 1], [], []>, transpose_lhs_hint = false} : vector<32768x32xf32>, vector<32x1xf32>, vector<32768x1xf32> -> vector<32768x1xf32>
    %reshape3A_37 = vector.shape_cast %dot_general3A_36 : vector<32768x1xf32> to vector<2x128x128xf32>
    %get3A_38 = arith.constant 0 : index
    %get3A_39 = arith.constant 0 : index
    %get3A_40 = vector.load %arg10[%get3A_38, %get3A_39] : memref<1x1xf32, #tpu.memory_space<vmem>>, vector<1x1xf32>
    %get3A_41 = vector.extract %get3A_40[0, 0] : f32 from vector<1x1xf32>
    %add3A_42 = vector.broadcast %get3A_41 : f32 to vector<2x128x128xf32>
    %add3A_43 = arith.addf %reshape3A_37, %add3A_42 : vector<2x128x128xf32>
    %get3A_44 = arith.constant 0 : index
    %get3A_45 = arith.constant 0 : index
    %get3A_46 = arith.constant 0 : index
    %get3A_47 = vector.load %arg3[%get3A_44, %get3A_45, %get3A_46] : memref<2x1x128xf32, #tpu.memory_space<vmem>>, vector<2x1x128xf32>
    %get3A_48 = vector.shape_cast %get3A_47 : vector<2x1x128xf32> to vector<2x128xf32>
    %get3A_49 = arith.constant 0 : index
    %get3A_50 = arith.constant 0 : index
    %get3A_51 = arith.constant 0 : index
    %get3A_52 = vector.load %arg4[%get3A_49, %get3A_50, %get3A_51] : memref<2x1x128xf32, #tpu.memory_space<vmem>>, vector<2x1x128xf32>
    %get3A_53 = vector.shape_cast %get3A_52 : vector<2x1x128xf32> to vector<2x128xf32>
    %get3A_54 = arith.constant 0 : index
    %get3A_55 = arith.constant 0 : index
    %get3A_56 = arith.constant 0 : index
    %get3A_57 = vector.load %arg5[%get3A_54, %get3A_55, %get3A_56] : memref<2x1x128xf32, #tpu.memory_space<vmem>>, vector<2x1x128xf32>
    %get3A_58 = vector.shape_cast %get3A_57 : vector<2x1x128xf32> to vector<2x128xf32>
    %get3A_59 = arith.constant 0 : index
    %get3A_60 = arith.constant 0 : index
    %get3A_61 = arith.constant 0 : index
    %get3A_62 = vector.load %arg6[%get3A_59, %get3A_60, %get3A_61] : memref<2x1x128xf32, #tpu.memory_space<vmem>>, vector<2x1x128xf32>
    %get3A_63 = vector.shape_cast %get3A_62 : vector<2x1x128xf32> to vector<2x128xf32>
    %broadcast_in_dim3A_64 = vector.shape_cast %get3A_48 : vector<2x128xf32> to vector<2x128x1xf32>
    %broadcast_in_dim3A_65 = vector.shape_cast %get3A_53 : vector<2x128xf32> to vector<2x1x128xf32>
    %add3A_66 = vector.broadcast %broadcast_in_dim3A_64 : vector<2x128x1xf32> to vector<2x128x128xf32>
    %add3A_67 = vector.broadcast %broadcast_in_dim3A_65 : vector<2x1x128xf32> to vector<2x128x128xf32>
    %add3A_68 = arith.addf %add3A_66, %add3A_67 : vector<2x128x128xf32>
    %sub3A = arith.subf %add3A_68, %add3A_43 : vector<2x128x128xf32>
    %broadcast_in_dim3A_69 = vector.shape_cast %get3A_58 : vector<2x128xf32> to vector<2x128x1xf32>
    %broadcast_in_dim3A_70 = vector.shape_cast %get3A_63 : vector<2x128xf32> to vector<2x1x128xf32>
    %add3A_71 = vector.broadcast %broadcast_in_dim3A_69 : vector<2x128x1xf32> to vector<2x128x128xf32>
    %add3A_72 = vector.broadcast %broadcast_in_dim3A_70 : vector<2x1x128xf32> to vector<2x128x128xf32>
    %add3A_73 = arith.addf %add3A_71, %add3A_72 : vector<2x128x128xf32>
    %swap3A = arith.constant 0 : index
    %swap3A_74 = arith.constant 0 : index
    %swap3A_75 = arith.constant 0 : index
    %swap3A_76 = vector.load %arg11[%swap3A, %swap3A_74, %swap3A_75] : memref<2x128x128xf32, #tpu.memory_space<vmem>>, vector<2x128x128xf32>
    tpu.vector_store %arg11[%swap3A, %swap3A_74, %swap3A_75], %add3A_43 {strides = array<i32>} : memref<2x128x128xf32, #tpu.memory_space<vmem>>, vector<2x128x128xf32>,
    %mul3A = arith.constant 1.000000e+00 : f32
    %mul3A_77 = vector.broadcast %mul3A : f32 to vector<2x128x128xf32>
    %mul3A_78 = arith.mulf %mul3A_77, %add3A_73 : vector<2x128x128xf32>
    %add3A_79 = arith.addf %sub3A, %mul3A_78 : vector<2x128x128xf32>
    %swap3A_80 = arith.constant 0 : index
    %swap3A_81 = arith.constant 0 : index
    %swap3A_82 = arith.constant 0 : index
    %swap3A_83 = vector.load %arg12[%swap3A_80, %swap3A_81, %swap3A_82] : memref<2x128x128xf32, #tpu.memory_space<vmem>>, vector<2x128x128xf32>
    tpu.vector_store %arg12[%swap3A_80, %swap3A_81, %swap3A_82], %add3A_79 {strides = array<i32>} : memref<2x128x128xf32, #tpu.memory_space<vmem>>, vector<2x128x128xf32>,
    return
  }
  func.func @transform_0(%arg0: i32) -> (i32, i32, i32) {
    %c0_i32 = arith.constant 0 : i32
    %c0_i32_0 = arith.constant 0 : i32
    %c0_i32_1 = arith.constant 0 : i32
    return %arg0, %c0_i32, %c0_i32_0 : i32, i32, i32
  }
  func.func @transform_1(%arg0: i32) -> (i32, i32, i32) {
    %c0_i32 = arith.constant 0 : i32
    %c0_i32_0 = arith.constant 0 : i32
    %c0_i32_1 = arith.constant 0 : i32
    return %arg0, %c0_i32, %c0_i32_0 : i32, i32, i32
  }
  func.func @transform_2(%arg0: i32) -> (i32, i32, i32) {
    %c0_i32 = arith.constant 0 : i32
    %c0_i32_0 = arith.constant 0 : i32
    %c0_i32_1 = arith.constant 0 : i32
    return %arg0, %c0_i32, %c0_i32_0 : i32, i32, i32
  }
  func.func @transform_3(%arg0: i32) -> (i32, i32, i32) {
    %c0_i32 = arith.constant 0 : i32
    %c0_i32_0 = arith.constant 0 : i32
    %c0_i32_1 = arith.constant 0 : i32
    return %arg0, %c0_i32, %c0_i32_0 : i32, i32, i32
  }
  func.func @transform_4(%arg0: i32) -> (i32, i32, i32) {
    %c0_i32 = arith.constant 0 : i32
    %c0_i32_0 = arith.constant 0 : i32
    %c0_i32_1 = arith.constant 0 : i32
    return %arg0, %c0_i32, %c0_i32_0 : i32, i32, i32
  }
  func.func @transform_5(%arg0: i32) -> (i32, i32, i32) {
    %c0_i32 = arith.constant 0 : i32
    %c0_i32_0 = arith.constant 0 : i32
    %c0_i32_1 = arith.constant 0 : i32
    return %arg0, %c0_i32, %c0_i32_0 : i32, i32, i32
  }
  func.func @transform_6(%arg0: i32) -> (i32, i32) {
    %c0_i32 = arith.constant 0 : i32
    %c0_i32_0 = arith.constant 0 : i32
    %c0_i32_1 = arith.constant 0 : i32
    return %c0_i32, %c0_i32_0 : i32, i32
  }
  func.func @transform_7(%arg0: i32) -> (i32, i32) {
    %c0_i32 = arith.constant 0 : i32
    %c0_i32_0 = arith.constant 0 : i32
    %c0_i32_1 = arith.constant 0 : i32
    return %c0_i32, %c0_i32_0 : i32, i32
  }
  func.func @transform_8(%arg0: i32) -> (i32, i32) {
    %c0_i32 = arith.constant 0 : i32
    %c0_i32_0 = arith.constant 0 : i32
    %c0_i32_1 = arith.constant 0 : i32
    return %c0_i32, %c0_i32_0 : i32, i32
  }
  func.func @transform_9(%arg0: i32) -> (i32, i32) {
    %c0_i32 = arith.constant 0 : i32
    %c0_i32_0 = arith.constant 0 : i32
    %c0_i32_1 = arith.constant 0 : i32
    return %c0_i32, %c0_i32_0 : i32, i32
  }
  func.func @transform_10(%arg0: i32) -> (i32, i32, i32) {
    %c0_i32 = arith.constant 0 : i32
    %c0_i32_0 = arith.constant 0 : i32
    %c0_i32_1 = arith.constant 0 : i32
    return %arg0, %c0_i32, %c0_i32_0 : i32, i32, i32
  }
  func.func @transform_11(%arg0: i32) -> (i32, i32, i32) {
    %c0_i32 = arith.constant 0 : i32
    %c0_i32_0 = arith.constant 0 : i32
    %c0_i32_1 = arith.constant 0 : i32
    return %arg0, %c0_i32, %c0_i32_0 : i32, i32, i32
  }
}

module attributes {stable_mosaic.version = 14 : i64} {
  func.func @_level_kernel(%arg0: i32, %arg1: memref<2x128x256xf32, #tpu.memory_space<vmem>>, %arg2: memref<2x128x256xf32, #tpu.memory_space<vmem>>, %arg3: memref<2x1x128xf32, #tpu.memory_space<vmem>>, %arg4: memref<2x1x128xf32, #tpu.memory_space<vmem>>, %arg5: memref<2x1x128xf32, #tpu.memory_space<vmem>>, %arg6: memref<2x1x128xf32, #tpu.memory_space<vmem>>, %arg7: memref<256x32xf32, #tpu.memory_space<vmem>>, %arg8: memref<1x32xf32, #tpu.memory_space<vmem>>, %arg9: memref<32x1xf32, #tpu.memory_space<vmem>>, %arg10: memref<1x1xf32, #tpu.memory_space<vmem>>, %arg11: memref<2x128x128xf32, #tpu.memory_space<vmem>>, %arg12: memref<2x128x128xf32, #tpu.memory_space<vmem>>) attributes {dimension_semantics = [#tpu.dimension_semantics<arbitrary>], iteration_bounds = array<i64: 8>, scalar_prefetch = 0 : i64, scratch_operands = 0 : i64, tpu.core_type = #tpu.core_type<tc>, window_params = [{transform_indices = @transform_0, window_bounds = array<i64: 2, 128, 256>}, {transform_indices = @transform_1, window_bounds = array<i64: 2, 128, 256>}, {transform_indices = @transform_2, window_bounds = array<i64: 2, 1, 128>}, {transform_indices = @transform_3, window_bounds = array<i64: 2, 1, 128>}, {transform_indices = @transform_4, window_bounds = array<i64: 2, 1, 128>}, {transform_indices = @transform_5, window_bounds = array<i64: 2, 1, 128>}, {pipeline_mode = #tpu.pipeline_mode<synchronous>, transform_indices = @transform_6, window_bounds = array<i64: 256, 32>}, {pipeline_mode = #tpu.pipeline_mode<synchronous>, transform_indices = @transform_7, window_bounds = array<i64: 1, 32>}, {pipeline_mode = #tpu.pipeline_mode<synchronous>, transform_indices = @transform_8, window_bounds = array<i64: 32, 1>}, {pipeline_mode = #tpu.pipeline_mode<synchronous>, transform_indices = @transform_9, window_bounds = array<i64: 1, 1>}, {transform_indices = @transform_10, window_bounds = array<i64: 2, 128, 128>}, {transform_indices = @transform_11, window_bounds = array<i64: 2, 128, 128>}]} {
    %get3A = arith.constant 0 : index
    %get3A_0 = arith.constant 0 : index
    %get3A_1 = arith.constant 0 : index
    %get3A_2 = vector.load %arg1[%get3A, %get3A_0, %get3A_1] : memref<2x128x256xf32, #tpu.memory_space<vmem>>, vector<2x128x256xf32>
    %reshape3A = vector.shape_cast %get3A_2 : vector<2x128x256xf32> to vector<256x256xf32>
    %get3A_3 = arith.constant 0 : index
    %get3A_4 = arith.constant 0 : index
    %get3A_5 = vector.load %arg7[%get3A_3, %get3A_4] : memref<256x32xf32, #tpu.memory_space<vmem>>, vector<256x32xf32>
    %dot_general3A = arith.constant dense<0.000000e+00> : vector<256x32xf32>
    %dot_general3A_6 = tpu.matmul %reshape3A, %get3A_5, %dot_general3A {dimension_numbers = #tpu.dot_dimension_numbers<[1], [0], [0], [1], [0, 0, 1, 1], [], []>, transpose_lhs_hint = false} : vector<256x256xf32>, vector<256x32xf32>, vector<256x32xf32> -> vector<256x32xf32>
    %reshape3A_7 = vector.shape_cast %dot_general3A_6 : vector<256x32xf32> to vector<2x128x32xf32>
    %get3A_8 = arith.constant 0 : index
    %get3A_9 = arith.constant 0 : index
    %get3A_10 = arith.constant 0 : index
    %get3A_11 = vector.load %arg2[%get3A_8, %get3A_9, %get3A_10] : memref<2x128x256xf32, #tpu.memory_space<vmem>>, vector<2x128x256xf32>
    %reshape3A_12 = vector.shape_cast %get3A_11 : vector<2x128x256xf32> to vector<256x256xf32>
    %get3A_13 = arith.constant 0 : index
    %get3A_14 = arith.constant 0 : index
    %get3A_15 = vector.load %arg7[%get3A_13, %get3A_14] : memref<256x32xf32, #tpu.memory_space<vmem>>, vector<256x32xf32>
    %dot_general3A_16 = arith.constant dense<0.000000e+00> : vector<256x32xf32>
    %dot_general3A_17 = tpu.matmul %reshape3A_12, %get3A_15, %dot_general3A_16 {dimension_numbers = #tpu.dot_dimension_numbers<[1], [0], [0], [1], [0, 0, 1, 1], [], []>, transpose_lhs_hint = false} : vector<256x256xf32>, vector<256x32xf32>, vector<256x32xf32> -> vector<256x32xf32>
    %reshape3A_18 = vector.shape_cast %dot_general3A_17 : vector<256x32xf32> to vector<2x128x32xf32>
    %broadcast_in_dim3A = vector.shape_cast %reshape3A_7 : vector<2x128x32xf32> to vector<2x128x1x32xf32>
    %broadcast_in_dim3A_19 = vector.shape_cast %reshape3A_18 : vector<2x128x32xf32> to vector<2x1x128x32xf32>
    %add3A = vector.broadcast %broadcast_in_dim3A : vector<2x128x1x32xf32> to vector<2x128x128x32xf32>
    %add3A_20 = vector.broadcast %broadcast_in_dim3A_19 : vector<2x1x128x32xf32> to vector<2x128x128x32xf32>
    %add3A_21 = arith.addf %add3A, %add3A_20 : vector<2x128x128x32xf32>
    %get3A_22 = arith.constant 0 : index
    %get3A_23 = arith.constant 0 : index
    %get3A_24 = vector.load %arg8[%get3A_22, %get3A_23] : memref<1x32xf32, #tpu.memory_space<vmem>>, vector<1x32xf32>
    %get3A_25 = vector.shape_cast %get3A_24 : vector<1x32xf32> to vector<32xf32>
    %broadcast_in_dim3A_26 = vector.shape_cast %get3A_25 : vector<32xf32> to vector<1x1x1x32xf32>
    %add3A_27 = vector.broadcast %broadcast_in_dim3A_26 : vector<1x1x1x32xf32> to vector<2x128x128x32xf32>
    %add3A_28 = arith.addf %add3A_21, %add3A_27 : vector<2x128x128x32xf32>
    %max3A = arith.constant 0.000000e+00 : f32
    %max3A_29 = vector.broadcast %max3A : f32 to vector<2x128x128x32xf32>
    %max3A_30 = arith.maximumf %add3A_28, %max3A_29 : vector<2x128x128x32xf32>
    %reshape3A_31 = vector.shape_cast %max3A_30 : vector<2x128x128x32xf32> to vector<32768x32xf32>
    %get3A_32 = arith.constant 0 : index
    %get3A_33 = arith.constant 0 : index
    %get3A_34 = vector.load %arg9[%get3A_32, %get3A_33] : memref<32x1xf32, #tpu.memory_space<vmem>>, vector<32x1xf32>
    %dot_general3A_35 = arith.constant dense<0.000000e+00> : vector<32768x1xf32>
    %dot_general3A_36 = tpu.matmul %reshape3A_31, %get3A_34, %dot_general3A_35 {dimension_numbers = #tpu.dot_dimension_numbers<[1], [0], [0], [1], [0, 0, 1, 1], [], []>, transpose_lhs_hint = false} : vector<32768x32xf32>, vector<32x1xf32>, vector<32768x1xf32> -> vector<32768x1xf32>
    %reshape3A_37 = vector.shape_cast %dot_general3A_36 : vector<32768x1xf32> to vector<2x128x128xf32>
    %get3A_38 = arith.constant 0 : index
    %get3A_39 = arith.constant 0 : index
    %get3A_40 = vector.load %arg10[%get3A_38, %get3A_39] : memref<1x1xf32, #tpu.memory_space<vmem>>, vector<1x1xf32>
    %get3A_41 = vector.extract %get3A_40[0, 0] : f32 from vector<1x1xf32>
    %add3A_42 = vector.broadcast %get3A_41 : f32 to vector<2x128x128xf32>
    %add3A_43 = arith.addf %reshape3A_37, %add3A_42 : vector<2x128x128xf32>
    %get3A_44 = arith.constant 0 : index
    %get3A_45 = arith.constant 0 : index
    %get3A_46 = arith.constant 0 : index
    %get3A_47 = vector.load %arg3[%get3A_44, %get3A_45, %get3A_46] : memref<2x1x128xf32, #tpu.memory_space<vmem>>, vector<2x1x128xf32>
    %get3A_48 = vector.shape_cast %get3A_47 : vector<2x1x128xf32> to vector<2x128xf32>
    %get3A_49 = arith.constant 0 : index
    %get3A_50 = arith.constant 0 : index
    %get3A_51 = arith.constant 0 : index
    %get3A_52 = vector.load %arg4[%get3A_49, %get3A_50, %get3A_51] : memref<2x1x128xf32, #tpu.memory_space<vmem>>, vector<2x1x128xf32>
    %get3A_53 = vector.shape_cast %get3A_52 : vector<2x1x128xf32> to vector<2x128xf32>
    %get3A_54 = arith.constant 0 : index
    %get3A_55 = arith.constant 0 : index
    %get3A_56 = arith.constant 0 : index
    %get3A_57 = vector.load %arg5[%get3A_54, %get3A_55, %get3A_56] : memref<2x1x128xf32, #tpu.memory_space<vmem>>, vector<2x1x128xf32>
    %get3A_58 = vector.shape_cast %get3A_57 : vector<2x1x128xf32> to vector<2x128xf32>
    %get3A_59 = arith.constant 0 : index
    %get3A_60 = arith.constant 0 : index
    %get3A_61 = arith.constant 0 : index
    %get3A_62 = vector.load %arg6[%get3A_59, %get3A_60, %get3A_61] : memref<2x1x128xf32, #tpu.memory_space<vmem>>, vector<2x1x128xf32>
    %get3A_63 = vector.shape_cast %get3A_62 : vector<2x1x128xf32> to vector<2x128xf32>
    %broadcast_in_dim3A_64 = vector.shape_cast %get3A_48 : vector<2x128xf32> to vector<2x128x1xf32>
    %broadcast_in_dim3A_65 = vector.shape_cast %get3A_53 : vector<2x128xf32> to vector<2x1x128xf32>
    %add3A_66 = vector.broadcast %broadcast_in_dim3A_64 : vector<2x128x1xf32> to vector<2x128x128xf32>
    %add3A_67 = vector.broadcast %broadcast_in_dim3A_65 : vector<2x1x128xf32> to vector<2x128x128xf32>
    %add3A_68 = arith.addf %add3A_66, %add3A_67 : vector<2x128x128xf32>
    %sub3A = arith.subf %add3A_68, %add3A_43 : vector<2x128x128xf32>
    %broadcast_in_dim3A_69 = vector.shape_cast %get3A_58 : vector<2x128xf32> to vector<2x128x1xf32>
    %broadcast_in_dim3A_70 = vector.shape_cast %get3A_63 : vector<2x128xf32> to vector<2x1x128xf32>
    %add3A_71 = vector.broadcast %broadcast_in_dim3A_69 : vector<2x128x1xf32> to vector<2x128x128xf32>
    %add3A_72 = vector.broadcast %broadcast_in_dim3A_70 : vector<2x1x128xf32> to vector<2x128x128xf32>
    %add3A_73 = arith.addf %add3A_71, %add3A_72 : vector<2x128x128xf32>
    %swap3A = arith.constant 0 : index
    %swap3A_74 = arith.constant 0 : index
    %swap3A_75 = arith.constant 0 : index
    %swap3A_76 = vector.load %arg11[%swap3A, %swap3A_74, %swap3A_75] : memref<2x128x128xf32, #tpu.memory_space<vmem>>, vector<2x128x128xf32>
    tpu.vector_store %arg11[%swap3A, %swap3A_74, %swap3A_75], %add3A_43 {strides = array<i32>} : memref<2x128x128xf32, #tpu.memory_space<vmem>>, vector<2x128x128xf32>,
    %mul3A = arith.constant 5.000000e-01 : f32
    %mul3A_77 = vector.broadcast %mul3A : f32 to vector<2x128x128xf32>
    %mul3A_78 = arith.mulf %mul3A_77, %add3A_73 : vector<2x128x128xf32>
    %add3A_79 = arith.addf %sub3A, %mul3A_78 : vector<2x128x128xf32>
    %swap3A_80 = arith.constant 0 : index
    %swap3A_81 = arith.constant 0 : index
    %swap3A_82 = arith.constant 0 : index
    %swap3A_83 = vector.load %arg12[%swap3A_80, %swap3A_81, %swap3A_82] : memref<2x128x128xf32, #tpu.memory_space<vmem>>, vector<2x128x128xf32>
    tpu.vector_store %arg12[%swap3A_80, %swap3A_81, %swap3A_82], %add3A_79 {strides = array<i32>} : memref<2x128x128xf32, #tpu.memory_space<vmem>>, vector<2x128x128xf32>,
    return
  }
  func.func @transform_0(%arg0: i32) -> (i32, i32, i32) {
    %c0_i32 = arith.constant 0 : i32
    %c0_i32_0 = arith.constant 0 : i32
    %c0_i32_1 = arith.constant 0 : i32
    return %arg0, %c0_i32, %c0_i32_0 : i32, i32, i32
  }
  func.func @transform_1(%arg0: i32) -> (i32, i32, i32) {
    %c0_i32 = arith.constant 0 : i32
    %c0_i32_0 = arith.constant 0 : i32
    %c0_i32_1 = arith.constant 0 : i32
    return %arg0, %c0_i32, %c0_i32_0 : i32, i32, i32
  }
  func.func @transform_2(%arg0: i32) -> (i32, i32, i32) {
    %c0_i32 = arith.constant 0 : i32
    %c0_i32_0 = arith.constant 0 : i32
    %c0_i32_1 = arith.constant 0 : i32
    return %arg0, %c0_i32, %c0_i32_0 : i32, i32, i32
  }
  func.func @transform_3(%arg0: i32) -> (i32, i32, i32) {
    %c0_i32 = arith.constant 0 : i32
    %c0_i32_0 = arith.constant 0 : i32
    %c0_i32_1 = arith.constant 0 : i32
    return %arg0, %c0_i32, %c0_i32_0 : i32, i32, i32
  }
  func.func @transform_4(%arg0: i32) -> (i32, i32, i32) {
    %c0_i32 = arith.constant 0 : i32
    %c0_i32_0 = arith.constant 0 : i32
    %c0_i32_1 = arith.constant 0 : i32
    return %arg0, %c0_i32, %c0_i32_0 : i32, i32, i32
  }
  func.func @transform_5(%arg0: i32) -> (i32, i32, i32) {
    %c0_i32 = arith.constant 0 : i32
    %c0_i32_0 = arith.constant 0 : i32
    %c0_i32_1 = arith.constant 0 : i32
    return %arg0, %c0_i32, %c0_i32_0 : i32, i32, i32
  }
  func.func @transform_6(%arg0: i32) -> (i32, i32) {
    %c0_i32 = arith.constant 0 : i32
    %c0_i32_0 = arith.constant 0 : i32
    %c0_i32_1 = arith.constant 0 : i32
    return %c0_i32, %c0_i32_0 : i32, i32
  }
  func.func @transform_7(%arg0: i32) -> (i32, i32) {
    %c0_i32 = arith.constant 0 : i32
    %c0_i32_0 = arith.constant 0 : i32
    %c0_i32_1 = arith.constant 0 : i32
    return %c0_i32, %c0_i32_0 : i32, i32
  }
  func.func @transform_8(%arg0: i32) -> (i32, i32) {
    %c0_i32 = arith.constant 0 : i32
    %c0_i32_0 = arith.constant 0 : i32
    %c0_i32_1 = arith.constant 0 : i32
    return %c0_i32, %c0_i32_0 : i32, i32
  }
  func.func @transform_9(%arg0: i32) -> (i32, i32) {
    %c0_i32 = arith.constant 0 : i32
    %c0_i32_0 = arith.constant 0 : i32
    %c0_i32_1 = arith.constant 0 : i32
    return %c0_i32, %c0_i32_0 : i32, i32
  }
  func.func @transform_10(%arg0: i32) -> (i32, i32, i32) {
    %c0_i32 = arith.constant 0 : i32
    %c0_i32_0 = arith.constant 0 : i32
    %c0_i32_1 = arith.constant 0 : i32
    return %arg0, %c0_i32, %c0_i32_0 : i32, i32, i32
  }
  func.func @transform_11(%arg0: i32) -> (i32, i32, i32) {
    %c0_i32 = arith.constant 0 : i32
    %c0_i32_0 = arith.constant 0 : i32
    %c0_i32_1 = arith.constant 0 : i32
    return %arg0, %c0_i32, %c0_i32_0 : i32, i32, i32
  }
}

module attributes {stable_mosaic.version = 14 : i64} {
  func.func @_level_kernel(%arg0: i32, %arg1: memref<2x128x256xf32, #tpu.memory_space<vmem>>, %arg2: memref<2x128x256xf32, #tpu.memory_space<vmem>>, %arg3: memref<2x1x128xf32, #tpu.memory_space<vmem>>, %arg4: memref<2x1x128xf32, #tpu.memory_space<vmem>>, %arg5: memref<2x1x128xf32, #tpu.memory_space<vmem>>, %arg6: memref<2x1x128xf32, #tpu.memory_space<vmem>>, %arg7: memref<256x32xf32, #tpu.memory_space<vmem>>, %arg8: memref<1x32xf32, #tpu.memory_space<vmem>>, %arg9: memref<32x1xf32, #tpu.memory_space<vmem>>, %arg10: memref<1x1xf32, #tpu.memory_space<vmem>>, %arg11: memref<2x128x128xf32, #tpu.memory_space<vmem>>, %arg12: memref<2x128x128xf32, #tpu.memory_space<vmem>>) attributes {dimension_semantics = [#tpu.dimension_semantics<arbitrary>], iteration_bounds = array<i64: 4>, scalar_prefetch = 0 : i64, scratch_operands = 0 : i64, tpu.core_type = #tpu.core_type<tc>, window_params = [{transform_indices = @transform_0, window_bounds = array<i64: 2, 128, 256>}, {transform_indices = @transform_1, window_bounds = array<i64: 2, 128, 256>}, {transform_indices = @transform_2, window_bounds = array<i64: 2, 1, 128>}, {transform_indices = @transform_3, window_bounds = array<i64: 2, 1, 128>}, {transform_indices = @transform_4, window_bounds = array<i64: 2, 1, 128>}, {transform_indices = @transform_5, window_bounds = array<i64: 2, 1, 128>}, {pipeline_mode = #tpu.pipeline_mode<synchronous>, transform_indices = @transform_6, window_bounds = array<i64: 256, 32>}, {pipeline_mode = #tpu.pipeline_mode<synchronous>, transform_indices = @transform_7, window_bounds = array<i64: 1, 32>}, {pipeline_mode = #tpu.pipeline_mode<synchronous>, transform_indices = @transform_8, window_bounds = array<i64: 32, 1>}, {pipeline_mode = #tpu.pipeline_mode<synchronous>, transform_indices = @transform_9, window_bounds = array<i64: 1, 1>}, {transform_indices = @transform_10, window_bounds = array<i64: 2, 128, 128>}, {transform_indices = @transform_11, window_bounds = array<i64: 2, 128, 128>}]} {
    %get3A = arith.constant 0 : index
    %get3A_0 = arith.constant 0 : index
    %get3A_1 = arith.constant 0 : index
    %get3A_2 = vector.load %arg1[%get3A, %get3A_0, %get3A_1] : memref<2x128x256xf32, #tpu.memory_space<vmem>>, vector<2x128x256xf32>
    %reshape3A = vector.shape_cast %get3A_2 : vector<2x128x256xf32> to vector<256x256xf32>
    %get3A_3 = arith.constant 0 : index
    %get3A_4 = arith.constant 0 : index
    %get3A_5 = vector.load %arg7[%get3A_3, %get3A_4] : memref<256x32xf32, #tpu.memory_space<vmem>>, vector<256x32xf32>
    %dot_general3A = arith.constant dense<0.000000e+00> : vector<256x32xf32>
    %dot_general3A_6 = tpu.matmul %reshape3A, %get3A_5, %dot_general3A {dimension_numbers = #tpu.dot_dimension_numbers<[1], [0], [0], [1], [0, 0, 1, 1], [], []>, transpose_lhs_hint = false} : vector<256x256xf32>, vector<256x32xf32>, vector<256x32xf32> -> vector<256x32xf32>
    %reshape3A_7 = vector.shape_cast %dot_general3A_6 : vector<256x32xf32> to vector<2x128x32xf32>
    %get3A_8 = arith.constant 0 : index
    %get3A_9 = arith.constant 0 : index
    %get3A_10 = arith.constant 0 : index
    %get3A_11 = vector.load %arg2[%get3A_8, %get3A_9, %get3A_10] : memref<2x128x256xf32, #tpu.memory_space<vmem>>, vector<2x128x256xf32>
    %reshape3A_12 = vector.shape_cast %get3A_11 : vector<2x128x256xf32> to vector<256x256xf32>
    %get3A_13 = arith.constant 0 : index
    %get3A_14 = arith.constant 0 : index
    %get3A_15 = vector.load %arg7[%get3A_13, %get3A_14] : memref<256x32xf32, #tpu.memory_space<vmem>>, vector<256x32xf32>
    %dot_general3A_16 = arith.constant dense<0.000000e+00> : vector<256x32xf32>
    %dot_general3A_17 = tpu.matmul %reshape3A_12, %get3A_15, %dot_general3A_16 {dimension_numbers = #tpu.dot_dimension_numbers<[1], [0], [0], [1], [0, 0, 1, 1], [], []>, transpose_lhs_hint = false} : vector<256x256xf32>, vector<256x32xf32>, vector<256x32xf32> -> vector<256x32xf32>
    %reshape3A_18 = vector.shape_cast %dot_general3A_17 : vector<256x32xf32> to vector<2x128x32xf32>
    %broadcast_in_dim3A = vector.shape_cast %reshape3A_7 : vector<2x128x32xf32> to vector<2x128x1x32xf32>
    %broadcast_in_dim3A_19 = vector.shape_cast %reshape3A_18 : vector<2x128x32xf32> to vector<2x1x128x32xf32>
    %add3A = vector.broadcast %broadcast_in_dim3A : vector<2x128x1x32xf32> to vector<2x128x128x32xf32>
    %add3A_20 = vector.broadcast %broadcast_in_dim3A_19 : vector<2x1x128x32xf32> to vector<2x128x128x32xf32>
    %add3A_21 = arith.addf %add3A, %add3A_20 : vector<2x128x128x32xf32>
    %get3A_22 = arith.constant 0 : index
    %get3A_23 = arith.constant 0 : index
    %get3A_24 = vector.load %arg8[%get3A_22, %get3A_23] : memref<1x32xf32, #tpu.memory_space<vmem>>, vector<1x32xf32>
    %get3A_25 = vector.shape_cast %get3A_24 : vector<1x32xf32> to vector<32xf32>
    %broadcast_in_dim3A_26 = vector.shape_cast %get3A_25 : vector<32xf32> to vector<1x1x1x32xf32>
    %add3A_27 = vector.broadcast %broadcast_in_dim3A_26 : vector<1x1x1x32xf32> to vector<2x128x128x32xf32>
    %add3A_28 = arith.addf %add3A_21, %add3A_27 : vector<2x128x128x32xf32>
    %max3A = arith.constant 0.000000e+00 : f32
    %max3A_29 = vector.broadcast %max3A : f32 to vector<2x128x128x32xf32>
    %max3A_30 = arith.maximumf %add3A_28, %max3A_29 : vector<2x128x128x32xf32>
    %reshape3A_31 = vector.shape_cast %max3A_30 : vector<2x128x128x32xf32> to vector<32768x32xf32>
    %get3A_32 = arith.constant 0 : index
    %get3A_33 = arith.constant 0 : index
    %get3A_34 = vector.load %arg9[%get3A_32, %get3A_33] : memref<32x1xf32, #tpu.memory_space<vmem>>, vector<32x1xf32>
    %dot_general3A_35 = arith.constant dense<0.000000e+00> : vector<32768x1xf32>
    %dot_general3A_36 = tpu.matmul %reshape3A_31, %get3A_34, %dot_general3A_35 {dimension_numbers = #tpu.dot_dimension_numbers<[1], [0], [0], [1], [0, 0, 1, 1], [], []>, transpose_lhs_hint = false} : vector<32768x32xf32>, vector<32x1xf32>, vector<32768x1xf32> -> vector<32768x1xf32>
    %reshape3A_37 = vector.shape_cast %dot_general3A_36 : vector<32768x1xf32> to vector<2x128x128xf32>
    %get3A_38 = arith.constant 0 : index
    %get3A_39 = arith.constant 0 : index
    %get3A_40 = vector.load %arg10[%get3A_38, %get3A_39] : memref<1x1xf32, #tpu.memory_space<vmem>>, vector<1x1xf32>
    %get3A_41 = vector.extract %get3A_40[0, 0] : f32 from vector<1x1xf32>
    %add3A_42 = vector.broadcast %get3A_41 : f32 to vector<2x128x128xf32>
    %add3A_43 = arith.addf %reshape3A_37, %add3A_42 : vector<2x128x128xf32>
    %get3A_44 = arith.constant 0 : index
    %get3A_45 = arith.constant 0 : index
    %get3A_46 = arith.constant 0 : index
    %get3A_47 = vector.load %arg3[%get3A_44, %get3A_45, %get3A_46] : memref<2x1x128xf32, #tpu.memory_space<vmem>>, vector<2x1x128xf32>
    %get3A_48 = vector.shape_cast %get3A_47 : vector<2x1x128xf32> to vector<2x128xf32>
    %get3A_49 = arith.constant 0 : index
    %get3A_50 = arith.constant 0 : index
    %get3A_51 = arith.constant 0 : index
    %get3A_52 = vector.load %arg4[%get3A_49, %get3A_50, %get3A_51] : memref<2x1x128xf32, #tpu.memory_space<vmem>>, vector<2x1x128xf32>
    %get3A_53 = vector.shape_cast %get3A_52 : vector<2x1x128xf32> to vector<2x128xf32>
    %get3A_54 = arith.constant 0 : index
    %get3A_55 = arith.constant 0 : index
    %get3A_56 = arith.constant 0 : index
    %get3A_57 = vector.load %arg5[%get3A_54, %get3A_55, %get3A_56] : memref<2x1x128xf32, #tpu.memory_space<vmem>>, vector<2x1x128xf32>
    %get3A_58 = vector.shape_cast %get3A_57 : vector<2x1x128xf32> to vector<2x128xf32>
    %get3A_59 = arith.constant 0 : index
    %get3A_60 = arith.constant 0 : index
    %get3A_61 = arith.constant 0 : index
    %get3A_62 = vector.load %arg6[%get3A_59, %get3A_60, %get3A_61] : memref<2x1x128xf32, #tpu.memory_space<vmem>>, vector<2x1x128xf32>
    %get3A_63 = vector.shape_cast %get3A_62 : vector<2x1x128xf32> to vector<2x128xf32>
    %broadcast_in_dim3A_64 = vector.shape_cast %get3A_48 : vector<2x128xf32> to vector<2x128x1xf32>
    %broadcast_in_dim3A_65 = vector.shape_cast %get3A_53 : vector<2x128xf32> to vector<2x1x128xf32>
    %add3A_66 = vector.broadcast %broadcast_in_dim3A_64 : vector<2x128x1xf32> to vector<2x128x128xf32>
    %add3A_67 = vector.broadcast %broadcast_in_dim3A_65 : vector<2x1x128xf32> to vector<2x128x128xf32>
    %add3A_68 = arith.addf %add3A_66, %add3A_67 : vector<2x128x128xf32>
    %sub3A = arith.subf %add3A_68, %add3A_43 : vector<2x128x128xf32>
    %broadcast_in_dim3A_69 = vector.shape_cast %get3A_58 : vector<2x128xf32> to vector<2x128x1xf32>
    %broadcast_in_dim3A_70 = vector.shape_cast %get3A_63 : vector<2x128xf32> to vector<2x1x128xf32>
    %add3A_71 = vector.broadcast %broadcast_in_dim3A_69 : vector<2x128x1xf32> to vector<2x128x128xf32>
    %add3A_72 = vector.broadcast %broadcast_in_dim3A_70 : vector<2x1x128xf32> to vector<2x128x128xf32>
    %add3A_73 = arith.addf %add3A_71, %add3A_72 : vector<2x128x128xf32>
    %swap3A = arith.constant 0 : index
    %swap3A_74 = arith.constant 0 : index
    %swap3A_75 = arith.constant 0 : index
    %swap3A_76 = vector.load %arg11[%swap3A, %swap3A_74, %swap3A_75] : memref<2x128x128xf32, #tpu.memory_space<vmem>>, vector<2x128x128xf32>
    tpu.vector_store %arg11[%swap3A, %swap3A_74, %swap3A_75], %add3A_43 {strides = array<i32>} : memref<2x128x128xf32, #tpu.memory_space<vmem>>, vector<2x128x128xf32>,
    %mul3A = arith.constant 2.500000e-01 : f32
    %mul3A_77 = vector.broadcast %mul3A : f32 to vector<2x128x128xf32>
    %mul3A_78 = arith.mulf %mul3A_77, %add3A_73 : vector<2x128x128xf32>
    %add3A_79 = arith.addf %sub3A, %mul3A_78 : vector<2x128x128xf32>
    %swap3A_80 = arith.constant 0 : index
    %swap3A_81 = arith.constant 0 : index
    %swap3A_82 = arith.constant 0 : index
    %swap3A_83 = vector.load %arg12[%swap3A_80, %swap3A_81, %swap3A_82] : memref<2x128x128xf32, #tpu.memory_space<vmem>>, vector<2x128x128xf32>
    tpu.vector_store %arg12[%swap3A_80, %swap3A_81, %swap3A_82], %add3A_79 {strides = array<i32>} : memref<2x128x128xf32, #tpu.memory_space<vmem>>, vector<2x128x128xf32>,
    return
  }
  func.func @transform_0(%arg0: i32) -> (i32, i32, i32) {
    %c0_i32 = arith.constant 0 : i32
    %c0_i32_0 = arith.constant 0 : i32
    %c0_i32_1 = arith.constant 0 : i32
    return %arg0, %c0_i32, %c0_i32_0 : i32, i32, i32
  }
  func.func @transform_1(%arg0: i32) -> (i32, i32, i32) {
    %c0_i32 = arith.constant 0 : i32
    %c0_i32_0 = arith.constant 0 : i32
    %c0_i32_1 = arith.constant 0 : i32
    return %arg0, %c0_i32, %c0_i32_0 : i32, i32, i32
  }
  func.func @transform_2(%arg0: i32) -> (i32, i32, i32) {
    %c0_i32 = arith.constant 0 : i32
    %c0_i32_0 = arith.constant 0 : i32
    %c0_i32_1 = arith.constant 0 : i32
    return %arg0, %c0_i32, %c0_i32_0 : i32, i32, i32
  }
  func.func @transform_3(%arg0: i32) -> (i32, i32, i32) {
    %c0_i32 = arith.constant 0 : i32
    %c0_i32_0 = arith.constant 0 : i32
    %c0_i32_1 = arith.constant 0 : i32
    return %arg0, %c0_i32, %c0_i32_0 : i32, i32, i32
  }
  func.func @transform_4(%arg0: i32) -> (i32, i32, i32) {
    %c0_i32 = arith.constant 0 : i32
    %c0_i32_0 = arith.constant 0 : i32
    %c0_i32_1 = arith.constant 0 : i32
    return %arg0, %c0_i32, %c0_i32_0 : i32, i32, i32
  }
  func.func @transform_5(%arg0: i32) -> (i32, i32, i32) {
    %c0_i32 = arith.constant 0 : i32
    %c0_i32_0 = arith.constant 0 : i32
    %c0_i32_1 = arith.constant 0 : i32
    return %arg0, %c0_i32, %c0_i32_0 : i32, i32, i32
  }
  func.func @transform_6(%arg0: i32) -> (i32, i32) {
    %c0_i32 = arith.constant 0 : i32
    %c0_i32_0 = arith.constant 0 : i32
    %c0_i32_1 = arith.constant 0 : i32
    return %c0_i32, %c0_i32_0 : i32, i32
  }
  func.func @transform_7(%arg0: i32) -> (i32, i32) {
    %c0_i32 = arith.constant 0 : i32
    %c0_i32_0 = arith.constant 0 : i32
    %c0_i32_1 = arith.constant 0 : i32
    return %c0_i32, %c0_i32_0 : i32, i32
  }
  func.func @transform_8(%arg0: i32) -> (i32, i32) {
    %c0_i32 = arith.constant 0 : i32
    %c0_i32_0 = arith.constant 0 : i32
    %c0_i32_1 = arith.constant 0 : i32
    return %c0_i32, %c0_i32_0 : i32, i32
  }
  func.func @transform_9(%arg0: i32) -> (i32, i32) {
    %c0_i32 = arith.constant 0 : i32
    %c0_i32_0 = arith.constant 0 : i32
    %c0_i32_1 = arith.constant 0 : i32
    return %c0_i32, %c0_i32_0 : i32, i32
  }
  func.func @transform_10(%arg0: i32) -> (i32, i32, i32) {
    %c0_i32 = arith.constant 0 : i32
    %c0_i32_0 = arith.constant 0 : i32
    %c0_i32_1 = arith.constant 0 : i32
    return %arg0, %c0_i32, %c0_i32_0 : i32, i32, i32
  }
  func.func @transform_11(%arg0: i32) -> (i32, i32, i32) {
    %c0_i32 = arith.constant 0 : i32
    %c0_i32_0 = arith.constant 0 : i32
    %c0_i32_1 = arith.constant 0 : i32
    return %arg0, %c0_i32, %c0_i32_0 : i32, i32, i32
  }
}

module attributes {stable_mosaic.version = 14 : i64} {
  func.func @_level_kernel(%arg0: i32, %arg1: memref<2x128x256xf32, #tpu.memory_space<vmem>>, %arg2: memref<2x128x256xf32, #tpu.memory_space<vmem>>, %arg3: memref<2x1x128xf32, #tpu.memory_space<vmem>>, %arg4: memref<2x1x128xf32, #tpu.memory_space<vmem>>, %arg5: memref<2x1x128xf32, #tpu.memory_space<vmem>>, %arg6: memref<2x1x128xf32, #tpu.memory_space<vmem>>, %arg7: memref<256x32xf32, #tpu.memory_space<vmem>>, %arg8: memref<1x32xf32, #tpu.memory_space<vmem>>, %arg9: memref<32x1xf32, #tpu.memory_space<vmem>>, %arg10: memref<1x1xf32, #tpu.memory_space<vmem>>, %arg11: memref<2x128x128xf32, #tpu.memory_space<vmem>>, %arg12: memref<2x128x128xf32, #tpu.memory_space<vmem>>) attributes {dimension_semantics = [#tpu.dimension_semantics<arbitrary>], iteration_bounds = array<i64: 2>, scalar_prefetch = 0 : i64, scratch_operands = 0 : i64, tpu.core_type = #tpu.core_type<tc>, window_params = [{transform_indices = @transform_0, window_bounds = array<i64: 2, 128, 256>}, {transform_indices = @transform_1, window_bounds = array<i64: 2, 128, 256>}, {transform_indices = @transform_2, window_bounds = array<i64: 2, 1, 128>}, {transform_indices = @transform_3, window_bounds = array<i64: 2, 1, 128>}, {transform_indices = @transform_4, window_bounds = array<i64: 2, 1, 128>}, {transform_indices = @transform_5, window_bounds = array<i64: 2, 1, 128>}, {pipeline_mode = #tpu.pipeline_mode<synchronous>, transform_indices = @transform_6, window_bounds = array<i64: 256, 32>}, {pipeline_mode = #tpu.pipeline_mode<synchronous>, transform_indices = @transform_7, window_bounds = array<i64: 1, 32>}, {pipeline_mode = #tpu.pipeline_mode<synchronous>, transform_indices = @transform_8, window_bounds = array<i64: 32, 1>}, {pipeline_mode = #tpu.pipeline_mode<synchronous>, transform_indices = @transform_9, window_bounds = array<i64: 1, 1>}, {transform_indices = @transform_10, window_bounds = array<i64: 2, 128, 128>}, {transform_indices = @transform_11, window_bounds = array<i64: 2, 128, 128>}]} {
    %get3A = arith.constant 0 : index
    %get3A_0 = arith.constant 0 : index
    %get3A_1 = arith.constant 0 : index
    %get3A_2 = vector.load %arg1[%get3A, %get3A_0, %get3A_1] : memref<2x128x256xf32, #tpu.memory_space<vmem>>, vector<2x128x256xf32>
    %reshape3A = vector.shape_cast %get3A_2 : vector<2x128x256xf32> to vector<256x256xf32>
    %get3A_3 = arith.constant 0 : index
    %get3A_4 = arith.constant 0 : index
    %get3A_5 = vector.load %arg7[%get3A_3, %get3A_4] : memref<256x32xf32, #tpu.memory_space<vmem>>, vector<256x32xf32>
    %dot_general3A = arith.constant dense<0.000000e+00> : vector<256x32xf32>
    %dot_general3A_6 = tpu.matmul %reshape3A, %get3A_5, %dot_general3A {dimension_numbers = #tpu.dot_dimension_numbers<[1], [0], [0], [1], [0, 0, 1, 1], [], []>, transpose_lhs_hint = false} : vector<256x256xf32>, vector<256x32xf32>, vector<256x32xf32> -> vector<256x32xf32>
    %reshape3A_7 = vector.shape_cast %dot_general3A_6 : vector<256x32xf32> to vector<2x128x32xf32>
    %get3A_8 = arith.constant 0 : index
    %get3A_9 = arith.constant 0 : index
    %get3A_10 = arith.constant 0 : index
    %get3A_11 = vector.load %arg2[%get3A_8, %get3A_9, %get3A_10] : memref<2x128x256xf32, #tpu.memory_space<vmem>>, vector<2x128x256xf32>
    %reshape3A_12 = vector.shape_cast %get3A_11 : vector<2x128x256xf32> to vector<256x256xf32>
    %get3A_13 = arith.constant 0 : index
    %get3A_14 = arith.constant 0 : index
    %get3A_15 = vector.load %arg7[%get3A_13, %get3A_14] : memref<256x32xf32, #tpu.memory_space<vmem>>, vector<256x32xf32>
    %dot_general3A_16 = arith.constant dense<0.000000e+00> : vector<256x32xf32>
    %dot_general3A_17 = tpu.matmul %reshape3A_12, %get3A_15, %dot_general3A_16 {dimension_numbers = #tpu.dot_dimension_numbers<[1], [0], [0], [1], [0, 0, 1, 1], [], []>, transpose_lhs_hint = false} : vector<256x256xf32>, vector<256x32xf32>, vector<256x32xf32> -> vector<256x32xf32>
    %reshape3A_18 = vector.shape_cast %dot_general3A_17 : vector<256x32xf32> to vector<2x128x32xf32>
    %broadcast_in_dim3A = vector.shape_cast %reshape3A_7 : vector<2x128x32xf32> to vector<2x128x1x32xf32>
    %broadcast_in_dim3A_19 = vector.shape_cast %reshape3A_18 : vector<2x128x32xf32> to vector<2x1x128x32xf32>
    %add3A = vector.broadcast %broadcast_in_dim3A : vector<2x128x1x32xf32> to vector<2x128x128x32xf32>
    %add3A_20 = vector.broadcast %broadcast_in_dim3A_19 : vector<2x1x128x32xf32> to vector<2x128x128x32xf32>
    %add3A_21 = arith.addf %add3A, %add3A_20 : vector<2x128x128x32xf32>
    %get3A_22 = arith.constant 0 : index
    %get3A_23 = arith.constant 0 : index
    %get3A_24 = vector.load %arg8[%get3A_22, %get3A_23] : memref<1x32xf32, #tpu.memory_space<vmem>>, vector<1x32xf32>
    %get3A_25 = vector.shape_cast %get3A_24 : vector<1x32xf32> to vector<32xf32>
    %broadcast_in_dim3A_26 = vector.shape_cast %get3A_25 : vector<32xf32> to vector<1x1x1x32xf32>
    %add3A_27 = vector.broadcast %broadcast_in_dim3A_26 : vector<1x1x1x32xf32> to vector<2x128x128x32xf32>
    %add3A_28 = arith.addf %add3A_21, %add3A_27 : vector<2x128x128x32xf32>
    %max3A = arith.constant 0.000000e+00 : f32
    %max3A_29 = vector.broadcast %max3A : f32 to vector<2x128x128x32xf32>
    %max3A_30 = arith.maximumf %add3A_28, %max3A_29 : vector<2x128x128x32xf32>
    %reshape3A_31 = vector.shape_cast %max3A_30 : vector<2x128x128x32xf32> to vector<32768x32xf32>
    %get3A_32 = arith.constant 0 : index
    %get3A_33 = arith.constant 0 : index
    %get3A_34 = vector.load %arg9[%get3A_32, %get3A_33] : memref<32x1xf32, #tpu.memory_space<vmem>>, vector<32x1xf32>
    %dot_general3A_35 = arith.constant dense<0.000000e+00> : vector<32768x1xf32>
    %dot_general3A_36 = tpu.matmul %reshape3A_31, %get3A_34, %dot_general3A_35 {dimension_numbers = #tpu.dot_dimension_numbers<[1], [0], [0], [1], [0, 0, 1, 1], [], []>, transpose_lhs_hint = false} : vector<32768x32xf32>, vector<32x1xf32>, vector<32768x1xf32> -> vector<32768x1xf32>
    %reshape3A_37 = vector.shape_cast %dot_general3A_36 : vector<32768x1xf32> to vector<2x128x128xf32>
    %get3A_38 = arith.constant 0 : index
    %get3A_39 = arith.constant 0 : index
    %get3A_40 = vector.load %arg10[%get3A_38, %get3A_39] : memref<1x1xf32, #tpu.memory_space<vmem>>, vector<1x1xf32>
    %get3A_41 = vector.extract %get3A_40[0, 0] : f32 from vector<1x1xf32>
    %add3A_42 = vector.broadcast %get3A_41 : f32 to vector<2x128x128xf32>
    %add3A_43 = arith.addf %reshape3A_37, %add3A_42 : vector<2x128x128xf32>
    %get3A_44 = arith.constant 0 : index
    %get3A_45 = arith.constant 0 : index
    %get3A_46 = arith.constant 0 : index
    %get3A_47 = vector.load %arg3[%get3A_44, %get3A_45, %get3A_46] : memref<2x1x128xf32, #tpu.memory_space<vmem>>, vector<2x1x128xf32>
    %get3A_48 = vector.shape_cast %get3A_47 : vector<2x1x128xf32> to vector<2x128xf32>
    %get3A_49 = arith.constant 0 : index
    %get3A_50 = arith.constant 0 : index
    %get3A_51 = arith.constant 0 : index
    %get3A_52 = vector.load %arg4[%get3A_49, %get3A_50, %get3A_51] : memref<2x1x128xf32, #tpu.memory_space<vmem>>, vector<2x1x128xf32>
    %get3A_53 = vector.shape_cast %get3A_52 : vector<2x1x128xf32> to vector<2x128xf32>
    %get3A_54 = arith.constant 0 : index
    %get3A_55 = arith.constant 0 : index
    %get3A_56 = arith.constant 0 : index
    %get3A_57 = vector.load %arg5[%get3A_54, %get3A_55, %get3A_56] : memref<2x1x128xf32, #tpu.memory_space<vmem>>, vector<2x1x128xf32>
    %get3A_58 = vector.shape_cast %get3A_57 : vector<2x1x128xf32> to vector<2x128xf32>
    %get3A_59 = arith.constant 0 : index
    %get3A_60 = arith.constant 0 : index
    %get3A_61 = arith.constant 0 : index
    %get3A_62 = vector.load %arg6[%get3A_59, %get3A_60, %get3A_61] : memref<2x1x128xf32, #tpu.memory_space<vmem>>, vector<2x1x128xf32>
    %get3A_63 = vector.shape_cast %get3A_62 : vector<2x1x128xf32> to vector<2x128xf32>
    %broadcast_in_dim3A_64 = vector.shape_cast %get3A_48 : vector<2x128xf32> to vector<2x128x1xf32>
    %broadcast_in_dim3A_65 = vector.shape_cast %get3A_53 : vector<2x128xf32> to vector<2x1x128xf32>
    %add3A_66 = vector.broadcast %broadcast_in_dim3A_64 : vector<2x128x1xf32> to vector<2x128x128xf32>
    %add3A_67 = vector.broadcast %broadcast_in_dim3A_65 : vector<2x1x128xf32> to vector<2x128x128xf32>
    %add3A_68 = arith.addf %add3A_66, %add3A_67 : vector<2x128x128xf32>
    %sub3A = arith.subf %add3A_68, %add3A_43 : vector<2x128x128xf32>
    %broadcast_in_dim3A_69 = vector.shape_cast %get3A_58 : vector<2x128xf32> to vector<2x128x1xf32>
    %broadcast_in_dim3A_70 = vector.shape_cast %get3A_63 : vector<2x128xf32> to vector<2x1x128xf32>
    %add3A_71 = vector.broadcast %broadcast_in_dim3A_69 : vector<2x128x1xf32> to vector<2x128x128xf32>
    %add3A_72 = vector.broadcast %broadcast_in_dim3A_70 : vector<2x1x128xf32> to vector<2x128x128xf32>
    %add3A_73 = arith.addf %add3A_71, %add3A_72 : vector<2x128x128xf32>
    %swap3A = arith.constant 0 : index
    %swap3A_74 = arith.constant 0 : index
    %swap3A_75 = arith.constant 0 : index
    %swap3A_76 = vector.load %arg11[%swap3A, %swap3A_74, %swap3A_75] : memref<2x128x128xf32, #tpu.memory_space<vmem>>, vector<2x128x128xf32>
    tpu.vector_store %arg11[%swap3A, %swap3A_74, %swap3A_75], %add3A_43 {strides = array<i32>} : memref<2x128x128xf32, #tpu.memory_space<vmem>>, vector<2x128x128xf32>,
    %mul3A = arith.constant 1.250000e-01 : f32
    %mul3A_77 = vector.broadcast %mul3A : f32 to vector<2x128x128xf32>
    %mul3A_78 = arith.mulf %mul3A_77, %add3A_73 : vector<2x128x128xf32>
    %add3A_79 = arith.addf %sub3A, %mul3A_78 : vector<2x128x128xf32>
    %swap3A_80 = arith.constant 0 : index
    %swap3A_81 = arith.constant 0 : index
    %swap3A_82 = arith.constant 0 : index
    %swap3A_83 = vector.load %arg12[%swap3A_80, %swap3A_81, %swap3A_82] : memref<2x128x128xf32, #tpu.memory_space<vmem>>, vector<2x128x128xf32>
    tpu.vector_store %arg12[%swap3A_80, %swap3A_81, %swap3A_82], %add3A_79 {strides = array<i32>} : memref<2x128x128xf32, #tpu.memory_space<vmem>>, vector<2x128x128xf32>,
    return
  }
  func.func @transform_0(%arg0: i32) -> (i32, i32, i32) {
    %c0_i32 = arith.constant 0 : i32
    %c0_i32_0 = arith.constant 0 : i32
    %c0_i32_1 = arith.constant 0 : i32
    return %arg0, %c0_i32, %c0_i32_0 : i32, i32, i32
  }
  func.func @transform_1(%arg0: i32) -> (i32, i32, i32) {
    %c0_i32 = arith.constant 0 : i32
    %c0_i32_0 = arith.constant 0 : i32
    %c0_i32_1 = arith.constant 0 : i32
    return %arg0, %c0_i32, %c0_i32_0 : i32, i32, i32
  }
  func.func @transform_2(%arg0: i32) -> (i32, i32, i32) {
    %c0_i32 = arith.constant 0 : i32
    %c0_i32_0 = arith.constant 0 : i32
    %c0_i32_1 = arith.constant 0 : i32
    return %arg0, %c0_i32, %c0_i32_0 : i32, i32, i32
  }
  func.func @transform_3(%arg0: i32) -> (i32, i32, i32) {
    %c0_i32 = arith.constant 0 : i32
    %c0_i32_0 = arith.constant 0 : i32
    %c0_i32_1 = arith.constant 0 : i32
    return %arg0, %c0_i32, %c0_i32_0 : i32, i32, i32
  }
  func.func @transform_4(%arg0: i32) -> (i32, i32, i32) {
    %c0_i32 = arith.constant 0 : i32
    %c0_i32_0 = arith.constant 0 : i32
    %c0_i32_1 = arith.constant 0 : i32
    return %arg0, %c0_i32, %c0_i32_0 : i32, i32, i32
  }
  func.func @transform_5(%arg0: i32) -> (i32, i32, i32) {
    %c0_i32 = arith.constant 0 : i32
    %c0_i32_0 = arith.constant 0 : i32
    %c0_i32_1 = arith.constant 0 : i32
    return %arg0, %c0_i32, %c0_i32_0 : i32, i32, i32
  }
  func.func @transform_6(%arg0: i32) -> (i32, i32) {
    %c0_i32 = arith.constant 0 : i32
    %c0_i32_0 = arith.constant 0 : i32
    %c0_i32_1 = arith.constant 0 : i32
    return %c0_i32, %c0_i32_0 : i32, i32
  }
  func.func @transform_7(%arg0: i32) -> (i32, i32) {
    %c0_i32 = arith.constant 0 : i32
    %c0_i32_0 = arith.constant 0 : i32
    %c0_i32_1 = arith.constant 0 : i32
    return %c0_i32, %c0_i32_0 : i32, i32
  }
  func.func @transform_8(%arg0: i32) -> (i32, i32) {
    %c0_i32 = arith.constant 0 : i32
    %c0_i32_0 = arith.constant 0 : i32
    %c0_i32_1 = arith.constant 0 : i32
    return %c0_i32, %c0_i32_0 : i32, i32
  }
  func.func @transform_9(%arg0: i32) -> (i32, i32) {
    %c0_i32 = arith.constant 0 : i32
    %c0_i32_0 = arith.constant 0 : i32
    %c0_i32_1 = arith.constant 0 : i32
    return %c0_i32, %c0_i32_0 : i32, i32
  }
  func.func @transform_10(%arg0: i32) -> (i32, i32, i32) {
    %c0_i32 = arith.constant 0 : i32
    %c0_i32_0 = arith.constant 0 : i32
    %c0_i32_1 = arith.constant 0 : i32
    return %arg0, %c0_i32, %c0_i32_0 : i32, i32, i32
  }
  func.func @transform_11(%arg0: i32) -> (i32, i32, i32) {
    %c0_i32 = arith.constant 0 : i32
    %c0_i32_0 = arith.constant 0 : i32
    %c0_i32_1 = arith.constant 0 : i32
    return %arg0, %c0_i32, %c0_i32_0 : i32, i32, i32
  }
}

</mosaic_0001>

<sc_bundles>
// kernel: gather_offload_async_start.10
scs
__scs_entry_jumppad:
0x0: {  	(pc) =	sbr.rel $0x88, $3  }
0x1: {  	(tag) =	ssettag $0x0;
	lr =	simm.s32 $0x1  }
0x2: {  	[smem:$0x3F95] =	sst lr;
	_ =	strace $0xD0000000  }
0x3: {  	_ = 	snop  }
0x4: {  	_ = 	snop  }
0x5: {  	_ = 	snop  }
0x6: {  	_ = 	snop  }
0x7: {  	_ = 	snop  }
__scs_overlays_trampoline_lowered:
0x8: {  	[smem:$0x3FA4] =	sst s0  }
0x9: {  	[smem:$0x3FA5] =	sst s1  }
0xa: {  	[smem:$0x3FA6] =	sst s2  }
0xb: {  	[smem:$0x3FA7] =	sst s3  }
0xc: {  	[smem:$0x3FA8] =	sst s4  }
0xd: {  	[smem:$0x3FA9] =	sst s5  }
0xe: {  	[smem:$0x3FAA] =	sst s6  }
0xf: {  	[smem:$0x3FAB] =	sst s7  }
0x10: {  	[smem:$0x3FAC] =	sst s8  }
0x11: {  	[smem:$0x3FAD] =	sst s9;
	s0 =	simm.s32 @!p0 $0x0  }
0x12: {  	s1 =	sld [smem:$0x3F93];
	s0 =	simm.s32 @p0 $0x1  }
0x13: {  	[smem:$0x3FAE] =	sst s0;
	s0 =	simm.s32 @!p1 $0x0  }
0x14: {  	s2 =	sld [smem:$0x3F92];
	s0 =	simm.s32 @p1 $0x1  }
0x15: {  	[smem:$0x3FAF] =	sst s0;
	s0 =	simm.s32 @!p2 $0x0  }
0x16: {  	s3 =	sld [smem:$0x3FDB];
	s0 =	simm.s32 @p2 $0x1  }
0x17: {  	s4 =	simm.s32 $0x1BF5;
	[smem:$0x3FB1] =	sst s0  }
0x18: {  	s0 =	sld [smem:$0x3F94];
	_ =	swait.ge [sflag:s4], $0x0  }
0x19: {  	s7 =	sld [smem:$0x3F95]  }
0x1a: {  	s8 =	sadd.s32 $0xFFFFE003, lr  }
0x1b: {  	s9 =	sadd.s32 $0xFFFFFEF7, lr;
	s5 =	simm.s32 $0xFFFFFFFF;
	p2 =	slt.u32 s8, $0xFFFFF086  }
0x1c: {  	p1 =	slt.u32 s9, $0xF7A;
	s5 =	simm.s32 @!p2 $0x0  }
0x1d: {  	s5 =	simm.s32 @p1 $0x1;
	p0 =	seq.s32 s7, s2  }
0x1e: {  	s7 =	smul.u32 @!p0 $0xF7A, s2;
	p2 =	seq.s32 @!p0 s5, $0x0  }
0x1f: {  	s9 =	smul.u32 $0xF7A, s1;
	s8 =	simm.s32 @!p0 $0x1BF5;
	p2 =	por !p2, p0  }
0x20: {  	[sflag:s8] =	ssyncset.s32 @!p0 $0xFFFFF086;
	s6 =	sadd.s32 @!p0 s3, s7;
	s7 =	simm.s32 @!p0 $0x108  }
0x21: {  	s3 =	sadd.s32 s3, s9;
	s6 =	sadd.s32 @!p0 $0x88, s6;
	s7 =	simm.s32 @p2 $0x1082  }
0x22: {  	[simem:s7], [sflag:s8] =	dma.local @!p0 [hbm:s6], $0xF7A  }
0x23: {  	s9 =	sor.u32 $0xD0000000, s2;
	s6 =	simm.s32 $0x108;
	_ =	swait.ge @!p0 [sflag:s8], $0x0  }
0x24: {  	s3 =	sadd.s32 $0x88, s3;
	s6 =	simm.s32 @!p1 $0x1082;
	[sflag:s4] =	ssyncset.s32 $0xFFFFF086  }
0x25: {  	[simem:s6], [sflag:s4] =	dma.local [hbm:s3], $0xF7A  }
0x26: {  	[smem:$0x3F95] =	sst s1;
	(tag) =	ssettag s2;
	_ =	strace s9  }
0x27: {  	s1 =	sld [smem:$0x3FA5]  }
0x28: {  	s2 =	sld [smem:$0x3FA6]  }
0x29: {  	s4 =	sld [smem:$0x3FA8]  }
0x2a: {  	p0 =	seq.s32 s5, $0x0;
	s5 =	sld [smem:$0x3FA9]  }
0x2b: {  	s6 =	sld [smem:$0x3FAA]  }
0x2c: {  	s7 =	sld [smem:$0x3FAB]  }
0x2d: {  	s3 =	simm.s32 $0x108;
	s8 =	sld [smem:$0x3FAC]  }
0x2e: {  	s3 =	simm.s32 @!p0 $0x1082;
	s9 =	sld [smem:$0x3FAD]  }
0x2f: {  	lr =	sadd.s32 s0, s3;
	s0 =	sld [smem:$0x3FA4]  }
0x30: {  	s3 =	sld [smem:$0x3FA7]  }
0x31: {  	[smem:$0x3FB0] =	sst s10  }
0x32: {  	s10 =	sld [smem:$0x3FAE];
	_ =	sdelay $0x3  }
0x33: {  	p0 =	seq.s32 s10, $0x1;
	s10 =	sld [smem:$0x3FB0];
	_ =	sdelay $0x3  }
0x34: {  	[smem:$0x3FB0] =	sst s10  }
0x35: {  	s10 =	sld [smem:$0x3FAF];
	_ =	sdelay $0x3  }
0x36: {  	p1 =	seq.s32 s10, $0x1;
	s10 =	sld [smem:$0x3FB0];
	_ =	sdelay $0x3  }
0x37: {  	[smem:$0x3FB0] =	sst s10  }
0x38: {  	s10 =	sld [smem:$0x3FB1]  }
0x39: {  	_ = 	snop;
	(pc) =	sbr.ind lr, $3  }
0x3a: {  	_ = 	snop  }
0x3b: {  	_ = 	snop  }
0x3c: {  	p2 =	seq.s32 s10, $0x1;
	s10 =	sld [smem:$0x3FB0]  }
0x3d: {  	_ =	shalt  }
0x3e: {  	_ =	shalt  }
0x3f: {  	_ =	shalt  }
0x40: {  	_ =	shalt  }
0x41: {  	_ =	shalt  }
0x42: {  	_ =	shalt  }
0x43: {  	_ =	shalt  }
0x44: {  	_ =	shalt  }
0x45: {  	_ =	shalt  }
0x46: {  	_ =	shalt  }
0x47: {  	_ =	shalt  }
0x48: {  	_ =	shalt  }
0x49: {  	_ =	shalt  }
0x4a: {  	_ =	shalt  }
0x4b: {  	_ =	shalt  }
0x4c: {  	_ =	shalt  }
0x4d: {  	_ =	shalt  }
0x4e: {  	_ =	shalt  }
0x4f: {  	_ =	shalt  }
0x50: {  	_ =	shalt  }
0x51: {  	_ =	shalt  }
0x52: {  	_ =	shalt  }
0x53: {  	_ =	shalt  }
0x54: {  	_ =	shalt  }
0x55: {  	_ =	shalt  }
0x56: {  	_ =	shalt  }
0x57: {  	_ =	shalt  }
0x58: {  	_ =	shalt  }
0x59: {  	_ =	shalt  }
0x5a: {  	_ =	shalt  }
0x5b: {  	_ =	shalt  }
0x5c: {  	_ =	shalt  }
0x5d: {  	_ =	shalt  }
0x5e: {  	_ =	shalt  }
0x5f: {  	_ =	shalt  }
0x60: {  	_ =	shalt  }
0x61: {  	_ =	shalt  }
0x62: {  	_ =	shalt  }
0x63: {  	_ =	shalt  }
0x64: {  	_ =	shalt  }
0x65: {  	_ =	shalt  }
0x66: {  	_ =	shalt  }
0x67: {  	_ =	shalt  }
0x68: {  	_ =	shalt  }
0x69: {  	_ =	shalt  }
0x6a: {  	_ =	shalt  }
0x6b: {  	_ =	shalt  }
0x6c: {  	_ =	shalt  }
0x6d: {  	_ =	shalt  }
0x6e: {  	_ =	shalt  }
0x6f: {  	_ =	shalt  }
0x70: {  	_ =	shalt  }
0x71: {  	_ =	shalt  }
0x72: {  	_ =	shalt  }
0x73: {  	_ =	shalt  }
0x74: {  	_ =	shalt  }
0x75: {  	_ =	shalt  }
0x76: {  	_ =	shalt  }
0x77: {  	_ =	shalt  }
0x78: {  	_ =	shalt  }
0x79: {  	_ =	shalt  }
0x7a: {  	_ =	shalt  }
0x7b: {  	_ =	shalt  }
0x7c: {  	_ =	shalt  }
0x7d: {  	_ =	shalt  }
0x7e: {  	_ =	shalt  }
0x7f: {  	_ =	shalt  }
0x80: {  	_ =	shalt  }
0x81: {  	_ =	shalt  }
0x82: {  	_ =	shalt  }
0x83: {  	_ =	shalt  }
0x84: {  	_ =	shalt  }
0x85: {  	_ =	shalt  }
0x86: {  	_ =	shalt  }
0x87: {  	_ =	shalt  }
.Lfunc_end0:
.L_simem_size_0:
called_computation.10_lowered:
.L_overlay_start_0:
0x88: {  	s2 =	sld [smem:$0x3FD9]  }
0x89: {  	s3 =	sld [smem:$0x3FFE];
	_ =	sdelay $0x1  }
0x8a: {  	s1 =	srdreg.scid  }
0x8b: {  	s0 =	sand.u32 $0x1, s1  }
0x8c: {  	s17 =	sshll.u32 s0, $0xA;
	s2 =	sadd.s32 s3, s2  }
0x8d: {  	s2 =	sadd.s32 s2, s17  }
0x8e: {  	[smem:$0x3FBC] =	sst s2  }
0x8f: {  	_ = 	snop  }
0x90: {  	s2 =	sld [smem:$0x3FD0];
	_ =	sdelay $0x2  }
0x91: {  	s18 =	simm.s32 $0x10  }
0x92: {  	[smem:s18], [sflag:s18] =	dma.local [hbm:s2], $0x1  }
0x93: {  	_ =	swait.eq [sflag:s18], $0x1  }
0x94: {  	[sflag:s18] =	ssyncset.done $0x0  }
0x95: {  	[sflag:s18] =	ssyncadd.s32 $0xFFFFFFFF  }
0x96: {  	s3 =	sld [smem:$0x11];
	(tm) =	ssettm $0x1  }
0x97: {  	s19 =	sld [smem:$0x3FFB];
	_ =	sdelay $0x3  }
0x98: {  	_ =	strace s19  }
0x99: {  	s2 =	sld [smem:$0x3FFC];
	_ =	sdelay $0x3  }
0x9a: {  	_ =	strace s2  }
0x9b: {  	s2 =	sld [smem:$0x3FFD];
	_ =	sdelay $0x3  }
0x9c: {  	_ =	strace s2  }
0x9d: {  	_ =	strace $0x8FFFFFFF  }
0x9e: {  	s20 =	sld [smem:$0x3FDB];
	_ =	sdelay $0x1  }
0x9f: {  	s4 =	simm.s32 $_scs_section_size  }
0xa0: {  	s5 =	simm.s32 $_size__tile_overlayer_lowered;
	s6 =	simm.s32 $_tile_overlayer_lowered  }
0xa1: {  	s7 =	simm.s32 $0x1BFF;
	s21 =	sshll.u32 s6, $0x1;
	s4 =	sadd.s32 s4, s20  }
0xa2: {  	s22 =	simm.s32 $0x0;
	s5 =	sshll.u32 s5, $0x1;
	s6 =	sadd.s32 s21, s4  }
0xa3: {  	[timem:s22], [sflag:s7] =	dma.local [hbm:s6], s5  }
0xa4: {  	_ =	swait.ge [sflag:s7], s5  }
0xa5: {  	s5 =	ssub.s32 $0x0, s5;
	[sflag:s7] =	ssyncset.done $0x0  }
0xa6: {  	[sflag:s7] =	ssyncadd.s32 s5;
	_ =	sdelay $0x1  }
0xa7: {  	s23 =	simm.s32 $0x1B8B  }
0xa8: {  	_ =	swait.ge [sflag:s23], $0x1  }
0xa9: {  	[sflag:s23] =	ssyncset.done $0x0  }
0xaa: {  	[sflag:s23] =	ssyncadd.s32 $0xFFFFFFFF  }
0xab: {  	s5 =	sld [smem:$0x0]  }
0xac: {  	s6 =	sand.u32 $0xFFFFFFFE, s1  }
0xad: {  	p0 =	sne.s32 s1, s6  }
0xae: {  	s6 =	sshll.u32 @p0 s6, $0xE  }
0xaf: {  	s6 =	sadd.s32 @p0 $0x11B8D, s6;
	s7 =	sshll.u32 @p0 s5, $0x11  }
0xb0: {  	s6 =	sor.u32 @p0 s7, s6  }
0xb1: {  	[sflag:s6] =	ssyncadd.remote.s32 @p0 $0x1;
	_ =	sdelay $0x1  }
0xb2: {  	s6 =	simm.s32 @p0 $0x1B8D  }
0xb3: {  	_ =	swait.eq @p0 [sflag:s6], $0x1  }
0xb4: {  	[sflag:s6] =	ssyncadd.s32 @p0 $0xFFFFFFFF  }
0xb5: {  	s7 =	sshll.u32 @!p0 s1, $0xE  }
0xb6: {  	s7 =	sor.u32 @!p0 $0x4000, s7;
	s6 =	simm.s32 @!p0 $0x1B8D  }
0xb7: {  	s5 =	sshll.u32 @!p0 s5, $0x11;
	s7 =	sadd.s32 @!p0 $0x11B8D, s7;
	_ =	swait.eq @!p0 [sflag:s6], $0x1  }
0xb8: {  	s5 =	sor.u32 @!p0 s5, s7;
	[sflag:s6] =	ssyncadd.s32 @!p0 $0xFFFFFFFF  }
0xb9: {  	s25 =	simm.s32 $0x1B8E;
	s24 =	sld [smem:$0x3FFE];
	[sflag:s5] =	ssyncadd.remote.s32 @!p0 $0x1  }
0xba: {  	s26 =	simm.s32 $execute0_lowered;
	[smem:$0x3FD2] =	sst s25  }
0xbb: {  	s6 =	sshll.u32 s26, $0x1;
	_ =	strace $0x8000004F;
	[dreg:$0x1] =	wrdreg $0xFFFFFFFF  }
0xbc: {  	s28 =	simm.s32 $_size_execute0_lowered;
	s4 =	sadd.s32 s4, s6;
	[dreg:$0x0] =	wrdreg $0x0  }
0xbd: {  	s6 =	sshll.u32 s28, $0x1;
	[dreg:$0x2] =	wrdreg s4  }
0xbe: {  	[dreg:$0x3] =	wrdreg s6  }
0xbf: {  	[dreg:$0x4] =	wrdreg $0xC0  }
0xc0: {  	_ =	task [dreg:s22], $0x5FFFF  }
0xc1: {  	[dreg:$0x1] =	wrdreg $0xFFFFFFFF  }
0xc2: {  	[dreg:$0x0] =	wrdreg $0x60  }
0xc3: {  	[dreg:$0x2] =	wrdreg s3  }
0xc4: {  	[dreg:$0x3] =	wrdreg s24  }
0xc5: {  	[dreg:$0x4] =	wrdreg $0x9  }
0xc6: {  	_ =	task.clear_ibuf [dreg:s22], $0x5FFFF;
	_ =	strace $0x9000004F  }
0xc7: {  	s29 =	simm.s32 $0x9;
	_ =	strace $0x80000051  }
0xc8: {  	_ =	swait.ge [sflag:s29], $0x1  }
0xc9: {  	[sflag:s29] =	ssyncadd.s32 $0xFFFFFFFF  }
0xca: {  	_ =	strace $0x90000051  }
0xcb: {  	_ =	sfence  }
0xcc: {  	s30 =	sld [smem:$0x0];
	_ =	sdelay $0x2  }
0xcd: {  	s31 =	sshll.u32 s1, $0xD;
	s1 =	sshrl.u32 s1, $0x2  }
0xce: {  	s4 =	sand.u32 $0x4000, s31;
	s1 =	sadd.s32 s1, s30  }
0xcf: {  	s0 =	sor.u32 s4, s0;
	s1 =	sshll.u32 s1, $0x11  }
0xd0: {  	s0 =	sor.u32 s1, s0  }
0xd1: {  	s0 =	sadd.s32 $0x8F2B, s0  }
0xd2: {  	[sflag:s0] =	ssyncadd.remote.s32 $0x1  }
0xd3: {  	_ =	sfence.sel $0xFFFF  }
0xd4: {  	[dreg:$0x0] =	wrdreg $0xFFFFFFFF;
	(pc) =	sbr.abs _section_cstart, $3  }
0xd5: {  	[dreg:$0x1] =	wrdreg $0xFFFFFFFF  }
0xd6: {  	_ =	task.clear_ibuf [dreg:s22], $0x2FFFF;
	_ =	strace $0x9FFFFFFF  }
0xd7: {  	(tm) =	ssettm $0x7FFFFFFF  }
tec
execute0_lowered:
.L_overlay_start_1:
0x0: {  	(tag) =	ssettag $0x1  }
0x1: {  	s1 =	srdreg.scid;
	s2 =	rddreg [dreg:$0x0]  }
0x2: {  	s0 =	stileid.u32;
	s5 =	rddreg [dreg:$0x1];
	s6 =	simm.s32 $0x1  }
0x3: {  	s9 =	simm.s32 $0x1;
	s10 =	simm.s32 $0x3;
	s1 =	sshll.u32 s1, $0x6  }
0x4: {  	s13 =	simm.s32 $0x0;
	s3 =	sshll.u32 s0, $0x7;
	s4 =	sand.u32 $0x40, s1  }
0x5: {  	s12 =	simm.s32 $0x0;
	s1 =	rddreg [dreg:$0x2];
	s3 =	sor.u32 s3, s4  }
0x6: {  	_ =	strace $0x80000050;
	s4 =	sadd.s32 $0x2400, s5;
	s8 =	ssub.s32 $0x1000, s3  }
.Ltmp0:
0x7: {  	s5 =	sadd.s32 $0x12800, s5;
	s7 =	sand.u32 $0x7C0, s8;
	(pc) =	sbr.rel .LBB2_1-.Ltmp0, $4  }
0x8: {  	[sflag:s6] =	ssyncpa.u1 $0x0;
	s11 =	smov.u32 s3;
	p0 =	sne.s32 s7, $0x0  }
0x9: {  	s8 =	sshrl.u32 s8, $0xB;
	s7 =	simm.s32 $0x2;
	s9 =	simm.s32 @!p0 $0x0  }
0xa: {  	[sflag:s7] =	ssyncpa.u1 $0x0;
	p0 =	por $0x0, $0x0;
	s8 =	sadd.s32 s9, s8  }
0xb: {  	vm0 =	vmmov $0xffff;
	[sflag:s10] =	ssyncpa.u1 $0x0;
	s10 =	simm.s32 $0x0;
	s9 =	sadd.s32 $0x1, s8  }
.LBB2_4:
0xc: {  	v5 =	vshrl.u32 v1, $0x5;
	v6 =	vshll.u32 v1, $0x7  }
0xd: {  	vm1 =	veq.s32 v1, $0x80000000;
	v58 =	vand.u32 $0x7F, v5;
	v59 =	vand.u32 $0xF80, v6  }
0xe: {  	v1 =	vsel vm1, $0xFFFFFFFF, v58;
	v5 =	vsel vm1, $0xFFFFFF80, v59  }
0xf: {  	v3 =	vor.u32 v4, v3;
	v60 =	vand.u32 $0xFFFFFC00, v5;
	v61 =	vand.u32 $0xFFFFFC00, v1  }
0x10: {  	v2 =	vor.u32 v2, v3;
	v63 =	vand.u32 $0x380, v5;
	v62 =	vadd.s32 v61, v60  }
0x11: {  	v1 =	vand.u32 $0x7F, v1;
	v3 =	vor.u32 v63, v62  }
0x12: {  	v1 =	vor.u32 v1, v3  }
0x13: {  	[tilespmem:s15], [sflag:$0x1] =	stream.indirect_vreg.gather [hbm4b:s2+s10], $0x1, v0, vm0, $0x4038;
	[tilespmem:$0x100] =	vst v63  }
0x14: {  	(ifvalue) =	ssetifvalue $0x7FFFFFFF  }
0x15: {  	[tilespmem:s16], [sflag:$0x1] =	stream.indirect_vreg.gather [hbm4b:s2+s10], $0x1, v2, vm0, $0x4038;
	[tilespmem:$0x100] =	vst v63  }
0x16: {  	s29 =	sadd.s32 $0x10, s16;
	(ifvalue) =	ssetifvalue $0x7FFFFFFF  }
0x17: {  	[tilespmem:s29], [sflag:$0x1] =	stream.indirect_vreg.gather [hbm4b:s2+s10], $0x1, v1, vm0, $0x4038;
	[tilespmem:$0x100] =	vst v63  }
0x18: {  	_ =	swait.ge [sflag:s6], $0x40  }
0x19: {  	s30 =	sshrl.u32 s13, $0x3;
	[sflag:s6] =	ssyncset.done $0x0  }
0x1a: {  	s31 =	sand.u32 $0x7, s13;
	s15 =	sadd.s32 s5, s30;
	[sflag:s6] =	ssyncadd.s32 $0xFFFFFFC0  }
0x1b: {  	[hbm4b:s15+s31] =	stream.linear.scatter [tilespmem:s14], [sflag:$0x3], $0x40, $0x38;
	[tilespmem:$0x100] =	vst v63  }
.LBB2_5:
0x1c: {  	s15 =	sadd.s32 $0x800, s11  }
0x1d: {  	p2 =	sgt.s32 s15, $0xFFF  }
0x1e: {  	s15 =	smov.u32 @p2 s3;
	p2 =	sne.s32 s12, s9  }
.Ltmp1:
0x1f: {  	p1 =	slt.u32 s12, $0x2;
	(pc) =	sbr.rel @!p2 .LBB2_6-.Ltmp1, $4  }
0x20: {  	s14 =	simm.s32 @!p1 $0x3  }
0x21: {  	s16 =	sadd.s32 $0x1, s12;
	_ =	swait.ge @!p1 [sflag:s14], $0x40  }
0x22: {  	s13 =	smov.u32 s11;
	p0 =	por !p0, !p0;
	[sflag:s14] =	ssyncset.done @!p1 $0x0  }
0x23: {  	s12 =	smov.u32 s16;
	s11 =	smov.u32 s15;
	[sflag:s14] =	ssyncadd.s32 @!p1 $0xFFFFFFC0  }
.LBB2_1:
0x24: {  	p1 =	sge.u32 s12, s8  }
0x25: {  	s14 =	sxor.u32 @!p1 $0xFFFFFFFF, s12  }
0x26: {  	s31 =	sadd.s32 $0xFFFFFFFF, s12;
	s15 =	sshrl.u32 @!p1 s11, $0x3;
	s14 =	sshll.u32 @!p1 s14, $0x6  }
0x27: {  	s16 =	sand.u32 @!p1 $0x7, s11;
	s15 =	sadd.s32 @!p1 s4, s15;
	s14 =	sand.u32 @!p1 $0x40, s14  }
0x28: {  	[tilespmem:s14], [sflag:$0x2] =	stream.linear.gather @!p1 [hbm4b:s15+s16], $0x40, $0x38;
	[tilespmem:$0x100] =	vst v63  }
0x29: {  	p1 =	sge.u32 s31, s8  }
.Ltmp2:
0x2a: {  	_ = 	snop;
	(pc) =	sbr.rel @p1 .LBB2_5-.Ltmp2, $1  }
0x2b: {  	_ =	sdelay $0x3  }
0x2c: {  	s14 =	simm.s32 $0x1  }
0x2d: {  	_ =	swait.ge [sflag:s7], $0x40;
	s14 =	simm.s32 @!p0 $0x0  }
0x2e: {  	[sflag:s7] =	ssyncset.done $0x0;
	s14 =	sshll.u32 s14, $0x6  }
0x2f: {  	[sflag:s7] =	ssyncadd.s32 $0xFFFFFFC0;
	(ifvalue) =	ssetifvalue $0x7FFFFFFF;
	v0 =	vld.msk [tilespmem:s14+$0x0 ss:$0x1], $0xffff;
	_ =	sdelay $0x4  }
0x30: {  	s15 =	sadd.s32 $0x10, s14;
	v2 =	vshrl.u32 v0, $0x5;
	v3 =	vshll.u32 v0, $0x7  }
0x31: {  	v1 =	vld.msk [tilespmem:s15+$0x0 ss:$0x1], $0xffff;
	vm1 =	veq.s32 v0, $0x80000000;
	v0 =	vand.u32 $0x7F, v2;
	v2 =	vand.u32 $0xF80, v3  }
0x32: {  	v0 =	vsel vm1, $0xFFFFFFFF, v0;
	v2 =	vsel vm1, $0xFFFFFF80, v2  }
0x33: {  	v3 =	vand.u32 $0xFFFFFC00, v2;
	v4 =	vand.u32 $0xFFFFFC00, v0  }
0x34: {  	v2 =	vand.u32 $0x380, v2;
	v3 =	vadd.s32 v4, v3  }
0x35: {  	v0 =	vand.u32 $0x7F, v0;
	v2 =	vor.u32 v2, v3  }
0x36: {  	v5 =	vshll.u32 v1, $0x7;
	v4 =	vshrl.u32 v1, $0x5;
	v0 =	vor.u32 v0, v2  }
0x37: {  	s16 =	sshll.u32 s12, $0x6;
	vm1 =	veq.s32 v1, $0x80000000;
	v1 =	vand.u32 $0x7F, v4;
	v4 =	vand.u32 $0xF80, v5  }
0x38: {  	s16 =	sand.u32 $0x40, s16;
	s18 =	sadd.s32 $0x10, s15;
	v3 =	vsel vm1, $0xFFFFFFFF, v1;
	v4 =	vsel vm1, $0xFFFFFF80, v4  }
0x39: {  	s17 =	simm.s32 $0x20;
	s15 =	sor.u32 $0x80, s14;
	s14 =	sor.u32 $0x80, s16;
	v1 =	vld.msk [tilespmem:s18+$0x0 ss:$0x1], $0xffff;
	v5 =	vand.u32 $0xFFFFFC00, v4;
	v6 =	vand.u32 $0xFFFFFC00, v3  }
0x3a: {  	s16 =	sadd.s32 $0x10, s15;
	s18 =	sadd.s32 $0x10, s18;
	(ifvalue) =	ssetifvalue $0x7FFFFFFF;
	v2 =	vand.u32 $0x7F, v3;
	v4 =	vand.u32 $0x380, v4;
	v3 =	vadd.s32 v6, v5  }
.LBB2_3:
0x3b: {  	[tilespmem:s15], [sflag:$0x1] =	stream.indirect_vreg.gather [hbm4b:s2+s10], $0x1, v0, vm0, $0x4038;
	[tilespmem:$0x100] =	vst v63  }
0x3c: {  	s17 =	sadd.s32 $0x10, s17  }
0x3d: {  	v3 =	vor.u32 v4, v3;
	p1 =	slt.u32 s17, $0x30  }
.Ltmp3:
0x3e: {  	v4 =	vshrl.u32 v1, $0x5;
	v5 =	vshll.u32 v1, $0x7;
	s15 =	smov.u32 s16;
	v0 =	vor.u32 v2, v3;
	v2 =	vmovc v1;
	v1 =	vld.msk [tilespmem:s18+$0x0 ss:$0x1], $0xffff;
	(pc) =	sbr.rel @p1 .LBB2_3-.Ltmp3, $4  }
0x3f: {  	v3 =	vand.u32 $0xF80, v5;
	vm1 =	veq.s32 v2, $0x80000000;
	v2 =	vand.u32 $0x7F, v4  }
0x40: {  	v4 =	vsel vm1, $0xFFFFFFFF, v2;
	v5 =	vsel vm1, $0xFFFFFF80, v3  }
0x41: {  	v2 =	vand.u32 $0x7F, v4;
	v3 =	vand.u32 $0xFFFFFC00, v5;
	v4 =	vand.u32 $0xFFFFFC00, v4  }
0x42: {  	s16 =	sadd.s32 $0x10, s16;
	s18 =	sadd.s32 $0x10, s18;
	v3 =	vadd.s32 v4, v3;
	v4 =	vand.u32 $0x380, v5;
	(ifvalue) =	ssetifvalue $0x7FFFFFFF  }
.Ltmp4:
0x43: {  	_ = 	snop;
	(pc) =	sbr.rel .LBB2_4-.Ltmp4, $1  }
0x44: {  	_ =	sdelay $0x3  }
.LBB2_6:
0x45: {  	_ =	sfence.sel $0x180000  }
0x46: {  	s2 =	simm.s32 $0x2;
	[bflag:$0x0] =	sbarrier.arrive $0xFFFF  }
0x47: {  	s30 =	simm.s32 $0x3;
	[sflag:s2] =	ssyncpa.u1 $0x1  }
0x48: {  	s31 =	simm.s32 $0x1;
	[sflag:s30] =	ssyncpa.u1 $0x1  }
0x49: {  	[sflag:s31] =	ssyncpa.u1 $0x1  }
0x4a: {  	p0 =	sne.s32 s0, $0x0;
	_ =	strace $0x90000050  }
0x4b: {  	s0 =	sadd.s32 @!p0 $0x100000, s1;
	[bflag:$0x2] =	sbarrier.arrive $0xFFFF  }
0x4c: {  	[sflag:s0] =	ssyncadd.tile.s32 @!p0 $0x1;
	_ =	shalt  }
.Lfunc_end2:
_tile_overlayer_lowered:
.L_overlay_start_2:
0x4d: {  	(tag) =	ssettag $0x2  }
0x4e: {  	s0 =	rddreg [dreg:$0x0];
	s2 =	stileid.u32  }
0x4f: {  	s1 =	rddreg [dreg:$0x1];
	p0 =	sne.s32 s2, $0x0  }
0x50: {  	s3 =	rddreg [dreg:$0x2];
	[bflag:$0x3] =	sbarrier.arrive $0xFFFF;
	s2 =	simm.s32 @!p0 $0x1C01  }
0x51: {  	[timem:s3], [sflag:s2] =	dma.local @!p0 [hbm:s0], s1  }
0x52: {  	s0 =	simm.s32 @!p0 $0x1  }
0x53: {  	_ =	swait.ge @!p0 [sflag:s0], s1  }
0x54: {  	s1 =	ssub.s32 @!p0 $0x0, s1;
	[sflag:s0] =	ssyncset.done @!p0 $0x0  }
0x55: {  	[sflag:s0] =	ssyncadd.s32 @!p0 s1  }
0x56: {  	[bflag:$0x3] =	sbarrier.arrive $0xFFFF  }
0x57: {  	_ =	shalt  }

// kernel: gather_offload_async_start.11
scs
__scs_entry_jumppad:
0x0: {  	(pc) =	sbr.rel $0x88, $3  }
0x1: {  	(tag) =	ssettag $0x0;
	lr =	simm.s32 $0x1  }
0x2: {  	[smem:$0x3F95] =	sst lr;
	_ =	strace $0xD0000000  }
0x3: {  	_ = 	snop  }
0x4: {  	_ = 	snop  }
0x5: {  	_ = 	snop  }
0x6: {  	_ = 	snop  }
0x7: {  	_ = 	snop  }
__scs_overlays_trampoline_lowered:
0x8: {  	[smem:$0x3FA4] =	sst s0  }
0x9: {  	[smem:$0x3FA5] =	sst s1  }
0xa: {  	[smem:$0x3FA6] =	sst s2  }
0xb: {  	[smem:$0x3FA7] =	sst s3  }
0xc: {  	[smem:$0x3FA8] =	sst s4  }
0xd: {  	[smem:$0x3FA9] =	sst s5  }
0xe: {  	[smem:$0x3FAA] =	sst s6  }
0xf: {  	[smem:$0x3FAB] =	sst s7  }
0x10: {  	[smem:$0x3FAC] =	sst s8  }
0x11: {  	[smem:$0x3FAD] =	sst s9;
	s0 =	simm.s32 @!p0 $0x0  }
0x12: {  	s1 =	sld [smem:$0x3F93];
	s0 =	simm.s32 @p0 $0x1  }
0x13: {  	[smem:$0x3FAE] =	sst s0;
	s0 =	simm.s32 @!p1 $0x0  }
0x14: {  	s2 =	sld [smem:$0x3F92];
	s0 =	simm.s32 @p1 $0x1  }
0x15: {  	[smem:$0x3FAF] =	sst s0;
	s0 =	simm.s32 @!p2 $0x0  }
0x16: {  	s3 =	sld [smem:$0x3FDB];
	s0 =	simm.s32 @p2 $0x1  }
0x17: {  	s4 =	simm.s32 $0x1BF5;
	[smem:$0x3FB1] =	sst s0  }
0x18: {  	s0 =	sld [smem:$0x3F94];
	_ =	swait.ge [sflag:s4], $0x0  }
0x19: {  	s7 =	sld [smem:$0x3F95]  }
0x1a: {  	s8 =	sadd.s32 $0xFFFFE003, lr  }
0x1b: {  	s9 =	sadd.s32 $0xFFFFFEF7, lr;
	s5 =	simm.s32 $0xFFFFFFFF;
	p2 =	slt.u32 s8, $0xFFFFF086  }
0x1c: {  	p1 =	slt.u32 s9, $0xF7A;
	s5 =	simm.s32 @!p2 $0x0  }
0x1d: {  	s5 =	simm.s32 @p1 $0x1;
	p0 =	seq.s32 s7, s2  }
0x1e: {  	s7 =	smul.u32 @!p0 $0xF7A, s2;
	p2 =	seq.s32 @!p0 s5, $0x0  }
0x1f: {  	s9 =	smul.u32 $0xF7A, s1;
	s8 =	simm.s32 @!p0 $0x1BF5;
	p2 =	por !p2, p0  }
0x20: {  	[sflag:s8] =	ssyncset.s32 @!p0 $0xFFFFF086;
	s6 =	sadd.s32 @!p0 s3, s7;
	s7 =	simm.s32 @!p0 $0x108  }
0x21: {  	s3 =	sadd.s32 s3, s9;
	s6 =	sadd.s32 @!p0 $0x88, s6;
	s7 =	simm.s32 @p2 $0x1082  }
0x22: {  	[simem:s7], [sflag:s8] =	dma.local @!p0 [hbm:s6], $0xF7A  }
0x23: {  	s9 =	sor.u32 $0xD0000000, s2;
	s6 =	simm.s32 $0x108;
	_ =	swait.ge @!p0 [sflag:s8], $0x0  }
0x24: {  	s3 =	sadd.s32 $0x88, s3;
	s6 =	simm.s32 @!p1 $0x1082;
	[sflag:s4] =	ssyncset.s32 $0xFFFFF086  }
0x25: {  	[simem:s6], [sflag:s4] =	dma.local [hbm:s3], $0xF7A  }
0x26: {  	[smem:$0x3F95] =	sst s1;
	(tag) =	ssettag s2;
	_ =	strace s9  }
0x27: {  	s1 =	sld [smem:$0x3FA5]  }
0x28: {  	s2 =	sld [smem:$0x3FA6]  }
0x29: {  	s4 =	sld [smem:$0x3FA8]  }
0x2a: {  	p0 =	seq.s32 s5, $0x0;
	s5 =	sld [smem:$0x3FA9]  }
0x2b: {  	s6 =	sld [smem:$0x3FAA]  }
0x2c: {  	s7 =	sld [smem:$0x3FAB]  }
0x2d: {  	s3 =	simm.s32 $0x108;
	s8 =	sld [smem:$0x3FAC]  }
0x2e: {  	s3 =	simm.s32 @!p0 $0x1082;
	s9 =	sld [smem:$0x3FAD]  }
0x2f: {  	lr =	sadd.s32 s0, s3;
	s0 =	sld [smem:$0x3FA4]  }
0x30: {  	s3 =	sld [smem:$0x3FA7]  }
0x31: {  	[smem:$0x3FB0] =	sst s10  }
0x32: {  	s10 =	sld [smem:$0x3FAE];
	_ =	sdelay $0x3  }
0x33: {  	p0 =	seq.s32 s10, $0x1;
	s10 =	sld [smem:$0x3FB0];
	_ =	sdelay $0x3  }
0x34: {  	[smem:$0x3FB0] =	sst s10  }
0x35: {  	s10 =	sld [smem:$0x3FAF];
	_ =	sdelay $0x3  }
0x36: {  	p1 =	seq.s32 s10, $0x1;
	s10 =	sld [smem:$0x3FB0];
	_ =	sdelay $0x3  }
0x37: {  	[smem:$0x3FB0] =	sst s10  }
0x38: {  	s10 =	sld [smem:$0x3FB1]  }
0x39: {  	_ = 	snop;
	(pc) =	sbr.ind lr, $3  }
0x3a: {  	_ = 	snop  }
0x3b: {  	_ = 	snop  }
0x3c: {  	p2 =	seq.s32 s10, $0x1;
	s10 =	sld [smem:$0x3FB0]  }
0x3d: {  	_ =	shalt  }
0x3e: {  	_ =	shalt  }
0x3f: {  	_ =	shalt  }
0x40: {  	_ =	shalt  }
0x41: {  	_ =	shalt  }
0x42: {  	_ =	shalt  }
0x43: {  	_ =	shalt  }
0x44: {  	_ =	shalt  }
0x45: {  	_ =	shalt  }
0x46: {  	_ =	shalt  }
0x47: {  	_ =	shalt  }
0x48: {  	_ =	shalt  }
0x49: {  	_ =	shalt  }
0x4a: {  	_ =	shalt  }
0x4b: {  	_ =	shalt  }
0x4c: {  	_ =	shalt  }
0x4d: {  	_ =	shalt  }
0x4e: {  	_ =	shalt  }
0x4f: {  	_ =	shalt  }
0x50: {  	_ =	shalt  }
0x51: {  	_ =	shalt  }
0x52: {  	_ =	shalt  }
0x53: {  	_ =	shalt  }
0x54: {  	_ =	shalt  }
0x55: {  	_ =	shalt  }
0x56: {  	_ =	shalt  }
0x57: {  	_ =	shalt  }
0x58: {  	_ =	shalt  }
0x59: {  	_ =	shalt  }
0x5a: {  	_ =	shalt  }
0x5b: {  	_ =	shalt  }
0x5c: {  	_ =	shalt  }
0x5d: {  	_ =	shalt  }
0x5e: {  	_ =	shalt  }
0x5f: {  	_ =	shalt  }
0x60: {  	_ =	shalt  }
0x61: {  	_ =	shalt  }
0x62: {  	_ =	shalt  }
0x63: {  	_ =	shalt  }
0x64: {  	_ =	shalt  }
0x65: {  	_ =	shalt  }
0x66: {  	_ =	shalt  }
0x67: {  	_ =	shalt  }
0x68: {  	_ =	shalt  }
0x69: {  	_ =	shalt  }
0x6a: {  	_ =	shalt  }
0x6b: {  	_ =	shalt  }
0x6c: {  	_ =	shalt  }
0x6d: {  	_ =	shalt  }
0x6e: {  	_ =	shalt  }
0x6f: {  	_ =	shalt  }
0x70: {  	_ =	shalt  }
0x71: {  	_ =	shalt  }
0x72: {  	_ =	shalt  }
0x73: {  	_ =	shalt  }
0x74: {  	_ =	shalt  }
0x75: {  	_ =	shalt  }
0x76: {  	_ =	shalt  }
0x77: {  	_ =	shalt  }
0x78: {  	_ =	shalt  }
0x79: {  	_ =	shalt  }
0x7a: {  	_ =	shalt  }
0x7b: {  	_ =	shalt  }
0x7c: {  	_ =	shalt  }
0x7d: {  	_ =	shalt  }
0x7e: {  	_ =	shalt  }
0x7f: {  	_ =	shalt  }
0x80: {  	_ =	shalt  }
0x81: {  	_ =	shalt  }
0x82: {  	_ =	shalt  }
0x83: {  	_ =	shalt  }
0x84: {  	_ =	shalt  }
0x85: {  	_ =	shalt  }
0x86: {  	_ =	shalt  }
0x87: {  	_ =	shalt  }
.Lfunc_end0:
.L_simem_size_0:
called_computation.11_lowered:
.L_overlay_start_0:
0x88: {  	s2 =	sld [smem:$0x3FD9]  }
0x89: {  	s3 =	sld [smem:$0x3FFE];
	_ =	sdelay $0x1  }
0x8a: {  	s1 =	srdreg.scid  }
0x8b: {  	s0 =	sand.u32 $0x1, s1  }
0x8c: {  	s16 =	sshll.u32 s0, $0xA;
	s2 =	sadd.s32 s3, s2  }
0x8d: {  	s2 =	sadd.s32 s2, s16  }
0x8e: {  	[smem:$0x3FBC] =	sst s2  }
0x8f: {  	_ = 	snop  }
0x90: {  	(tm) =	ssettm $0x1  }
0x91: {  	s17 =	sld [smem:$0x3FFB];
	_ =	sdelay $0x3  }
0x92: {  	_ =	strace s17  }
0x93: {  	s2 =	sld [smem:$0x3FFC];
	_ =	sdelay $0x3  }
0x94: {  	_ =	strace s2  }
0x95: {  	s2 =	sld [smem:$0x3FFD];
	_ =	sdelay $0x3  }
0x96: {  	_ =	strace s2  }
0x97: {  	_ =	strace $0x8FFFFFFF  }
0x98: {  	s18 =	sld [smem:$0x3FDB];
	_ =	sdelay $0x1  }
0x99: {  	s19 =	simm.s32 $_scs_section_size  }
0x9a: {  	s4 =	simm.s32 $_size__tile_overlayer_lowered;
	s5 =	simm.s32 $_tile_overlayer_lowered  }
0x9b: {  	s22 =	simm.s32 $0x1BFF;
	s21 =	sshll.u32 s5, $0x1;
	s2 =	sadd.s32 s19, s18  }
0x9c: {  	s6 =	simm.s32 $0x0;
	s20 =	sshll.u32 s4, $0x1;
	s4 =	sadd.s32 s21, s2  }
0x9d: {  	[timem:s6], [sflag:s22] =	dma.local [hbm:s4], s20  }
0x9e: {  	_ =	swait.ge [sflag:s22], s20  }
0x9f: {  	s3 =	ssub.s32 $0x0, s20;
	[sflag:s22] =	ssyncset.done $0x0  }
0xa0: {  	[sflag:s22] =	ssyncadd.s32 s3;
	_ =	sdelay $0x1  }
0xa1: {  	s23 =	simm.s32 $0x1B8B  }
0xa2: {  	_ =	swait.ge [sflag:s23], $0x1  }
0xa3: {  	[sflag:s23] =	ssyncset.done $0x0  }
0xa4: {  	s25 =	simm.s32 $0x1B8E;
	s24 =	sld [smem:$0x3FFE];
	[sflag:s23] =	ssyncadd.s32 $0xFFFFFFFF  }
0xa5: {  	s26 =	simm.s32 $execute0_lowered;
	[smem:$0x3FD2] =	sst s25  }
0xa6: {  	s4 =	sshll.u32 s26, $0x1;
	_ =	strace $0x8000004C;
	[dreg:$0x1] =	wrdreg $0xFFFFFFFF  }
0xa7: {  	s28 =	simm.s32 $_size_execute0_lowered;
	s2 =	sadd.s32 s2, s4;
	[dreg:$0x0] =	wrdreg $0x0  }
0xa8: {  	s4 =	sshll.u32 s28, $0x1;
	[dreg:$0x2] =	wrdreg s2  }
0xa9: {  	[dreg:$0x3] =	wrdreg s4  }
0xaa: {  	[dreg:$0x4] =	wrdreg $0xC0  }
0xab: {  	_ =	task [dreg:s6], $0x5FFFF  }
0xac: {  	[dreg:$0x1] =	wrdreg $0xFFFFFFFF  }
0xad: {  	[dreg:$0x0] =	wrdreg $0x60  }
0xae: {  	[dreg:$0x2] =	wrdreg s24  }
0xaf: {  	[dreg:$0x3] =	wrdreg $0xA  }
0xb0: {  	_ =	task.clear_ibuf [dreg:s6], $0x4FFFF;
	_ =	strace $0x9000004C  }
0xb1: {  	s29 =	simm.s32 $0xA;
	_ =	strace $0x8000004E  }
0xb2: {  	_ =	swait.ge [sflag:s29], $0x1  }
0xb3: {  	[sflag:s29] =	ssyncadd.s32 $0xFFFFFFFF  }
0xb4: {  	_ =	strace $0x9000004E  }
0xb5: {  	_ =	sfence  }
0xb6: {  	s30 =	sld [smem:$0x0];
	_ =	sdelay $0x2  }
0xb7: {  	s31 =	sshll.u32 s1, $0xD;
	s1 =	sshrl.u32 s1, $0x2  }
0xb8: {  	s3 =	sand.u32 $0x4000, s31;
	s1 =	sadd.s32 s1, s30  }
0xb9: {  	s0 =	sor.u32 s3, s0;
	s1 =	sshll.u32 s1, $0x11  }
0xba: {  	s0 =	sor.u32 s1, s0  }
0xbb: {  	s0 =	sadd.s32 $0x8F2B, s0  }
0xbc: {  	[sflag:s0] =	ssyncadd.remote.s32 $0x1  }
0xbd: {  	_ =	sfence.sel $0xFFFF  }
0xbe: {  	[dreg:$0x0] =	wrdreg $0xFFFFFFFF;
	(pc) =	sbr.abs _section_cstart, $3  }
0xbf: {  	[dreg:$0x1] =	wrdreg $0xFFFFFFFF  }
0xc0: {  	_ =	task.clear_ibuf [dreg:s6], $0x2FFFF;
	_ =	strace $0x9FFFFFFF  }
0xc1: {  	(tm) =	ssettm $0x7FFFFFFF  }
tec
execute0_lowered:
.L_overlay_start_1:
0x0: {  	(tag) =	ssettag $0x1  }
0x1: {  	s0 =	srdreg.scid;
	s5 =	rddreg [dreg:$0x0]  }
0x2: {  	s1 =	stileid.u32;
	s6 =	simm.s32 $0x1;
	s9 =	simm.s32 $0x1  }
0x3: {  	s10 =	simm.s32 $0x3;
	s13 =	simm.s32 $0x0;
	s2 =	sshll.u32 s0, $0x6  }
0x4: {  	s12 =	simm.s32 $0x0;
	s3 =	sshll.u32 s1, $0x7;
	s2 =	sand.u32 $0x40, s2  }
0x5: {  	s0 =	rddreg [dreg:$0x1];
	_ =	strace $0x8000004D;
	s2 =	sor.u32 s3, s2  }
0x6: {  	s4 =	sadd.s32 $0x2200, s5;
	[sflag:s6] =	ssyncpa.u1 $0x0;
	s8 =	ssub.s32 $0x1000, s2  }
.Ltmp0:
0x7: {  	s3 =	sadd.s32 $0x1E00, s5;
	s7 =	sand.u32 $0x7C0, s8;
	(pc) =	sbr.rel .LBB2_1-.Ltmp0, $4  }
0x8: {  	s5 =	sadd.s32 $0x12600, s5;
	s11 =	smov.u32 s2;
	p0 =	sne.s32 s7, $0x0  }
0x9: {  	s8 =	sshrl.u32 s8, $0xB;
	s7 =	simm.s32 $0x2;
	s9 =	simm.s32 @!p0 $0x0  }
0xa: {  	[sflag:s7] =	ssyncpa.u1 $0x0;
	p0 =	por $0x0, $0x0;
	s8 =	sadd.s32 s9, s8  }
0xb: {  	vm0 =	vmmov $0xffff;
	[sflag:s10] =	ssyncpa.u1 $0x0;
	s10 =	simm.s32 $0x0;
	s9 =	sadd.s32 $0x1, s8  }
.LBB2_4:
0xc: {  	v5 =	vshrl.u32 v1, $0x5;
	v6 =	vshll.u32 v1, $0x7  }
0xd: {  	vm1 =	veq.s32 v1, $0x80000000;
	v58 =	vand.u32 $0x7F, v5;
	v59 =	vand.u32 $0xF80, v6  }
0xe: {  	v1 =	vsel vm1, $0xFFFFFFFF, v58;
	v5 =	vsel vm1, $0xFFFFFF80, v59  }
0xf: {  	v3 =	vor.u32 v4, v3;
	v60 =	vand.u32 $0xFFFFFC00, v5;
	v61 =	vand.u32 $0xFFFFFC00, v1  }
0x10: {  	v2 =	vor.u32 v2, v3;
	v63 =	vand.u32 $0x380, v5;
	v62 =	vadd.s32 v61, v60  }
0x11: {  	v1 =	vand.u32 $0x7F, v1;
	v3 =	vor.u32 v63, v62  }
0x12: {  	v1 =	vor.u32 v1, v3  }
0x13: {  	[tilespmem:s15], [sflag:$0x1] =	stream.indirect_vreg.gather [hbm4b:s3+s10], $0x1, v0, vm0, $0x4038;
	[tilespmem:$0x100] =	vst v63  }
0x14: {  	(ifvalue) =	ssetifvalue $0x7FFFFFFF  }
0x15: {  	[tilespmem:s16], [sflag:$0x1] =	stream.indirect_vreg.gather [hbm4b:s3+s10], $0x1, v2, vm0, $0x4038;
	[tilespmem:$0x100] =	vst v63  }
0x16: {  	s29 =	sadd.s32 $0x10, s16;
	(ifvalue) =	ssetifvalue $0x7FFFFFFF  }
0x17: {  	[tilespmem:s29], [sflag:$0x1] =	stream.indirect_vreg.gather [hbm4b:s3+s10], $0x1, v1, vm0, $0x4038;
	[tilespmem:$0x100] =	vst v63  }
0x18: {  	_ =	swait.ge [sflag:s6], $0x40  }
0x19: {  	s30 =	sshrl.u32 s13, $0x3;
	[sflag:s6] =	ssyncset.done $0x0  }
0x1a: {  	s31 =	sand.u32 $0x7, s13;
	s15 =	sadd.s32 s5, s30;
	[sflag:s6] =	ssyncadd.s32 $0xFFFFFFC0  }
0x1b: {  	[hbm4b:s15+s31] =	stream.linear.scatter [tilespmem:s14], [sflag:$0x3], $0x40, $0x38;
	[tilespmem:$0x100] =	vst v63  }
.LBB2_5:
0x1c: {  	s15 =	sadd.s32 $0x800, s11  }
0x1d: {  	p2 =	sgt.s32 s15, $0xFFF  }
0x1e: {  	s15 =	smov.u32 @p2 s2;
	p2 =	sne.s32 s12, s9  }
.Ltmp1:
0x1f: {  	p1 =	slt.u32 s12, $0x2;
	(pc) =	sbr.rel @!p2 .LBB2_6-.Ltmp1, $4  }
0x20: {  	s14 =	simm.s32 @!p1 $0x3  }
0x21: {  	s16 =	sadd.s32 $0x1, s12;
	_ =	swait.ge @!p1 [sflag:s14], $0x40  }
0x22: {  	s13 =	smov.u32 s11;
	p0 =	por !p0, !p0;
	[sflag:s14] =	ssyncset.done @!p1 $0x0  }
0x23: {  	s12 =	smov.u32 s16;
	s11 =	smov.u32 s15;
	[sflag:s14] =	ssyncadd.s32 @!p1 $0xFFFFFFC0  }
.LBB2_1:
0x24: {  	p1 =	sge.u32 s12, s8  }
0x25: {  	s14 =	sxor.u32 @!p1 $0xFFFFFFFF, s12  }
0x26: {  	s31 =	sadd.s32 $0xFFFFFFFF, s12;
	s15 =	sshrl.u32 @!p1 s11, $0x3;
	s14 =	sshll.u32 @!p1 s14, $0x6  }
0x27: {  	s16 =	sand.u32 @!p1 $0x7, s11;
	s15 =	sadd.s32 @!p1 s4, s15;
	s14 =	sand.u32 @!p1 $0x40, s14  }
0x28: {  	[tilespmem:s14], [sflag:$0x2] =	stream.linear.gather @!p1 [hbm4b:s15+s16], $0x40, $0x38;
	[tilespmem:$0x100] =	vst v63  }
0x29: {  	p1 =	sge.u32 s31, s8  }
.Ltmp2:
0x2a: {  	_ = 	snop;
	(pc) =	sbr.rel @p1 .LBB2_5-.Ltmp2, $1  }
0x2b: {  	_ =	sdelay $0x3  }
0x2c: {  	s14 =	simm.s32 $0x1  }
0x2d: {  	_ =	swait.ge [sflag:s7], $0x40;
	s14 =	simm.s32 @!p0 $0x0  }
0x2e: {  	[sflag:s7] =	ssyncset.done $0x0;
	s14 =	sshll.u32 s14, $0x6  }
0x2f: {  	[sflag:s7] =	ssyncadd.s32 $0xFFFFFFC0;
	(ifvalue) =	ssetifvalue $0x7FFFFFFF;
	v0 =	vld.msk [tilespmem:s14+$0x0 ss:$0x1], $0xffff;
	_ =	sdelay $0x4  }
0x30: {  	s15 =	sadd.s32 $0x10, s14;
	v2 =	vshrl.u32 v0, $0x5;
	v3 =	vshll.u32 v0, $0x7  }
0x31: {  	v1 =	vld.msk [tilespmem:s15+$0x0 ss:$0x1], $0xffff;
	vm1 =	veq.s32 v0, $0x80000000;
	v0 =	vand.u32 $0x7F, v2;
	v2 =	vand.u32 $0xF80, v3  }
0x32: {  	v0 =	vsel vm1, $0xFFFFFFFF, v0;
	v2 =	vsel vm1, $0xFFFFFF80, v2  }
0x33: {  	v3 =	vand.u32 $0xFFFFFC00, v2;
	v4 =	vand.u32 $0xFFFFFC00, v0  }
0x34: {  	v2 =	vand.u32 $0x380, v2;
	v3 =	vadd.s32 v4, v3  }
0x35: {  	v0 =	vand.u32 $0x7F, v0;
	v2 =	vor.u32 v2, v3  }
0x36: {  	v5 =	vshll.u32 v1, $0x7;
	v4 =	vshrl.u32 v1, $0x5;
	v0 =	vor.u32 v0, v2  }
0x37: {  	s16 =	sshll.u32 s12, $0x6;
	vm1 =	veq.s32 v1, $0x80000000;
	v1 =	vand.u32 $0x7F, v4;
	v4 =	vand.u32 $0xF80, v5  }
0x38: {  	s16 =	sand.u32 $0x40, s16;
	s18 =	sadd.s32 $0x10, s15;
	v3 =	vsel vm1, $0xFFFFFFFF, v1;
	v4 =	vsel vm1, $0xFFFFFF80, v4  }
0x39: {  	s17 =	simm.s32 $0x20;
	s15 =	sor.u32 $0x80, s14;
	s14 =	sor.u32 $0x80, s16;
	v1 =	vld.msk [tilespmem:s18+$0x0 ss:$0x1], $0xffff;
	v5 =	vand.u32 $0xFFFFFC00, v4;
	v6 =	vand.u32 $0xFFFFFC00, v3  }
0x3a: {  	s16 =	sadd.s32 $0x10, s15;
	s18 =	sadd.s32 $0x10, s18;
	(ifvalue) =	ssetifvalue $0x7FFFFFFF;
	v2 =	vand.u32 $0x7F, v3;
	v4 =	vand.u32 $0x380, v4;
	v3 =	vadd.s32 v6, v5  }
.LBB2_3:
0x3b: {  	[tilespmem:s15], [sflag:$0x1] =	stream.indirect_vreg.gather [hbm4b:s3+s10], $0x1, v0, vm0, $0x4038;
	[tilespmem:$0x100] =	vst v63  }
0x3c: {  	s17 =	sadd.s32 $0x10, s17  }
0x3d: {  	v3 =	vor.u32 v4, v3;
	p1 =	slt.u32 s17, $0x30  }
.Ltmp3:
0x3e: {  	v4 =	vshrl.u32 v1, $0x5;
	v5 =	vshll.u32 v1, $0x7;
	s15 =	smov.u32 s16;
	v0 =	vor.u32 v2, v3;
	v2 =	vmovc v1;
	v1 =	vld.msk [tilespmem:s18+$0x0 ss:$0x1], $0xffff;
	(pc) =	sbr.rel @p1 .LBB2_3-.Ltmp3, $4  }
0x3f: {  	v3 =	vand.u32 $0xF80, v5;
	vm1 =	veq.s32 v2, $0x80000000;
	v2 =	vand.u32 $0x7F, v4  }
0x40: {  	v4 =	vsel vm1, $0xFFFFFFFF, v2;
	v5 =	vsel vm1, $0xFFFFFF80, v3  }
0x41: {  	v2 =	vand.u32 $0x7F, v4;
	v3 =	vand.u32 $0xFFFFFC00, v5;
	v4 =	vand.u32 $0xFFFFFC00, v4  }
0x42: {  	s16 =	sadd.s32 $0x10, s16;
	s18 =	sadd.s32 $0x10, s18;
	v3 =	vadd.s32 v4, v3;
	v4 =	vand.u32 $0x380, v5;
	(ifvalue) =	ssetifvalue $0x7FFFFFFF  }
.Ltmp4:
0x43: {  	_ = 	snop;
	(pc) =	sbr.rel .LBB2_4-.Ltmp4, $1  }
0x44: {  	_ =	sdelay $0x3  }
.LBB2_6:
0x45: {  	_ =	sfence.sel $0x180000  }
0x46: {  	s2 =	simm.s32 $0x2;
	[bflag:$0x0] =	sbarrier.arrive $0xFFFF  }
0x47: {  	s30 =	simm.s32 $0x3;
	[sflag:s2] =	ssyncpa.u1 $0x1  }
0x48: {  	s31 =	simm.s32 $0x1;
	[sflag:s30] =	ssyncpa.u1 $0x1  }
0x49: {  	[sflag:s31] =	ssyncpa.u1 $0x1  }
0x4a: {  	p0 =	sne.s32 s1, $0x0;
	_ =	strace $0x9000004D  }
0x4b: {  	s0 =	sadd.s32 @!p0 $0x100000, s0;
	[bflag:$0x2] =	sbarrier.arrive $0xFFFF  }
0x4c: {  	[sflag:s0] =	ssyncadd.tile.s32 @!p0 $0x1;
	_ =	shalt  }
.Lfunc_end2:
_tile_overlayer_lowered:
.L_overlay_start_2:
0x4d: {  	(tag) =	ssettag $0x2  }
0x4e: {  	s0 =	rddreg [dreg:$0x0];
	s2 =	stileid.u32  }
0x4f: {  	s1 =	rddreg [dreg:$0x1];
	p0 =	sne.s32 s2, $0x0  }
0x50: {  	s3 =	rddreg [dreg:$0x2];
	[bflag:$0x3] =	sbarrier.arrive $0xFFFF;
	s2 =	simm.s32 @!p0 $0x1C01  }
0x51: {  	[timem:s3], [sflag:s2] =	dma.local @!p0 [hbm:s0], s1  }
0x52: {  	s0 =	simm.s32 @!p0 $0x1  }
0x53: {  	_ =	swait.ge @!p0 [sflag:s0], s1  }
0x54: {  	s1 =	ssub.s32 @!p0 $0x0, s1;
	[sflag:s0] =	ssyncset.done @!p0 $0x0  }
0x55: {  	[sflag:s0] =	ssyncadd.s32 @!p0 s1  }
0x56: {  	[bflag:$0x3] =	sbarrier.arrive $0xFFFF  }
0x57: {  	_ =	shalt  }

// kernel: gather_offload_async_start.12
scs
__scs_entry_jumppad:
0x0: {  	(pc) =	sbr.rel $0x88, $3  }
0x1: {  	(tag) =	ssettag $0x0;
	lr =	simm.s32 $0x1  }
0x2: {  	[smem:$0x3F95] =	sst lr;
	_ =	strace $0xD0000000  }
0x3: {  	_ = 	snop  }
0x4: {  	_ = 	snop  }
0x5: {  	_ = 	snop  }
0x6: {  	_ = 	snop  }
0x7: {  	_ = 	snop  }
__scs_overlays_trampoline_lowered:
0x8: {  	[smem:$0x3FA4] =	sst s0  }
0x9: {  	[smem:$0x3FA5] =	sst s1  }
0xa: {  	[smem:$0x3FA6] =	sst s2  }
0xb: {  	[smem:$0x3FA7] =	sst s3  }
0xc: {  	[smem:$0x3FA8] =	sst s4  }
0xd: {  	[smem:$0x3FA9] =	sst s5  }
0xe: {  	[smem:$0x3FAA] =	sst s6  }
0xf: {  	[smem:$0x3FAB] =	sst s7  }
0x10: {  	[smem:$0x3FAC] =	sst s8  }
0x11: {  	[smem:$0x3FAD] =	sst s9;
	s0 =	simm.s32 @!p0 $0x0  }
0x12: {  	s1 =	sld [smem:$0x3F93];
	s0 =	simm.s32 @p0 $0x1  }
0x13: {  	[smem:$0x3FAE] =	sst s0;
	s0 =	simm.s32 @!p1 $0x0  }
0x14: {  	s2 =	sld [smem:$0x3F92];
	s0 =	simm.s32 @p1 $0x1  }
0x15: {  	[smem:$0x3FAF] =	sst s0;
	s0 =	simm.s32 @!p2 $0x0  }
0x16: {  	s3 =	sld [smem:$0x3FDB];
	s0 =	simm.s32 @p2 $0x1  }
0x17: {  	s4 =	simm.s32 $0x1BF5;
	[smem:$0x3FB1] =	sst s0  }
0x18: {  	s0 =	sld [smem:$0x3F94];
	_ =	swait.ge [sflag:s4], $0x0  }
0x19: {  	s7 =	sld [smem:$0x3F95]  }
0x1a: {  	s8 =	sadd.s32 $0xFFFFE003, lr  }
0x1b: {  	s9 =	sadd.s32 $0xFFFFFEF7, lr;
	s5 =	simm.s32 $0xFFFFFFFF;
	p2 =	slt.u32 s8, $0xFFFFF086  }
0x1c: {  	p1 =	slt.u32 s9, $0xF7A;
	s5 =	simm.s32 @!p2 $0x0  }
0x1d: {  	s5 =	simm.s32 @p1 $0x1;
	p0 =	seq.s32 s7, s2  }
0x1e: {  	s7 =	smul.u32 @!p0 $0xF7A, s2;
	p2 =	seq.s32 @!p0 s5, $0x0  }
0x1f: {  	s9 =	smul.u32 $0xF7A, s1;
	s8 =	simm.s32 @!p0 $0x1BF5;
	p2 =	por !p2, p0  }
0x20: {  	[sflag:s8] =	ssyncset.s32 @!p0 $0xFFFFF086;
	s6 =	sadd.s32 @!p0 s3, s7;
	s7 =	simm.s32 @!p0 $0x108  }
0x21: {  	s3 =	sadd.s32 s3, s9;
	s6 =	sadd.s32 @!p0 $0x88, s6;
	s7 =	simm.s32 @p2 $0x1082  }
0x22: {  	[simem:s7], [sflag:s8] =	dma.local @!p0 [hbm:s6], $0xF7A  }
0x23: {  	s9 =	sor.u32 $0xD0000000, s2;
	s6 =	simm.s32 $0x108;
	_ =	swait.ge @!p0 [sflag:s8], $0x0  }
0x24: {  	s3 =	sadd.s32 $0x88, s3;
	s6 =	simm.s32 @!p1 $0x1082;
	[sflag:s4] =	ssyncset.s32 $0xFFFFF086  }
0x25: {  	[simem:s6], [sflag:s4] =	dma.local [hbm:s3], $0xF7A  }
0x26: {  	[smem:$0x3F95] =	sst s1;
	(tag) =	ssettag s2;
	_ =	strace s9  }
0x27: {  	s1 =	sld [smem:$0x3FA5]  }
0x28: {  	s2 =	sld [smem:$0x3FA6]  }
0x29: {  	s4 =	sld [smem:$0x3FA8]  }
0x2a: {  	p0 =	seq.s32 s5, $0x0;
	s5 =	sld [smem:$0x3FA9]  }
0x2b: {  	s6 =	sld [smem:$0x3FAA]  }
0x2c: {  	s7 =	sld [smem:$0x3FAB]  }
0x2d: {  	s3 =	simm.s32 $0x108;
	s8 =	sld [smem:$0x3FAC]  }
0x2e: {  	s3 =	simm.s32 @!p0 $0x1082;
	s9 =	sld [smem:$0x3FAD]  }
0x2f: {  	lr =	sadd.s32 s0, s3;
	s0 =	sld [smem:$0x3FA4]  }
0x30: {  	s3 =	sld [smem:$0x3FA7]  }
0x31: {  	[smem:$0x3FB0] =	sst s10  }
0x32: {  	s10 =	sld [smem:$0x3FAE];
	_ =	sdelay $0x3  }
0x33: {  	p0 =	seq.s32 s10, $0x1;
	s10 =	sld [smem:$0x3FB0];
	_ =	sdelay $0x3  }
0x34: {  	[smem:$0x3FB0] =	sst s10  }
0x35: {  	s10 =	sld [smem:$0x3FAF];
	_ =	sdelay $0x3  }
0x36: {  	p1 =	seq.s32 s10, $0x1;
	s10 =	sld [smem:$0x3FB0];
	_ =	sdelay $0x3  }
0x37: {  	[smem:$0x3FB0] =	sst s10  }
0x38: {  	s10 =	sld [smem:$0x3FB1]  }
0x39: {  	_ = 	snop;
	(pc) =	sbr.ind lr, $3  }
0x3a: {  	_ = 	snop  }
0x3b: {  	_ = 	snop  }
0x3c: {  	p2 =	seq.s32 s10, $0x1;
	s10 =	sld [smem:$0x3FB0]  }
0x3d: {  	_ =	shalt  }
0x3e: {  	_ =	shalt  }
0x3f: {  	_ =	shalt  }
0x40: {  	_ =	shalt  }
0x41: {  	_ =	shalt  }
0x42: {  	_ =	shalt  }
0x43: {  	_ =	shalt  }
0x44: {  	_ =	shalt  }
0x45: {  	_ =	shalt  }
0x46: {  	_ =	shalt  }
0x47: {  	_ =	shalt  }
0x48: {  	_ =	shalt  }
0x49: {  	_ =	shalt  }
0x4a: {  	_ =	shalt  }
0x4b: {  	_ =	shalt  }
0x4c: {  	_ =	shalt  }
0x4d: {  	_ =	shalt  }
0x4e: {  	_ =	shalt  }
0x4f: {  	_ =	shalt  }
0x50: {  	_ =	shalt  }
0x51: {  	_ =	shalt  }
0x52: {  	_ =	shalt  }
0x53: {  	_ =	shalt  }
0x54: {  	_ =	shalt  }
0x55: {  	_ =	shalt  }
0x56: {  	_ =	shalt  }
0x57: {  	_ =	shalt  }
0x58: {  	_ =	shalt  }
0x59: {  	_ =	shalt  }
0x5a: {  	_ =	shalt  }
0x5b: {  	_ =	shalt  }
0x5c: {  	_ =	shalt  }
0x5d: {  	_ =	shalt  }
0x5e: {  	_ =	shalt  }
0x5f: {  	_ =	shalt  }
0x60: {  	_ =	shalt  }
0x61: {  	_ =	shalt  }
0x62: {  	_ =	shalt  }
0x63: {  	_ =	shalt  }
0x64: {  	_ =	shalt  }
0x65: {  	_ =	shalt  }
0x66: {  	_ =	shalt  }
0x67: {  	_ =	shalt  }
0x68: {  	_ =	shalt  }
0x69: {  	_ =	shalt  }
0x6a: {  	_ =	shalt  }
0x6b: {  	_ =	shalt  }
0x6c: {  	_ =	shalt  }
0x6d: {  	_ =	shalt  }
0x6e: {  	_ =	shalt  }
0x6f: {  	_ =	shalt  }
0x70: {  	_ =	shalt  }
0x71: {  	_ =	shalt  }
0x72: {  	_ =	shalt  }
0x73: {  	_ =	shalt  }
0x74: {  	_ =	shalt  }
0x75: {  	_ =	shalt  }
0x76: {  	_ =	shalt  }
0x77: {  	_ =	shalt  }
0x78: {  	_ =	shalt  }
0x79: {  	_ =	shalt  }
0x7a: {  	_ =	shalt  }
0x7b: {  	_ =	shalt  }
0x7c: {  	_ =	shalt  }
0x7d: {  	_ =	shalt  }
0x7e: {  	_ =	shalt  }
0x7f: {  	_ =	shalt  }
0x80: {  	_ =	shalt  }
0x81: {  	_ =	shalt  }
0x82: {  	_ =	shalt  }
0x83: {  	_ =	shalt  }
0x84: {  	_ =	shalt  }
0x85: {  	_ =	shalt  }
0x86: {  	_ =	shalt  }
0x87: {  	_ =	shalt  }
.Lfunc_end0:
.L_simem_size_0:
called_computation.12_lowered:
.L_overlay_start_0:
0x88: {  	s2 =	sld [smem:$0x3FD9]  }
0x89: {  	s3 =	sld [smem:$0x3FFE];
	_ =	sdelay $0x1  }
0x8a: {  	s1 =	srdreg.scid  }
0x8b: {  	s0 =	sand.u32 $0x1, s1  }
0x8c: {  	s17 =	sshll.u32 s0, $0xA;
	s2 =	sadd.s32 s3, s2  }
0x8d: {  	s2 =	sadd.s32 s2, s17  }
0x8e: {  	[smem:$0x3FBC] =	sst s2  }
0x8f: {  	_ = 	snop  }
0x90: {  	s2 =	sld [smem:$0x3FD0];
	_ =	sdelay $0x2  }
0x91: {  	s18 =	simm.s32 $0x10  }
0x92: {  	[smem:s18], [sflag:s18] =	dma.local [hbm:s2], $0x1  }
0x93: {  	_ =	swait.eq [sflag:s18], $0x1  }
0x94: {  	[sflag:s18] =	ssyncset.done $0x0  }
0x95: {  	[sflag:s18] =	ssyncadd.s32 $0xFFFFFFFF  }
0x96: {  	s3 =	sld [smem:$0x11];
	(tm) =	ssettm $0x1  }
0x97: {  	s19 =	sld [smem:$0x3FFB];
	_ =	sdelay $0x3  }
0x98: {  	_ =	strace s19  }
0x99: {  	s2 =	sld [smem:$0x3FFC];
	_ =	sdelay $0x3  }
0x9a: {  	_ =	strace s2  }
0x9b: {  	s2 =	sld [smem:$0x3FFD];
	_ =	sdelay $0x3  }
0x9c: {  	_ =	strace s2  }
0x9d: {  	_ =	strace $0x8FFFFFFF  }
0x9e: {  	s20 =	sld [smem:$0x3FDB];
	_ =	sdelay $0x1  }
0x9f: {  	s4 =	simm.s32 $_scs_section_size  }
0xa0: {  	s5 =	simm.s32 $_size__tile_overlayer_lowered;
	s6 =	simm.s32 $_tile_overlayer_lowered  }
0xa1: {  	s7 =	simm.s32 $0x1BFF;
	s21 =	sshll.u32 s6, $0x1;
	s4 =	sadd.s32 s4, s20  }
0xa2: {  	s22 =	simm.s32 $0x0;
	s5 =	sshll.u32 s5, $0x1;
	s6 =	sadd.s32 s21, s4  }
0xa3: {  	[timem:s22], [sflag:s7] =	dma.local [hbm:s6], s5  }
0xa4: {  	_ =	swait.ge [sflag:s7], s5  }
0xa5: {  	s5 =	ssub.s32 $0x0, s5;
	[sflag:s7] =	ssyncset.done $0x0  }
0xa6: {  	[sflag:s7] =	ssyncadd.s32 s5;
	_ =	sdelay $0x1  }
0xa7: {  	s23 =	simm.s32 $0x1B8B  }
0xa8: {  	_ =	swait.ge [sflag:s23], $0x1  }
0xa9: {  	[sflag:s23] =	ssyncset.done $0x0  }
0xaa: {  	[sflag:s23] =	ssyncadd.s32 $0xFFFFFFFF  }
0xab: {  	s5 =	sld [smem:$0x0]  }
0xac: {  	s6 =	sand.u32 $0xFFFFFFFE, s1  }
0xad: {  	p0 =	sne.s32 s1, s6  }
0xae: {  	s6 =	sshll.u32 @p0 s6, $0xE  }
0xaf: {  	s6 =	sadd.s32 @p0 $0x11B8D, s6;
	s7 =	sshll.u32 @p0 s5, $0x11  }
0xb0: {  	s6 =	sor.u32 @p0 s7, s6  }
0xb1: {  	[sflag:s6] =	ssyncadd.remote.s32 @p0 $0x1;
	_ =	sdelay $0x1  }
0xb2: {  	s6 =	simm.s32 @p0 $0x1B8D  }
0xb3: {  	_ =	swait.eq @p0 [sflag:s6], $0x1  }
0xb4: {  	[sflag:s6] =	ssyncadd.s32 @p0 $0xFFFFFFFF  }
0xb5: {  	s7 =	sshll.u32 @!p0 s1, $0xE  }
0xb6: {  	s7 =	sor.u32 @!p0 $0x4000, s7;
	s6 =	simm.s32 @!p0 $0x1B8D  }
0xb7: {  	s5 =	sshll.u32 @!p0 s5, $0x11;
	s7 =	sadd.s32 @!p0 $0x11B8D, s7;
	_ =	swait.eq @!p0 [sflag:s6], $0x1  }
0xb8: {  	s5 =	sor.u32 @!p0 s5, s7;
	[sflag:s6] =	ssyncadd.s32 @!p0 $0xFFFFFFFF  }
0xb9: {  	s25 =	simm.s32 $0x1B8E;
	s24 =	sld [smem:$0x3FFE];
	[sflag:s5] =	ssyncadd.remote.s32 @!p0 $0x1  }
0xba: {  	s26 =	simm.s32 $execute0_lowered;
	[smem:$0x3FD2] =	sst s25  }
0xbb: {  	s6 =	sshll.u32 s26, $0x1;
	_ =	strace $0x8000005B;
	[dreg:$0x1] =	wrdreg $0xFFFFFFFF  }
0xbc: {  	s28 =	simm.s32 $_size_execute0_lowered;
	s4 =	sadd.s32 s4, s6;
	[dreg:$0x0] =	wrdreg $0x0  }
0xbd: {  	s6 =	sshll.u32 s28, $0x1;
	[dreg:$0x2] =	wrdreg s4  }
0xbe: {  	[dreg:$0x3] =	wrdreg s6  }
0xbf: {  	[dreg:$0x4] =	wrdreg $0xC0  }
0xc0: {  	_ =	task [dreg:s22], $0x5FFFF  }
0xc1: {  	[dreg:$0x1] =	wrdreg $0xFFFFFFFF  }
0xc2: {  	[dreg:$0x0] =	wrdreg $0x60  }
0xc3: {  	[dreg:$0x2] =	wrdreg s24  }
0xc4: {  	[dreg:$0x3] =	wrdreg s3  }
0xc5: {  	[dreg:$0x4] =	wrdreg $0xC  }
0xc6: {  	_ =	task.clear_ibuf [dreg:s22], $0x5FFFF;
	_ =	strace $0x9000005B  }
0xc7: {  	s29 =	simm.s32 $0xC;
	_ =	strace $0x8000005D  }
0xc8: {  	_ =	swait.ge [sflag:s29], $0x1  }
0xc9: {  	[sflag:s29] =	ssyncadd.s32 $0xFFFFFFFF  }
0xca: {  	_ =	strace $0x9000005D  }
0xcb: {  	_ =	sfence  }
0xcc: {  	s30 =	sld [smem:$0x0];
	_ =	sdelay $0x2  }
0xcd: {  	s31 =	sshll.u32 s1, $0xD;
	s1 =	sshrl.u32 s1, $0x2  }
0xce: {  	s4 =	sand.u32 $0x4000, s31;
	s1 =	sadd.s32 s1, s30  }
0xcf: {  	s0 =	sor.u32 s4, s0;
	s1 =	sshll.u32 s1, $0x11  }
0xd0: {  	s0 =	sor.u32 s1, s0  }
0xd1: {  	s0 =	sadd.s32 $0x8F2B, s0  }
0xd2: {  	[sflag:s0] =	ssyncadd.remote.s32 $0x1  }
0xd3: {  	_ =	sfence.sel $0xFFFF  }
0xd4: {  	[dreg:$0x0] =	wrdreg $0xFFFFFFFF;
	(pc) =	sbr.abs _section_cstart, $3  }
0xd5: {  	[dreg:$0x1] =	wrdreg $0xFFFFFFFF  }
0xd6: {  	_ =	task.clear_ibuf [dreg:s22], $0x2FFFF;
	_ =	strace $0x9FFFFFFF  }
0xd7: {  	(tm) =	ssettm $0x7FFFFFFF  }
tec
execute0_lowered:
.L_overlay_start_1:
0x0: {  	(tag) =	ssettag $0x1  }
0x1: {  	s1 =	srdreg.scid;
	s5 =	rddreg [dreg:$0x0]  }
0x2: {  	s0 =	stileid.u32;
	s2 =	rddreg [dreg:$0x1];
	s6 =	simm.s32 $0x1  }
0x3: {  	s9 =	simm.s32 $0x1;
	s10 =	simm.s32 $0x3;
	s1 =	sshll.u32 s1, $0x6  }
0x4: {  	s13 =	simm.s32 $0x0;
	s3 =	sshll.u32 s0, $0x7;
	s4 =	sand.u32 $0x40, s1  }
0x5: {  	s12 =	simm.s32 $0x0;
	s1 =	rddreg [dreg:$0x2];
	s3 =	sor.u32 s3, s4  }
0x6: {  	_ =	strace $0x8000005C;
	s4 =	sadd.s32 $0x12A00, s5;
	s8 =	ssub.s32 $0x1000, s3  }
.Ltmp0:
0x7: {  	s5 =	sadd.s32 $0x12C00, s5;
	s7 =	sand.u32 $0x7C0, s8;
	(pc) =	sbr.rel .LBB2_1-.Ltmp0, $4  }
0x8: {  	[sflag:s6] =	ssyncpa.u1 $0x0;
	s11 =	smov.u32 s3;
	p0 =	sne.s32 s7, $0x0  }
0x9: {  	s8 =	sshrl.u32 s8, $0xB;
	s7 =	simm.s32 $0x2;
	s9 =	simm.s32 @!p0 $0x0  }
0xa: {  	[sflag:s7] =	ssyncpa.u1 $0x0;
	p0 =	por $0x0, $0x0;
	s8 =	sadd.s32 s9, s8  }
0xb: {  	vm0 =	vmmov $0xffff;
	[sflag:s10] =	ssyncpa.u1 $0x0;
	s10 =	simm.s32 $0x0;
	s9 =	sadd.s32 $0x1, s8  }
.LBB2_4:
0xc: {  	v5 =	vshrl.u32 v1, $0x5;
	v6 =	vshll.u32 v1, $0x7  }
0xd: {  	vm1 =	veq.s32 v1, $0x80000000;
	v58 =	vand.u32 $0x7F, v5;
	v59 =	vand.u32 $0xF80, v6  }
0xe: {  	v1 =	vsel vm1, $0xFFFFFFFF, v58;
	v5 =	vsel vm1, $0xFFFFFF80, v59  }
0xf: {  	v3 =	vor.u32 v4, v3;
	v60 =	vand.u32 $0xFFFFFC00, v5;
	v61 =	vand.u32 $0xFFFFFC00, v1  }
0x10: {  	v2 =	vor.u32 v2, v3;
	v63 =	vand.u32 $0x380, v5;
	v62 =	vadd.s32 v61, v60  }
0x11: {  	v1 =	vand.u32 $0x7F, v1;
	v3 =	vor.u32 v63, v62  }
0x12: {  	v1 =	vor.u32 v1, v3  }
0x13: {  	[tilespmem:s15], [sflag:$0x1] =	stream.indirect_vreg.gather [hbm4b:s4+s10], $0x1, v0, vm0, $0x4038;
	[tilespmem:$0x100] =	vst v63  }
0x14: {  	(ifvalue) =	ssetifvalue $0x7FFFFFFF  }
0x15: {  	[tilespmem:s16], [sflag:$0x1] =	stream.indirect_vreg.gather [hbm4b:s4+s10], $0x1, v2, vm0, $0x4038;
	[tilespmem:$0x100] =	vst v63  }
0x16: {  	s29 =	sadd.s32 $0x10, s16;
	(ifvalue) =	ssetifvalue $0x7FFFFFFF  }
0x17: {  	[tilespmem:s29], [sflag:$0x1] =	stream.indirect_vreg.gather [hbm4b:s4+s10], $0x1, v1, vm0, $0x4038;
	[tilespmem:$0x100] =	vst v63  }
0x18: {  	_ =	swait.ge [sflag:s6], $0x40  }
0x19: {  	s30 =	sshrl.u32 s13, $0x3;
	[sflag:s6] =	ssyncset.done $0x0  }
0x1a: {  	s31 =	sand.u32 $0x7, s13;
	s15 =	sadd.s32 s5, s30;
	[sflag:s6] =	ssyncadd.s32 $0xFFFFFFC0  }
0x1b: {  	[hbm4b:s15+s31] =	stream.linear.scatter [tilespmem:s14], [sflag:$0x3], $0x40, $0x38;
	[tilespmem:$0x100] =	vst v63  }
.LBB2_5:
0x1c: {  	s15 =	sadd.s32 $0x800, s11  }
0x1d: {  	p2 =	sgt.s32 s15, $0xFFF  }
0x1e: {  	s15 =	smov.u32 @p2 s3;
	p2 =	sne.s32 s12, s9  }
.Ltmp1:
0x1f: {  	p1 =	slt.u32 s12, $0x2;
	(pc) =	sbr.rel @!p2 .LBB2_6-.Ltmp1, $4  }
0x20: {  	s14 =	simm.s32 @!p1 $0x3  }
0x21: {  	s16 =	sadd.s32 $0x1, s12;
	_ =	swait.ge @!p1 [sflag:s14], $0x40  }
0x22: {  	s13 =	smov.u32 s11;
	p0 =	por !p0, !p0;
	[sflag:s14] =	ssyncset.done @!p1 $0x0  }
0x23: {  	s12 =	smov.u32 s16;
	s11 =	smov.u32 s15;
	[sflag:s14] =	ssyncadd.s32 @!p1 $0xFFFFFFC0  }
.LBB2_1:
0x24: {  	p1 =	sge.u32 s12, s8  }
0x25: {  	s14 =	sxor.u32 @!p1 $0xFFFFFFFF, s12  }
0x26: {  	s31 =	sadd.s32 $0xFFFFFFFF, s12;
	s15 =	sshrl.u32 @!p1 s11, $0x3;
	s14 =	sshll.u32 @!p1 s14, $0x6  }
0x27: {  	s16 =	sand.u32 @!p1 $0x7, s11;
	s15 =	sadd.s32 @!p1 s2, s15;
	s14 =	sand.u32 @!p1 $0x40, s14  }
0x28: {  	[tilespmem:s14], [sflag:$0x2] =	stream.linear.gather @!p1 [hbm4b:s15+s16], $0x40, $0x38;
	[tilespmem:$0x100] =	vst v63  }
0x29: {  	p1 =	sge.u32 s31, s8  }
.Ltmp2:
0x2a: {  	_ = 	snop;
	(pc) =	sbr.rel @p1 .LBB2_5-.Ltmp2, $1  }
0x2b: {  	_ =	sdelay $0x3  }
0x2c: {  	s14 =	simm.s32 $0x1  }
0x2d: {  	_ =	swait.ge [sflag:s7], $0x40;
	s14 =	simm.s32 @!p0 $0x0  }
0x2e: {  	[sflag:s7] =	ssyncset.done $0x0;
	s14 =	sshll.u32 s14, $0x6  }
0x2f: {  	[sflag:s7] =	ssyncadd.s32 $0xFFFFFFC0;
	(ifvalue) =	ssetifvalue $0x7FFFFFFF;
	v0 =	vld.msk [tilespmem:s14+$0x0 ss:$0x1], $0xffff;
	_ =	sdelay $0x4  }
0x30: {  	s15 =	sadd.s32 $0x10, s14;
	v2 =	vshrl.u32 v0, $0x5;
	v3 =	vshll.u32 v0, $0x7  }
0x31: {  	v1 =	vld.msk [tilespmem:s15+$0x0 ss:$0x1], $0xffff;
	vm1 =	veq.s32 v0, $0x80000000;
	v0 =	vand.u32 $0x7F, v2;
	v2 =	vand.u32 $0xF80, v3  }
0x32: {  	v0 =	vsel vm1, $0xFFFFFFFF, v0;
	v2 =	vsel vm1, $0xFFFFFF80, v2  }
0x33: {  	v3 =	vand.u32 $0xFFFFFC00, v2;
	v4 =	vand.u32 $0xFFFFFC00, v0  }
0x34: {  	v2 =	vand.u32 $0x380, v2;
	v3 =	vadd.s32 v4, v3  }
0x35: {  	v0 =	vand.u32 $0x7F, v0;
	v2 =	vor.u32 v2, v3  }
0x36: {  	v5 =	vshll.u32 v1, $0x7;
	v4 =	vshrl.u32 v1, $0x5;
	v0 =	vor.u32 v0, v2  }
0x37: {  	s16 =	sshll.u32 s12, $0x6;
	vm1 =	veq.s32 v1, $0x80000000;
	v1 =	vand.u32 $0x7F, v4;
	v4 =	vand.u32 $0xF80, v5  }
0x38: {  	s16 =	sand.u32 $0x40, s16;
	s18 =	sadd.s32 $0x10, s15;
	v3 =	vsel vm1, $0xFFFFFFFF, v1;
	v4 =	vsel vm1, $0xFFFFFF80, v4  }
0x39: {  	s17 =	simm.s32 $0x20;
	s15 =	sor.u32 $0x80, s14;
	s14 =	sor.u32 $0x80, s16;
	v1 =	vld.msk [tilespmem:s18+$0x0 ss:$0x1], $0xffff;
	v5 =	vand.u32 $0xFFFFFC00, v4;
	v6 =	vand.u32 $0xFFFFFC00, v3  }
0x3a: {  	s16 =	sadd.s32 $0x10, s15;
	s18 =	sadd.s32 $0x10, s18;
	(ifvalue) =	ssetifvalue $0x7FFFFFFF;
	v2 =	vand.u32 $0x7F, v3;
	v4 =	vand.u32 $0x380, v4;
	v3 =	vadd.s32 v6, v5  }
.LBB2_3:
0x3b: {  	[tilespmem:s15], [sflag:$0x1] =	stream.indirect_vreg.gather [hbm4b:s4+s10], $0x1, v0, vm0, $0x4038;
	[tilespmem:$0x100] =	vst v63  }
0x3c: {  	s17 =	sadd.s32 $0x10, s17  }
0x3d: {  	v3 =	vor.u32 v4, v3;
	p1 =	slt.u32 s17, $0x30  }
.Ltmp3:
0x3e: {  	v4 =	vshrl.u32 v1, $0x5;
	v5 =	vshll.u32 v1, $0x7;
	s15 =	smov.u32 s16;
	v0 =	vor.u32 v2, v3;
	v2 =	vmovc v1;
	v1 =	vld.msk [tilespmem:s18+$0x0 ss:$0x1], $0xffff;
	(pc) =	sbr.rel @p1 .LBB2_3-.Ltmp3, $4  }
0x3f: {  	v3 =	vand.u32 $0xF80, v5;
	vm1 =	veq.s32 v2, $0x80000000;
	v2 =	vand.u32 $0x7F, v4  }
0x40: {  	v4 =	vsel vm1, $0xFFFFFFFF, v2;
	v5 =	vsel vm1, $0xFFFFFF80, v3  }
0x41: {  	v2 =	vand.u32 $0x7F, v4;
	v3 =	vand.u32 $0xFFFFFC00, v5;
	v4 =	vand.u32 $0xFFFFFC00, v4  }
0x42: {  	s16 =	sadd.s32 $0x10, s16;
	s18 =	sadd.s32 $0x10, s18;
	v3 =	vadd.s32 v4, v3;
	v4 =	vand.u32 $0x380, v5;
	(ifvalue) =	ssetifvalue $0x7FFFFFFF  }
.Ltmp4:
0x43: {  	_ = 	snop;
	(pc) =	sbr.rel .LBB2_4-.Ltmp4, $1  }
0x44: {  	_ =	sdelay $0x3  }
.LBB2_6:
0x45: {  	_ =	sfence.sel $0x180000  }
0x46: {  	s2 =	simm.s32 $0x2;
	[bflag:$0x0] =	sbarrier.arrive $0xFFFF  }
0x47: {  	s30 =	simm.s32 $0x3;
	[sflag:s2] =	ssyncpa.u1 $0x1  }
0x48: {  	s31 =	simm.s32 $0x1;
	[sflag:s30] =	ssyncpa.u1 $0x1  }
0x49: {  	[sflag:s31] =	ssyncpa.u1 $0x1  }
0x4a: {  	p0 =	sne.s32 s0, $0x0;
	_ =	strace $0x9000005C  }
0x4b: {  	s0 =	sadd.s32 @!p0 $0x100000, s1;
	[bflag:$0x2] =	sbarrier.arrive $0xFFFF  }
0x4c: {  	[sflag:s0] =	ssyncadd.tile.s32 @!p0 $0x1;
	_ =	shalt  }
.Lfunc_end2:
_tile_overlayer_lowered:
.L_overlay_start_2:
0x4d: {  	(tag) =	ssettag $0x2  }
0x4e: {  	s0 =	rddreg [dreg:$0x0];
	s2 =	stileid.u32  }
0x4f: {  	s1 =	rddreg [dreg:$0x1];
	p0 =	sne.s32 s2, $0x0  }
0x50: {  	s3 =	rddreg [dreg:$0x2];
	[bflag:$0x3] =	sbarrier.arrive $0xFFFF;
	s2 =	simm.s32 @!p0 $0x1C01  }
0x51: {  	[timem:s3], [sflag:s2] =	dma.local @!p0 [hbm:s0], s1  }
0x52: {  	s0 =	simm.s32 @!p0 $0x1  }
0x53: {  	_ =	swait.ge @!p0 [sflag:s0], s1  }
0x54: {  	s1 =	ssub.s32 @!p0 $0x0, s1;
	[sflag:s0] =	ssyncset.done @!p0 $0x0  }
0x55: {  	[sflag:s0] =	ssyncadd.s32 @!p0 s1  }
0x56: {  	[bflag:$0x3] =	sbarrier.arrive $0xFFFF  }
0x57: {  	_ =	shalt  }

// kernel: gather_offload_async_start.13
scs
__scs_entry_jumppad:
0x0: {  	(pc) =	sbr.rel $0x88, $3  }
0x1: {  	(tag) =	ssettag $0x0;
	lr =	simm.s32 $0x1  }
0x2: {  	[smem:$0x3F95] =	sst lr;
	_ =	strace $0xD0000000  }
0x3: {  	_ = 	snop  }
0x4: {  	_ = 	snop  }
0x5: {  	_ = 	snop  }
0x6: {  	_ = 	snop  }
0x7: {  	_ = 	snop  }
__scs_overlays_trampoline_lowered:
0x8: {  	[smem:$0x3FA4] =	sst s0  }
0x9: {  	[smem:$0x3FA5] =	sst s1  }
0xa: {  	[smem:$0x3FA6] =	sst s2  }
0xb: {  	[smem:$0x3FA7] =	sst s3  }
0xc: {  	[smem:$0x3FA8] =	sst s4  }
0xd: {  	[smem:$0x3FA9] =	sst s5  }
0xe: {  	[smem:$0x3FAA] =	sst s6  }
0xf: {  	[smem:$0x3FAB] =	sst s7  }
0x10: {  	[smem:$0x3FAC] =	sst s8  }
0x11: {  	[smem:$0x3FAD] =	sst s9;
	s0 =	simm.s32 @!p0 $0x0  }
0x12: {  	s1 =	sld [smem:$0x3F93];
	s0 =	simm.s32 @p0 $0x1  }
0x13: {  	[smem:$0x3FAE] =	sst s0;
	s0 =	simm.s32 @!p1 $0x0  }
0x14: {  	s2 =	sld [smem:$0x3F92];
	s0 =	simm.s32 @p1 $0x1  }
0x15: {  	[smem:$0x3FAF] =	sst s0;
	s0 =	simm.s32 @!p2 $0x0  }
0x16: {  	s3 =	sld [smem:$0x3FDB];
	s0 =	simm.s32 @p2 $0x1  }
0x17: {  	s4 =	simm.s32 $0x1BF5;
	[smem:$0x3FB1] =	sst s0  }
0x18: {  	s0 =	sld [smem:$0x3F94];
	_ =	swait.ge [sflag:s4], $0x0  }
0x19: {  	s7 =	sld [smem:$0x3F95]  }
0x1a: {  	s8 =	sadd.s32 $0xFFFFE003, lr  }
0x1b: {  	s9 =	sadd.s32 $0xFFFFFEF7, lr;
	s5 =	simm.s32 $0xFFFFFFFF;
	p2 =	slt.u32 s8, $0xFFFFF086  }
0x1c: {  	p1 =	slt.u32 s9, $0xF7A;
	s5 =	simm.s32 @!p2 $0x0  }
0x1d: {  	s5 =	simm.s32 @p1 $0x1;
	p0 =	seq.s32 s7, s2  }
0x1e: {  	s7 =	smul.u32 @!p0 $0xF7A, s2;
	p2 =	seq.s32 @!p0 s5, $0x0  }
0x1f: {  	s9 =	smul.u32 $0xF7A, s1;
	s8 =	simm.s32 @!p0 $0x1BF5;
	p2 =	por !p2, p0  }
0x20: {  	[sflag:s8] =	ssyncset.s32 @!p0 $0xFFFFF086;
	s6 =	sadd.s32 @!p0 s3, s7;
	s7 =	simm.s32 @!p0 $0x108  }
0x21: {  	s3 =	sadd.s32 s3, s9;
	s6 =	sadd.s32 @!p0 $0x88, s6;
	s7 =	simm.s32 @p2 $0x1082  }
0x22: {  	[simem:s7], [sflag:s8] =	dma.local @!p0 [hbm:s6], $0xF7A  }
0x23: {  	s9 =	sor.u32 $0xD0000000, s2;
	s6 =	simm.s32 $0x108;
	_ =	swait.ge @!p0 [sflag:s8], $0x0  }
0x24: {  	s3 =	sadd.s32 $0x88, s3;
	s6 =	simm.s32 @!p1 $0x1082;
	[sflag:s4] =	ssyncset.s32 $0xFFFFF086  }
0x25: {  	[simem:s6], [sflag:s4] =	dma.local [hbm:s3], $0xF7A  }
0x26: {  	[smem:$0x3F95] =	sst s1;
	(tag) =	ssettag s2;
	_ =	strace s9  }
0x27: {  	s1 =	sld [smem:$0x3FA5]  }
0x28: {  	s2 =	sld [smem:$0x3FA6]  }
0x29: {  	s4 =	sld [smem:$0x3FA8]  }
0x2a: {  	p0 =	seq.s32 s5, $0x0;
	s5 =	sld [smem:$0x3FA9]  }
0x2b: {  	s6 =	sld [smem:$0x3FAA]  }
0x2c: {  	s7 =	sld [smem:$0x3FAB]  }
0x2d: {  	s3 =	simm.s32 $0x108;
	s8 =	sld [smem:$0x3FAC]  }
0x2e: {  	s3 =	simm.s32 @!p0 $0x1082;
	s9 =	sld [smem:$0x3FAD]  }
0x2f: {  	lr =	sadd.s32 s0, s3;
	s0 =	sld [smem:$0x3FA4]  }
0x30: {  	s3 =	sld [smem:$0x3FA7]  }
0x31: {  	[smem:$0x3FB0] =	sst s10  }
0x32: {  	s10 =	sld [smem:$0x3FAE];
	_ =	sdelay $0x3  }
0x33: {  	p0 =	seq.s32 s10, $0x1;
	s10 =	sld [smem:$0x3FB0];
	_ =	sdelay $0x3  }
0x34: {  	[smem:$0x3FB0] =	sst s10  }
0x35: {  	s10 =	sld [smem:$0x3FAF];
	_ =	sdelay $0x3  }
0x36: {  	p1 =	seq.s32 s10, $0x1;
	s10 =	sld [smem:$0x3FB0];
	_ =	sdelay $0x3  }
0x37: {  	[smem:$0x3FB0] =	sst s10  }
0x38: {  	s10 =	sld [smem:$0x3FB1]  }
0x39: {  	_ = 	snop;
	(pc) =	sbr.ind lr, $3  }
0x3a: {  	_ = 	snop  }
0x3b: {  	_ = 	snop  }
0x3c: {  	p2 =	seq.s32 s10, $0x1;
	s10 =	sld [smem:$0x3FB0]  }
0x3d: {  	_ =	shalt  }
0x3e: {  	_ =	shalt  }
0x3f: {  	_ =	shalt  }
0x40: {  	_ =	shalt  }
0x41: {  	_ =	shalt  }
0x42: {  	_ =	shalt  }
0x43: {  	_ =	shalt  }
0x44: {  	_ =	shalt  }
0x45: {  	_ =	shalt  }
0x46: {  	_ =	shalt  }
0x47: {  	_ =	shalt  }
0x48: {  	_ =	shalt  }
0x49: {  	_ =	shalt  }
0x4a: {  	_ =	shalt  }
0x4b: {  	_ =	shalt  }
0x4c: {  	_ =	shalt  }
0x4d: {  	_ =	shalt  }
0x4e: {  	_ =	shalt  }
0x4f: {  	_ =	shalt  }
0x50: {  	_ =	shalt  }
0x51: {  	_ =	shalt  }
0x52: {  	_ =	shalt  }
0x53: {  	_ =	shalt  }
0x54: {  	_ =	shalt  }
0x55: {  	_ =	shalt  }
0x56: {  	_ =	shalt  }
0x57: {  	_ =	shalt  }
0x58: {  	_ =	shalt  }
0x59: {  	_ =	shalt  }
0x5a: {  	_ =	shalt  }
0x5b: {  	_ =	shalt  }
0x5c: {  	_ =	shalt  }
0x5d: {  	_ =	shalt  }
0x5e: {  	_ =	shalt  }
0x5f: {  	_ =	shalt  }
0x60: {  	_ =	shalt  }
0x61: {  	_ =	shalt  }
0x62: {  	_ =	shalt  }
0x63: {  	_ =	shalt  }
0x64: {  	_ =	shalt  }
0x65: {  	_ =	shalt  }
0x66: {  	_ =	shalt  }
0x67: {  	_ =	shalt  }
0x68: {  	_ =	shalt  }
0x69: {  	_ =	shalt  }
0x6a: {  	_ =	shalt  }
0x6b: {  	_ =	shalt  }
0x6c: {  	_ =	shalt  }
0x6d: {  	_ =	shalt  }
0x6e: {  	_ =	shalt  }
0x6f: {  	_ =	shalt  }
0x70: {  	_ =	shalt  }
0x71: {  	_ =	shalt  }
0x72: {  	_ =	shalt  }
0x73: {  	_ =	shalt  }
0x74: {  	_ =	shalt  }
0x75: {  	_ =	shalt  }
0x76: {  	_ =	shalt  }
0x77: {  	_ =	shalt  }
0x78: {  	_ =	shalt  }
0x79: {  	_ =	shalt  }
0x7a: {  	_ =	shalt  }
0x7b: {  	_ =	shalt  }
0x7c: {  	_ =	shalt  }
0x7d: {  	_ =	shalt  }
0x7e: {  	_ =	shalt  }
0x7f: {  	_ =	shalt  }
0x80: {  	_ =	shalt  }
0x81: {  	_ =	shalt  }
0x82: {  	_ =	shalt  }
0x83: {  	_ =	shalt  }
0x84: {  	_ =	shalt  }
0x85: {  	_ =	shalt  }
0x86: {  	_ =	shalt  }
0x87: {  	_ =	shalt  }
.Lfunc_end0:
.L_simem_size_0:
called_computation.13_lowered:
.L_overlay_start_0:
0x88: {  	s2 =	sld [smem:$0x3FD9]  }
0x89: {  	s3 =	sld [smem:$0x3FFE];
	_ =	sdelay $0x1  }
0x8a: {  	s1 =	srdreg.scid  }
0x8b: {  	s0 =	sand.u32 $0x1, s1  }
0x8c: {  	s17 =	sshll.u32 s0, $0xA;
	s2 =	sadd.s32 s3, s2  }
0x8d: {  	s2 =	sadd.s32 s2, s17  }
0x8e: {  	[smem:$0x3FBC] =	sst s2  }
0x8f: {  	_ = 	snop  }
0x90: {  	(tm) =	ssettm $0x1  }
0x91: {  	s18 =	sld [smem:$0x3FFB];
	_ =	sdelay $0x3  }
0x92: {  	_ =	strace s18  }
0x93: {  	s2 =	sld [smem:$0x3FFC];
	_ =	sdelay $0x3  }
0x94: {  	_ =	strace s2  }
0x95: {  	s2 =	sld [smem:$0x3FFD];
	_ =	sdelay $0x3  }
0x96: {  	_ =	strace s2  }
0x97: {  	_ =	strace $0x8FFFFFFF  }
0x98: {  	s19 =	sld [smem:$0x3FDB];
	_ =	sdelay $0x1  }
0x99: {  	s20 =	simm.s32 $_scs_section_size  }
0x9a: {  	s4 =	simm.s32 $_size__tile_overlayer_lowered;
	s5 =	simm.s32 $_tile_overlayer_lowered  }
0x9b: {  	s6 =	simm.s32 $0x1BFF;
	s21 =	sshll.u32 s5, $0x1;
	s3 =	sadd.s32 s20, s19  }
0x9c: {  	s22 =	simm.s32 $0x0;
	s4 =	sshll.u32 s4, $0x1;
	s5 =	sadd.s32 s21, s3  }
0x9d: {  	[timem:s22], [sflag:s6] =	dma.local [hbm:s5], s4  }
0x9e: {  	_ =	swait.ge [sflag:s6], s4  }
0x9f: {  	s4 =	ssub.s32 $0x0, s4;
	[sflag:s6] =	ssyncset.done $0x0  }
0xa0: {  	[sflag:s6] =	ssyncadd.s32 s4;
	_ =	sdelay $0x1  }
0xa1: {  	s23 =	simm.s32 $0x1B8B  }
0xa2: {  	_ =	swait.ge [sflag:s23], $0x1  }
0xa3: {  	[sflag:s23] =	ssyncset.done $0x0  }
0xa4: {  	[sflag:s23] =	ssyncadd.s32 $0xFFFFFFFF  }
0xa5: {  	s4 =	sld [smem:$0x0]  }
0xa6: {  	s5 =	sand.u32 $0xFFFFFFFE, s1  }
0xa7: {  	p0 =	sne.s32 s1, s5  }
0xa8: {  	s5 =	sshll.u32 @p0 s5, $0xE  }
0xa9: {  	s5 =	sadd.s32 @p0 $0x11B8D, s5;
	s6 =	sshll.u32 @p0 s4, $0x11  }
0xaa: {  	s5 =	sor.u32 @p0 s6, s5  }
0xab: {  	[sflag:s5] =	ssyncadd.remote.s32 @p0 $0x1;
	_ =	sdelay $0x1  }
0xac: {  	s5 =	simm.s32 @p0 $0x1B8D  }
0xad: {  	_ =	swait.eq @p0 [sflag:s5], $0x1  }
0xae: {  	[sflag:s5] =	ssyncadd.s32 @p0 $0xFFFFFFFF  }
0xaf: {  	s6 =	sshll.u32 @!p0 s1, $0xE  }
0xb0: {  	s6 =	sor.u32 @!p0 $0x4000, s6;
	s5 =	simm.s32 @!p0 $0x1B8D  }
0xb1: {  	s4 =	sshll.u32 @!p0 s4, $0x11;
	s6 =	sadd.s32 @!p0 $0x11B8D, s6;
	_ =	swait.eq @!p0 [sflag:s5], $0x1  }
0xb2: {  	s4 =	sor.u32 @!p0 s4, s6;
	[sflag:s5] =	ssyncadd.s32 @!p0 $0xFFFFFFFF  }
0xb3: {  	s25 =	simm.s32 $0x1B8E;
	s24 =	sld [smem:$0x3FFE];
	[sflag:s4] =	ssyncadd.remote.s32 @!p0 $0x1  }
0xb4: {  	s26 =	simm.s32 $execute0_lowered;
	[smem:$0x3FD2] =	sst s25  }
0xb5: {  	s5 =	sshll.u32 s26, $0x1;
	_ =	strace $0x8000005E;
	[dreg:$0x1] =	wrdreg $0xFFFFFFFF  }
0xb6: {  	s28 =	simm.s32 $_size_execute0_lowered;
	s3 =	sadd.s32 s3, s5;
	[dreg:$0x0] =	wrdreg $0x0  }
0xb7: {  	s5 =	sshll.u32 s28, $0x1;
	[dreg:$0x2] =	wrdreg s3  }
0xb8: {  	[dreg:$0x3] =	wrdreg s5  }
0xb9: {  	[dreg:$0x4] =	wrdreg $0xC0  }
0xba: {  	_ =	task [dreg:s22], $0x5FFFF  }
0xbb: {  	[dreg:$0x1] =	wrdreg $0xFFFFFFFF  }
0xbc: {  	[dreg:$0x0] =	wrdreg $0x60  }
0xbd: {  	[dreg:$0x2] =	wrdreg s24  }
0xbe: {  	[dreg:$0x3] =	wrdreg $0xD  }
0xbf: {  	_ =	task.clear_ibuf [dreg:s22], $0x4FFFF;
	_ =	strace $0x9000005E  }
0xc0: {  	s29 =	simm.s32 $0xD;
	_ =	strace $0x80000060  }
0xc1: {  	_ =	swait.ge [sflag:s29], $0x1  }
0xc2: {  	[sflag:s29] =	ssyncadd.s32 $0xFFFFFFFF  }
0xc3: {  	_ =	strace $0x90000060  }
0xc4: {  	_ =	sfence  }
0xc5: {  	s30 =	sld [smem:$0x0];
	_ =	sdelay $0x2  }
0xc6: {  	s31 =	sshll.u32 s1, $0xD;
	s1 =	sshrl.u32 s1, $0x2  }
0xc7: {  	s4 =	sand.u32 $0x4000, s31;
	s1 =	sadd.s32 s1, s30  }
0xc8: {  	s0 =	sor.u32 s4, s0;
	s1 =	sshll.u32 s1, $0x11  }
0xc9: {  	s0 =	sor.u32 s1, s0  }
0xca: {  	s0 =	sadd.s32 $0x8F2B, s0  }
0xcb: {  	[sflag:s0] =	ssyncadd.remote.s32 $0x1  }
0xcc: {  	_ =	sfence.sel $0xFFFF  }
0xcd: {  	[dreg:$0x0] =	wrdreg $0xFFFFFFFF;
	(pc) =	sbr.abs _section_cstart, $3  }
0xce: {  	[dreg:$0x1] =	wrdreg $0xFFFFFFFF  }
0xcf: {  	_ =	task.clear_ibuf [dreg:s22], $0x2FFFF;
	_ =	strace $0x9FFFFFFF  }
0xd0: {  	(tm) =	ssettm $0x7FFFFFFF  }
0xd1: {  	_ =	shalt  }
tec
execute0_lowered:
.L_overlay_start_1:
0x0: {  	(tag) =	ssettag $0x1  }
0x1: {  	s0 =	srdreg.scid;
	s5 =	rddreg [dreg:$0x0]  }
0x2: {  	s1 =	stileid.u32;
	s6 =	simm.s32 $0x1;
	s9 =	simm.s32 $0x1  }
0x3: {  	s10 =	simm.s32 $0x3;
	s13 =	simm.s32 $0x0;
	s2 =	sshll.u32 s0, $0x6  }
0x4: {  	s12 =	simm.s32 $0x0;
	s3 =	sshll.u32 s1, $0x7;
	s2 =	sand.u32 $0x40, s2  }
0x5: {  	s0 =	rddreg [dreg:$0x1];
	_ =	strace $0x8000005F;
	s2 =	sor.u32 s3, s2  }
0x6: {  	s4 =	sadd.s32 $0x2200, s5;
	[sflag:s6] =	ssyncpa.u1 $0x0;
	s8 =	ssub.s32 $0x1000, s2  }
.Ltmp0:
0x7: {  	s3 =	sadd.s32 $0x12A00, s5;
	s7 =	sand.u32 $0x7C0, s8;
	(pc) =	sbr.rel .LBB2_1-.Ltmp0, $4  }
0x8: {  	s5 =	sadd.s32 $0x12E00, s5;
	s11 =	smov.u32 s2;
	p0 =	sne.s32 s7, $0x0  }
0x9: {  	s8 =	sshrl.u32 s8, $0xB;
	s7 =	simm.s32 $0x2;
	s9 =	simm.s32 @!p0 $0x0  }
0xa: {  	[sflag:s7] =	ssyncpa.u1 $0x0;
	p0 =	por $0x0, $0x0;
	s8 =	sadd.s32 s9, s8  }
0xb: {  	vm0 =	vmmov $0xffff;
	[sflag:s10] =	ssyncpa.u1 $0x0;
	s10 =	simm.s32 $0x0;
	s9 =	sadd.s32 $0x1, s8  }
.LBB2_4:
0xc: {  	v5 =	vshrl.u32 v1, $0x5;
	v6 =	vshll.u32 v1, $0x7  }
0xd: {  	vm1 =	veq.s32 v1, $0x80000000;
	v58 =	vand.u32 $0x7F, v5;
	v59 =	vand.u32 $0xF80, v6  }
0xe: {  	v1 =	vsel vm1, $0xFFFFFFFF, v58;
	v5 =	vsel vm1, $0xFFFFFF80, v59  }
0xf: {  	v3 =	vor.u32 v4, v3;
	v60 =	vand.u32 $0xFFFFFC00, v5;
	v61 =	vand.u32 $0xFFFFFC00, v1  }
0x10: {  	v2 =	vor.u32 v2, v3;
	v63 =	vand.u32 $0x380, v5;
	v62 =	vadd.s32 v61, v60  }
0x11: {  	v1 =	vand.u32 $0x7F, v1;
	v3 =	vor.u32 v63, v62  }
0x12: {  	v1 =	vor.u32 v1, v3  }
0x13: {  	[tilespmem:s15], [sflag:$0x1] =	stream.indirect_vreg.gather [hbm4b:s3+s10], $0x1, v0, vm0, $0x4038;
	[tilespmem:$0x100] =	vst v63  }
0x14: {  	(ifvalue) =	ssetifvalue $0x7FFFFFFF  }
0x15: {  	[tilespmem:s16], [sflag:$0x1] =	stream.indirect_vreg.gather [hbm4b:s3+s10], $0x1, v2, vm0, $0x4038;
	[tilespmem:$0x100] =	vst v63  }
0x16: {  	s29 =	sadd.s32 $0x10, s16;
	(ifvalue) =	ssetifvalue $0x7FFFFFFF  }
0x17: {  	[tilespmem:s29], [sflag:$0x1] =	stream.indirect_vreg.gather [hbm4b:s3+s10], $0x1, v1, vm0, $0x4038;
	[tilespmem:$0x100] =	vst v63  }
0x18: {  	_ =	swait.ge [sflag:s6], $0x40  }
0x19: {  	s30 =	sshrl.u32 s13, $0x3;
	[sflag:s6] =	ssyncset.done $0x0  }
0x1a: {  	s31 =	sand.u32 $0x7, s13;
	s15 =	sadd.s32 s5, s30;
	[sflag:s6] =	ssyncadd.s32 $0xFFFFFFC0  }
0x1b: {  	[hbm4b:s15+s31] =	stream.linear.scatter [tilespmem:s14], [sflag:$0x3], $0x40, $0x38;
	[tilespmem:$0x100] =	vst v63  }
.LBB2_5:
0x1c: {  	s15 =	sadd.s32 $0x800, s11  }
0x1d: {  	p2 =	sgt.s32 s15, $0xFFF  }
0x1e: {  	s15 =	smov.u32 @p2 s2;
	p2 =	sne.s32 s12, s9  }
.Ltmp1:
0x1f: {  	p1 =	slt.u32 s12, $0x2;
	(pc) =	sbr.rel @!p2 .LBB2_6-.Ltmp1, $4  }
0x20: {  	s14 =	simm.s32 @!p1 $0x3  }
0x21: {  	s16 =	sadd.s32 $0x1, s12;
	_ =	swait.ge @!p1 [sflag:s14], $0x40  }
0x22: {  	s13 =	smov.u32 s11;
	p0 =	por !p0, !p0;
	[sflag:s14] =	ssyncset.done @!p1 $0x0  }
0x23: {  	s12 =	smov.u32 s16;
	s11 =	smov.u32 s15;
	[sflag:s14] =	ssyncadd.s32 @!p1 $0xFFFFFFC0  }
.LBB2_1:
0x24: {  	p1 =	sge.u32 s12, s8  }
0x25: {  	s14 =	sxor.u32 @!p1 $0xFFFFFFFF, s12  }
0x26: {  	s31 =	sadd.s32 $0xFFFFFFFF, s12;
	s15 =	sshrl.u32 @!p1 s11, $0x3;
	s14 =	sshll.u32 @!p1 s14, $0x6  }
0x27: {  	s16 =	sand.u32 @!p1 $0x7, s11;
	s15 =	sadd.s32 @!p1 s4, s15;
	s14 =	sand.u32 @!p1 $0x40, s14  }
0x28: {  	[tilespmem:s14], [sflag:$0x2] =	stream.linear.gather @!p1 [hbm4b:s15+s16], $0x40, $0x38;
	[tilespmem:$0x100] =	vst v63  }
0x29: {  	p1 =	sge.u32 s31, s8  }
.Ltmp2:
0x2a: {  	_ = 	snop;
	(pc) =	sbr.rel @p1 .LBB2_5-.Ltmp2, $1  }
0x2b: {  	_ =	sdelay $0x3  }
0x2c: {  	s14 =	simm.s32 $0x1  }
0x2d: {  	_ =	swait.ge [sflag:s7], $0x40;
	s14 =	simm.s32 @!p0 $0x0  }
0x2e: {  	[sflag:s7] =	ssyncset.done $0x0;
	s14 =	sshll.u32 s14, $0x6  }
0x2f: {  	[sflag:s7] =	ssyncadd.s32 $0xFFFFFFC0;
	(ifvalue) =	ssetifvalue $0x7FFFFFFF;
	v0 =	vld.msk [tilespmem:s14+$0x0 ss:$0x1], $0xffff;
	_ =	sdelay $0x4  }
0x30: {  	s15 =	sadd.s32 $0x10, s14;
	v2 =	vshrl.u32 v0, $0x5;
	v3 =	vshll.u32 v0, $0x7  }
0x31: {  	v1 =	vld.msk [tilespmem:s15+$0x0 ss:$0x1], $0xffff;
	vm1 =	veq.s32 v0, $0x80000000;
	v0 =	vand.u32 $0x7F, v2;
	v2 =	vand.u32 $0xF80, v3  }
0x32: {  	v0 =	vsel vm1, $0xFFFFFFFF, v0;
	v2 =	vsel vm1, $0xFFFFFF80, v2  }
0x33: {  	v3 =	vand.u32 $0xFFFFFC00, v2;
	v4 =	vand.u32 $0xFFFFFC00, v0  }
0x34: {  	v2 =	vand.u32 $0x380, v2;
	v3 =	vadd.s32 v4, v3  }
0x35: {  	v0 =	vand.u32 $0x7F, v0;
	v2 =	vor.u32 v2, v3  }
0x36: {  	v5 =	vshll.u32 v1, $0x7;
	v4 =	vshrl.u32 v1, $0x5;
	v0 =	vor.u32 v0, v2  }
0x37: {  	s16 =	sshll.u32 s12, $0x6;
	vm1 =	veq.s32 v1, $0x80000000;
	v1 =	vand.u32 $0x7F, v4;
	v4 =	vand.u32 $0xF80, v5  }
0x38: {  	s16 =	sand.u32 $0x40, s16;
	s18 =	sadd.s32 $0x10, s15;
	v3 =	vsel vm1, $0xFFFFFFFF, v1;
	v4 =	vsel vm1, $0xFFFFFF80, v4  }
0x39: {  	s17 =	simm.s32 $0x20;
	s15 =	sor.u32 $0x80, s14;
	s14 =	sor.u32 $0x80, s16;
	v1 =	vld.msk [tilespmem:s18+$0x0 ss:$0x1], $0xffff;
	v5 =	vand.u32 $0xFFFFFC00, v4;
	v6 =	vand.u32 $0xFFFFFC00, v3  }
0x3a: {  	s16 =	sadd.s32 $0x10, s15;
	s18 =	sadd.s32 $0x10, s18;
	(ifvalue) =	ssetifvalue $0x7FFFFFFF;
	v2 =	vand.u32 $0x7F, v3;
	v4 =	vand.u32 $0x380, v4;
	v3 =	vadd.s32 v6, v5  }
.LBB2_3:
0x3b: {  	[tilespmem:s15], [sflag:$0x1] =	stream.indirect_vreg.gather [hbm4b:s3+s10], $0x1, v0, vm0, $0x4038;
	[tilespmem:$0x100] =	vst v63  }
0x3c: {  	s17 =	sadd.s32 $0x10, s17  }
0x3d: {  	v3 =	vor.u32 v4, v3;
	p1 =	slt.u32 s17, $0x30  }
.Ltmp3:
0x3e: {  	v4 =	vshrl.u32 v1, $0x5;
	v5 =	vshll.u32 v1, $0x7;
	s15 =	smov.u32 s16;
	v0 =	vor.u32 v2, v3;
	v2 =	vmovc v1;
	v1 =	vld.msk [tilespmem:s18+$0x0 ss:$0x1], $0xffff;
	(pc) =	sbr.rel @p1 .LBB2_3-.Ltmp3, $4  }
0x3f: {  	v3 =	vand.u32 $0xF80, v5;
	vm1 =	veq.s32 v2, $0x80000000;
	v2 =	vand.u32 $0x7F, v4  }
0x40: {  	v4 =	vsel vm1, $0xFFFFFFFF, v2;
	v5 =	vsel vm1, $0xFFFFFF80, v3  }
0x41: {  	v2 =	vand.u32 $0x7F, v4;
	v3 =	vand.u32 $0xFFFFFC00, v5;
	v4 =	vand.u32 $0xFFFFFC00, v4  }
0x42: {  	s16 =	sadd.s32 $0x10, s16;
	s18 =	sadd.s32 $0x10, s18;
	v3 =	vadd.s32 v4, v3;
	v4 =	vand.u32 $0x380, v5;
	(ifvalue) =	ssetifvalue $0x7FFFFFFF  }
.Ltmp4:
0x43: {  	_ = 	snop;
	(pc) =	sbr.rel .LBB2_4-.Ltmp4, $1  }
0x44: {  	_ =	sdelay $0x3  }
.LBB2_6:
0x45: {  	_ =	sfence.sel $0x180000  }
0x46: {  	s2 =	simm.s32 $0x2;
	[bflag:$0x0] =	sbarrier.arrive $0xFFFF  }
0x47: {  	s30 =	simm.s32 $0x3;
	[sflag:s2] =	ssyncpa.u1 $0x1  }
0x48: {  	s31 =	simm.s32 $0x1;
	[sflag:s30] =	ssyncpa.u1 $0x1  }
0x49: {  	[sflag:s31] =	ssyncpa.u1 $0x1  }
0x4a: {  	p0 =	sne.s32 s1, $0x0;
	_ =	strace $0x9000005F  }
0x4b: {  	s0 =	sadd.s32 @!p0 $0x100000, s0;
	[bflag:$0x2] =	sbarrier.arrive $0xFFFF  }
0x4c: {  	[sflag:s0] =	ssyncadd.tile.s32 @!p0 $0x1;
	_ =	shalt  }
.Lfunc_end2:
_tile_overlayer_lowered:
.L_overlay_start_2:
0x4d: {  	(tag) =	ssettag $0x2  }
0x4e: {  	s0 =	rddreg [dreg:$0x0];
	s2 =	stileid.u32  }
0x4f: {  	s1 =	rddreg [dreg:$0x1];
	p0 =	sne.s32 s2, $0x0  }
0x50: {  	s3 =	rddreg [dreg:$0x2];
	[bflag:$0x3] =	sbarrier.arrive $0xFFFF;
	s2 =	simm.s32 @!p0 $0x1C01  }
0x51: {  	[timem:s3], [sflag:s2] =	dma.local @!p0 [hbm:s0], s1  }
0x52: {  	s0 =	simm.s32 @!p0 $0x1  }
0x53: {  	_ =	swait.ge @!p0 [sflag:s0], s1  }
0x54: {  	s1 =	ssub.s32 @!p0 $0x0, s1;
	[sflag:s0] =	ssyncset.done @!p0 $0x0  }
0x55: {  	[sflag:s0] =	ssyncadd.s32 @!p0 s1  }
0x56: {  	[bflag:$0x3] =	sbarrier.arrive $0xFFFF  }
0x57: {  	_ =	shalt  }

// kernel: gather_offload_async_start.14
scs
__scs_entry_jumppad:
0x0: {  	(pc) =	sbr.rel $0x88, $3  }
0x1: {  	(tag) =	ssettag $0x0;
	lr =	simm.s32 $0x1  }
0x2: {  	[smem:$0x3F95] =	sst lr;
	_ =	strace $0xD0000000  }
0x3: {  	_ = 	snop  }
0x4: {  	_ = 	snop  }
0x5: {  	_ = 	snop  }
0x6: {  	_ = 	snop  }
0x7: {  	_ = 	snop  }
__scs_overlays_trampoline_lowered:
0x8: {  	[smem:$0x3FA4] =	sst s0  }
0x9: {  	[smem:$0x3FA5] =	sst s1  }
0xa: {  	[smem:$0x3FA6] =	sst s2  }
0xb: {  	[smem:$0x3FA7] =	sst s3  }
0xc: {  	[smem:$0x3FA8] =	sst s4  }
0xd: {  	[smem:$0x3FA9] =	sst s5  }
0xe: {  	[smem:$0x3FAA] =	sst s6  }
0xf: {  	[smem:$0x3FAB] =	sst s7  }
0x10: {  	[smem:$0x3FAC] =	sst s8  }
0x11: {  	[smem:$0x3FAD] =	sst s9;
	s0 =	simm.s32 @!p0 $0x0  }
0x12: {  	s1 =	sld [smem:$0x3F93];
	s0 =	simm.s32 @p0 $0x1  }
0x13: {  	[smem:$0x3FAE] =	sst s0;
	s0 =	simm.s32 @!p1 $0x0  }
0x14: {  	s2 =	sld [smem:$0x3F92];
	s0 =	simm.s32 @p1 $0x1  }
0x15: {  	[smem:$0x3FAF] =	sst s0;
	s0 =	simm.s32 @!p2 $0x0  }
0x16: {  	s3 =	sld [smem:$0x3FDB];
	s0 =	simm.s32 @p2 $0x1  }
0x17: {  	s4 =	simm.s32 $0x1BF5;
	[smem:$0x3FB1] =	sst s0  }
0x18: {  	s0 =	sld [smem:$0x3F94];
	_ =	swait.ge [sflag:s4], $0x0  }
0x19: {  	s7 =	sld [smem:$0x3F95]  }
0x1a: {  	s8 =	sadd.s32 $0xFFFFE003, lr  }
0x1b: {  	s9 =	sadd.s32 $0xFFFFFEF7, lr;
	s5 =	simm.s32 $0xFFFFFFFF;
	p2 =	slt.u32 s8, $0xFFFFF086  }
0x1c: {  	p1 =	slt.u32 s9, $0xF7A;
	s5 =	simm.s32 @!p2 $0x0  }
0x1d: {  	s5 =	simm.s32 @p1 $0x1;
	p0 =	seq.s32 s7, s2  }
0x1e: {  	s7 =	smul.u32 @!p0 $0xF7A, s2;
	p2 =	seq.s32 @!p0 s5, $0x0  }
0x1f: {  	s9 =	smul.u32 $0xF7A, s1;
	s8 =	simm.s32 @!p0 $0x1BF5;
	p2 =	por !p2, p0  }
0x20: {  	[sflag:s8] =	ssyncset.s32 @!p0 $0xFFFFF086;
	s6 =	sadd.s32 @!p0 s3, s7;
	s7 =	simm.s32 @!p0 $0x108  }
0x21: {  	s3 =	sadd.s32 s3, s9;
	s6 =	sadd.s32 @!p0 $0x88, s6;
	s7 =	simm.s32 @p2 $0x1082  }
0x22: {  	[simem:s7], [sflag:s8] =	dma.local @!p0 [hbm:s6], $0xF7A  }
0x23: {  	s9 =	sor.u32 $0xD0000000, s2;
	s6 =	simm.s32 $0x108;
	_ =	swait.ge @!p0 [sflag:s8], $0x0  }
0x24: {  	s3 =	sadd.s32 $0x88, s3;
	s6 =	simm.s32 @!p1 $0x1082;
	[sflag:s4] =	ssyncset.s32 $0xFFFFF086  }
0x25: {  	[simem:s6], [sflag:s4] =	dma.local [hbm:s3], $0xF7A  }
0x26: {  	[smem:$0x3F95] =	sst s1;
	(tag) =	ssettag s2;
	_ =	strace s9  }
0x27: {  	s1 =	sld [smem:$0x3FA5]  }
0x28: {  	s2 =	sld [smem:$0x3FA6]  }
0x29: {  	s4 =	sld [smem:$0x3FA8]  }
0x2a: {  	p0 =	seq.s32 s5, $0x0;
	s5 =	sld [smem:$0x3FA9]  }
0x2b: {  	s6 =	sld [smem:$0x3FAA]  }
0x2c: {  	s7 =	sld [smem:$0x3FAB]  }
0x2d: {  	s3 =	simm.s32 $0x108;
	s8 =	sld [smem:$0x3FAC]  }
0x2e: {  	s3 =	simm.s32 @!p0 $0x1082;
	s9 =	sld [smem:$0x3FAD]  }
0x2f: {  	lr =	sadd.s32 s0, s3;
	s0 =	sld [smem:$0x3FA4]  }
0x30: {  	s3 =	sld [smem:$0x3FA7]  }
0x31: {  	[smem:$0x3FB0] =	sst s10  }
0x32: {  	s10 =	sld [smem:$0x3FAE];
	_ =	sdelay $0x3  }
0x33: {  	p0 =	seq.s32 s10, $0x1;
	s10 =	sld [smem:$0x3FB0];
	_ =	sdelay $0x3  }
0x34: {  	[smem:$0x3FB0] =	sst s10  }
0x35: {  	s10 =	sld [smem:$0x3FAF];
	_ =	sdelay $0x3  }
0x36: {  	p1 =	seq.s32 s10, $0x1;
	s10 =	sld [smem:$0x3FB0];
	_ =	sdelay $0x3  }
0x37: {  	[smem:$0x3FB0] =	sst s10  }
0x38: {  	s10 =	sld [smem:$0x3FB1]  }
0x39: {  	_ = 	snop;
	(pc) =	sbr.ind lr, $3  }
0x3a: {  	_ = 	snop  }
0x3b: {  	_ = 	snop  }
0x3c: {  	p2 =	seq.s32 s10, $0x1;
	s10 =	sld [smem:$0x3FB0]  }
0x3d: {  	_ =	shalt  }
0x3e: {  	_ =	shalt  }
0x3f: {  	_ =	shalt  }
0x40: {  	_ =	shalt  }
0x41: {  	_ =	shalt  }
0x42: {  	_ =	shalt  }
0x43: {  	_ =	shalt  }
0x44: {  	_ =	shalt  }
0x45: {  	_ =	shalt  }
0x46: {  	_ =	shalt  }
0x47: {  	_ =	shalt  }
0x48: {  	_ =	shalt  }
0x49: {  	_ =	shalt  }
0x4a: {  	_ =	shalt  }
0x4b: {  	_ =	shalt  }
0x4c: {  	_ =	shalt  }
0x4d: {  	_ =	shalt  }
0x4e: {  	_ =	shalt  }
0x4f: {  	_ =	shalt  }
0x50: {  	_ =	shalt  }
0x51: {  	_ =	shalt  }
0x52: {  	_ =	shalt  }
0x53: {  	_ =	shalt  }
0x54: {  	_ =	shalt  }
0x55: {  	_ =	shalt  }
0x56: {  	_ =	shalt  }
0x57: {  	_ =	shalt  }
0x58: {  	_ =	shalt  }
0x59: {  	_ =	shalt  }
0x5a: {  	_ =	shalt  }
0x5b: {  	_ =	shalt  }
0x5c: {  	_ =	shalt  }
0x5d: {  	_ =	shalt  }
0x5e: {  	_ =	shalt  }
0x5f: {  	_ =	shalt  }
0x60: {  	_ =	shalt  }
0x61: {  	_ =	shalt  }
0x62: {  	_ =	shalt  }
0x63: {  	_ =	shalt  }
0x64: {  	_ =	shalt  }
0x65: {  	_ =	shalt  }
0x66: {  	_ =	shalt  }
0x67: {  	_ =	shalt  }
0x68: {  	_ =	shalt  }
0x69: {  	_ =	shalt  }
0x6a: {  	_ =	shalt  }
0x6b: {  	_ =	shalt  }
0x6c: {  	_ =	shalt  }
0x6d: {  	_ =	shalt  }
0x6e: {  	_ =	shalt  }
0x6f: {  	_ =	shalt  }
0x70: {  	_ =	shalt  }
0x71: {  	_ =	shalt  }
0x72: {  	_ =	shalt  }
0x73: {  	_ =	shalt  }
0x74: {  	_ =	shalt  }
0x75: {  	_ =	shalt  }
0x76: {  	_ =	shalt  }
0x77: {  	_ =	shalt  }
0x78: {  	_ =	shalt  }
0x79: {  	_ =	shalt  }
0x7a: {  	_ =	shalt  }
0x7b: {  	_ =	shalt  }
0x7c: {  	_ =	shalt  }
0x7d: {  	_ =	shalt  }
0x7e: {  	_ =	shalt  }
0x7f: {  	_ =	shalt  }
0x80: {  	_ =	shalt  }
0x81: {  	_ =	shalt  }
0x82: {  	_ =	shalt  }
0x83: {  	_ =	shalt  }
0x84: {  	_ =	shalt  }
0x85: {  	_ =	shalt  }
0x86: {  	_ =	shalt  }
0x87: {  	_ =	shalt  }
.Lfunc_end0:
.L_simem_size_0:
called_computation.14_lowered:
.L_overlay_start_0:
0x88: {  	s2 =	sld [smem:$0x3FD9]  }
0x89: {  	s3 =	sld [smem:$0x3FFE];
	_ =	sdelay $0x1  }
0x8a: {  	s1 =	srdreg.scid  }
0x8b: {  	s0 =	sand.u32 $0x1, s1  }
0x8c: {  	s17 =	sshll.u32 s0, $0xA;
	s2 =	sadd.s32 s3, s2  }
0x8d: {  	s2 =	sadd.s32 s2, s17  }
0x8e: {  	[smem:$0x3FBC] =	sst s2  }
0x8f: {  	_ = 	snop  }
0x90: {  	s2 =	sld [smem:$0x3FD0];
	_ =	sdelay $0x2  }
0x91: {  	s18 =	simm.s32 $0x10  }
0x92: {  	[smem:s18], [sflag:s18] =	dma.local [hbm:s2], $0x1  }
0x93: {  	_ =	swait.eq [sflag:s18], $0x1  }
0x94: {  	[sflag:s18] =	ssyncset.done $0x0  }
0x95: {  	[sflag:s18] =	ssyncadd.s32 $0xFFFFFFFF  }
0x96: {  	s3 =	sld [smem:$0x11];
	(tm) =	ssettm $0x1  }
0x97: {  	s19 =	sld [smem:$0x3FFB];
	_ =	sdelay $0x3  }
0x98: {  	_ =	strace s19  }
0x99: {  	s2 =	sld [smem:$0x3FFC];
	_ =	sdelay $0x3  }
0x9a: {  	_ =	strace s2  }
0x9b: {  	s2 =	sld [smem:$0x3FFD];
	_ =	sdelay $0x3  }
0x9c: {  	_ =	strace s2  }
0x9d: {  	_ =	strace $0x8FFFFFFF  }
0x9e: {  	s20 =	sld [smem:$0x3FDB];
	_ =	sdelay $0x1  }
0x9f: {  	s4 =	simm.s32 $_scs_section_size  }
0xa0: {  	s5 =	simm.s32 $_size__tile_overlayer_lowered;
	s6 =	simm.s32 $_tile_overlayer_lowered  }
0xa1: {  	s7 =	simm.s32 $0x1BFF;
	s21 =	sshll.u32 s6, $0x1;
	s4 =	sadd.s32 s4, s20  }
0xa2: {  	s22 =	simm.s32 $0x0;
	s5 =	sshll.u32 s5, $0x1;
	s6 =	sadd.s32 s21, s4  }
0xa3: {  	[timem:s22], [sflag:s7] =	dma.local [hbm:s6], s5  }
0xa4: {  	_ =	swait.ge [sflag:s7], s5  }
0xa5: {  	s5 =	ssub.s32 $0x0, s5;
	[sflag:s7] =	ssyncset.done $0x0  }
0xa6: {  	[sflag:s7] =	ssyncadd.s32 s5;
	_ =	sdelay $0x1  }
0xa7: {  	s23 =	simm.s32 $0x1B8B  }
0xa8: {  	_ =	swait.ge [sflag:s23], $0x1  }
0xa9: {  	[sflag:s23] =	ssyncset.done $0x0  }
0xaa: {  	[sflag:s23] =	ssyncadd.s32 $0xFFFFFFFF  }
0xab: {  	s5 =	sld [smem:$0x0]  }
0xac: {  	s6 =	sand.u32 $0xFFFFFFFE, s1  }
0xad: {  	p0 =	sne.s32 s1, s6  }
0xae: {  	s6 =	sshll.u32 @p0 s6, $0xE  }
0xaf: {  	s6 =	sadd.s32 @p0 $0x11B8D, s6;
	s7 =	sshll.u32 @p0 s5, $0x11  }
0xb0: {  	s6 =	sor.u32 @p0 s7, s6  }
0xb1: {  	[sflag:s6] =	ssyncadd.remote.s32 @p0 $0x1;
	_ =	sdelay $0x1  }
0xb2: {  	s6 =	simm.s32 @p0 $0x1B8D  }
0xb3: {  	_ =	swait.eq @p0 [sflag:s6], $0x1  }
0xb4: {  	[sflag:s6] =	ssyncadd.s32 @p0 $0xFFFFFFFF  }
0xb5: {  	s7 =	sshll.u32 @!p0 s1, $0xE  }
0xb6: {  	s7 =	sor.u32 @!p0 $0x4000, s7;
	s6 =	simm.s32 @!p0 $0x1B8D  }
0xb7: {  	s5 =	sshll.u32 @!p0 s5, $0x11;
	s7 =	sadd.s32 @!p0 $0x11B8D, s7;
	_ =	swait.eq @!p0 [sflag:s6], $0x1  }
0xb8: {  	s5 =	sor.u32 @!p0 s5, s7;
	[sflag:s6] =	ssyncadd.s32 @!p0 $0xFFFFFFFF  }
0xb9: {  	s25 =	simm.s32 $0x1B8E;
	s24 =	sld [smem:$0x3FFE];
	[sflag:s5] =	ssyncadd.remote.s32 @!p0 $0x1  }
0xba: {  	s26 =	simm.s32 $execute0_lowered;
	[smem:$0x3FD2] =	sst s25  }
0xbb: {  	s6 =	sshll.u32 s26, $0x1;
	_ =	strace $0x80000055;
	[dreg:$0x1] =	wrdreg $0xFFFFFFFF  }
0xbc: {  	s28 =	simm.s32 $_size_execute0_lowered;
	s4 =	sadd.s32 s4, s6;
	[dreg:$0x0] =	wrdreg $0x0  }
0xbd: {  	s6 =	sshll.u32 s28, $0x1;
	[dreg:$0x2] =	wrdreg s4  }
0xbe: {  	[dreg:$0x3] =	wrdreg s6  }
0xbf: {  	[dreg:$0x4] =	wrdreg $0xC0  }
0xc0: {  	_ =	task [dreg:s22], $0x5FFFF  }
0xc1: {  	[dreg:$0x1] =	wrdreg $0xFFFFFFFF  }
0xc2: {  	[dreg:$0x0] =	wrdreg $0x60  }
0xc3: {  	[dreg:$0x2] =	wrdreg s24  }
0xc4: {  	[dreg:$0x3] =	wrdreg s3  }
0xc5: {  	[dreg:$0x4] =	wrdreg $0xE  }
0xc6: {  	_ =	task.clear_ibuf [dreg:s22], $0x5FFFF;
	_ =	strace $0x90000055  }
0xc7: {  	s29 =	simm.s32 $0xE;
	_ =	strace $0x80000057  }
0xc8: {  	_ =	swait.ge [sflag:s29], $0x1  }
0xc9: {  	[sflag:s29] =	ssyncadd.s32 $0xFFFFFFFF  }
0xca: {  	_ =	strace $0x90000057  }
0xcb: {  	_ =	sfence  }
0xcc: {  	s30 =	sld [smem:$0x0];
	_ =	sdelay $0x2  }
0xcd: {  	s31 =	sshll.u32 s1, $0xD;
	s1 =	sshrl.u32 s1, $0x2  }
0xce: {  	s4 =	sand.u32 $0x4000, s31;
	s1 =	sadd.s32 s1, s30  }
0xcf: {  	s0 =	sor.u32 s4, s0;
	s1 =	sshll.u32 s1, $0x11  }
0xd0: {  	s0 =	sor.u32 s1, s0  }
0xd1: {  	s0 =	sadd.s32 $0x8F2B, s0  }
0xd2: {  	[sflag:s0] =	ssyncadd.remote.s32 $0x1  }
0xd3: {  	_ =	sfence.sel $0xFFFF  }
0xd4: {  	[dreg:$0x0] =	wrdreg $0xFFFFFFFF;
	(pc) =	sbr.abs _section_cstart, $3  }
0xd5: {  	[dreg:$0x1] =	wrdreg $0xFFFFFFFF  }
0xd6: {  	_ =	task.clear_ibuf [dreg:s22], $0x2FFFF;
	_ =	strace $0x9FFFFFFF  }
0xd7: {  	(tm) =	ssettm $0x7FFFFFFF  }
tec
execute0_lowered:
.L_overlay_start_1:
0x0: {  	(tag) =	ssettag $0x1  }
0x1: {  	s1 =	srdreg.scid;
	s5 =	rddreg [dreg:$0x0]  }
0x2: {  	s0 =	stileid.u32;
	s2 =	rddreg [dreg:$0x1];
	s6 =	simm.s32 $0x1  }
0x3: {  	s9 =	simm.s32 $0x1;
	s10 =	simm.s32 $0x3;
	s1 =	sshll.u32 s1, $0x6  }
0x4: {  	s13 =	simm.s32 $0x0;
	s3 =	sshll.u32 s0, $0x7;
	s4 =	sand.u32 $0x40, s1  }
0x5: {  	s12 =	simm.s32 $0x0;
	s1 =	rddreg [dreg:$0x2];
	s3 =	sor.u32 s3, s4  }
0x6: {  	_ =	strace $0x80000056;
	s4 =	sadd.s32 $0x42200, s5;
	s8 =	ssub.s32 $0x1000, s3  }
.Ltmp0:
0x7: {  	s5 =	sadd.s32 $0x12600, s5;
	s7 =	sand.u32 $0x7C0, s8;
	(pc) =	sbr.rel .LBB2_1-.Ltmp0, $4  }
0x8: {  	[sflag:s6] =	ssyncpa.u1 $0x0;
	s11 =	smov.u32 s3;
	p0 =	sne.s32 s7, $0x0  }
0x9: {  	s8 =	sshrl.u32 s8, $0xB;
	s7 =	simm.s32 $0x2;
	s9 =	simm.s32 @!p0 $0x0  }
0xa: {  	[sflag:s7] =	ssyncpa.u1 $0x0;
	p0 =	por $0x0, $0x0;
	s8 =	sadd.s32 s9, s8  }
0xb: {  	vm0 =	vmmov $0xffff;
	[sflag:s10] =	ssyncpa.u1 $0x0;
	s10 =	simm.s32 $0x0;
	s9 =	sadd.s32 $0x1, s8  }
.LBB2_4:
0xc: {  	v5 =	vshrl.u32 v1, $0x5;
	v6 =	vshll.u32 v1, $0x7  }
0xd: {  	vm1 =	veq.s32 v1, $0x80000000;
	v58 =	vand.u32 $0x7F, v5;
	v59 =	vand.u32 $0xF80, v6  }
0xe: {  	v1 =	vsel vm1, $0xFFFFFFFF, v58;
	v5 =	vsel vm1, $0xFFFFFF80, v59  }
0xf: {  	v3 =	vor.u32 v4, v3;
	v60 =	vand.u32 $0xFFFFFC00, v5;
	v61 =	vand.u32 $0xFFFFFC00, v1  }
0x10: {  	v2 =	vor.u32 v2, v3;
	v63 =	vand.u32 $0x380, v5;
	v62 =	vadd.s32 v61, v60  }
0x11: {  	v1 =	vand.u32 $0x7F, v1;
	v3 =	vor.u32 v63, v62  }
0x12: {  	v1 =	vor.u32 v1, v3  }
0x13: {  	[tilespmem:s15], [sflag:$0x1] =	stream.indirect_vreg.gather [hbm4b:s4+s10], $0x1, v0, vm0, $0x4038;
	[tilespmem:$0x100] =	vst v63  }
0x14: {  	(ifvalue) =	ssetifvalue $0x7FFFFFFF  }
0x15: {  	[tilespmem:s16], [sflag:$0x1] =	stream.indirect_vreg.gather [hbm4b:s4+s10], $0x1, v2, vm0, $0x4038;
	[tilespmem:$0x100] =	vst v63  }
0x16: {  	s29 =	sadd.s32 $0x10, s16;
	(ifvalue) =	ssetifvalue $0x7FFFFFFF  }
0x17: {  	[tilespmem:s29], [sflag:$0x1] =	stream.indirect_vreg.gather [hbm4b:s4+s10], $0x1, v1, vm0, $0x4038;
	[tilespmem:$0x100] =	vst v63  }
0x18: {  	_ =	swait.ge [sflag:s6], $0x40  }
0x19: {  	s30 =	sshrl.u32 s13, $0x3;
	[sflag:s6] =	ssyncset.done $0x0  }
0x1a: {  	s31 =	sand.u32 $0x7, s13;
	s15 =	sadd.s32 s5, s30;
	[sflag:s6] =	ssyncadd.s32 $0xFFFFFFC0  }
0x1b: {  	[hbm4b:s15+s31] =	stream.linear.scatter [tilespmem:s14], [sflag:$0x3], $0x40, $0x38;
	[tilespmem:$0x100] =	vst v63  }
.LBB2_5:
0x1c: {  	s15 =	sadd.s32 $0x800, s11  }
0x1d: {  	p2 =	sgt.s32 s15, $0xFFF  }
0x1e: {  	s15 =	smov.u32 @p2 s3;
	p2 =	sne.s32 s12, s9  }
.Ltmp1:
0x1f: {  	p1 =	slt.u32 s12, $0x2;
	(pc) =	sbr.rel @!p2 .LBB2_6-.Ltmp1, $4  }
0x20: {  	s14 =	simm.s32 @!p1 $0x3  }
0x21: {  	s16 =	sadd.s32 $0x1, s12;
	_ =	swait.ge @!p1 [sflag:s14], $0x40  }
0x22: {  	s13 =	smov.u32 s11;
	p0 =	por !p0, !p0;
	[sflag:s14] =	ssyncset.done @!p1 $0x0  }
0x23: {  	s12 =	smov.u32 s16;
	s11 =	smov.u32 s15;
	[sflag:s14] =	ssyncadd.s32 @!p1 $0xFFFFFFC0  }
.LBB2_1:
0x24: {  	p1 =	sge.u32 s12, s8  }
0x25: {  	s14 =	sxor.u32 @!p1 $0xFFFFFFFF, s12  }
0x26: {  	s31 =	sadd.s32 $0xFFFFFFFF, s12;
	s15 =	sshrl.u32 @!p1 s11, $0x3;
	s14 =	sshll.u32 @!p1 s14, $0x6  }
0x27: {  	s16 =	sand.u32 @!p1 $0x7, s11;
	s15 =	sadd.s32 @!p1 s2, s15;
	s14 =	sand.u32 @!p1 $0x40, s14  }
0x28: {  	[tilespmem:s14], [sflag:$0x2] =	stream.linear.gather @!p1 [hbm4b:s15+s16], $0x40, $0x38;
	[tilespmem:$0x100] =	vst v63  }
0x29: {  	p1 =	sge.u32 s31, s8  }
.Ltmp2:
0x2a: {  	_ = 	snop;
	(pc) =	sbr.rel @p1 .LBB2_5-.Ltmp2, $1  }
0x2b: {  	_ =	sdelay $0x3  }
0x2c: {  	s14 =	simm.s32 $0x1  }
0x2d: {  	_ =	swait.ge [sflag:s7], $0x40;
	s14 =	simm.s32 @!p0 $0x0  }
0x2e: {  	[sflag:s7] =	ssyncset.done $0x0;
	s14 =	sshll.u32 s14, $0x6  }
0x2f: {  	[sflag:s7] =	ssyncadd.s32 $0xFFFFFFC0;
	(ifvalue) =	ssetifvalue $0x7FFFFFFF;
	v0 =	vld.msk [tilespmem:s14+$0x0 ss:$0x1], $0xffff;
	_ =	sdelay $0x4  }
0x30: {  	s15 =	sadd.s32 $0x10, s14;
	v2 =	vshrl.u32 v0, $0x5;
	v3 =	vshll.u32 v0, $0x7  }
0x31: {  	v1 =	vld.msk [tilespmem:s15+$0x0 ss:$0x1], $0xffff;
	vm1 =	veq.s32 v0, $0x80000000;
	v0 =	vand.u32 $0x7F, v2;
	v2 =	vand.u32 $0xF80, v3  }
0x32: {  	v0 =	vsel vm1, $0xFFFFFFFF, v0;
	v2 =	vsel vm1, $0xFFFFFF80, v2  }
0x33: {  	v3 =	vand.u32 $0xFFFFFC00, v2;
	v4 =	vand.u32 $0xFFFFFC00, v0  }
0x34: {  	v2 =	vand.u32 $0x380, v2;
	v3 =	vadd.s32 v4, v3  }
0x35: {  	v0 =	vand.u32 $0x7F, v0;
	v2 =	vor.u32 v2, v3  }
0x36: {  	v5 =	vshll.u32 v1, $0x7;
	v4 =	vshrl.u32 v1, $0x5;
	v0 =	vor.u32 v0, v2  }
0x37: {  	s16 =	sshll.u32 s12, $0x6;
	vm1 =	veq.s32 v1, $0x80000000;
	v1 =	vand.u32 $0x7F, v4;
	v4 =	vand.u32 $0xF80, v5  }
0x38: {  	s16 =	sand.u32 $0x40, s16;
	s18 =	sadd.s32 $0x10, s15;
	v3 =	vsel vm1, $0xFFFFFFFF, v1;
	v4 =	vsel vm1, $0xFFFFFF80, v4  }
0x39: {  	s17 =	simm.s32 $0x20;
	s15 =	sor.u32 $0x80, s14;
	s14 =	sor.u32 $0x80, s16;
	v1 =	vld.msk [tilespmem:s18+$0x0 ss:$0x1], $0xffff;
	v5 =	vand.u32 $0xFFFFFC00, v4;
	v6 =	vand.u32 $0xFFFFFC00, v3  }
0x3a: {  	s16 =	sadd.s32 $0x10, s15;
	s18 =	sadd.s32 $0x10, s18;
	(ifvalue) =	ssetifvalue $0x7FFFFFFF;
	v2 =	vand.u32 $0x7F, v3;
	v4 =	vand.u32 $0x380, v4;
	v3 =	vadd.s32 v6, v5  }
.LBB2_3:
0x3b: {  	[tilespmem:s15], [sflag:$0x1] =	stream.indirect_vreg.gather [hbm4b:s4+s10], $0x1, v0, vm0, $0x4038;
	[tilespmem:$0x100] =	vst v63  }
0x3c: {  	s17 =	sadd.s32 $0x10, s17  }
0x3d: {  	v3 =	vor.u32 v4, v3;
	p1 =	slt.u32 s17, $0x30  }
.Ltmp3:
0x3e: {  	v4 =	vshrl.u32 v1, $0x5;
	v5 =	vshll.u32 v1, $0x7;
	s15 =	smov.u32 s16;
	v0 =	vor.u32 v2, v3;
	v2 =	vmovc v1;
	v1 =	vld.msk [tilespmem:s18+$0x0 ss:$0x1], $0xffff;
	(pc) =	sbr.rel @p1 .LBB2_3-.Ltmp3, $4  }
0x3f: {  	v3 =	vand.u32 $0xF80, v5;
	vm1 =	veq.s32 v2, $0x80000000;
	v2 =	vand.u32 $0x7F, v4  }
0x40: {  	v4 =	vsel vm1, $0xFFFFFFFF, v2;
	v5 =	vsel vm1, $0xFFFFFF80, v3  }
0x41: {  	v2 =	vand.u32 $0x7F, v4;
	v3 =	vand.u32 $0xFFFFFC00, v5;
	v4 =	vand.u32 $0xFFFFFC00, v4  }
0x42: {  	s16 =	sadd.s32 $0x10, s16;
	s18 =	sadd.s32 $0x10, s18;
	v3 =	vadd.s32 v4, v3;
	v4 =	vand.u32 $0x380, v5;
	(ifvalue) =	ssetifvalue $0x7FFFFFFF  }
.Ltmp4:
0x43: {  	_ = 	snop;
	(pc) =	sbr.rel .LBB2_4-.Ltmp4, $1  }
0x44: {  	_ =	sdelay $0x3  }
.LBB2_6:
0x45: {  	_ =	sfence.sel $0x180000  }
0x46: {  	s2 =	simm.s32 $0x2;
	[bflag:$0x0] =	sbarrier.arrive $0xFFFF  }
0x47: {  	s30 =	simm.s32 $0x3;
	[sflag:s2] =	ssyncpa.u1 $0x1  }
0x48: {  	s31 =	simm.s32 $0x1;
	[sflag:s30] =	ssyncpa.u1 $0x1  }
0x49: {  	[sflag:s31] =	ssyncpa.u1 $0x1  }
0x4a: {  	p0 =	sne.s32 s0, $0x0;
	_ =	strace $0x90000056  }
0x4b: {  	s0 =	sadd.s32 @!p0 $0x100000, s1;
	[bflag:$0x2] =	sbarrier.arrive $0xFFFF  }
0x4c: {  	[sflag:s0] =	ssyncadd.tile.s32 @!p0 $0x1;
	_ =	shalt  }
.Lfunc_end2:
_tile_overlayer_lowered:
.L_overlay_start_2:
0x4d: {  	(tag) =	ssettag $0x2  }
0x4e: {  	s0 =	rddreg [dreg:$0x0];
	s2 =	stileid.u32  }
0x4f: {  	s1 =	rddreg [dreg:$0x1];
	p0 =	sne.s32 s2, $0x0  }
0x50: {  	s3 =	rddreg [dreg:$0x2];
	[bflag:$0x3] =	sbarrier.arrive $0xFFFF;
	s2 =	simm.s32 @!p0 $0x1C01  }
0x51: {  	[timem:s3], [sflag:s2] =	dma.local @!p0 [hbm:s0], s1  }
0x52: {  	s0 =	simm.s32 @!p0 $0x1  }
0x53: {  	_ =	swait.ge @!p0 [sflag:s0], s1  }
0x54: {  	s1 =	ssub.s32 @!p0 $0x0, s1;
	[sflag:s0] =	ssyncset.done @!p0 $0x0  }
0x55: {  	[sflag:s0] =	ssyncadd.s32 @!p0 s1  }
0x56: {  	[bflag:$0x3] =	sbarrier.arrive $0xFFFF  }
0x57: {  	_ =	shalt  }

// kernel: gather_offload_async_start.15
scs
__scs_entry_jumppad:
0x0: {  	(pc) =	sbr.rel $0x88, $3  }
0x1: {  	(tag) =	ssettag $0x0;
	lr =	simm.s32 $0x1  }
0x2: {  	[smem:$0x3F95] =	sst lr;
	_ =	strace $0xD0000000  }
0x3: {  	_ = 	snop  }
0x4: {  	_ = 	snop  }
0x5: {  	_ = 	snop  }
0x6: {  	_ = 	snop  }
0x7: {  	_ = 	snop  }
__scs_overlays_trampoline_lowered:
0x8: {  	[smem:$0x3FA4] =	sst s0  }
0x9: {  	[smem:$0x3FA5] =	sst s1  }
0xa: {  	[smem:$0x3FA6] =	sst s2  }
0xb: {  	[smem:$0x3FA7] =	sst s3  }
0xc: {  	[smem:$0x3FA8] =	sst s4  }
0xd: {  	[smem:$0x3FA9] =	sst s5  }
0xe: {  	[smem:$0x3FAA] =	sst s6  }
0xf: {  	[smem:$0x3FAB] =	sst s7  }
0x10: {  	[smem:$0x3FAC] =	sst s8  }
0x11: {  	[smem:$0x3FAD] =	sst s9;
	s0 =	simm.s32 @!p0 $0x0  }
0x12: {  	s1 =	sld [smem:$0x3F93];
	s0 =	simm.s32 @p0 $0x1  }
0x13: {  	[smem:$0x3FAE] =	sst s0;
	s0 =	simm.s32 @!p1 $0x0  }
0x14: {  	s2 =	sld [smem:$0x3F92];
	s0 =	simm.s32 @p1 $0x1  }
0x15: {  	[smem:$0x3FAF] =	sst s0;
	s0 =	simm.s32 @!p2 $0x0  }
0x16: {  	s3 =	sld [smem:$0x3FDB];
	s0 =	simm.s32 @p2 $0x1  }
0x17: {  	s4 =	simm.s32 $0x1BF5;
	[smem:$0x3FB1] =	sst s0  }
0x18: {  	s0 =	sld [smem:$0x3F94];
	_ =	swait.ge [sflag:s4], $0x0  }
0x19: {  	s7 =	sld [smem:$0x3F95]  }
0x1a: {  	s8 =	sadd.s32 $0xFFFFE003, lr  }
0x1b: {  	s9 =	sadd.s32 $0xFFFFFEF7, lr;
	s5 =	simm.s32 $0xFFFFFFFF;
	p2 =	slt.u32 s8, $0xFFFFF086  }
0x1c: {  	p1 =	slt.u32 s9, $0xF7A;
	s5 =	simm.s32 @!p2 $0x0  }
0x1d: {  	s5 =	simm.s32 @p1 $0x1;
	p0 =	seq.s32 s7, s2  }
0x1e: {  	s7 =	smul.u32 @!p0 $0xF7A, s2;
	p2 =	seq.s32 @!p0 s5, $0x0  }
0x1f: {  	s9 =	smul.u32 $0xF7A, s1;
	s8 =	simm.s32 @!p0 $0x1BF5;
	p2 =	por !p2, p0  }
0x20: {  	[sflag:s8] =	ssyncset.s32 @!p0 $0xFFFFF086;
	s6 =	sadd.s32 @!p0 s3, s7;
	s7 =	simm.s32 @!p0 $0x108  }
0x21: {  	s3 =	sadd.s32 s3, s9;
	s6 =	sadd.s32 @!p0 $0x88, s6;
	s7 =	simm.s32 @p2 $0x1082  }
0x22: {  	[simem:s7], [sflag:s8] =	dma.local @!p0 [hbm:s6], $0xF7A  }
0x23: {  	s9 =	sor.u32 $0xD0000000, s2;
	s6 =	simm.s32 $0x108;
	_ =	swait.ge @!p0 [sflag:s8], $0x0  }
0x24: {  	s3 =	sadd.s32 $0x88, s3;
	s6 =	simm.s32 @!p1 $0x1082;
	[sflag:s4] =	ssyncset.s32 $0xFFFFF086  }
0x25: {  	[simem:s6], [sflag:s4] =	dma.local [hbm:s3], $0xF7A  }
0x26: {  	[smem:$0x3F95] =	sst s1;
	(tag) =	ssettag s2;
	_ =	strace s9  }
0x27: {  	s1 =	sld [smem:$0x3FA5]  }
0x28: {  	s2 =	sld [smem:$0x3FA6]  }
0x29: {  	s4 =	sld [smem:$0x3FA8]  }
0x2a: {  	p0 =	seq.s32 s5, $0x0;
	s5 =	sld [smem:$0x3FA9]  }
0x2b: {  	s6 =	sld [smem:$0x3FAA]  }
0x2c: {  	s7 =	sld [smem:$0x3FAB]  }
0x2d: {  	s3 =	simm.s32 $0x108;
	s8 =	sld [smem:$0x3FAC]  }
0x2e: {  	s3 =	simm.s32 @!p0 $0x1082;
	s9 =	sld [smem:$0x3FAD]  }
0x2f: {  	lr =	sadd.s32 s0, s3;
	s0 =	sld [smem:$0x3FA4]  }
0x30: {  	s3 =	sld [smem:$0x3FA7]  }
0x31: {  	[smem:$0x3FB0] =	sst s10  }
0x32: {  	s10 =	sld [smem:$0x3FAE];
	_ =	sdelay $0x3  }
0x33: {  	p0 =	seq.s32 s10, $0x1;
	s10 =	sld [smem:$0x3FB0];
	_ =	sdelay $0x3  }
0x34: {  	[smem:$0x3FB0] =	sst s10  }
0x35: {  	s10 =	sld [smem:$0x3FAF];
	_ =	sdelay $0x3  }
0x36: {  	p1 =	seq.s32 s10, $0x1;
	s10 =	sld [smem:$0x3FB0];
	_ =	sdelay $0x3  }
0x37: {  	[smem:$0x3FB0] =	sst s10  }
0x38: {  	s10 =	sld [smem:$0x3FB1]  }
0x39: {  	_ = 	snop;
	(pc) =	sbr.ind lr, $3  }
0x3a: {  	_ = 	snop  }
0x3b: {  	_ = 	snop  }
0x3c: {  	p2 =	seq.s32 s10, $0x1;
	s10 =	sld [smem:$0x3FB0]  }
0x3d: {  	_ =	shalt  }
0x3e: {  	_ =	shalt  }
0x3f: {  	_ =	shalt  }
0x40: {  	_ =	shalt  }
0x41: {  	_ =	shalt  }
0x42: {  	_ =	shalt  }
0x43: {  	_ =	shalt  }
0x44: {  	_ =	shalt  }
0x45: {  	_ =	shalt  }
0x46: {  	_ =	shalt  }
0x47: {  	_ =	shalt  }
0x48: {  	_ =	shalt  }
0x49: {  	_ =	shalt  }
0x4a: {  	_ =	shalt  }
0x4b: {  	_ =	shalt  }
0x4c: {  	_ =	shalt  }
0x4d: {  	_ =	shalt  }
0x4e: {  	_ =	shalt  }
0x4f: {  	_ =	shalt  }
0x50: {  	_ =	shalt  }
0x51: {  	_ =	shalt  }
0x52: {  	_ =	shalt  }
0x53: {  	_ =	shalt  }
0x54: {  	_ =	shalt  }
0x55: {  	_ =	shalt  }
0x56: {  	_ =	shalt  }
0x57: {  	_ =	shalt  }
0x58: {  	_ =	shalt  }
0x59: {  	_ =	shalt  }
0x5a: {  	_ =	shalt  }
0x5b: {  	_ =	shalt  }
0x5c: {  	_ =	shalt  }
0x5d: {  	_ =	shalt  }
0x5e: {  	_ =	shalt  }
0x5f: {  	_ =	shalt  }
0x60: {  	_ =	shalt  }
0x61: {  	_ =	shalt  }
0x62: {  	_ =	shalt  }
0x63: {  	_ =	shalt  }
0x64: {  	_ =	shalt  }
0x65: {  	_ =	shalt  }
0x66: {  	_ =	shalt  }
0x67: {  	_ =	shalt  }
0x68: {  	_ =	shalt  }
0x69: {  	_ =	shalt  }
0x6a: {  	_ =	shalt  }
0x6b: {  	_ =	shalt  }
0x6c: {  	_ =	shalt  }
0x6d: {  	_ =	shalt  }
0x6e: {  	_ =	shalt  }
0x6f: {  	_ =	shalt  }
0x70: {  	_ =	shalt  }
0x71: {  	_ =	shalt  }
0x72: {  	_ =	shalt  }
0x73: {  	_ =	shalt  }
0x74: {  	_ =	shalt  }
0x75: {  	_ =	shalt  }
0x76: {  	_ =	shalt  }
0x77: {  	_ =	shalt  }
0x78: {  	_ =	shalt  }
0x79: {  	_ =	shalt  }
0x7a: {  	_ =	shalt  }
0x7b: {  	_ =	shalt  }
0x7c: {  	_ =	shalt  }
0x7d: {  	_ =	shalt  }
0x7e: {  	_ =	shalt  }
0x7f: {  	_ =	shalt  }
0x80: {  	_ =	shalt  }
0x81: {  	_ =	shalt  }
0x82: {  	_ =	shalt  }
0x83: {  	_ =	shalt  }
0x84: {  	_ =	shalt  }
0x85: {  	_ =	shalt  }
0x86: {  	_ =	shalt  }
0x87: {  	_ =	shalt  }
.Lfunc_end0:
.L_simem_size_0:
called_computation.15_lowered:
.L_overlay_start_0:
0x88: {  	s2 =	sld [smem:$0x3FD9]  }
0x89: {  	s3 =	sld [smem:$0x3FFE];
	_ =	sdelay $0x1  }
0x8a: {  	s1 =	srdreg.scid  }
0x8b: {  	s0 =	sand.u32 $0x1, s1  }
0x8c: {  	s17 =	sshll.u32 s0, $0xA;
	s2 =	sadd.s32 s3, s2  }
0x8d: {  	s2 =	sadd.s32 s2, s17  }
0x8e: {  	[smem:$0x3FBC] =	sst s2  }
0x8f: {  	_ = 	snop  }
0x90: {  	(tm) =	ssettm $0x1  }
0x91: {  	s18 =	sld [smem:$0x3FFB];
	_ =	sdelay $0x3  }
0x92: {  	_ =	strace s18  }
0x93: {  	s2 =	sld [smem:$0x3FFC];
	_ =	sdelay $0x3  }
0x94: {  	_ =	strace s2  }
0x95: {  	s2 =	sld [smem:$0x3FFD];
	_ =	sdelay $0x3  }
0x96: {  	_ =	strace s2  }
0x97: {  	_ =	strace $0x8FFFFFFF  }
0x98: {  	s19 =	sld [smem:$0x3FDB];
	_ =	sdelay $0x1  }
0x99: {  	s20 =	simm.s32 $_scs_section_size  }
0x9a: {  	s4 =	simm.s32 $_size__tile_overlayer_lowered;
	s5 =	simm.s32 $_tile_overlayer_lowered  }
0x9b: {  	s6 =	simm.s32 $0x1BFF;
	s21 =	sshll.u32 s5, $0x1;
	s3 =	sadd.s32 s20, s19  }
0x9c: {  	s22 =	simm.s32 $0x0;
	s4 =	sshll.u32 s4, $0x1;
	s5 =	sadd.s32 s21, s3  }
0x9d: {  	[timem:s22], [sflag:s6] =	dma.local [hbm:s5], s4  }
0x9e: {  	_ =	swait.ge [sflag:s6], s4  }
0x9f: {  	s4 =	ssub.s32 $0x0, s4;
	[sflag:s6] =	ssyncset.done $0x0  }
0xa0: {  	[sflag:s6] =	ssyncadd.s32 s4;
	_ =	sdelay $0x1  }
0xa1: {  	s23 =	simm.s32 $0x1B8B  }
0xa2: {  	_ =	swait.ge [sflag:s23], $0x1  }
0xa3: {  	[sflag:s23] =	ssyncset.done $0x0  }
0xa4: {  	[sflag:s23] =	ssyncadd.s32 $0xFFFFFFFF  }
0xa5: {  	s4 =	sld [smem:$0x0]  }
0xa6: {  	s5 =	sand.u32 $0xFFFFFFFE, s1  }
0xa7: {  	p0 =	sne.s32 s1, s5  }
0xa8: {  	s5 =	sshll.u32 @p0 s5, $0xE  }
0xa9: {  	s5 =	sadd.s32 @p0 $0x11B8D, s5;
	s6 =	sshll.u32 @p0 s4, $0x11  }
0xaa: {  	s5 =	sor.u32 @p0 s6, s5  }
0xab: {  	[sflag:s5] =	ssyncadd.remote.s32 @p0 $0x1;
	_ =	sdelay $0x1  }
0xac: {  	s5 =	simm.s32 @p0 $0x1B8D  }
0xad: {  	_ =	swait.eq @p0 [sflag:s5], $0x1  }
0xae: {  	[sflag:s5] =	ssyncadd.s32 @p0 $0xFFFFFFFF  }
0xaf: {  	s6 =	sshll.u32 @!p0 s1, $0xE  }
0xb0: {  	s6 =	sor.u32 @!p0 $0x4000, s6;
	s5 =	simm.s32 @!p0 $0x1B8D  }
0xb1: {  	s4 =	sshll.u32 @!p0 s4, $0x11;
	s6 =	sadd.s32 @!p0 $0x11B8D, s6;
	_ =	swait.eq @!p0 [sflag:s5], $0x1  }
0xb2: {  	s4 =	sor.u32 @!p0 s4, s6;
	[sflag:s5] =	ssyncadd.s32 @!p0 $0xFFFFFFFF  }
0xb3: {  	s25 =	simm.s32 $0x1B8E;
	s24 =	sld [smem:$0x3FFE];
	[sflag:s4] =	ssyncadd.remote.s32 @!p0 $0x1  }
0xb4: {  	s26 =	simm.s32 $execute0_lowered;
	[smem:$0x3FD2] =	sst s25  }
0xb5: {  	s5 =	sshll.u32 s26, $0x1;
	_ =	strace $0x80000058;
	[dreg:$0x1] =	wrdreg $0xFFFFFFFF  }
0xb6: {  	s28 =	simm.s32 $_size_execute0_lowered;
	s3 =	sadd.s32 s3, s5;
	[dreg:$0x0] =	wrdreg $0x0  }
0xb7: {  	s5 =	sshll.u32 s28, $0x1;
	[dreg:$0x2] =	wrdreg s3  }
0xb8: {  	[dreg:$0x3] =	wrdreg s5  }
0xb9: {  	[dreg:$0x4] =	wrdreg $0xC0  }
0xba: {  	_ =	task [dreg:s22], $0x5FFFF  }
0xbb: {  	[dreg:$0x1] =	wrdreg $0xFFFFFFFF  }
0xbc: {  	[dreg:$0x0] =	wrdreg $0x60  }
0xbd: {  	[dreg:$0x2] =	wrdreg s24  }
0xbe: {  	[dreg:$0x3] =	wrdreg $0xF  }
0xbf: {  	_ =	task.clear_ibuf [dreg:s22], $0x4FFFF;
	_ =	strace $0x90000058  }
0xc0: {  	s29 =	simm.s32 $0xF;
	_ =	strace $0x8000005A  }
0xc1: {  	_ =	swait.ge [sflag:s29], $0x1  }
0xc2: {  	[sflag:s29] =	ssyncadd.s32 $0xFFFFFFFF  }
0xc3: {  	_ =	strace $0x9000005A  }
0xc4: {  	_ =	sfence  }
0xc5: {  	s30 =	sld [smem:$0x0];
	_ =	sdelay $0x2  }
0xc6: {  	s31 =	sshll.u32 s1, $0xD;
	s1 =	sshrl.u32 s1, $0x2  }
0xc7: {  	s4 =	sand.u32 $0x4000, s31;
	s1 =	sadd.s32 s1, s30  }
0xc8: {  	s0 =	sor.u32 s4, s0;
	s1 =	sshll.u32 s1, $0x11  }
0xc9: {  	s0 =	sor.u32 s1, s0  }
0xca: {  	s0 =	sadd.s32 $0x8F2B, s0  }
0xcb: {  	[sflag:s0] =	ssyncadd.remote.s32 $0x1  }
0xcc: {  	_ =	sfence.sel $0xFFFF  }
0xcd: {  	[dreg:$0x0] =	wrdreg $0xFFFFFFFF;
	(pc) =	sbr.abs _section_cstart, $3  }
0xce: {  	[dreg:$0x1] =	wrdreg $0xFFFFFFFF  }
0xcf: {  	_ =	task.clear_ibuf [dreg:s22], $0x2FFFF;
	_ =	strace $0x9FFFFFFF  }
0xd0: {  	(tm) =	ssettm $0x7FFFFFFF  }
0xd1: {  	_ =	shalt  }
tec
execute0_lowered:
.L_overlay_start_1:
0x0: {  	(tag) =	ssettag $0x1  }
0x1: {  	s0 =	srdreg.scid;
	s5 =	rddreg [dreg:$0x0]  }
0x2: {  	s1 =	stileid.u32;
	s6 =	simm.s32 $0x1;
	s9 =	simm.s32 $0x1  }
0x3: {  	s10 =	simm.s32 $0x3;
	s13 =	simm.s32 $0x0;
	s2 =	sshll.u32 s0, $0x6  }
0x4: {  	s12 =	simm.s32 $0x0;
	s3 =	sshll.u32 s1, $0x7;
	s2 =	sand.u32 $0x40, s2  }
0x5: {  	s0 =	rddreg [dreg:$0x1];
	_ =	strace $0x80000059;
	s2 =	sor.u32 s3, s2  }
0x6: {  	s4 =	sadd.s32 $0x2200, s5;
	[sflag:s6] =	ssyncpa.u1 $0x0;
	s8 =	ssub.s32 $0x1000, s2  }
.Ltmp0:
0x7: {  	s3 =	sadd.s32 $0x42400, s5;
	s7 =	sand.u32 $0x7C0, s8;
	(pc) =	sbr.rel .LBB2_1-.Ltmp0, $4  }
0x8: {  	s5 =	sadd.s32 $0x12800, s5;
	s11 =	smov.u32 s2;
	p0 =	sne.s32 s7, $0x0  }
0x9: {  	s8 =	sshrl.u32 s8, $0xB;
	s7 =	simm.s32 $0x2;
	s9 =	simm.s32 @!p0 $0x0  }
0xa: {  	[sflag:s7] =	ssyncpa.u1 $0x0;
	p0 =	por $0x0, $0x0;
	s8 =	sadd.s32 s9, s8  }
0xb: {  	vm0 =	vmmov $0xffff;
	[sflag:s10] =	ssyncpa.u1 $0x0;
	s10 =	simm.s32 $0x0;
	s9 =	sadd.s32 $0x1, s8  }
.LBB2_4:
0xc: {  	v5 =	vshrl.u32 v1, $0x5;
	v6 =	vshll.u32 v1, $0x7  }
0xd: {  	vm1 =	veq.s32 v1, $0x80000000;
	v58 =	vand.u32 $0x7F, v5;
	v59 =	vand.u32 $0xF80, v6  }
0xe: {  	v1 =	vsel vm1, $0xFFFFFFFF, v58;
	v5 =	vsel vm1, $0xFFFFFF80, v59  }
0xf: {  	v3 =	vor.u32 v4, v3;
	v60 =	vand.u32 $0xFFFFFC00, v5;
	v61 =	vand.u32 $0xFFFFFC00, v1  }
0x10: {  	v2 =	vor.u32 v2, v3;
	v63 =	vand.u32 $0x380, v5;
	v62 =	vadd.s32 v61, v60  }
0x11: {  	v1 =	vand.u32 $0x7F, v1;
	v3 =	vor.u32 v63, v62  }
0x12: {  	v1 =	vor.u32 v1, v3  }
0x13: {  	[tilespmem:s15], [sflag:$0x1] =	stream.indirect_vreg.gather [hbm4b:s3+s10], $0x1, v0, vm0, $0x4038;
	[tilespmem:$0x100] =	vst v63  }
0x14: {  	(ifvalue) =	ssetifvalue $0x7FFFFFFF  }
0x15: {  	[tilespmem:s16], [sflag:$0x1] =	stream.indirect_vreg.gather [hbm4b:s3+s10], $0x1, v2, vm0, $0x4038;
	[tilespmem:$0x100] =	vst v63  }
0x16: {  	s29 =	sadd.s32 $0x10, s16;
	(ifvalue) =	ssetifvalue $0x7FFFFFFF  }
0x17: {  	[tilespmem:s29], [sflag:$0x1] =	stream.indirect_vreg.gather [hbm4b:s3+s10], $0x1, v1, vm0, $0x4038;
	[tilespmem:$0x100] =	vst v63  }
0x18: {  	_ =	swait.ge [sflag:s6], $0x40  }
0x19: {  	s30 =	sshrl.u32 s13, $0x3;
	[sflag:s6] =	ssyncset.done $0x0  }
0x1a: {  	s31 =	sand.u32 $0x7, s13;
	s15 =	sadd.s32 s5, s30;
	[sflag:s6] =	ssyncadd.s32 $0xFFFFFFC0  }
0x1b: {  	[hbm4b:s15+s31] =	stream.linear.scatter [tilespmem:s14], [sflag:$0x3], $0x40, $0x38;
	[tilespmem:$0x100] =	vst v63  }
.LBB2_5:
0x1c: {  	s15 =	sadd.s32 $0x800, s11  }
0x1d: {  	p2 =	sgt.s32 s15, $0xFFF  }
0x1e: {  	s15 =	smov.u32 @p2 s2;
	p2 =	sne.s32 s12, s9  }
.Ltmp1:
0x1f: {  	p1 =	slt.u32 s12, $0x2;
	(pc) =	sbr.rel @!p2 .LBB2_6-.Ltmp1, $4  }
0x20: {  	s14 =	simm.s32 @!p1 $0x3  }
0x21: {  	s16 =	sadd.s32 $0x1, s12;
	_ =	swait.ge @!p1 [sflag:s14], $0x40  }
0x22: {  	s13 =	smov.u32 s11;
	p0 =	por !p0, !p0;
	[sflag:s14] =	ssyncset.done @!p1 $0x0  }
0x23: {  	s12 =	smov.u32 s16;
	s11 =	smov.u32 s15;
	[sflag:s14] =	ssyncadd.s32 @!p1 $0xFFFFFFC0  }
.LBB2_1:
0x24: {  	p1 =	sge.u32 s12, s8  }
0x25: {  	s14 =	sxor.u32 @!p1 $0xFFFFFFFF, s12  }
0x26: {  	s31 =	sadd.s32 $0xFFFFFFFF, s12;
	s15 =	sshrl.u32 @!p1 s11, $0x3;
	s14 =	sshll.u32 @!p1 s14, $0x6  }
0x27: {  	s16 =	sand.u32 @!p1 $0x7, s11;
	s15 =	sadd.s32 @!p1 s4, s15;
	s14 =	sand.u32 @!p1 $0x40, s14  }
0x28: {  	[tilespmem:s14], [sflag:$0x2] =	stream.linear.gather @!p1 [hbm4b:s15+s16], $0x40, $0x38;
	[tilespmem:$0x100] =	vst v63  }
0x29: {  	p1 =	sge.u32 s31, s8  }
.Ltmp2:
0x2a: {  	_ = 	snop;
	(pc) =	sbr.rel @p1 .LBB2_5-.Ltmp2, $1  }
0x2b: {  	_ =	sdelay $0x3  }
0x2c: {  	s14 =	simm.s32 $0x1  }
0x2d: {  	_ =	swait.ge [sflag:s7], $0x40;
	s14 =	simm.s32 @!p0 $0x0  }
0x2e: {  	[sflag:s7] =	ssyncset.done $0x0;
	s14 =	sshll.u32 s14, $0x6  }
0x2f: {  	[sflag:s7] =	ssyncadd.s32 $0xFFFFFFC0;
	(ifvalue) =	ssetifvalue $0x7FFFFFFF;
	v0 =	vld.msk [tilespmem:s14+$0x0 ss:$0x1], $0xffff;
	_ =	sdelay $0x4  }
0x30: {  	s15 =	sadd.s32 $0x10, s14;
	v2 =	vshrl.u32 v0, $0x5;
	v3 =	vshll.u32 v0, $0x7  }
0x31: {  	v1 =	vld.msk [tilespmem:s15+$0x0 ss:$0x1], $0xffff;
	vm1 =	veq.s32 v0, $0x80000000;
	v0 =	vand.u32 $0x7F, v2;
	v2 =	vand.u32 $0xF80, v3  }
0x32: {  	v0 =	vsel vm1, $0xFFFFFFFF, v0;
	v2 =	vsel vm1, $0xFFFFFF80, v2  }
0x33: {  	v3 =	vand.u32 $0xFFFFFC00, v2;
	v4 =	vand.u32 $0xFFFFFC00, v0  }
0x34: {  	v2 =	vand.u32 $0x380, v2;
	v3 =	vadd.s32 v4, v3  }
0x35: {  	v0 =	vand.u32 $0x7F, v0;
	v2 =	vor.u32 v2, v3  }
0x36: {  	v5 =	vshll.u32 v1, $0x7;
	v4 =	vshrl.u32 v1, $0x5;
	v0 =	vor.u32 v0, v2  }
0x37: {  	s16 =	sshll.u32 s12, $0x6;
	vm1 =	veq.s32 v1, $0x80000000;
	v1 =	vand.u32 $0x7F, v4;
	v4 =	vand.u32 $0xF80, v5  }
0x38: {  	s16 =	sand.u32 $0x40, s16;
	s18 =	sadd.s32 $0x10, s15;
	v3 =	vsel vm1, $0xFFFFFFFF, v1;
	v4 =	vsel vm1, $0xFFFFFF80, v4  }
0x39: {  	s17 =	simm.s32 $0x20;
	s15 =	sor.u32 $0x80, s14;
	s14 =	sor.u32 $0x80, s16;
	v1 =	vld.msk [tilespmem:s18+$0x0 ss:$0x1], $0xffff;
	v5 =	vand.u32 $0xFFFFFC00, v4;
	v6 =	vand.u32 $0xFFFFFC00, v3  }
0x3a: {  	s16 =	sadd.s32 $0x10, s15;
	s18 =	sadd.s32 $0x10, s18;
	(ifvalue) =	ssetifvalue $0x7FFFFFFF;
	v2 =	vand.u32 $0x7F, v3;
	v4 =	vand.u32 $0x380, v4;
	v3 =	vadd.s32 v6, v5  }
.LBB2_3:
0x3b: {  	[tilespmem:s15], [sflag:$0x1] =	stream.indirect_vreg.gather [hbm4b:s3+s10], $0x1, v0, vm0, $0x4038;
	[tilespmem:$0x100] =	vst v63  }
0x3c: {  	s17 =	sadd.s32 $0x10, s17  }
0x3d: {  	v3 =	vor.u32 v4, v3;
	p1 =	slt.u32 s17, $0x30  }
.Ltmp3:
0x3e: {  	v4 =	vshrl.u32 v1, $0x5;
	v5 =	vshll.u32 v1, $0x7;
	s15 =	smov.u32 s16;
	v0 =	vor.u32 v2, v3;
	v2 =	vmovc v1;
	v1 =	vld.msk [tilespmem:s18+$0x0 ss:$0x1], $0xffff;
	(pc) =	sbr.rel @p1 .LBB2_3-.Ltmp3, $4  }
0x3f: {  	v3 =	vand.u32 $0xF80, v5;
	vm1 =	veq.s32 v2, $0x80000000;
	v2 =	vand.u32 $0x7F, v4  }
0x40: {  	v4 =	vsel vm1, $0xFFFFFFFF, v2;
	v5 =	vsel vm1, $0xFFFFFF80, v3  }
0x41: {  	v2 =	vand.u32 $0x7F, v4;
	v3 =	vand.u32 $0xFFFFFC00, v5;
	v4 =	vand.u32 $0xFFFFFC00, v4  }
0x42: {  	s16 =	sadd.s32 $0x10, s16;
	s18 =	sadd.s32 $0x10, s18;
	v3 =	vadd.s32 v4, v3;
	v4 =	vand.u32 $0x380, v5;
	(ifvalue) =	ssetifvalue $0x7FFFFFFF  }
.Ltmp4:
0x43: {  	_ = 	snop;
	(pc) =	sbr.rel .LBB2_4-.Ltmp4, $1  }
0x44: {  	_ =	sdelay $0x3  }
.LBB2_6:
0x45: {  	_ =	sfence.sel $0x180000  }
0x46: {  	s2 =	simm.s32 $0x2;
	[bflag:$0x0] =	sbarrier.arrive $0xFFFF  }
0x47: {  	s30 =	simm.s32 $0x3;
	[sflag:s2] =	ssyncpa.u1 $0x1  }
0x48: {  	s31 =	simm.s32 $0x1;
	[sflag:s30] =	ssyncpa.u1 $0x1  }
0x49: {  	[sflag:s31] =	ssyncpa.u1 $0x1  }
0x4a: {  	p0 =	sne.s32 s1, $0x0;
	_ =	strace $0x90000059  }
0x4b: {  	s0 =	sadd.s32 @!p0 $0x100000, s0;
	[bflag:$0x2] =	sbarrier.arrive $0xFFFF  }
0x4c: {  	[sflag:s0] =	ssyncadd.tile.s32 @!p0 $0x1;
	_ =	shalt  }
.Lfunc_end2:
_tile_overlayer_lowered:
.L_overlay_start_2:
0x4d: {  	(tag) =	ssettag $0x2  }
0x4e: {  	s0 =	rddreg [dreg:$0x0];
	s2 =	stileid.u32  }
0x4f: {  	s1 =	rddreg [dreg:$0x1];
	p0 =	sne.s32 s2, $0x0  }
0x50: {  	s3 =	rddreg [dreg:$0x2];
	[bflag:$0x3] =	sbarrier.arrive $0xFFFF;
	s2 =	simm.s32 @!p0 $0x1C01  }
0x51: {  	[timem:s3], [sflag:s2] =	dma.local @!p0 [hbm:s0], s1  }
0x52: {  	s0 =	simm.s32 @!p0 $0x1  }
0x53: {  	_ =	swait.ge @!p0 [sflag:s0], s1  }
0x54: {  	s1 =	ssub.s32 @!p0 $0x0, s1;
	[sflag:s0] =	ssyncset.done @!p0 $0x0  }
0x55: {  	[sflag:s0] =	ssyncadd.s32 @!p0 s1  }
0x56: {  	[bflag:$0x3] =	sbarrier.arrive $0xFFFF  }
0x57: {  	_ =	shalt  }

// kernel: gather_offload_async_start.16
scs
__scs_entry_jumppad:
0x0: {  	(pc) =	sbr.rel $0x88, $3  }
0x1: {  	(tag) =	ssettag $0x0;
	lr =	simm.s32 $0x1  }
0x2: {  	[smem:$0x3F95] =	sst lr;
	_ =	strace $0xD0000000  }
0x3: {  	_ = 	snop  }
0x4: {  	_ = 	snop  }
0x5: {  	_ = 	snop  }
0x6: {  	_ = 	snop  }
0x7: {  	_ = 	snop  }
__scs_overlays_trampoline_lowered:
0x8: {  	[smem:$0x3FA4] =	sst s0  }
0x9: {  	[smem:$0x3FA5] =	sst s1  }
0xa: {  	[smem:$0x3FA6] =	sst s2  }
0xb: {  	[smem:$0x3FA7] =	sst s3  }
0xc: {  	[smem:$0x3FA8] =	sst s4  }
0xd: {  	[smem:$0x3FA9] =	sst s5  }
0xe: {  	[smem:$0x3FAA] =	sst s6  }
0xf: {  	[smem:$0x3FAB] =	sst s7  }
0x10: {  	[smem:$0x3FAC] =	sst s8  }
0x11: {  	[smem:$0x3FAD] =	sst s9;
	s0 =	simm.s32 @!p0 $0x0  }
0x12: {  	s1 =	sld [smem:$0x3F93];
	s0 =	simm.s32 @p0 $0x1  }
0x13: {  	[smem:$0x3FAE] =	sst s0;
	s0 =	simm.s32 @!p1 $0x0  }
0x14: {  	s2 =	sld [smem:$0x3F92];
	s0 =	simm.s32 @p1 $0x1  }
0x15: {  	[smem:$0x3FAF] =	sst s0;
	s0 =	simm.s32 @!p2 $0x0  }
0x16: {  	s3 =	sld [smem:$0x3FDB];
	s0 =	simm.s32 @p2 $0x1  }
0x17: {  	s4 =	simm.s32 $0x1BF5;
	[smem:$0x3FB1] =	sst s0  }
0x18: {  	s0 =	sld [smem:$0x3F94];
	_ =	swait.ge [sflag:s4], $0x0  }
0x19: {  	s7 =	sld [smem:$0x3F95]  }
0x1a: {  	s8 =	sadd.s32 $0xFFFFE003, lr  }
0x1b: {  	s9 =	sadd.s32 $0xFFFFFEF7, lr;
	s5 =	simm.s32 $0xFFFFFFFF;
	p2 =	slt.u32 s8, $0xFFFFF086  }
0x1c: {  	p1 =	slt.u32 s9, $0xF7A;
	s5 =	simm.s32 @!p2 $0x0  }
0x1d: {  	s5 =	simm.s32 @p1 $0x1;
	p0 =	seq.s32 s7, s2  }
0x1e: {  	s7 =	smul.u32 @!p0 $0xF7A, s2;
	p2 =	seq.s32 @!p0 s5, $0x0  }
0x1f: {  	s9 =	smul.u32 $0xF7A, s1;
	s8 =	simm.s32 @!p0 $0x1BF5;
	p2 =	por !p2, p0  }
0x20: {  	[sflag:s8] =	ssyncset.s32 @!p0 $0xFFFFF086;
	s6 =	sadd.s32 @!p0 s3, s7;
	s7 =	simm.s32 @!p0 $0x108  }
0x21: {  	s3 =	sadd.s32 s3, s9;
	s6 =	sadd.s32 @!p0 $0x88, s6;
	s7 =	simm.s32 @p2 $0x1082  }
0x22: {  	[simem:s7], [sflag:s8] =	dma.local @!p0 [hbm:s6], $0xF7A  }
0x23: {  	s9 =	sor.u32 $0xD0000000, s2;
	s6 =	simm.s32 $0x108;
	_ =	swait.ge @!p0 [sflag:s8], $0x0  }
0x24: {  	s3 =	sadd.s32 $0x88, s3;
	s6 =	simm.s32 @!p1 $0x1082;
	[sflag:s4] =	ssyncset.s32 $0xFFFFF086  }
0x25: {  	[simem:s6], [sflag:s4] =	dma.local [hbm:s3], $0xF7A  }
0x26: {  	[smem:$0x3F95] =	sst s1;
	(tag) =	ssettag s2;
	_ =	strace s9  }
0x27: {  	s1 =	sld [smem:$0x3FA5]  }
0x28: {  	s2 =	sld [smem:$0x3FA6]  }
0x29: {  	s4 =	sld [smem:$0x3FA8]  }
0x2a: {  	p0 =	seq.s32 s5, $0x0;
	s5 =	sld [smem:$0x3FA9]  }
0x2b: {  	s6 =	sld [smem:$0x3FAA]  }
0x2c: {  	s7 =	sld [smem:$0x3FAB]  }
0x2d: {  	s3 =	simm.s32 $0x108;
	s8 =	sld [smem:$0x3FAC]  }
0x2e: {  	s3 =	simm.s32 @!p0 $0x1082;
	s9 =	sld [smem:$0x3FAD]  }
0x2f: {  	lr =	sadd.s32 s0, s3;
	s0 =	sld [smem:$0x3FA4]  }
0x30: {  	s3 =	sld [smem:$0x3FA7]  }
0x31: {  	[smem:$0x3FB0] =	sst s10  }
0x32: {  	s10 =	sld [smem:$0x3FAE];
	_ =	sdelay $0x3  }
0x33: {  	p0 =	seq.s32 s10, $0x1;
	s10 =	sld [smem:$0x3FB0];
	_ =	sdelay $0x3  }
0x34: {  	[smem:$0x3FB0] =	sst s10  }
0x35: {  	s10 =	sld [smem:$0x3FAF];
	_ =	sdelay $0x3  }
0x36: {  	p1 =	seq.s32 s10, $0x1;
	s10 =	sld [smem:$0x3FB0];
	_ =	sdelay $0x3  }
0x37: {  	[smem:$0x3FB0] =	sst s10  }
0x38: {  	s10 =	sld [smem:$0x3FB1]  }
0x39: {  	_ = 	snop;
	(pc) =	sbr.ind lr, $3  }
0x3a: {  	_ = 	snop  }
0x3b: {  	_ = 	snop  }
0x3c: {  	p2 =	seq.s32 s10, $0x1;
	s10 =	sld [smem:$0x3FB0]  }
0x3d: {  	_ =	shalt  }
0x3e: {  	_ =	shalt  }
0x3f: {  	_ =	shalt  }
0x40: {  	_ =	shalt  }
0x41: {  	_ =	shalt  }
0x42: {  	_ =	shalt  }
0x43: {  	_ =	shalt  }
0x44: {  	_ =	shalt  }
0x45: {  	_ =	shalt  }
0x46: {  	_ =	shalt  }
0x47: {  	_ =	shalt  }
0x48: {  	_ =	shalt  }
0x49: {  	_ =	shalt  }
0x4a: {  	_ =	shalt  }
0x4b: {  	_ =	shalt  }
0x4c: {  	_ =	shalt  }
0x4d: {  	_ =	shalt  }
0x4e: {  	_ =	shalt  }
0x4f: {  	_ =	shalt  }
0x50: {  	_ =	shalt  }
0x51: {  	_ =	shalt  }
0x52: {  	_ =	shalt  }
0x53: {  	_ =	shalt  }
0x54: {  	_ =	shalt  }
0x55: {  	_ =	shalt  }
0x56: {  	_ =	shalt  }
0x57: {  	_ =	shalt  }
0x58: {  	_ =	shalt  }
0x59: {  	_ =	shalt  }
0x5a: {  	_ =	shalt  }
0x5b: {  	_ =	shalt  }
0x5c: {  	_ =	shalt  }
0x5d: {  	_ =	shalt  }
0x5e: {  	_ =	shalt  }
0x5f: {  	_ =	shalt  }
0x60: {  	_ =	shalt  }
0x61: {  	_ =	shalt  }
0x62: {  	_ =	shalt  }
0x63: {  	_ =	shalt  }
0x64: {  	_ =	shalt  }
0x65: {  	_ =	shalt  }
0x66: {  	_ =	shalt  }
0x67: {  	_ =	shalt  }
0x68: {  	_ =	shalt  }
0x69: {  	_ =	shalt  }
0x6a: {  	_ =	shalt  }
0x6b: {  	_ =	shalt  }
0x6c: {  	_ =	shalt  }
0x6d: {  	_ =	shalt  }
0x6e: {  	_ =	shalt  }
0x6f: {  	_ =	shalt  }
0x70: {  	_ =	shalt  }
0x71: {  	_ =	shalt  }
0x72: {  	_ =	shalt  }
0x73: {  	_ =	shalt  }
0x74: {  	_ =	shalt  }
0x75: {  	_ =	shalt  }
0x76: {  	_ =	shalt  }
0x77: {  	_ =	shalt  }
0x78: {  	_ =	shalt  }
0x79: {  	_ =	shalt  }
0x7a: {  	_ =	shalt  }
0x7b: {  	_ =	shalt  }
0x7c: {  	_ =	shalt  }
0x7d: {  	_ =	shalt  }
0x7e: {  	_ =	shalt  }
0x7f: {  	_ =	shalt  }
0x80: {  	_ =	shalt  }
0x81: {  	_ =	shalt  }
0x82: {  	_ =	shalt  }
0x83: {  	_ =	shalt  }
0x84: {  	_ =	shalt  }
0x85: {  	_ =	shalt  }
0x86: {  	_ =	shalt  }
0x87: {  	_ =	shalt  }
.Lfunc_end0:
.L_simem_size_0:
called_computation.16_lowered:
.L_overlay_start_0:
0x88: {  	s2 =	sld [smem:$0x3FD9]  }
0x89: {  	s3 =	sld [smem:$0x3FFE];
	_ =	sdelay $0x1  }
0x8a: {  	s1 =	srdreg.scid  }
0x8b: {  	s0 =	sand.u32 $0x1, s1  }
0x8c: {  	s16 =	sshll.u32 s0, $0xA;
	s2 =	sadd.s32 s3, s2  }
0x8d: {  	s2 =	sadd.s32 s2, s16  }
0x8e: {  	[smem:$0x3FBC] =	sst s2  }
0x8f: {  	_ = 	snop  }
0x90: {  	(tm) =	ssettm $0x1  }
0x91: {  	s17 =	sld [smem:$0x3FFB];
	_ =	sdelay $0x3  }
0x92: {  	_ =	strace s17  }
0x93: {  	s2 =	sld [smem:$0x3FFC];
	_ =	sdelay $0x3  }
0x94: {  	_ =	strace s2  }
0x95: {  	s2 =	sld [smem:$0x3FFD];
	_ =	sdelay $0x3  }
0x96: {  	_ =	strace s2  }
0x97: {  	_ =	strace $0x8FFFFFFF  }
0x98: {  	s18 =	sld [smem:$0x3FDB];
	_ =	sdelay $0x1  }
0x99: {  	s19 =	simm.s32 $_scs_section_size  }
0x9a: {  	s4 =	simm.s32 $_size__tile_overlayer_lowered;
	s5 =	simm.s32 $_tile_overlayer_lowered  }
0x9b: {  	s22 =	simm.s32 $0x1BFF;
	s21 =	sshll.u32 s5, $0x1;
	s2 =	sadd.s32 s19, s18  }
0x9c: {  	s6 =	simm.s32 $0x0;
	s20 =	sshll.u32 s4, $0x1;
	s4 =	sadd.s32 s21, s2  }
0x9d: {  	[timem:s6], [sflag:s22] =	dma.local [hbm:s4], s20  }
0x9e: {  	_ =	swait.ge [sflag:s22], s20  }
0x9f: {  	s3 =	ssub.s32 $0x0, s20;
	[sflag:s22] =	ssyncset.done $0x0  }
0xa0: {  	[sflag:s22] =	ssyncadd.s32 s3;
	_ =	sdelay $0x1  }
0xa1: {  	s23 =	simm.s32 $0x1B8B  }
0xa2: {  	_ =	swait.ge [sflag:s23], $0x1  }
0xa3: {  	[sflag:s23] =	ssyncset.done $0x0  }
0xa4: {  	s25 =	simm.s32 $0x1B8E;
	s24 =	sld [smem:$0x3FFE];
	[sflag:s23] =	ssyncadd.s32 $0xFFFFFFFF  }
0xa5: {  	s26 =	simm.s32 $execute0_lowered;
	[smem:$0x3FD2] =	sst s25  }
0xa6: {  	s4 =	sshll.u32 s26, $0x1;
	_ =	strace $0x80000067;
	[dreg:$0x1] =	wrdreg $0xFFFFFFFF  }
0xa7: {  	s28 =	simm.s32 $_size_execute0_lowered;
	s2 =	sadd.s32 s2, s4;
	[dreg:$0x0] =	wrdreg $0x0  }
0xa8: {  	s4 =	sshll.u32 s28, $0x1;
	[dreg:$0x2] =	wrdreg s2  }
0xa9: {  	[dreg:$0x3] =	wrdreg s4  }
0xaa: {  	[dreg:$0x4] =	wrdreg $0xC0  }
0xab: {  	_ =	task [dreg:s6], $0x5FFFF  }
0xac: {  	[dreg:$0x1] =	wrdreg $0xFFFFFFFF  }
0xad: {  	[dreg:$0x0] =	wrdreg $0x60  }
0xae: {  	[dreg:$0x2] =	wrdreg s24  }
0xaf: {  	[dreg:$0x3] =	wrdreg $0x9  }
0xb0: {  	_ =	task.clear_ibuf [dreg:s6], $0x4FFFF;
	_ =	strace $0x90000067  }
0xb1: {  	s29 =	simm.s32 $0x9;
	_ =	strace $0x80000069  }
0xb2: {  	_ =	swait.ge [sflag:s29], $0x1  }
0xb3: {  	[sflag:s29] =	ssyncadd.s32 $0xFFFFFFFF  }
0xb4: {  	_ =	strace $0x90000069  }
0xb5: {  	_ =	sfence  }
0xb6: {  	s30 =	sld [smem:$0x0];
	_ =	sdelay $0x2  }
0xb7: {  	s31 =	sshll.u32 s1, $0xD;
	s1 =	sshrl.u32 s1, $0x2  }
0xb8: {  	s3 =	sand.u32 $0x4000, s31;
	s1 =	sadd.s32 s1, s30  }
0xb9: {  	s0 =	sor.u32 s3, s0;
	s1 =	sshll.u32 s1, $0x11  }
0xba: {  	s0 =	sor.u32 s1, s0  }
0xbb: {  	s0 =	sadd.s32 $0x8F2B, s0  }
0xbc: {  	[sflag:s0] =	ssyncadd.remote.s32 $0x1  }
0xbd: {  	_ =	sfence.sel $0xFFFF  }
0xbe: {  	[dreg:$0x0] =	wrdreg $0xFFFFFFFF;
	(pc) =	sbr.abs _section_cstart, $3  }
0xbf: {  	[dreg:$0x1] =	wrdreg $0xFFFFFFFF  }
0xc0: {  	_ =	task.clear_ibuf [dreg:s6], $0x2FFFF;
	_ =	strace $0x9FFFFFFF  }
0xc1: {  	(tm) =	ssettm $0x7FFFFFFF  }
tec
execute0_lowered:
.L_overlay_start_1:
0x0: {  	(tag) =	ssettag $0x1  }
0x1: {  	s7 =	rddreg [dreg:$0x0]  }
0x2: {  	s0 =	rddreg [dreg:$0x1];
	_ =	strace $0x80000068  }
0x3: {  	s1 =	srdreg.scid;
	s4 =	simm.s32 $0x1;
	s9 =	simm.s32 $0x3  }
0x4: {  	s12 =	simm.s32 $0x0;
	s10 =	simm.s32 $0x0;
	s5 =	sshll.u32 s1, $0x4  }
.Ltmp0:
0x5: {  	s1 =	stileid.u32;
	s5 =	sand.u32 $0x10, s5;
	(pc) =	sbr.rel .LBB2_1-.Ltmp0, $4  }
0x6: {  	s2 =	sadd.s32 $0x33400, s7;
	s3 =	sadd.s32 $0x3C200, s7;
	s6 =	sor.u32 s1, s5  }
0x7: {  	[sflag:s4] =	ssyncpa.u1 $0x0;
	s5 =	simm.s32 $0x2;
	s6 =	sshll.u32 s6, $0x6  }
0x8: {  	s7 =	sadd.s32 $0x3C400, s7;
	[sflag:s5] =	ssyncpa.u1 $0x0;
	s8 =	sadd.s32 $0x40, s6  }
0x9: {  	vm0 =	vmmov $0xff;
	vm1 =	vcmask $0x3F20;
	[sflag:s9] =	ssyncpa.u1 $0x0;
	s9 =	simm.s32 $0x40;
	s11 =	smov.u32 s6  }
.LBB2_9:
0xa: {  	p0 =	seq.s32 s10, $0x2  }
.Ltmp1:
0xb: {  	_ = 	snop;
	(pc) =	sbr.rel @p0 .LBB2_11-.Ltmp1, $1  }
0xc: {  	_ =	sdelay $0x3  }
.LBB2_10:
0xd: {  	s12 =	sadd.s32 $0x40, s11  }
0xe: {  	s13 =	smov.u32 s6;
	p0 =	slt.s32 s12, s8  }
0xf: {  	s13 =	smov.u32 @p0 s12  }
0x10: {  	s10 =	sadd.s32 $0x1, s10;
	s12 =	smov.u32 s11;
	s11 =	smov.u32 s13  }
.LBB2_1:
0x11: {  	p0 =	sne.s32 s10, $0x0  }
.Ltmp2:
0x12: {  	_ = 	snop;
	(pc) =	sbr.rel @!p0 .LBB2_2-.Ltmp2, $1  }
0x13: {  	_ =	sdelay $0x3  }
0x14: {  	s13 =	sand.u32 $0x1, s10  }
0x15: {  	p0 =	seq.s32 s13, $0x0  }
.Ltmp3:
0x16: {  	_ = 	snop;
	(pc) =	sbr.rel @p0 .LBB2_9-.Ltmp3, $1  }
0x17: {  	_ =	sdelay $0x3  }
0x18: {  	_ =	swait.ge [sflag:s5], $0x40  }
0x19: {  	[sflag:s5] =	ssyncset.done $0x0  }
0x1a: {  	s13 =	simm.s32 $0x0;
	[sflag:s5] =	ssyncadd.s32 $0xFFFFFFC0  }
0x1b: {  	v0 =	vld.msk [tilespmem:s13+$0x40 ss:$0x1], $0xffff;
	_ =	sdelay $0x4  }
0x1c: {  	v1 =	vshll.u32 v0, $0x3  }
0x1d: {  	vm2 =	veq.s32 v0, $0x80000000;
	v0 =	vshll.u32 v0, $0xE;
	v1 =	vand.u32 $0x3F80, v1  }
0x1e: {  	v0 =	vand.u32 $0x3C000, v0;
	v1 =	vsel vm2, $0xFFFFFF80, v1  }
0x1f: {  	v0 =	vsel vm2, $0xFFFFC000, v0;
	v2 =	vand.u32 $0xFFFFFC00, v1  }
0x20: {  	v1 =	vand.u32 $0x380, v1;
	v0 =	vadd.s32 v0, v2  }
0x21: {  	v0 =	vor.u32 v1, v0  }
0x22: {  	v0 =	vshrl.u32 v0, $0x3;
	_ =	sdelay $0x3  }
0x23: {  	s13 =	simm.s32 $0x2080  }
0x24: {  	[tilespmem:s13], [sflag:$0x1] =	stream.indirect_vreg.gather [hbm:s2], $0x80, v0, vm0, $0x38;
	[tilespmem:$0x4080] =	vst v63  }
0x25: {  	s14 =	simm.s32 $0x2480;
	s31 =	simm.s32 $0x10  }
0x26: {  	[tilespmem:s14], [sflag:$0x1] =	stream.indirect_vreg.gather [hbm:s2], $0x80, v0, vm1, $0x38;
	[tilespmem:$0x4080] =	vst v63  }
0x27: {  	s14 =	simm.s32 $0x80;
	v0 =	vld.msk [tilespmem:s31+$0x40 ss:$0x1], $0xffff  }
.LBB2_5:
0x28: {  	p0 =	sne.s32 s14, $0xC0;
	_ =	sdelay $0x4  }
0x29: {  	v1 =	vshll.u32 v0, $0x3  }
0x2a: {  	vm2 =	veq.s32 v0, $0x80000000;
	v0 =	vshll.u32 v0, $0xE;
	v1 =	vand.u32 $0x3F80, v1  }
0x2b: {  	v0 =	vand.u32 $0x3C000, v0;
	v1 =	vsel vm2, $0xFFFFFF80, v1  }
0x2c: {  	v0 =	vsel vm2, $0xFFFFC000, v0;
	v2 =	vand.u32 $0xFFFFFC00, v1  }
0x2d: {  	v1 =	vand.u32 $0x380, v1;
	v0 =	vadd.s32 v0, v2  }
0x2e: {  	v0 =	vor.u32 v1, v0  }
0x2f: {  	v0 =	vshrl.u32 v0, $0x3;
	_ =	sdelay $0x3  }
.Ltmp4:
0x30: {  	s13 =	sadd.s32 $0x800, s13;
	(pc) =	sbr.rel @p0 .LBB2_5-.Ltmp4, $4  }
0x31: {  	[tilespmem:s13], [sflag:$0x1] =	stream.indirect_vreg.gather [hbm:s2], $0x80, v0, vm0, $0x38;
	[tilespmem:$0x4080] =	vst v63  }
0x32: {  	s15 =	sshra.s32 s14, $0x2;
	s16 =	sadd.s32 $0x400, s13  }
0x33: {  	[tilespmem:s16], [sflag:$0x1] =	stream.indirect_vreg.gather [hbm:s2], $0x80, v0, vm1, $0x38;
	[tilespmem:$0x4080] =	vst v63  }
0x34: {  	s14 =	sadd.s32 $0x40, s14;
	v0 =	vld.msk [tilespmem:s15+$0x40 ss:$0x1], $0xffff  }
0x35: {  	_ =	sdelay $0x3  }
0x36: {  	v1 =	vshll.u32 v0, $0x3  }
0x37: {  	vm2 =	veq.s32 v0, $0x80000000;
	v63 =	vshll.u32 v0, $0xE;
	v1 =	vand.u32 $0x3F80, v1  }
0x38: {  	v0 =	vand.u32 $0x3C000, v63;
	v1 =	vsel vm2, $0xFFFFFF80, v1  }
0x39: {  	v0 =	vsel vm2, $0xFFFFC000, v0;
	v2 =	vand.u32 $0xFFFFFC00, v1  }
0x3a: {  	v1 =	vand.u32 $0x380, v1;
	v0 =	vadd.s32 v0, v2  }
0x3b: {  	v0 =	vor.u32 v1, v0  }
0x3c: {  	v0 =	vshrl.u32 v0, $0x3;
	_ =	sdelay $0x3  }
0x3d: {  	s13 =	sadd.s32 $0x800, s13  }
0x3e: {  	[tilespmem:s13], [sflag:$0x1] =	stream.indirect_vreg.gather [hbm:s2], $0x80, v0, vm0, $0x38;
	[tilespmem:$0x4080] =	vst v63  }
0x3f: {  	s13 =	sadd.s32 $0x400, s13  }
0x40: {  	[tilespmem:s13], [sflag:$0x1] =	stream.indirect_vreg.gather [hbm:s2], $0x80, v0, vm1, $0x38;
	[tilespmem:$0x4080] =	vst v63  }
0x41: {  	s12 =	sshll.u32 s12, $0x4;
	s14 =	simm.s32 $0x80;
	_ =	swait.ge [sflag:s4], $0x2000  }
0x42: {  	s15 =	simm.s32 $0x2480;
	s12 =	sadd.s32 s12, s7;
	[sflag:s4] =	ssyncset.done $0x0  }
0x43: {  	s16 =	sadd.s32 $0x0, s12;
	s13 =	simm.s32 $0x2080;
	[sflag:s4] =	ssyncadd.s32 $0xFFFFE000  }
.LBB2_7:
0x44: {  	[hbm:s16] =	stream.linear.scatter [tilespmem:s13], [sflag:$0x3], $0x400, $0x38;
	[tilespmem:$0x4080] =	vst v63  }
0x45: {  	s16 =	smov.u32 s14;
	s13 =	smov.u32 s15;
	p0 =	sne.s32 s14, $0x380  }
.Ltmp5:
0x46: {  	s14 =	sadd.s32 $0x80, s14;
	(pc) =	sbr.rel @p0 .LBB2_7-.Ltmp5, $2  }
0x47: {  	_ =	sdelay $0x2  }
0x48: {  	s15 =	sadd.s32 $0x400, s15;
	s16 =	sadd.s32 s16, s12  }
.Ltmp6:
0x49: {  	(pc) =	sbr.rel .LBB2_9-.Ltmp6, $2  }
0x4a: {  	_ =	sdelay $0x2  }
0x4b: {  	[hbm:s16] =	stream.linear.scatter [tilespmem:s13], [sflag:$0x3], $0x400, $0x38;
	[tilespmem:$0x4080] =	vst v63  }
.LBB2_2:
.Ltmp7:
0x4c: {  	(pc) =	sbr.rel .LBB2_10-.Ltmp7, $4  }
0x4d: {  	_ = 	snop  }
0x4e: {  	s12 =	sshrl.u32 s11, $0x3  }
0x4f: {  	s13 =	sand.u32 $0x7, s11;
	s12 =	sadd.s32 s3, s12  }
0x50: {  	[tilespmem:s9], [sflag:$0x2] =	stream.linear.gather [hbm4b:s12+s13], $0x40, $0x38;
	[tilespmem:$0x4080] =	vst v63  }
.LBB2_11:
0x51: {  	s2 =	simm.s32 $0x3  }
0x52: {  	_ =	swait.ge [sflag:s2], $0x2000  }
0x53: {  	[sflag:s2] =	ssyncset.done $0x0  }
0x54: {  	[sflag:s2] =	ssyncadd.s32 $0xFFFFE000  }
0x55: {  	_ =	sfence.sel $0x180000  }
0x56: {  	s3 =	simm.s32 $0x2;
	[bflag:$0x0] =	sbarrier.arrive $0xFFFF  }
0x57: {  	[sflag:s3] =	ssyncpa.u1 $0x1  }
0x58: {  	s31 =	simm.s32 $0x1;
	[sflag:s2] =	ssyncpa.u1 $0x1  }
0x59: {  	[sflag:s31] =	ssyncpa.u1 $0x1  }
0x5a: {  	p0 =	sne.s32 s1, $0x0;
	_ =	strace $0x90000068  }
0x5b: {  	s0 =	sadd.s32 @!p0 $0x100000, s0;
	[bflag:$0x2] =	sbarrier.arrive $0xFFFF  }
0x5c: {  	[sflag:s0] =	ssyncadd.tile.s32 @!p0 $0x1;
	_ =	shalt  }
.Lfunc_end2:
_tile_overlayer_lowered:
.L_overlay_start_2:
0x5d: {  	(tag) =	ssettag $0x2  }
0x5e: {  	s0 =	rddreg [dreg:$0x0];
	s2 =	stileid.u32  }
0x5f: {  	s1 =	rddreg [dreg:$0x1];
	p0 =	sne.s32 s2, $0x0  }
0x60: {  	s3 =	rddreg [dreg:$0x2];
	[bflag:$0x3] =	sbarrier.arrive $0xFFFF;
	s2 =	simm.s32 @!p0 $0x1C01  }
0x61: {  	[timem:s3], [sflag:s2] =	dma.local @!p0 [hbm:s0], s1  }
0x62: {  	s0 =	simm.s32 @!p0 $0x1  }
0x63: {  	_ =	swait.ge @!p0 [sflag:s0], s1  }
0x64: {  	s1 =	ssub.s32 @!p0 $0x0, s1;
	[sflag:s0] =	ssyncset.done @!p0 $0x0  }
0x65: {  	[sflag:s0] =	ssyncadd.s32 @!p0 s1  }
0x66: {  	[bflag:$0x3] =	sbarrier.arrive $0xFFFF  }
0x67: {  	_ =	shalt  }

// kernel: gather_offload_async_start.17
scs
__scs_entry_jumppad:
0x0: {  	(pc) =	sbr.rel $0x88, $3  }
0x1: {  	(tag) =	ssettag $0x0;
	lr =	simm.s32 $0x1  }
0x2: {  	[smem:$0x3F95] =	sst lr;
	_ =	strace $0xD0000000  }
0x3: {  	_ = 	snop  }
0x4: {  	_ = 	snop  }
0x5: {  	_ = 	snop  }
0x6: {  	_ = 	snop  }
0x7: {  	_ = 	snop  }
__scs_overlays_trampoline_lowered:
0x8: {  	[smem:$0x3FA4] =	sst s0  }
0x9: {  	[smem:$0x3FA5] =	sst s1  }
0xa: {  	[smem:$0x3FA6] =	sst s2  }
0xb: {  	[smem:$0x3FA7] =	sst s3  }
0xc: {  	[smem:$0x3FA8] =	sst s4  }
0xd: {  	[smem:$0x3FA9] =	sst s5  }
0xe: {  	[smem:$0x3FAA] =	sst s6  }
0xf: {  	[smem:$0x3FAB] =	sst s7  }
0x10: {  	[smem:$0x3FAC] =	sst s8  }
0x11: {  	[smem:$0x3FAD] =	sst s9;
	s0 =	simm.s32 @!p0 $0x0  }
0x12: {  	s1 =	sld [smem:$0x3F93];
	s0 =	simm.s32 @p0 $0x1  }
0x13: {  	[smem:$0x3FAE] =	sst s0;
	s0 =	simm.s32 @!p1 $0x0  }
0x14: {  	s2 =	sld [smem:$0x3F92];
	s0 =	simm.s32 @p1 $0x1  }
0x15: {  	[smem:$0x3FAF] =	sst s0;
	s0 =	simm.s32 @!p2 $0x0  }
0x16: {  	s3 =	sld [smem:$0x3FDB];
	s0 =	simm.s32 @p2 $0x1  }
0x17: {  	s4 =	simm.s32 $0x1BF5;
	[smem:$0x3FB1] =	sst s0  }
0x18: {  	s0 =	sld [smem:$0x3F94];
	_ =	swait.ge [sflag:s4], $0x0  }
0x19: {  	s7 =	sld [smem:$0x3F95]  }
0x1a: {  	s8 =	sadd.s32 $0xFFFFE003, lr  }
0x1b: {  	s9 =	sadd.s32 $0xFFFFFEF7, lr;
	s5 =	simm.s32 $0xFFFFFFFF;
	p2 =	slt.u32 s8, $0xFFFFF086  }
0x1c: {  	p1 =	slt.u32 s9, $0xF7A;
	s5 =	simm.s32 @!p2 $0x0  }
0x1d: {  	s5 =	simm.s32 @p1 $0x1;
	p0 =	seq.s32 s7, s2  }
0x1e: {  	s7 =	smul.u32 @!p0 $0xF7A, s2;
	p2 =	seq.s32 @!p0 s5, $0x0  }
0x1f: {  	s9 =	smul.u32 $0xF7A, s1;
	s8 =	simm.s32 @!p0 $0x1BF5;
	p2 =	por !p2, p0  }
0x20: {  	[sflag:s8] =	ssyncset.s32 @!p0 $0xFFFFF086;
	s6 =	sadd.s32 @!p0 s3, s7;
	s7 =	simm.s32 @!p0 $0x108  }
0x21: {  	s3 =	sadd.s32 s3, s9;
	s6 =	sadd.s32 @!p0 $0x88, s6;
	s7 =	simm.s32 @p2 $0x1082  }
0x22: {  	[simem:s7], [sflag:s8] =	dma.local @!p0 [hbm:s6], $0xF7A  }
0x23: {  	s9 =	sor.u32 $0xD0000000, s2;
	s6 =	simm.s32 $0x108;
	_ =	swait.ge @!p0 [sflag:s8], $0x0  }
0x24: {  	s3 =	sadd.s32 $0x88, s3;
	s6 =	simm.s32 @!p1 $0x1082;
	[sflag:s4] =	ssyncset.s32 $0xFFFFF086  }
0x25: {  	[simem:s6], [sflag:s4] =	dma.local [hbm:s3], $0xF7A  }
0x26: {  	[smem:$0x3F95] =	sst s1;
	(tag) =	ssettag s2;
	_ =	strace s9  }
0x27: {  	s1 =	sld [smem:$0x3FA5]  }
0x28: {  	s2 =	sld [smem:$0x3FA6]  }
0x29: {  	s4 =	sld [smem:$0x3FA8]  }
0x2a: {  	p0 =	seq.s32 s5, $0x0;
	s5 =	sld [smem:$0x3FA9]  }
0x2b: {  	s6 =	sld [smem:$0x3FAA]  }
0x2c: {  	s7 =	sld [smem:$0x3FAB]  }
0x2d: {  	s3 =	simm.s32 $0x108;
	s8 =	sld [smem:$0x3FAC]  }
0x2e: {  	s3 =	simm.s32 @!p0 $0x1082;
	s9 =	sld [smem:$0x3FAD]  }
0x2f: {  	lr =	sadd.s32 s0, s3;
	s0 =	sld [smem:$0x3FA4]  }
0x30: {  	s3 =	sld [smem:$0x3FA7]  }
0x31: {  	[smem:$0x3FB0] =	sst s10  }
0x32: {  	s10 =	sld [smem:$0x3FAE];
	_ =	sdelay $0x3  }
0x33: {  	p0 =	seq.s32 s10, $0x1;
	s10 =	sld [smem:$0x3FB0];
	_ =	sdelay $0x3  }
0x34: {  	[smem:$0x3FB0] =	sst s10  }
0x35: {  	s10 =	sld [smem:$0x3FAF];
	_ =	sdelay $0x3  }
0x36: {  	p1 =	seq.s32 s10, $0x1;
	s10 =	sld [smem:$0x3FB0];
	_ =	sdelay $0x3  }
0x37: {  	[smem:$0x3FB0] =	sst s10  }
0x38: {  	s10 =	sld [smem:$0x3FB1]  }
0x39: {  	_ = 	snop;
	(pc) =	sbr.ind lr, $3  }
0x3a: {  	_ = 	snop  }
0x3b: {  	_ = 	snop  }
0x3c: {  	p2 =	seq.s32 s10, $0x1;
	s10 =	sld [smem:$0x3FB0]  }
0x3d: {  	_ =	shalt  }
0x3e: {  	_ =	shalt  }
0x3f: {  	_ =	shalt  }
0x40: {  	_ =	shalt  }
0x41: {  	_ =	shalt  }
0x42: {  	_ =	shalt  }
0x43: {  	_ =	shalt  }
0x44: {  	_ =	shalt  }
0x45: {  	_ =	shalt  }
0x46: {  	_ =	shalt  }
0x47: {  	_ =	shalt  }
0x48: {  	_ =	shalt  }
0x49: {  	_ =	shalt  }
0x4a: {  	_ =	shalt  }
0x4b: {  	_ =	shalt  }
0x4c: {  	_ =	shalt  }
0x4d: {  	_ =	shalt  }
0x4e: {  	_ =	shalt  }
0x4f: {  	_ =	shalt  }
0x50: {  	_ =	shalt  }
0x51: {  	_ =	shalt  }
0x52: {  	_ =	shalt  }
0x53: {  	_ =	shalt  }
0x54: {  	_ =	shalt  }
0x55: {  	_ =	shalt  }
0x56: {  	_ =	shalt  }
0x57: {  	_ =	shalt  }
0x58: {  	_ =	shalt  }
0x59: {  	_ =	shalt  }
0x5a: {  	_ =	shalt  }
0x5b: {  	_ =	shalt  }
0x5c: {  	_ =	shalt  }
0x5d: {  	_ =	shalt  }
0x5e: {  	_ =	shalt  }
0x5f: {  	_ =	shalt  }
0x60: {  	_ =	shalt  }
0x61: {  	_ =	shalt  }
0x62: {  	_ =	shalt  }
0x63: {  	_ =	shalt  }
0x64: {  	_ =	shalt  }
0x65: {  	_ =	shalt  }
0x66: {  	_ =	shalt  }
0x67: {  	_ =	shalt  }
0x68: {  	_ =	shalt  }
0x69: {  	_ =	shalt  }
0x6a: {  	_ =	shalt  }
0x6b: {  	_ =	shalt  }
0x6c: {  	_ =	shalt  }
0x6d: {  	_ =	shalt  }
0x6e: {  	_ =	shalt  }
0x6f: {  	_ =	shalt  }
0x70: {  	_ =	shalt  }
0x71: {  	_ =	shalt  }
0x72: {  	_ =	shalt  }
0x73: {  	_ =	shalt  }
0x74: {  	_ =	shalt  }
0x75: {  	_ =	shalt  }
0x76: {  	_ =	shalt  }
0x77: {  	_ =	shalt  }
0x78: {  	_ =	shalt  }
0x79: {  	_ =	shalt  }
0x7a: {  	_ =	shalt  }
0x7b: {  	_ =	shalt  }
0x7c: {  	_ =	shalt  }
0x7d: {  	_ =	shalt  }
0x7e: {  	_ =	shalt  }
0x7f: {  	_ =	shalt  }
0x80: {  	_ =	shalt  }
0x81: {  	_ =	shalt  }
0x82: {  	_ =	shalt  }
0x83: {  	_ =	shalt  }
0x84: {  	_ =	shalt  }
0x85: {  	_ =	shalt  }
0x86: {  	_ =	shalt  }
0x87: {  	_ =	shalt  }
.Lfunc_end0:
.L_simem_size_0:
called_computation.17_lowered:
.L_overlay_start_0:
0x88: {  	s2 =	sld [smem:$0x3FD9]  }
0x89: {  	s3 =	sld [smem:$0x3FFE];
	_ =	sdelay $0x1  }
0x8a: {  	s1 =	srdreg.scid  }
0x8b: {  	s0 =	sand.u32 $0x1, s1  }
0x8c: {  	s17 =	sshll.u32 s0, $0xA;
	s2 =	sadd.s32 s3, s2  }
0x8d: {  	s2 =	sadd.s32 s2, s17  }
0x8e: {  	[smem:$0x3FBC] =	sst s2  }
0x8f: {  	_ = 	snop  }
0x90: {  	s2 =	sld [smem:$0x3FD0];
	_ =	sdelay $0x2  }
0x91: {  	s18 =	simm.s32 $0x10  }
0x92: {  	[smem:s18], [sflag:s18] =	dma.local [hbm:s2], $0x1  }
0x93: {  	_ =	swait.eq [sflag:s18], $0x1  }
0x94: {  	[sflag:s18] =	ssyncset.done $0x0  }
0x95: {  	[sflag:s18] =	ssyncadd.s32 $0xFFFFFFFF  }
0x96: {  	s3 =	sld [smem:$0x11];
	(tm) =	ssettm $0x1  }
0x97: {  	s19 =	sld [smem:$0x3FFB];
	_ =	sdelay $0x3  }
0x98: {  	_ =	strace s19  }
0x99: {  	s2 =	sld [smem:$0x3FFC];
	_ =	sdelay $0x3  }
0x9a: {  	_ =	strace s2  }
0x9b: {  	s2 =	sld [smem:$0x3FFD];
	_ =	sdelay $0x3  }
0x9c: {  	_ =	strace s2  }
0x9d: {  	_ =	strace $0x8FFFFFFF  }
0x9e: {  	s20 =	sld [smem:$0x3FDB];
	_ =	sdelay $0x1  }
0x9f: {  	s4 =	simm.s32 $_scs_section_size  }
0xa0: {  	s5 =	simm.s32 $_size__tile_overlayer_lowered;
	s6 =	simm.s32 $_tile_overlayer_lowered  }
0xa1: {  	s7 =	simm.s32 $0x1BFF;
	s21 =	sshll.u32 s6, $0x1;
	s4 =	sadd.s32 s4, s20  }
0xa2: {  	s22 =	simm.s32 $0x0;
	s5 =	sshll.u32 s5, $0x1;
	s6 =	sadd.s32 s21, s4  }
0xa3: {  	[timem:s22], [sflag:s7] =	dma.local [hbm:s6], s5  }
0xa4: {  	_ =	swait.ge [sflag:s7], s5  }
0xa5: {  	s5 =	ssub.s32 $0x0, s5;
	[sflag:s7] =	ssyncset.done $0x0  }
0xa6: {  	[sflag:s7] =	ssyncadd.s32 s5;
	_ =	sdelay $0x1  }
0xa7: {  	s23 =	simm.s32 $0x1B8B  }
0xa8: {  	_ =	swait.ge [sflag:s23], $0x1  }
0xa9: {  	[sflag:s23] =	ssyncset.done $0x0  }
0xaa: {  	[sflag:s23] =	ssyncadd.s32 $0xFFFFFFFF  }
0xab: {  	s5 =	sld [smem:$0x0]  }
0xac: {  	s6 =	sand.u32 $0xFFFFFFFE, s1  }
0xad: {  	p0 =	sne.s32 s1, s6  }
0xae: {  	s6 =	sshll.u32 @p0 s6, $0xE  }
0xaf: {  	s6 =	sadd.s32 @p0 $0x11B8D, s6;
	s7 =	sshll.u32 @p0 s5, $0x11  }
0xb0: {  	s6 =	sor.u32 @p0 s7, s6  }
0xb1: {  	[sflag:s6] =	ssyncadd.remote.s32 @p0 $0x1;
	_ =	sdelay $0x1  }
0xb2: {  	s6 =	simm.s32 @p0 $0x1B8D  }
0xb3: {  	_ =	swait.eq @p0 [sflag:s6], $0x1  }
0xb4: {  	[sflag:s6] =	ssyncadd.s32 @p0 $0xFFFFFFFF  }
0xb5: {  	s7 =	sshll.u32 @!p0 s1, $0xE  }
0xb6: {  	s7 =	sor.u32 @!p0 $0x4000, s7;
	s6 =	simm.s32 @!p0 $0x1B8D  }
0xb7: {  	s5 =	sshll.u32 @!p0 s5, $0x11;
	s7 =	sadd.s32 @!p0 $0x11B8D, s7;
	_ =	swait.eq @!p0 [sflag:s6], $0x1  }
0xb8: {  	s5 =	sor.u32 @!p0 s5, s7;
	[sflag:s6] =	ssyncadd.s32 @!p0 $0xFFFFFFFF  }
0xb9: {  	s25 =	simm.s32 $0x1B8E;
	s24 =	sld [smem:$0x3FFE];
	[sflag:s5] =	ssyncadd.remote.s32 @!p0 $0x1  }
0xba: {  	s26 =	simm.s32 $execute0_lowered;
	[smem:$0x3FD2] =	sst s25  }
0xbb: {  	s6 =	sshll.u32 s26, $0x1;
	_ =	strace $0x8000006A;
	[dreg:$0x1] =	wrdreg $0xFFFFFFFF  }
0xbc: {  	s28 =	simm.s32 $_size_execute0_lowered;
	s4 =	sadd.s32 s4, s6;
	[dreg:$0x0] =	wrdreg $0x0  }
0xbd: {  	s6 =	sshll.u32 s28, $0x1;
	[dreg:$0x2] =	wrdreg s4  }
0xbe: {  	[dreg:$0x3] =	wrdreg s6  }
0xbf: {  	[dreg:$0x4] =	wrdreg $0xC0  }
0xc0: {  	_ =	task [dreg:s22], $0x5FFFF  }
0xc1: {  	[dreg:$0x1] =	wrdreg $0xFFFFFFFF  }
0xc2: {  	[dreg:$0x0] =	wrdreg $0x60  }
0xc3: {  	[dreg:$0x2] =	wrdreg s24  }
0xc4: {  	[dreg:$0x3] =	wrdreg s3  }
0xc5: {  	[dreg:$0x4] =	wrdreg $0xA  }
0xc6: {  	_ =	task.clear_ibuf [dreg:s22], $0x5FFFF;
	_ =	strace $0x9000006A  }
0xc7: {  	s29 =	simm.s32 $0xA;
	_ =	strace $0x8000006C  }
0xc8: {  	_ =	swait.ge [sflag:s29], $0x1  }
0xc9: {  	[sflag:s29] =	ssyncadd.s32 $0xFFFFFFFF  }
0xca: {  	_ =	strace $0x9000006C  }
0xcb: {  	_ =	sfence  }
0xcc: {  	s30 =	sld [smem:$0x0];
	_ =	sdelay $0x2  }
0xcd: {  	s31 =	sshll.u32 s1, $0xD;
	s1 =	sshrl.u32 s1, $0x2  }
0xce: {  	s4 =	sand.u32 $0x4000, s31;
	s1 =	sadd.s32 s1, s30  }
0xcf: {  	s0 =	sor.u32 s4, s0;
	s1 =	sshll.u32 s1, $0x11  }
0xd0: {  	s0 =	sor.u32 s1, s0  }
0xd1: {  	s0 =	sadd.s32 $0x8F2B, s0  }
0xd2: {  	[sflag:s0] =	ssyncadd.remote.s32 $0x1  }
0xd3: {  	_ =	sfence.sel $0xFFFF  }
0xd4: {  	[dreg:$0x0] =	wrdreg $0xFFFFFFFF;
	(pc) =	sbr.abs _section_cstart, $3  }
0xd5: {  	[dreg:$0x1] =	wrdreg $0xFFFFFFFF  }
0xd6: {  	_ =	task.clear_ibuf [dreg:s22], $0x2FFFF;
	_ =	strace $0x9FFFFFFF  }
0xd7: {  	(tm) =	ssettm $0x7FFFFFFF  }
tec
execute0_lowered:
.L_overlay_start_1:
0x0: {  	(tag) =	ssettag $0x1  }
0x1: {  	s7 =	rddreg [dreg:$0x0]  }
0x2: {  	s2 =	rddreg [dreg:$0x1]  }
0x3: {  	s0 =	rddreg [dreg:$0x2]  }
0x4: {  	s1 =	srdreg.scid;
	_ =	strace $0x8000006B;
	s4 =	simm.s32 $0x1  }
0x5: {  	s9 =	simm.s32 $0x3;
	s12 =	simm.s32 $0x0;
	s5 =	sshll.u32 s1, $0x4  }
.Ltmp0:
0x6: {  	s1 =	stileid.u32;
	s5 =	sand.u32 $0x10, s5;
	(pc) =	sbr.rel .LBB2_1-.Ltmp0, $4  }
0x7: {  	s10 =	simm.s32 $0x0;
	s3 =	sadd.s32 $0x63800, s7;
	s6 =	sor.u32 s1, s5  }
0x8: {  	[sflag:s4] =	ssyncpa.u1 $0x0;
	s5 =	simm.s32 $0x2;
	s6 =	sshll.u32 s6, $0x6  }
0x9: {  	s7 =	sadd.s32 $0x44400, s7;
	[sflag:s5] =	ssyncpa.u1 $0x0;
	s8 =	sadd.s32 $0x40, s6  }
0xa: {  	vm0 =	vmmov $0xff;
	vm1 =	vcmask $0x3F20;
	[sflag:s9] =	ssyncpa.u1 $0x0;
	s9 =	simm.s32 $0x40;
	s11 =	smov.u32 s6  }
.LBB2_9:
0xb: {  	p0 =	seq.s32 s10, $0x2  }
.Ltmp1:
0xc: {  	_ = 	snop;
	(pc) =	sbr.rel @p0 .LBB2_11-.Ltmp1, $1  }
0xd: {  	_ =	sdelay $0x3  }
.LBB2_10:
0xe: {  	s12 =	sadd.s32 $0x40, s11  }
0xf: {  	s13 =	smov.u32 s6;
	p0 =	slt.s32 s12, s8  }
0x10: {  	s13 =	smov.u32 @p0 s12  }
0x11: {  	s10 =	sadd.s32 $0x1, s10;
	s12 =	smov.u32 s11;
	s11 =	smov.u32 s13  }
.LBB2_1:
0x12: {  	p0 =	sne.s32 s10, $0x0  }
.Ltmp2:
0x13: {  	_ = 	snop;
	(pc) =	sbr.rel @!p0 .LBB2_2-.Ltmp2, $1  }
0x14: {  	_ =	sdelay $0x3  }
0x15: {  	s13 =	sand.u32 $0x1, s10  }
0x16: {  	p0 =	seq.s32 s13, $0x0  }
.Ltmp3:
0x17: {  	_ = 	snop;
	(pc) =	sbr.rel @p0 .LBB2_9-.Ltmp3, $1  }
0x18: {  	_ =	sdelay $0x3  }
0x19: {  	_ =	swait.ge [sflag:s5], $0x40  }
0x1a: {  	[sflag:s5] =	ssyncset.done $0x0  }
0x1b: {  	s13 =	simm.s32 $0x0;
	[sflag:s5] =	ssyncadd.s32 $0xFFFFFFC0  }
0x1c: {  	v0 =	vld.msk [tilespmem:s13+$0x40 ss:$0x1], $0xffff;
	_ =	sdelay $0x4  }
0x1d: {  	v1 =	vshll.u32 v0, $0x3  }
0x1e: {  	vm2 =	veq.s32 v0, $0x80000000;
	v0 =	vshll.u32 v0, $0xE;
	v1 =	vand.u32 $0x3F80, v1  }
0x1f: {  	v0 =	vand.u32 $0x3C000, v0;
	v1 =	vsel vm2, $0xFFFFFF80, v1  }
0x20: {  	v0 =	vsel vm2, $0xFFFFC000, v0;
	v2 =	vand.u32 $0xFFFFFC00, v1  }
0x21: {  	v1 =	vand.u32 $0x380, v1;
	v0 =	vadd.s32 v0, v2  }
0x22: {  	v0 =	vor.u32 v1, v0  }
0x23: {  	v0 =	vshrl.u32 v0, $0x3;
	_ =	sdelay $0x3  }
0x24: {  	s13 =	simm.s32 $0x2080  }
0x25: {  	[tilespmem:s13], [sflag:$0x1] =	stream.indirect_vreg.gather [hbm:s3], $0x80, v0, vm0, $0x38;
	[tilespmem:$0x4080] =	vst v63  }
0x26: {  	s14 =	simm.s32 $0x2480;
	s31 =	simm.s32 $0x10  }
0x27: {  	[tilespmem:s14], [sflag:$0x1] =	stream.indirect_vreg.gather [hbm:s3], $0x80, v0, vm1, $0x38;
	[tilespmem:$0x4080] =	vst v63  }
0x28: {  	s14 =	simm.s32 $0x80;
	v0 =	vld.msk [tilespmem:s31+$0x40 ss:$0x1], $0xffff  }
.LBB2_5:
0x29: {  	p0 =	sne.s32 s14, $0xC0;
	_ =	sdelay $0x4  }
0x2a: {  	v1 =	vshll.u32 v0, $0x3  }
0x2b: {  	vm2 =	veq.s32 v0, $0x80000000;
	v0 =	vshll.u32 v0, $0xE;
	v1 =	vand.u32 $0x3F80, v1  }
0x2c: {  	v0 =	vand.u32 $0x3C000, v0;
	v1 =	vsel vm2, $0xFFFFFF80, v1  }
0x2d: {  	v0 =	vsel vm2, $0xFFFFC000, v0;
	v2 =	vand.u32 $0xFFFFFC00, v1  }
0x2e: {  	v1 =	vand.u32 $0x380, v1;
	v0 =	vadd.s32 v0, v2  }
0x2f: {  	v0 =	vor.u32 v1, v0  }
0x30: {  	v0 =	vshrl.u32 v0, $0x3;
	_ =	sdelay $0x3  }
.Ltmp4:
0x31: {  	s13 =	sadd.s32 $0x800, s13;
	(pc) =	sbr.rel @p0 .LBB2_5-.Ltmp4, $4  }
0x32: {  	[tilespmem:s13], [sflag:$0x1] =	stream.indirect_vreg.gather [hbm:s3], $0x80, v0, vm0, $0x38;
	[tilespmem:$0x4080] =	vst v63  }
0x33: {  	s15 =	sshra.s32 s14, $0x2;
	s16 =	sadd.s32 $0x400, s13  }
0x34: {  	[tilespmem:s16], [sflag:$0x1] =	stream.indirect_vreg.gather [hbm:s3], $0x80, v0, vm1, $0x38;
	[tilespmem:$0x4080] =	vst v63  }
0x35: {  	s14 =	sadd.s32 $0x40, s14;
	v0 =	vld.msk [tilespmem:s15+$0x40 ss:$0x1], $0xffff  }
0x36: {  	_ =	sdelay $0x3  }
0x37: {  	v1 =	vshll.u32 v0, $0x3  }
0x38: {  	vm2 =	veq.s32 v0, $0x80000000;
	v63 =	vshll.u32 v0, $0xE;
	v1 =	vand.u32 $0x3F80, v1  }
0x39: {  	v0 =	vand.u32 $0x3C000, v63;
	v1 =	vsel vm2, $0xFFFFFF80, v1  }
0x3a: {  	v0 =	vsel vm2, $0xFFFFC000, v0;
	v2 =	vand.u32 $0xFFFFFC00, v1  }
0x3b: {  	v1 =	vand.u32 $0x380, v1;
	v0 =	vadd.s32 v0, v2  }
0x3c: {  	v0 =	vor.u32 v1, v0  }
0x3d: {  	v0 =	vshrl.u32 v0, $0x3;
	_ =	sdelay $0x3  }
0x3e: {  	s13 =	sadd.s32 $0x800, s13  }
0x3f: {  	[tilespmem:s13], [sflag:$0x1] =	stream.indirect_vreg.gather [hbm:s3], $0x80, v0, vm0, $0x38;
	[tilespmem:$0x4080] =	vst v63  }
0x40: {  	s13 =	sadd.s32 $0x400, s13  }
0x41: {  	[tilespmem:s13], [sflag:$0x1] =	stream.indirect_vreg.gather [hbm:s3], $0x80, v0, vm1, $0x38;
	[tilespmem:$0x4080] =	vst v63  }
0x42: {  	s12 =	sshll.u32 s12, $0x4;
	s14 =	simm.s32 $0x80;
	_ =	swait.ge [sflag:s4], $0x2000  }
0x43: {  	s15 =	simm.s32 $0x2480;
	s12 =	sadd.s32 s12, s7;
	[sflag:s4] =	ssyncset.done $0x0  }
0x44: {  	s16 =	sadd.s32 $0x0, s12;
	s13 =	simm.s32 $0x2080;
	[sflag:s4] =	ssyncadd.s32 $0xFFFFE000  }
.LBB2_7:
0x45: {  	[hbm:s16] =	stream.linear.scatter [tilespmem:s13], [sflag:$0x3], $0x400, $0x38;
	[tilespmem:$0x4080] =	vst v63  }
0x46: {  	s16 =	smov.u32 s14;
	s13 =	smov.u32 s15;
	p0 =	sne.s32 s14, $0x380  }
.Ltmp5:
0x47: {  	s14 =	sadd.s32 $0x80, s14;
	(pc) =	sbr.rel @p0 .LBB2_7-.Ltmp5, $2  }
0x48: {  	_ =	sdelay $0x2  }
0x49: {  	s15 =	sadd.s32 $0x400, s15;
	s16 =	sadd.s32 s16, s12  }
.Ltmp6:
0x4a: {  	(pc) =	sbr.rel .LBB2_9-.Ltmp6, $2  }
0x4b: {  	_ =	sdelay $0x2  }
0x4c: {  	[hbm:s16] =	stream.linear.scatter [tilespmem:s13], [sflag:$0x3], $0x400, $0x38;
	[tilespmem:$0x4080] =	vst v63  }
.LBB2_2:
.Ltmp7:
0x4d: {  	(pc) =	sbr.rel .LBB2_10-.Ltmp7, $4  }
0x4e: {  	_ = 	snop  }
0x4f: {  	s12 =	sshrl.u32 s11, $0x3  }
0x50: {  	s13 =	sand.u32 $0x7, s11;
	s12 =	sadd.s32 s2, s12  }
0x51: {  	[tilespmem:s9], [sflag:$0x2] =	stream.linear.gather [hbm4b:s12+s13], $0x40, $0x38;
	[tilespmem:$0x4080] =	vst v63  }
.LBB2_11:
0x52: {  	s2 =	simm.s32 $0x3  }
0x53: {  	_ =	swait.ge [sflag:s2], $0x2000  }
0x54: {  	[sflag:s2] =	ssyncset.done $0x0  }
0x55: {  	[sflag:s2] =	ssyncadd.s32 $0xFFFFE000  }
0x56: {  	_ =	sfence.sel $0x180000  }
0x57: {  	s3 =	simm.s32 $0x2;
	[bflag:$0x0] =	sbarrier.arrive $0xFFFF  }
0x58: {  	[sflag:s3] =	ssyncpa.u1 $0x1  }
0x59: {  	s31 =	simm.s32 $0x1;
	[sflag:s2] =	ssyncpa.u1 $0x1  }
0x5a: {  	[sflag:s31] =	ssyncpa.u1 $0x1  }
0x5b: {  	p0 =	sne.s32 s1, $0x0;
	_ =	strace $0x9000006B  }
0x5c: {  	s0 =	sadd.s32 @!p0 $0x100000, s0;
	[bflag:$0x2] =	sbarrier.arrive $0xFFFF  }
0x5d: {  	[sflag:s0] =	ssyncadd.tile.s32 @!p0 $0x1;
	_ =	shalt  }
.Lfunc_end2:
_tile_overlayer_lowered:
.L_overlay_start_2:
0x5e: {  	(tag) =	ssettag $0x2  }
0x5f: {  	s0 =	rddreg [dreg:$0x0];
	s2 =	stileid.u32  }
0x60: {  	s1 =	rddreg [dreg:$0x1];
	p0 =	sne.s32 s2, $0x0  }
0x61: {  	s3 =	rddreg [dreg:$0x2];
	[bflag:$0x3] =	sbarrier.arrive $0xFFFF;
	s2 =	simm.s32 @!p0 $0x1C01  }
0x62: {  	[timem:s3], [sflag:s2] =	dma.local @!p0 [hbm:s0], s1  }
0x63: {  	s0 =	simm.s32 @!p0 $0x1  }
0x64: {  	_ =	swait.ge @!p0 [sflag:s0], s1  }
0x65: {  	s1 =	ssub.s32 @!p0 $0x0, s1;
	[sflag:s0] =	ssyncset.done @!p0 $0x0  }
0x66: {  	[sflag:s0] =	ssyncadd.s32 @!p0 s1  }
0x67: {  	[bflag:$0x3] =	sbarrier.arrive $0xFFFF  }
0x68: {  	_ =	shalt  }

// kernel: gather_offload_async_start.18
scs
__scs_entry_jumppad:
0x0: {  	(pc) =	sbr.rel $0x88, $3  }
0x1: {  	(tag) =	ssettag $0x0;
	lr =	simm.s32 $0x1  }
0x2: {  	[smem:$0x3F95] =	sst lr;
	_ =	strace $0xD0000000  }
0x3: {  	_ = 	snop  }
0x4: {  	_ = 	snop  }
0x5: {  	_ = 	snop  }
0x6: {  	_ = 	snop  }
0x7: {  	_ = 	snop  }
__scs_overlays_trampoline_lowered:
0x8: {  	[smem:$0x3FA4] =	sst s0  }
0x9: {  	[smem:$0x3FA5] =	sst s1  }
0xa: {  	[smem:$0x3FA6] =	sst s2  }
0xb: {  	[smem:$0x3FA7] =	sst s3  }
0xc: {  	[smem:$0x3FA8] =	sst s4  }
0xd: {  	[smem:$0x3FA9] =	sst s5  }
0xe: {  	[smem:$0x3FAA] =	sst s6  }
0xf: {  	[smem:$0x3FAB] =	sst s7  }
0x10: {  	[smem:$0x3FAC] =	sst s8  }
0x11: {  	[smem:$0x3FAD] =	sst s9;
	s0 =	simm.s32 @!p0 $0x0  }
0x12: {  	s1 =	sld [smem:$0x3F93];
	s0 =	simm.s32 @p0 $0x1  }
0x13: {  	[smem:$0x3FAE] =	sst s0;
	s0 =	simm.s32 @!p1 $0x0  }
0x14: {  	s2 =	sld [smem:$0x3F92];
	s0 =	simm.s32 @p1 $0x1  }
0x15: {  	[smem:$0x3FAF] =	sst s0;
	s0 =	simm.s32 @!p2 $0x0  }
0x16: {  	s3 =	sld [smem:$0x3FDB];
	s0 =	simm.s32 @p2 $0x1  }
0x17: {  	s4 =	simm.s32 $0x1BF5;
	[smem:$0x3FB1] =	sst s0  }
0x18: {  	s0 =	sld [smem:$0x3F94];
	_ =	swait.ge [sflag:s4], $0x0  }
0x19: {  	s7 =	sld [smem:$0x3F95]  }
0x1a: {  	s8 =	sadd.s32 $0xFFFFE003, lr  }
0x1b: {  	s9 =	sadd.s32 $0xFFFFFEF7, lr;
	s5 =	simm.s32 $0xFFFFFFFF;
	p2 =	slt.u32 s8, $0xFFFFF086  }
0x1c: {  	p1 =	slt.u32 s9, $0xF7A;
	s5 =	simm.s32 @!p2 $0x0  }
0x1d: {  	s5 =	simm.s32 @p1 $0x1;
	p0 =	seq.s32 s7, s2  }
0x1e: {  	s7 =	smul.u32 @!p0 $0xF7A, s2;
	p2 =	seq.s32 @!p0 s5, $0x0  }
0x1f: {  	s9 =	smul.u32 $0xF7A, s1;
	s8 =	simm.s32 @!p0 $0x1BF5;
	p2 =	por !p2, p0  }
0x20: {  	[sflag:s8] =	ssyncset.s32 @!p0 $0xFFFFF086;
	s6 =	sadd.s32 @!p0 s3, s7;
	s7 =	simm.s32 @!p0 $0x108  }
0x21: {  	s3 =	sadd.s32 s3, s9;
	s6 =	sadd.s32 @!p0 $0x88, s6;
	s7 =	simm.s32 @p2 $0x1082  }
0x22: {  	[simem:s7], [sflag:s8] =	dma.local @!p0 [hbm:s6], $0xF7A  }
0x23: {  	s9 =	sor.u32 $0xD0000000, s2;
	s6 =	simm.s32 $0x108;
	_ =	swait.ge @!p0 [sflag:s8], $0x0  }
0x24: {  	s3 =	sadd.s32 $0x88, s3;
	s6 =	simm.s32 @!p1 $0x1082;
	[sflag:s4] =	ssyncset.s32 $0xFFFFF086  }
0x25: {  	[simem:s6], [sflag:s4] =	dma.local [hbm:s3], $0xF7A  }
0x26: {  	[smem:$0x3F95] =	sst s1;
	(tag) =	ssettag s2;
	_ =	strace s9  }
0x27: {  	s1 =	sld [smem:$0x3FA5]  }
0x28: {  	s2 =	sld [smem:$0x3FA6]  }
0x29: {  	s4 =	sld [smem:$0x3FA8]  }
0x2a: {  	p0 =	seq.s32 s5, $0x0;
	s5 =	sld [smem:$0x3FA9]  }
0x2b: {  	s6 =	sld [smem:$0x3FAA]  }
0x2c: {  	s7 =	sld [smem:$0x3FAB]  }
0x2d: {  	s3 =	simm.s32 $0x108;
	s8 =	sld [smem:$0x3FAC]  }
0x2e: {  	s3 =	simm.s32 @!p0 $0x1082;
	s9 =	sld [smem:$0x3FAD]  }
0x2f: {  	lr =	sadd.s32 s0, s3;
	s0 =	sld [smem:$0x3FA4]  }
0x30: {  	s3 =	sld [smem:$0x3FA7]  }
0x31: {  	[smem:$0x3FB0] =	sst s10  }
0x32: {  	s10 =	sld [smem:$0x3FAE];
	_ =	sdelay $0x3  }
0x33: {  	p0 =	seq.s32 s10, $0x1;
	s10 =	sld [smem:$0x3FB0];
	_ =	sdelay $0x3  }
0x34: {  	[smem:$0x3FB0] =	sst s10  }
0x35: {  	s10 =	sld [smem:$0x3FAF];
	_ =	sdelay $0x3  }
0x36: {  	p1 =	seq.s32 s10, $0x1;
	s10 =	sld [smem:$0x3FB0];
	_ =	sdelay $0x3  }
0x37: {  	[smem:$0x3FB0] =	sst s10  }
0x38: {  	s10 =	sld [smem:$0x3FB1]  }
0x39: {  	_ = 	snop;
	(pc) =	sbr.ind lr, $3  }
0x3a: {  	_ = 	snop  }
0x3b: {  	_ = 	snop  }
0x3c: {  	p2 =	seq.s32 s10, $0x1;
	s10 =	sld [smem:$0x3FB0]  }
0x3d: {  	_ =	shalt  }
0x3e: {  	_ =	shalt  }
0x3f: {  	_ =	shalt  }
0x40: {  	_ =	shalt  }
0x41: {  	_ =	shalt  }
0x42: {  	_ =	shalt  }
0x43: {  	_ =	shalt  }
0x44: {  	_ =	shalt  }
0x45: {  	_ =	shalt  }
0x46: {  	_ =	shalt  }
0x47: {  	_ =	shalt  }
0x48: {  	_ =	shalt  }
0x49: {  	_ =	shalt  }
0x4a: {  	_ =	shalt  }
0x4b: {  	_ =	shalt  }
0x4c: {  	_ =	shalt  }
0x4d: {  	_ =	shalt  }
0x4e: {  	_ =	shalt  }
0x4f: {  	_ =	shalt  }
0x50: {  	_ =	shalt  }
0x51: {  	_ =	shalt  }
0x52: {  	_ =	shalt  }
0x53: {  	_ =	shalt  }
0x54: {  	_ =	shalt  }
0x55: {  	_ =	shalt  }
0x56: {  	_ =	shalt  }
0x57: {  	_ =	shalt  }
0x58: {  	_ =	shalt  }
0x59: {  	_ =	shalt  }
0x5a: {  	_ =	shalt  }
0x5b: {  	_ =	shalt  }
0x5c: {  	_ =	shalt  }
0x5d: {  	_ =	shalt  }
0x5e: {  	_ =	shalt  }
0x5f: {  	_ =	shalt  }
0x60: {  	_ =	shalt  }
0x61: {  	_ =	shalt  }
0x62: {  	_ =	shalt  }
0x63: {  	_ =	shalt  }
0x64: {  	_ =	shalt  }
0x65: {  	_ =	shalt  }
0x66: {  	_ =	shalt  }
0x67: {  	_ =	shalt  }
0x68: {  	_ =	shalt  }
0x69: {  	_ =	shalt  }
0x6a: {  	_ =	shalt  }
0x6b: {  	_ =	shalt  }
0x6c: {  	_ =	shalt  }
0x6d: {  	_ =	shalt  }
0x6e: {  	_ =	shalt  }
0x6f: {  	_ =	shalt  }
0x70: {  	_ =	shalt  }
0x71: {  	_ =	shalt  }
0x72: {  	_ =	shalt  }
0x73: {  	_ =	shalt  }
0x74: {  	_ =	shalt  }
0x75: {  	_ =	shalt  }
0x76: {  	_ =	shalt  }
0x77: {  	_ =	shalt  }
0x78: {  	_ =	shalt  }
0x79: {  	_ =	shalt  }
0x7a: {  	_ =	shalt  }
0x7b: {  	_ =	shalt  }
0x7c: {  	_ =	shalt  }
0x7d: {  	_ =	shalt  }
0x7e: {  	_ =	shalt  }
0x7f: {  	_ =	shalt  }
0x80: {  	_ =	shalt  }
0x81: {  	_ =	shalt  }
0x82: {  	_ =	shalt  }
0x83: {  	_ =	shalt  }
0x84: {  	_ =	shalt  }
0x85: {  	_ =	shalt  }
0x86: {  	_ =	shalt  }
0x87: {  	_ =	shalt  }
.Lfunc_end0:
.L_simem_size_0:
called_computation.18_lowered:
.L_overlay_start_0:
0x88: {  	s2 =	sld [smem:$0x3FD9]  }
0x89: {  	s3 =	sld [smem:$0x3FFE];
	_ =	sdelay $0x1  }
0x8a: {  	s1 =	srdreg.scid  }
0x8b: {  	s0 =	sand.u32 $0x1, s1  }
0x8c: {  	s17 =	sshll.u32 s0, $0xA;
	s2 =	sadd.s32 s3, s2  }
0x8d: {  	s2 =	sadd.s32 s2, s17  }
0x8e: {  	[smem:$0x3FBC] =	sst s2  }
0x8f: {  	_ = 	snop  }
0x90: {  	(tm) =	ssettm $0x1  }
0x91: {  	s18 =	sld [smem:$0x3FFB];
	_ =	sdelay $0x3  }
0x92: {  	_ =	strace s18  }
0x93: {  	s2 =	sld [smem:$0x3FFC];
	_ =	sdelay $0x3  }
0x94: {  	_ =	strace s2  }
0x95: {  	s2 =	sld [smem:$0x3FFD];
	_ =	sdelay $0x3  }
0x96: {  	_ =	strace s2  }
0x97: {  	_ =	strace $0x8FFFFFFF  }
0x98: {  	s19 =	sld [smem:$0x3FDB];
	_ =	sdelay $0x1  }
0x99: {  	s20 =	simm.s32 $_scs_section_size  }
0x9a: {  	s4 =	simm.s32 $_size__tile_overlayer_lowered;
	s5 =	simm.s32 $_tile_overlayer_lowered  }
0x9b: {  	s6 =	simm.s32 $0x1BFF;
	s21 =	sshll.u32 s5, $0x1;
	s3 =	sadd.s32 s20, s19  }
0x9c: {  	s22 =	simm.s32 $0x0;
	s4 =	sshll.u32 s4, $0x1;
	s5 =	sadd.s32 s21, s3  }
0x9d: {  	[timem:s22], [sflag:s6] =	dma.local [hbm:s5], s4  }
0x9e: {  	_ =	swait.ge [sflag:s6], s4  }
0x9f: {  	s4 =	ssub.s32 $0x0, s4;
	[sflag:s6] =	ssyncset.done $0x0  }
0xa0: {  	[sflag:s6] =	ssyncadd.s32 s4;
	_ =	sdelay $0x1  }
0xa1: {  	s23 =	simm.s32 $0x1B8B  }
0xa2: {  	_ =	swait.ge [sflag:s23], $0x1  }
0xa3: {  	[sflag:s23] =	ssyncset.done $0x0  }
0xa4: {  	[sflag:s23] =	ssyncadd.s32 $0xFFFFFFFF  }
0xa5: {  	s4 =	sld [smem:$0x0]  }
0xa6: {  	s5 =	sand.u32 $0xFFFFFFFE, s1  }
0xa7: {  	p0 =	sne.s32 s1, s5  }
0xa8: {  	s5 =	sshll.u32 @p0 s5, $0xE  }
0xa9: {  	s5 =	sadd.s32 @p0 $0x11B8D, s5;
	s6 =	sshll.u32 @p0 s4, $0x11  }
0xaa: {  	s5 =	sor.u32 @p0 s6, s5  }
0xab: {  	[sflag:s5] =	ssyncadd.remote.s32 @p0 $0x1;
	_ =	sdelay $0x1  }
0xac: {  	s5 =	simm.s32 @p0 $0x1B8D  }
0xad: {  	_ =	swait.eq @p0 [sflag:s5], $0x1  }
0xae: {  	[sflag:s5] =	ssyncadd.s32 @p0 $0xFFFFFFFF  }
0xaf: {  	s6 =	sshll.u32 @!p0 s1, $0xE  }
0xb0: {  	s6 =	sor.u32 @!p0 $0x4000, s6;
	s5 =	simm.s32 @!p0 $0x1B8D  }
0xb1: {  	s4 =	sshll.u32 @!p0 s4, $0x11;
	s6 =	sadd.s32 @!p0 $0x11B8D, s6;
	_ =	swait.eq @!p0 [sflag:s5], $0x1  }
0xb2: {  	s4 =	sor.u32 @!p0 s4, s6;
	[sflag:s5] =	ssyncadd.s32 @!p0 $0xFFFFFFFF  }
0xb3: {  	s25 =	simm.s32 $0x1B8E;
	s24 =	sld [smem:$0x3FFE];
	[sflag:s4] =	ssyncadd.remote.s32 @!p0 $0x1  }
0xb4: {  	s26 =	simm.s32 $execute0_lowered;
	[smem:$0x3FD2] =	sst s25  }
0xb5: {  	s5 =	sshll.u32 s26, $0x1;
	_ =	strace $0x80000073;
	[dreg:$0x1] =	wrdreg $0xFFFFFFFF  }
0xb6: {  	s28 =	simm.s32 $_size_execute0_lowered;
	s3 =	sadd.s32 s3, s5;
	[dreg:$0x0] =	wrdreg $0x0  }
0xb7: {  	s5 =	sshll.u32 s28, $0x1;
	[dreg:$0x2] =	wrdreg s3  }
0xb8: {  	[dreg:$0x3] =	wrdreg s5  }
0xb9: {  	[dreg:$0x4] =	wrdreg $0xC0  }
0xba: {  	_ =	task [dreg:s22], $0x5FFFF  }
0xbb: {  	[dreg:$0x1] =	wrdreg $0xFFFFFFFF  }
0xbc: {  	[dreg:$0x0] =	wrdreg $0x60  }
0xbd: {  	[dreg:$0x2] =	wrdreg s24  }
0xbe: {  	[dreg:$0x3] =	wrdreg $0xC  }
0xbf: {  	_ =	task.clear_ibuf [dreg:s22], $0x4FFFF;
	_ =	strace $0x90000073  }
0xc0: {  	s29 =	simm.s32 $0xC;
	_ =	strace $0x80000075  }
0xc1: {  	_ =	swait.ge [sflag:s29], $0x1  }
0xc2: {  	[sflag:s29] =	ssyncadd.s32 $0xFFFFFFFF  }
0xc3: {  	_ =	strace $0x90000075  }
0xc4: {  	_ =	sfence  }
0xc5: {  	s30 =	sld [smem:$0x0];
	_ =	sdelay $0x2  }
0xc6: {  	s31 =	sshll.u32 s1, $0xD;
	s1 =	sshrl.u32 s1, $0x2  }
0xc7: {  	s4 =	sand.u32 $0x4000, s31;
	s1 =	sadd.s32 s1, s30  }
0xc8: {  	s0 =	sor.u32 s4, s0;
	s1 =	sshll.u32 s1, $0x11  }
0xc9: {  	s0 =	sor.u32 s1, s0  }
0xca: {  	s0 =	sadd.s32 $0x8F2B, s0  }
0xcb: {  	[sflag:s0] =	ssyncadd.remote.s32 $0x1  }
0xcc: {  	_ =	sfence.sel $0xFFFF  }
0xcd: {  	[dreg:$0x0] =	wrdreg $0xFFFFFFFF;
	(pc) =	sbr.abs _section_cstart, $3  }
0xce: {  	[dreg:$0x1] =	wrdreg $0xFFFFFFFF  }
0xcf: {  	_ =	task.clear_ibuf [dreg:s22], $0x2FFFF;
	_ =	strace $0x9FFFFFFF  }
0xd0: {  	(tm) =	ssettm $0x7FFFFFFF  }
0xd1: {  	_ =	shalt  }
tec
execute0_lowered:
.L_overlay_start_1:
0x0: {  	(tag) =	ssettag $0x1  }
0x1: {  	s1 =	srdreg.scid  }
0x2: {  	s0 =	stileid.u32;
	s8 =	rddreg [dreg:$0x0];
	s5 =	simm.s32 $0x1  }
0x3: {  	s9 =	simm.s32 $0x1;
	s10 =	simm.s32 $0x3;
	s1 =	sshll.u32 s1, $0x5  }
0x4: {  	s13 =	simm.s32 $0x0;
	s2 =	sshll.u32 s0, $0x6;
	s3 =	sand.u32 $0x20, s1  }
0x5: {  	s12 =	simm.s32 $0x0;
	s4 =	sadd.s32 $0x3BC00, s8;
	s2 =	sor.u32 s2, s3  }
0x6: {  	s1 =	rddreg [dreg:$0x1];
	_ =	strace $0x80000074;
	s7 =	ssub.s32 $0x800, s2  }
.Ltmp0:
0x7: {  	s3 =	sadd.s32 $0x3B400, s8;
	s6 =	sand.u32 $0x3E0, s7;
	(pc) =	sbr.rel .LBB2_1-.Ltmp0, $4  }
0x8: {  	[sflag:s5] =	ssyncpa.u1 $0x0;
	s8 =	sadd.s32 $0x3C600, s8;
	p0 =	sne.s32 s6, $0x0  }
0x9: {  	s7 =	sshrl.u32 s7, $0xA;
	s6 =	simm.s32 $0x2;
	s9 =	simm.s32 @!p0 $0x0  }
0xa: {  	s11 =	smov.u32 s2;
	[sflag:s6] =	ssyncpa.u1 $0x0;
	s7 =	sadd.s32 s9, s7  }
0xb: {  	vm0 =	vmmov $0xffff;
	[sflag:s10] =	ssyncpa.u1 $0x0;
	s10 =	simm.s32 $0x0;
	s9 =	sadd.s32 $0x1, s7  }
.LBB2_5:
0xc: {  	s15 =	sadd.s32 $0x400, s11  }
0xd: {  	p1 =	sgt.s32 s15, $0x7FF  }
0xe: {  	s15 =	smov.u32 @p1 s2;
	p1 =	sne.s32 s12, s9  }
.Ltmp1:
0xf: {  	p0 =	slt.u32 s12, $0x2;
	(pc) =	sbr.rel @!p1 .LBB2_6-.Ltmp1, $4  }
0x10: {  	s14 =	simm.s32 @!p0 $0x3  }
0x11: {  	_ =	swait.ge @!p0 [sflag:s14], $0x20  }
0x12: {  	s16 =	sadd.s32 $0x1, s12;
	s13 =	smov.u32 s11;
	[sflag:s14] =	ssyncset.done @!p0 $0x0  }
0x13: {  	s12 =	smov.u32 s16;
	s11 =	smov.u32 s15;
	[sflag:s14] =	ssyncadd.s32 @!p0 $0xFFFFFFE0  }
.LBB2_1:
0x14: {  	p0 =	sge.u32 s12, s7  }
0x15: {  	s14 =	sxor.u32 @!p0 $0xFFFFFFFF, s12  }
0x16: {  	s31 =	sadd.s32 $0xFFFFFFFF, s12;
	s15 =	sshrl.u32 @!p0 s11, $0x3;
	s14 =	sshll.u32 @!p0 s14, $0x5  }
0x17: {  	s16 =	sand.u32 @!p0 $0x7, s11;
	s15 =	sadd.s32 @!p0 s4, s15;
	s14 =	sand.u32 @!p0 $0x20, s14  }
0x18: {  	[tilespmem:s14], [sflag:$0x2] =	stream.linear.gather @!p0 [hbm4b:s15+s16], $0x20, $0x38;
	[tilespmem:$0x80] =	vst v63  }
0x19: {  	p0 =	sge.u32 s31, s7  }
.Ltmp2:
0x1a: {  	_ = 	snop;
	(pc) =	sbr.rel @p0 .LBB2_5-.Ltmp2, $1  }
0x1b: {  	_ =	sdelay $0x3  }
0x1c: {  	_ =	swait.ge [sflag:s6], $0x20;
	s14 =	sshll.u32 s12, $0x5;
	s16 =	simm.s32 $0x0  }
0x1d: {  	p0 =	por $0x1, $0x1;
	[sflag:s6] =	ssyncset.done $0x0;
	s15 =	sand.u32 $0x20, s14  }
0x1e: {  	[sflag:s6] =	ssyncadd.s32 $0xFFFFFFE0;
	(ifvalue) =	ssetifvalue $0x7FFFFFFF;
	s14 =	sor.u32 $0x40, s15  }
.LBB2_3:
0x1f: {  	s17 =	sadd.s32 s16, s15  }
0x20: {  	v0 =	vld.msk [tilespmem:s17+$0x0 ss:$0x1], $0xffff;
	_ =	sdelay $0x4  }
0x21: {  	v1 =	vshrl.u32 v0, $0x4;
	v2 =	vshll.u32 v0, $0x7  }
0x22: {  	vm1 =	veq.s32 v0, $0x80000000;
	v61 =	vand.u32 $0x7F, v1;
	v62 =	vand.u32 $0x780, v2  }
0x23: {  	v0 =	vsel vm1, $0xFFFFFFFF, v61;
	v1 =	vsel vm1, $0xFFFFFF80, v62  }
0x24: {  	v63 =	vand.u32 $0xFFFFFC00, v1;
	v3 =	vand.u32 $0xFFFFFC00, v0  }
0x25: {  	v1 =	vand.u32 $0x380, v1;
	v2 =	vadd.s32 v3, v63  }
0x26: {  	v0 =	vand.u32 $0x7F, v0;
	v1 =	vor.u32 v1, v2  }
0x27: {  	p1 =	por p0, p0;
	v0 =	vor.u32 v0, v1  }
.Ltmp3:
0x28: {  	_ = 	snop;
	(pc) =	sbr.rel @p1 .LBB2_3-.Ltmp3, $4  }
0x29: {  	_ = 	snop  }
0x2a: {  	s31 =	sadd.s32 s16, s14  }
0x2b: {  	s16 =	simm.s32 $0x10;
	p0 =	por $0x0, $0x0;
	(ifvalue) =	ssetifvalue $0x7FFFFFFF  }
0x2c: {  	[tilespmem:s31], [sflag:$0x1] =	stream.indirect_vreg.gather [hbm4b:s3+s10], $0x1, v0, vm0, $0x4038;
	[tilespmem:$0x80] =	vst v63  }
.Ltmp4:
0x2d: {  	(pc) =	sbr.rel .LBB2_5-.Ltmp4, $4  }
0x2e: {  	_ =	swait.ge [sflag:s5], $0x20  }
0x2f: {  	s15 =	sshrl.u32 s13, $0x3;
	[sflag:s5] =	ssyncset.done $0x0  }
0x30: {  	s31 =	sand.u32 $0x7, s13;
	s15 =	sadd.s32 s8, s15;
	[sflag:s5] =	ssyncadd.s32 $0xFFFFFFE0  }
0x31: {  	[hbm4b:s15+s31] =	stream.linear.scatter [tilespmem:s14], [sflag:$0x3], $0x20, $0x38;
	[tilespmem:$0x80] =	vst v63  }
.LBB2_6:
0x32: {  	_ =	sfence.sel $0x180000  }
0x33: {  	s2 =	simm.s32 $0x2;
	[bflag:$0x0] =	sbarrier.arrive $0xFFFF  }
0x34: {  	s30 =	simm.s32 $0x3;
	[sflag:s2] =	ssyncpa.u1 $0x1  }
0x35: {  	s31 =	simm.s32 $0x1;
	[sflag:s30] =	ssyncpa.u1 $0x1  }
0x36: {  	[sflag:s31] =	ssyncpa.u1 $0x1  }
0x37: {  	p0 =	sne.s32 s0, $0x0;
	_ =	strace $0x90000074  }
0x38: {  	s0 =	sadd.s32 @!p0 $0x100000, s1;
	[bflag:$0x2] =	sbarrier.arrive $0xFFFF  }
0x39: {  	[sflag:s0] =	ssyncadd.tile.s32 @!p0 $0x1;
	_ =	shalt  }
.Lfunc_end2:
_tile_overlayer_lowered:
.L_overlay_start_2:
0x3a: {  	(tag) =	ssettag $0x2  }
0x3b: {  	s0 =	rddreg [dreg:$0x0];
	s2 =	stileid.u32  }
0x3c: {  	s1 =	rddreg [dreg:$0x1];
	p0 =	sne.s32 s2, $0x0  }
0x3d: {  	s3 =	rddreg [dreg:$0x2];
	[bflag:$0x3] =	sbarrier.arrive $0xFFFF;
	s2 =	simm.s32 @!p0 $0x1C01  }
0x3e: {  	[timem:s3], [sflag:s2] =	dma.local @!p0 [hbm:s0], s1  }
0x3f: {  	s0 =	simm.s32 @!p0 $0x1  }
0x40: {  	_ =	swait.ge @!p0 [sflag:s0], s1  }
0x41: {  	s1 =	ssub.s32 @!p0 $0x0, s1;
	[sflag:s0] =	ssyncset.done @!p0 $0x0  }
0x42: {  	[sflag:s0] =	ssyncadd.s32 @!p0 s1  }
0x43: {  	[bflag:$0x3] =	sbarrier.arrive $0xFFFF  }
0x44: {  	_ =	shalt  }

// kernel: gather_offload_async_start.19
scs
__scs_entry_jumppad:
0x0: {  	(pc) =	sbr.rel $0x88, $3  }
0x1: {  	(tag) =	ssettag $0x0;
	lr =	simm.s32 $0x1  }
0x2: {  	[smem:$0x3F95] =	sst lr;
	_ =	strace $0xD0000000  }
0x3: {  	_ = 	snop  }
0x4: {  	_ = 	snop  }
0x5: {  	_ = 	snop  }
0x6: {  	_ = 	snop  }
0x7: {  	_ = 	snop  }
__scs_overlays_trampoline_lowered:
0x8: {  	[smem:$0x3FA4] =	sst s0  }
0x9: {  	[smem:$0x3FA5] =	sst s1  }
0xa: {  	[smem:$0x3FA6] =	sst s2  }
0xb: {  	[smem:$0x3FA7] =	sst s3  }
0xc: {  	[smem:$0x3FA8] =	sst s4  }
0xd: {  	[smem:$0x3FA9] =	sst s5  }
0xe: {  	[smem:$0x3FAA] =	sst s6  }
0xf: {  	[smem:$0x3FAB] =	sst s7  }
0x10: {  	[smem:$0x3FAC] =	sst s8  }
0x11: {  	[smem:$0x3FAD] =	sst s9;
	s0 =	simm.s32 @!p0 $0x0  }
0x12: {  	s1 =	sld [smem:$0x3F93];
	s0 =	simm.s32 @p0 $0x1  }
0x13: {  	[smem:$0x3FAE] =	sst s0;
	s0 =	simm.s32 @!p1 $0x0  }
0x14: {  	s2 =	sld [smem:$0x3F92];
	s0 =	simm.s32 @p1 $0x1  }
0x15: {  	[smem:$0x3FAF] =	sst s0;
	s0 =	simm.s32 @!p2 $0x0  }
0x16: {  	s3 =	sld [smem:$0x3FDB];
	s0 =	simm.s32 @p2 $0x1  }
0x17: {  	s4 =	simm.s32 $0x1BF5;
	[smem:$0x3FB1] =	sst s0  }
0x18: {  	s0 =	sld [smem:$0x3F94];
	_ =	swait.ge [sflag:s4], $0x0  }
0x19: {  	s7 =	sld [smem:$0x3F95]  }
0x1a: {  	s8 =	sadd.s32 $0xFFFFE003, lr  }
0x1b: {  	s9 =	sadd.s32 $0xFFFFFEF7, lr;
	s5 =	simm.s32 $0xFFFFFFFF;
	p2 =	slt.u32 s8, $0xFFFFF086  }
0x1c: {  	p1 =	slt.u32 s9, $0xF7A;
	s5 =	simm.s32 @!p2 $0x0  }
0x1d: {  	s5 =	simm.s32 @p1 $0x1;
	p0 =	seq.s32 s7, s2  }
0x1e: {  	s7 =	smul.u32 @!p0 $0xF7A, s2;
	p2 =	seq.s32 @!p0 s5, $0x0  }
0x1f: {  	s9 =	smul.u32 $0xF7A, s1;
	s8 =	simm.s32 @!p0 $0x1BF5;
	p2 =	por !p2, p0  }
0x20: {  	[sflag:s8] =	ssyncset.s32 @!p0 $0xFFFFF086;
	s6 =	sadd.s32 @!p0 s3, s7;
	s7 =	simm.s32 @!p0 $0x108  }
0x21: {  	s3 =	sadd.s32 s3, s9;
	s6 =	sadd.s32 @!p0 $0x88, s6;
	s7 =	simm.s32 @p2 $0x1082  }
0x22: {  	[simem:s7], [sflag:s8] =	dma.local @!p0 [hbm:s6], $0xF7A  }
0x23: {  	s9 =	sor.u32 $0xD0000000, s2;
	s6 =	simm.s32 $0x108;
	_ =	swait.ge @!p0 [sflag:s8], $0x0  }
0x24: {  	s3 =	sadd.s32 $0x88, s3;
	s6 =	simm.s32 @!p1 $0x1082;
	[sflag:s4] =	ssyncset.s32 $0xFFFFF086  }
0x25: {  	[simem:s6], [sflag:s4] =	dma.local [hbm:s3], $0xF7A  }
0x26: {  	[smem:$0x3F95] =	sst s1;
	(tag) =	ssettag s2;
	_ =	strace s9  }
0x27: {  	s1 =	sld [smem:$0x3FA5]  }
0x28: {  	s2 =	sld [smem:$0x3FA6]  }
0x29: {  	s4 =	sld [smem:$0x3FA8]  }
0x2a: {  	p0 =	seq.s32 s5, $0x0;
	s5 =	sld [smem:$0x3FA9]  }
0x2b: {  	s6 =	sld [smem:$0x3FAA]  }
0x2c: {  	s7 =	sld [smem:$0x3FAB]  }
0x2d: {  	s3 =	simm.s32 $0x108;
	s8 =	sld [smem:$0x3FAC]  }
0x2e: {  	s3 =	simm.s32 @!p0 $0x1082;
	s9 =	sld [smem:$0x3FAD]  }
0x2f: {  	lr =	sadd.s32 s0, s3;
	s0 =	sld [smem:$0x3FA4]  }
0x30: {  	s3 =	sld [smem:$0x3FA7]  }
0x31: {  	[smem:$0x3FB0] =	sst s10  }
0x32: {  	s10 =	sld [smem:$0x3FAE];
	_ =	sdelay $0x3  }
0x33: {  	p0 =	seq.s32 s10, $0x1;
	s10 =	sld [smem:$0x3FB0];
	_ =	sdelay $0x3  }
0x34: {  	[smem:$0x3FB0] =	sst s10  }
0x35: {  	s10 =	sld [smem:$0x3FAF];
	_ =	sdelay $0x3  }
0x36: {  	p1 =	seq.s32 s10, $0x1;
	s10 =	sld [smem:$0x3FB0];
	_ =	sdelay $0x3  }
0x37: {  	[smem:$0x3FB0] =	sst s10  }
0x38: {  	s10 =	sld [smem:$0x3FB1]  }
0x39: {  	_ = 	snop;
	(pc) =	sbr.ind lr, $3  }
0x3a: {  	_ = 	snop  }
0x3b: {  	_ = 	snop  }
0x3c: {  	p2 =	seq.s32 s10, $0x1;
	s10 =	sld [smem:$0x3FB0]  }
0x3d: {  	_ =	shalt  }
0x3e: {  	_ =	shalt  }
0x3f: {  	_ =	shalt  }
0x40: {  	_ =	shalt  }
0x41: {  	_ =	shalt  }
0x42: {  	_ =	shalt  }
0x43: {  	_ =	shalt  }
0x44: {  	_ =	shalt  }
0x45: {  	_ =	shalt  }
0x46: {  	_ =	shalt  }
0x47: {  	_ =	shalt  }
0x48: {  	_ =	shalt  }
0x49: {  	_ =	shalt  }
0x4a: {  	_ =	shalt  }
0x4b: {  	_ =	shalt  }
0x4c: {  	_ =	shalt  }
0x4d: {  	_ =	shalt  }
0x4e: {  	_ =	shalt  }
0x4f: {  	_ =	shalt  }
0x50: {  	_ =	shalt  }
0x51: {  	_ =	shalt  }
0x52: {  	_ =	shalt  }
0x53: {  	_ =	shalt  }
0x54: {  	_ =	shalt  }
0x55: {  	_ =	shalt  }
0x56: {  	_ =	shalt  }
0x57: {  	_ =	shalt  }
0x58: {  	_ =	shalt  }
0x59: {  	_ =	shalt  }
0x5a: {  	_ =	shalt  }
0x5b: {  	_ =	shalt  }
0x5c: {  	_ =	shalt  }
0x5d: {  	_ =	shalt  }
0x5e: {  	_ =	shalt  }
0x5f: {  	_ =	shalt  }
0x60: {  	_ =	shalt  }
0x61: {  	_ =	shalt  }
0x62: {  	_ =	shalt  }
0x63: {  	_ =	shalt  }
0x64: {  	_ =	shalt  }
0x65: {  	_ =	shalt  }
0x66: {  	_ =	shalt  }
0x67: {  	_ =	shalt  }
0x68: {  	_ =	shalt  }
0x69: {  	_ =	shalt  }
0x6a: {  	_ =	shalt  }
0x6b: {  	_ =	shalt  }
0x6c: {  	_ =	shalt  }
0x6d: {  	_ =	shalt  }
0x6e: {  	_ =	shalt  }
0x6f: {  	_ =	shalt  }
0x70: {  	_ =	shalt  }
0x71: {  	_ =	shalt  }
0x72: {  	_ =	shalt  }
0x73: {  	_ =	shalt  }
0x74: {  	_ =	shalt  }
0x75: {  	_ =	shalt  }
0x76: {  	_ =	shalt  }
0x77: {  	_ =	shalt  }
0x78: {  	_ =	shalt  }
0x79: {  	_ =	shalt  }
0x7a: {  	_ =	shalt  }
0x7b: {  	_ =	shalt  }
0x7c: {  	_ =	shalt  }
0x7d: {  	_ =	shalt  }
0x7e: {  	_ =	shalt  }
0x7f: {  	_ =	shalt  }
0x80: {  	_ =	shalt  }
0x81: {  	_ =	shalt  }
0x82: {  	_ =	shalt  }
0x83: {  	_ =	shalt  }
0x84: {  	_ =	shalt  }
0x85: {  	_ =	shalt  }
0x86: {  	_ =	shalt  }
0x87: {  	_ =	shalt  }
.Lfunc_end0:
.L_simem_size_0:
called_computation.19_lowered:
.L_overlay_start_0:
0x88: {  	s2 =	sld [smem:$0x3FD9]  }
0x89: {  	s3 =	sld [smem:$0x3FFE];
	_ =	sdelay $0x1  }
0x8a: {  	s1 =	srdreg.scid  }
0x8b: {  	s0 =	sand.u32 $0x1, s1  }
0x8c: {  	s17 =	sshll.u32 s0, $0xA;
	s2 =	sadd.s32 s3, s2  }
0x8d: {  	s2 =	sadd.s32 s2, s17  }
0x8e: {  	[smem:$0x3FBC] =	sst s2  }
0x8f: {  	_ = 	snop  }
0x90: {  	(tm) =	ssettm $0x1  }
0x91: {  	s18 =	sld [smem:$0x3FFB];
	_ =	sdelay $0x3  }
0x92: {  	_ =	strace s18  }
0x93: {  	s2 =	sld [smem:$0x3FFC];
	_ =	sdelay $0x3  }
0x94: {  	_ =	strace s2  }
0x95: {  	s2 =	sld [smem:$0x3FFD];
	_ =	sdelay $0x3  }
0x96: {  	_ =	strace s2  }
0x97: {  	_ =	strace $0x8FFFFFFF  }
0x98: {  	s19 =	sld [smem:$0x3FDB];
	_ =	sdelay $0x1  }
0x99: {  	s20 =	simm.s32 $_scs_section_size  }
0x9a: {  	s4 =	simm.s32 $_size__tile_overlayer_lowered;
	s5 =	simm.s32 $_tile_overlayer_lowered  }
0x9b: {  	s6 =	simm.s32 $0x1BFF;
	s21 =	sshll.u32 s5, $0x1;
	s3 =	sadd.s32 s20, s19  }
0x9c: {  	s22 =	simm.s32 $0x0;
	s4 =	sshll.u32 s4, $0x1;
	s5 =	sadd.s32 s21, s3  }
0x9d: {  	[timem:s22], [sflag:s6] =	dma.local [hbm:s5], s4  }
0x9e: {  	_ =	swait.ge [sflag:s6], s4  }
0x9f: {  	s4 =	ssub.s32 $0x0, s4;
	[sflag:s6] =	ssyncset.done $0x0  }
0xa0: {  	[sflag:s6] =	ssyncadd.s32 s4;
	_ =	sdelay $0x1  }
0xa1: {  	s23 =	simm.s32 $0x1B8B  }
0xa2: {  	_ =	swait.ge [sflag:s23], $0x1  }
0xa3: {  	[sflag:s23] =	ssyncset.done $0x0  }
0xa4: {  	[sflag:s23] =	ssyncadd.s32 $0xFFFFFFFF  }
0xa5: {  	s4 =	sld [smem:$0x0]  }
0xa6: {  	s5 =	sand.u32 $0xFFFFFFFE, s1  }
0xa7: {  	p0 =	sne.s32 s1, s5  }
0xa8: {  	s5 =	sshll.u32 @p0 s5, $0xE  }
0xa9: {  	s5 =	sadd.s32 @p0 $0x11B8D, s5;
	s6 =	sshll.u32 @p0 s4, $0x11  }
0xaa: {  	s5 =	sor.u32 @p0 s6, s5  }
0xab: {  	[sflag:s5] =	ssyncadd.remote.s32 @p0 $0x1;
	_ =	sdelay $0x1  }
0xac: {  	s5 =	simm.s32 @p0 $0x1B8D  }
0xad: {  	_ =	swait.eq @p0 [sflag:s5], $0x1  }
0xae: {  	[sflag:s5] =	ssyncadd.s32 @p0 $0xFFFFFFFF  }
0xaf: {  	s6 =	sshll.u32 @!p0 s1, $0xE  }
0xb0: {  	s6 =	sor.u32 @!p0 $0x4000, s6;
	s5 =	simm.s32 @!p0 $0x1B8D  }
0xb1: {  	s4 =	sshll.u32 @!p0 s4, $0x11;
	s6 =	sadd.s32 @!p0 $0x11B8D, s6;
	_ =	swait.eq @!p0 [sflag:s5], $0x1  }
0xb2: {  	s4 =	sor.u32 @!p0 s4, s6;
	[sflag:s5] =	ssyncadd.s32 @!p0 $0xFFFFFFFF  }
0xb3: {  	s25 =	simm.s32 $0x1B8E;
	s24 =	sld [smem:$0x3FFE];
	[sflag:s4] =	ssyncadd.remote.s32 @!p0 $0x1  }
0xb4: {  	s26 =	simm.s32 $execute0_lowered;
	[smem:$0x3FD2] =	sst s25  }
0xb5: {  	s5 =	sshll.u32 s26, $0x1;
	_ =	strace $0x80000076;
	[dreg:$0x1] =	wrdreg $0xFFFFFFFF  }
0xb6: {  	s28 =	simm.s32 $_size_execute0_lowered;
	s3 =	sadd.s32 s3, s5;
	[dreg:$0x0] =	wrdreg $0x0  }
0xb7: {  	s5 =	sshll.u32 s28, $0x1;
	[dreg:$0x2] =	wrdreg s3  }
0xb8: {  	[dreg:$0x3] =	wrdreg s5  }
0xb9: {  	[dreg:$0x4] =	wrdreg $0xC0  }
0xba: {  	_ =	task [dreg:s22], $0x5FFFF  }
0xbb: {  	[dreg:$0x1] =	wrdreg $0xFFFFFFFF  }
0xbc: {  	[dreg:$0x0] =	wrdreg $0x60  }
0xbd: {  	[dreg:$0x2] =	wrdreg s24  }
0xbe: {  	[dreg:$0x3] =	wrdreg $0xD  }
0xbf: {  	_ =	task.clear_ibuf [dreg:s22], $0x4FFFF;
	_ =	strace $0x90000076  }
0xc0: {  	s29 =	simm.s32 $0xD;
	_ =	strace $0x80000078  }
0xc1: {  	_ =	swait.ge [sflag:s29], $0x1  }
0xc2: {  	[sflag:s29] =	ssyncadd.s32 $0xFFFFFFFF  }
0xc3: {  	_ =	strace $0x90000078  }
0xc4: {  	_ =	sfence  }
0xc5: {  	s30 =	sld [smem:$0x0];
	_ =	sdelay $0x2  }
0xc6: {  	s31 =	sshll.u32 s1, $0xD;
	s1 =	sshrl.u32 s1, $0x2  }
0xc7: {  	s4 =	sand.u32 $0x4000, s31;
	s1 =	sadd.s32 s1, s30  }
0xc8: {  	s0 =	sor.u32 s4, s0;
	s1 =	sshll.u32 s1, $0x11  }
0xc9: {  	s0 =	sor.u32 s1, s0  }
0xca: {  	s0 =	sadd.s32 $0x8F2B, s0  }
0xcb: {  	[sflag:s0] =	ssyncadd.remote.s32 $0x1  }
0xcc: {  	_ =	sfence.sel $0xFFFF  }
0xcd: {  	[dreg:$0x0] =	wrdreg $0xFFFFFFFF;
	(pc) =	sbr.abs _section_cstart, $3  }
0xce: {  	[dreg:$0x1] =	wrdreg $0xFFFFFFFF  }
0xcf: {  	_ =	task.clear_ibuf [dreg:s22], $0x2FFFF;
	_ =	strace $0x9FFFFFFF  }
0xd0: {  	(tm) =	ssettm $0x7FFFFFFF  }
0xd1: {  	_ =	shalt  }
tec
execute0_lowered:
.L_overlay_start_1:
0x0: {  	(tag) =	ssettag $0x1  }
0x1: {  	s1 =	srdreg.scid  }
0x2: {  	s0 =	stileid.u32;
	s8 =	rddreg [dreg:$0x0];
	s5 =	simm.s32 $0x1  }
0x3: {  	s9 =	simm.s32 $0x1;
	s10 =	simm.s32 $0x3;
	s1 =	sshll.u32 s1, $0x5  }
0x4: {  	s13 =	simm.s32 $0x0;
	s2 =	sshll.u32 s0, $0x6;
	s3 =	sand.u32 $0x20, s1  }
0x5: {  	s12 =	simm.s32 $0x0;
	s4 =	sadd.s32 $0x3BE00, s8;
	s2 =	sor.u32 s2, s3  }
0x6: {  	s1 =	rddreg [dreg:$0x1];
	_ =	strace $0x80000077;
	s7 =	ssub.s32 $0x800, s2  }
.Ltmp0:
0x7: {  	s3 =	sadd.s32 $0x3B600, s8;
	s6 =	sand.u32 $0x3E0, s7;
	(pc) =	sbr.rel .LBB2_1-.Ltmp0, $4  }
0x8: {  	[sflag:s5] =	ssyncpa.u1 $0x0;
	s8 =	sadd.s32 $0x3C800, s8;
	p0 =	sne.s32 s6, $0x0  }
0x9: {  	s7 =	sshrl.u32 s7, $0xA;
	s6 =	simm.s32 $0x2;
	s9 =	simm.s32 @!p0 $0x0  }
0xa: {  	s11 =	smov.u32 s2;
	[sflag:s6] =	ssyncpa.u1 $0x0;
	s7 =	sadd.s32 s9, s7  }
0xb: {  	vm0 =	vmmov $0xffff;
	[sflag:s10] =	ssyncpa.u1 $0x0;
	s10 =	simm.s32 $0x0;
	s9 =	sadd.s32 $0x1, s7  }
.LBB2_5:
0xc: {  	s15 =	sadd.s32 $0x400, s11  }
0xd: {  	p1 =	sgt.s32 s15, $0x7FF  }
0xe: {  	s15 =	smov.u32 @p1 s2;
	p1 =	sne.s32 s12, s9  }
.Ltmp1:
0xf: {  	p0 =	slt.u32 s12, $0x2;
	(pc) =	sbr.rel @!p1 .LBB2_6-.Ltmp1, $4  }
0x10: {  	s14 =	simm.s32 @!p0 $0x3  }
0x11: {  	_ =	swait.ge @!p0 [sflag:s14], $0x20  }
0x12: {  	s16 =	sadd.s32 $0x1, s12;
	s13 =	smov.u32 s11;
	[sflag:s14] =	ssyncset.done @!p0 $0x0  }
0x13: {  	s12 =	smov.u32 s16;
	s11 =	smov.u32 s15;
	[sflag:s14] =	ssyncadd.s32 @!p0 $0xFFFFFFE0  }
.LBB2_1:
0x14: {  	p0 =	sge.u32 s12, s7  }
0x15: {  	s14 =	sxor.u32 @!p0 $0xFFFFFFFF, s12  }
0x16: {  	s31 =	sadd.s32 $0xFFFFFFFF, s12;
	s15 =	sshrl.u32 @!p0 s11, $0x3;
	s14 =	sshll.u32 @!p0 s14, $0x5  }
0x17: {  	s16 =	sand.u32 @!p0 $0x7, s11;
	s15 =	sadd.s32 @!p0 s4, s15;
	s14 =	sand.u32 @!p0 $0x20, s14  }
0x18: {  	[tilespmem:s14], [sflag:$0x2] =	stream.linear.gather @!p0 [hbm4b:s15+s16], $0x20, $0x38;
	[tilespmem:$0x80] =	vst v63  }
0x19: {  	p0 =	sge.u32 s31, s7  }
.Ltmp2:
0x1a: {  	_ = 	snop;
	(pc) =	sbr.rel @p0 .LBB2_5-.Ltmp2, $1  }
0x1b: {  	_ =	sdelay $0x3  }
0x1c: {  	_ =	swait.ge [sflag:s6], $0x20;
	s14 =	sshll.u32 s12, $0x5;
	s16 =	simm.s32 $0x0  }
0x1d: {  	p0 =	por $0x1, $0x1;
	[sflag:s6] =	ssyncset.done $0x0;
	s15 =	sand.u32 $0x20, s14  }
0x1e: {  	[sflag:s6] =	ssyncadd.s32 $0xFFFFFFE0;
	(ifvalue) =	ssetifvalue $0x7FFFFFFF;
	s14 =	sor.u32 $0x40, s15  }
.LBB2_3:
0x1f: {  	s17 =	sadd.s32 s16, s15  }
0x20: {  	v0 =	vld.msk [tilespmem:s17+$0x0 ss:$0x1], $0xffff;
	_ =	sdelay $0x4  }
0x21: {  	v1 =	vshrl.u32 v0, $0x4;
	v2 =	vshll.u32 v0, $0x7  }
0x22: {  	vm1 =	veq.s32 v0, $0x80000000;
	v61 =	vand.u32 $0x7F, v1;
	v62 =	vand.u32 $0x780, v2  }
0x23: {  	v0 =	vsel vm1, $0xFFFFFFFF, v61;
	v1 =	vsel vm1, $0xFFFFFF80, v62  }
0x24: {  	v63 =	vand.u32 $0xFFFFFC00, v1;
	v3 =	vand.u32 $0xFFFFFC00, v0  }
0x25: {  	v1 =	vand.u32 $0x380, v1;
	v2 =	vadd.s32 v3, v63  }
0x26: {  	v0 =	vand.u32 $0x7F, v0;
	v1 =	vor.u32 v1, v2  }
0x27: {  	p1 =	por p0, p0;
	v0 =	vor.u32 v0, v1  }
.Ltmp3:
0x28: {  	_ = 	snop;
	(pc) =	sbr.rel @p1 .LBB2_3-.Ltmp3, $4  }
0x29: {  	_ = 	snop  }
0x2a: {  	s31 =	sadd.s32 s16, s14  }
0x2b: {  	s16 =	simm.s32 $0x10;
	p0 =	por $0x0, $0x0;
	(ifvalue) =	ssetifvalue $0x7FFFFFFF  }
0x2c: {  	[tilespmem:s31], [sflag:$0x1] =	stream.indirect_vreg.gather [hbm4b:s3+s10], $0x1, v0, vm0, $0x4038;
	[tilespmem:$0x80] =	vst v63  }
.Ltmp4:
0x2d: {  	(pc) =	sbr.rel .LBB2_5-.Ltmp4, $4  }
0x2e: {  	_ =	swait.ge [sflag:s5], $0x20  }
0x2f: {  	s15 =	sshrl.u32 s13, $0x3;
	[sflag:s5] =	ssyncset.done $0x0  }
0x30: {  	s31 =	sand.u32 $0x7, s13;
	s15 =	sadd.s32 s8, s15;
	[sflag:s5] =	ssyncadd.s32 $0xFFFFFFE0  }
0x31: {  	[hbm4b:s15+s31] =	stream.linear.scatter [tilespmem:s14], [sflag:$0x3], $0x20, $0x38;
	[tilespmem:$0x80] =	vst v63  }
.LBB2_6:
0x32: {  	_ =	sfence.sel $0x180000  }
0x33: {  	s2 =	simm.s32 $0x2;
	[bflag:$0x0] =	sbarrier.arrive $0xFFFF  }
0x34: {  	s30 =	simm.s32 $0x3;
	[sflag:s2] =	ssyncpa.u1 $0x1  }
0x35: {  	s31 =	simm.s32 $0x1;
	[sflag:s30] =	ssyncpa.u1 $0x1  }
0x36: {  	[sflag:s31] =	ssyncpa.u1 $0x1  }
0x37: {  	p0 =	sne.s32 s0, $0x0;
	_ =	strace $0x90000077  }
0x38: {  	s0 =	sadd.s32 @!p0 $0x100000, s1;
	[bflag:$0x2] =	sbarrier.arrive $0xFFFF  }
0x39: {  	[sflag:s0] =	ssyncadd.tile.s32 @!p0 $0x1;
	_ =	shalt  }
.Lfunc_end2:
_tile_overlayer_lowered:
.L_overlay_start_2:
0x3a: {  	(tag) =	ssettag $0x2  }
0x3b: {  	s0 =	rddreg [dreg:$0x0];
	s2 =	stileid.u32  }
0x3c: {  	s1 =	rddreg [dreg:$0x1];
	p0 =	sne.s32 s2, $0x0  }
0x3d: {  	s3 =	rddreg [dreg:$0x2];
	[bflag:$0x3] =	sbarrier.arrive $0xFFFF;
	s2 =	simm.s32 @!p0 $0x1C01  }
0x3e: {  	[timem:s3], [sflag:s2] =	dma.local @!p0 [hbm:s0], s1  }
0x3f: {  	s0 =	simm.s32 @!p0 $0x1  }
0x40: {  	_ =	swait.ge @!p0 [sflag:s0], s1  }
0x41: {  	s1 =	ssub.s32 @!p0 $0x0, s1;
	[sflag:s0] =	ssyncset.done @!p0 $0x0  }
0x42: {  	[sflag:s0] =	ssyncadd.s32 @!p0 s1  }
0x43: {  	[bflag:$0x3] =	sbarrier.arrive $0xFFFF  }
0x44: {  	_ =	shalt  }

// kernel: gather_offload_async_start.1
scs
__scs_entry_jumppad:
0x0: {  	(pc) =	sbr.rel $0x88, $3  }
0x1: {  	(tag) =	ssettag $0x0;
	lr =	simm.s32 $0x1  }
0x2: {  	[smem:$0x3F95] =	sst lr;
	_ =	strace $0xD0000000  }
0x3: {  	_ = 	snop  }
0x4: {  	_ = 	snop  }
0x5: {  	_ = 	snop  }
0x6: {  	_ = 	snop  }
0x7: {  	_ = 	snop  }
__scs_overlays_trampoline_lowered:
0x8: {  	[smem:$0x3FA4] =	sst s0  }
0x9: {  	[smem:$0x3FA5] =	sst s1  }
0xa: {  	[smem:$0x3FA6] =	sst s2  }
0xb: {  	[smem:$0x3FA7] =	sst s3  }
0xc: {  	[smem:$0x3FA8] =	sst s4  }
0xd: {  	[smem:$0x3FA9] =	sst s5  }
0xe: {  	[smem:$0x3FAA] =	sst s6  }
0xf: {  	[smem:$0x3FAB] =	sst s7  }
0x10: {  	[smem:$0x3FAC] =	sst s8  }
0x11: {  	[smem:$0x3FAD] =	sst s9;
	s0 =	simm.s32 @!p0 $0x0  }
0x12: {  	s1 =	sld [smem:$0x3F93];
	s0 =	simm.s32 @p0 $0x1  }
0x13: {  	[smem:$0x3FAE] =	sst s0;
	s0 =	simm.s32 @!p1 $0x0  }
0x14: {  	s2 =	sld [smem:$0x3F92];
	s0 =	simm.s32 @p1 $0x1  }
0x15: {  	[smem:$0x3FAF] =	sst s0;
	s0 =	simm.s32 @!p2 $0x0  }
0x16: {  	s3 =	sld [smem:$0x3FDB];
	s0 =	simm.s32 @p2 $0x1  }
0x17: {  	s4 =	simm.s32 $0x1BF5;
	[smem:$0x3FB1] =	sst s0  }
0x18: {  	s0 =	sld [smem:$0x3F94];
	_ =	swait.ge [sflag:s4], $0x0  }
0x19: {  	s7 =	sld [smem:$0x3F95]  }
0x1a: {  	s8 =	sadd.s32 $0xFFFFE003, lr  }
0x1b: {  	s9 =	sadd.s32 $0xFFFFFEF7, lr;
	s5 =	simm.s32 $0xFFFFFFFF;
	p2 =	slt.u32 s8, $0xFFFFF086  }
0x1c: {  	p1 =	slt.u32 s9, $0xF7A;
	s5 =	simm.s32 @!p2 $0x0  }
0x1d: {  	s5 =	simm.s32 @p1 $0x1;
	p0 =	seq.s32 s7, s2  }
0x1e: {  	s7 =	smul.u32 @!p0 $0xF7A, s2;
	p2 =	seq.s32 @!p0 s5, $0x0  }
0x1f: {  	s9 =	smul.u32 $0xF7A, s1;
	s8 =	simm.s32 @!p0 $0x1BF5;
	p2 =	por !p2, p0  }
0x20: {  	[sflag:s8] =	ssyncset.s32 @!p0 $0xFFFFF086;
	s6 =	sadd.s32 @!p0 s3, s7;
	s7 =	simm.s32 @!p0 $0x108  }
0x21: {  	s3 =	sadd.s32 s3, s9;
	s6 =	sadd.s32 @!p0 $0x88, s6;
	s7 =	simm.s32 @p2 $0x1082  }
0x22: {  	[simem:s7], [sflag:s8] =	dma.local @!p0 [hbm:s6], $0xF7A  }
0x23: {  	s9 =	sor.u32 $0xD0000000, s2;
	s6 =	simm.s32 $0x108;
	_ =	swait.ge @!p0 [sflag:s8], $0x0  }
0x24: {  	s3 =	sadd.s32 $0x88, s3;
	s6 =	simm.s32 @!p1 $0x1082;
	[sflag:s4] =	ssyncset.s32 $0xFFFFF086  }
0x25: {  	[simem:s6], [sflag:s4] =	dma.local [hbm:s3], $0xF7A  }
0x26: {  	[smem:$0x3F95] =	sst s1;
	(tag) =	ssettag s2;
	_ =	strace s9  }
0x27: {  	s1 =	sld [smem:$0x3FA5]  }
0x28: {  	s2 =	sld [smem:$0x3FA6]  }
0x29: {  	s4 =	sld [smem:$0x3FA8]  }
0x2a: {  	p0 =	seq.s32 s5, $0x0;
	s5 =	sld [smem:$0x3FA9]  }
0x2b: {  	s6 =	sld [smem:$0x3FAA]  }
0x2c: {  	s7 =	sld [smem:$0x3FAB]  }
0x2d: {  	s3 =	simm.s32 $0x108;
	s8 =	sld [smem:$0x3FAC]  }
0x2e: {  	s3 =	simm.s32 @!p0 $0x1082;
	s9 =	sld [smem:$0x3FAD]  }
0x2f: {  	lr =	sadd.s32 s0, s3;
	s0 =	sld [smem:$0x3FA4]  }
0x30: {  	s3 =	sld [smem:$0x3FA7]  }
0x31: {  	[smem:$0x3FB0] =	sst s10  }
0x32: {  	s10 =	sld [smem:$0x3FAE];
	_ =	sdelay $0x3  }
0x33: {  	p0 =	seq.s32 s10, $0x1;
	s10 =	sld [smem:$0x3FB0];
	_ =	sdelay $0x3  }
0x34: {  	[smem:$0x3FB0] =	sst s10  }
0x35: {  	s10 =	sld [smem:$0x3FAF];
	_ =	sdelay $0x3  }
0x36: {  	p1 =	seq.s32 s10, $0x1;
	s10 =	sld [smem:$0x3FB0];
	_ =	sdelay $0x3  }
0x37: {  	[smem:$0x3FB0] =	sst s10  }
0x38: {  	s10 =	sld [smem:$0x3FB1]  }
0x39: {  	_ = 	snop;
	(pc) =	sbr.ind lr, $3  }
0x3a: {  	_ = 	snop  }
0x3b: {  	_ = 	snop  }
0x3c: {  	p2 =	seq.s32 s10, $0x1;
	s10 =	sld [smem:$0x3FB0]  }
0x3d: {  	_ =	shalt  }
0x3e: {  	_ =	shalt  }
0x3f: {  	_ =	shalt  }
0x40: {  	_ =	shalt  }
0x41: {  	_ =	shalt  }
0x42: {  	_ =	shalt  }
0x43: {  	_ =	shalt  }
0x44: {  	_ =	shalt  }
0x45: {  	_ =	shalt  }
0x46: {  	_ =	shalt  }
0x47: {  	_ =	shalt  }
0x48: {  	_ =	shalt  }
0x49: {  	_ =	shalt  }
0x4a: {  	_ =	shalt  }
0x4b: {  	_ =	shalt  }
0x4c: {  	_ =	shalt  }
0x4d: {  	_ =	shalt  }
0x4e: {  	_ =	shalt  }
0x4f: {  	_ =	shalt  }
0x50: {  	_ =	shalt  }
0x51: {  	_ =	shalt  }
0x52: {  	_ =	shalt  }
0x53: {  	_ =	shalt  }
0x54: {  	_ =	shalt  }
0x55: {  	_ =	shalt  }
0x56: {  	_ =	shalt  }
0x57: {  	_ =	shalt  }
0x58: {  	_ =	shalt  }
0x59: {  	_ =	shalt  }
0x5a: {  	_ =	shalt  }
0x5b: {  	_ =	shalt  }
0x5c: {  	_ =	shalt  }
0x5d: {  	_ =	shalt  }
0x5e: {  	_ =	shalt  }
0x5f: {  	_ =	shalt  }
0x60: {  	_ =	shalt  }
0x61: {  	_ =	shalt  }
0x62: {  	_ =	shalt  }
0x63: {  	_ =	shalt  }
0x64: {  	_ =	shalt  }
0x65: {  	_ =	shalt  }
0x66: {  	_ =	shalt  }
0x67: {  	_ =	shalt  }
0x68: {  	_ =	shalt  }
0x69: {  	_ =	shalt  }
0x6a: {  	_ =	shalt  }
0x6b: {  	_ =	shalt  }
0x6c: {  	_ =	shalt  }
0x6d: {  	_ =	shalt  }
0x6e: {  	_ =	shalt  }
0x6f: {  	_ =	shalt  }
0x70: {  	_ =	shalt  }
0x71: {  	_ =	shalt  }
0x72: {  	_ =	shalt  }
0x73: {  	_ =	shalt  }
0x74: {  	_ =	shalt  }
0x75: {  	_ =	shalt  }
0x76: {  	_ =	shalt  }
0x77: {  	_ =	shalt  }
0x78: {  	_ =	shalt  }
0x79: {  	_ =	shalt  }
0x7a: {  	_ =	shalt  }
0x7b: {  	_ =	shalt  }
0x7c: {  	_ =	shalt  }
0x7d: {  	_ =	shalt  }
0x7e: {  	_ =	shalt  }
0x7f: {  	_ =	shalt  }
0x80: {  	_ =	shalt  }
0x81: {  	_ =	shalt  }
0x82: {  	_ =	shalt  }
0x83: {  	_ =	shalt  }
0x84: {  	_ =	shalt  }
0x85: {  	_ =	shalt  }
0x86: {  	_ =	shalt  }
0x87: {  	_ =	shalt  }
.Lfunc_end0:
.L_simem_size_0:
called_computation.1_lowered:
.L_overlay_start_0:
0x88: {  	s2 =	sld [smem:$0x3FD9]  }
0x89: {  	s3 =	sld [smem:$0x3FFE];
	_ =	sdelay $0x1  }
0x8a: {  	s1 =	srdreg.scid  }
0x8b: {  	s0 =	sand.u32 $0x1, s1  }
0x8c: {  	s17 =	sshll.u32 s0, $0xA;
	s2 =	sadd.s32 s3, s2  }
0x8d: {  	s2 =	sadd.s32 s2, s17  }
0x8e: {  	[smem:$0x3FBC] =	sst s2  }
0x8f: {  	_ = 	snop  }
0x90: {  	s2 =	sld [smem:$0x3FC9];
	(tm) =	ssettm $0x1  }
0x91: {  	s18 =	sld [smem:$0x3FFB];
	_ =	sdelay $0x3  }
0x92: {  	_ =	strace s18  }
0x93: {  	s3 =	sld [smem:$0x3FFC];
	_ =	sdelay $0x3  }
0x94: {  	_ =	strace s3  }
0x95: {  	s3 =	sld [smem:$0x3FFD];
	_ =	sdelay $0x3  }
0x96: {  	_ =	strace s3  }
0x97: {  	_ =	strace $0x8FFFFFFF  }
0x98: {  	s19 =	sld [smem:$0x3FDB];
	_ =	sdelay $0x1  }
0x99: {  	s4 =	simm.s32 $_scs_section_size  }
0x9a: {  	s5 =	simm.s32 $_size__tile_overlayer_lowered;
	s6 =	simm.s32 $_tile_overlayer_lowered  }
0x9b: {  	s22 =	simm.s32 $0x1BFF;
	s21 =	sshll.u32 s6, $0x1;
	s3 =	sadd.s32 s4, s19  }
0x9c: {  	s7 =	simm.s32 $0x0;
	s20 =	sshll.u32 s5, $0x1;
	s5 =	sadd.s32 s21, s3  }
0x9d: {  	[timem:s7], [sflag:s22] =	dma.local [hbm:s5], s20  }
0x9e: {  	_ =	swait.ge [sflag:s22], s20  }
0x9f: {  	s4 =	ssub.s32 $0x0, s20;
	[sflag:s22] =	ssyncset.done $0x0  }
0xa0: {  	[sflag:s22] =	ssyncadd.s32 s4;
	_ =	sdelay $0x1  }
0xa1: {  	s23 =	simm.s32 $0x1B8B  }
0xa2: {  	_ =	swait.ge [sflag:s23], $0x1  }
0xa3: {  	[sflag:s23] =	ssyncset.done $0x0  }
0xa4: {  	s25 =	simm.s32 $0x1B8E;
	s24 =	sld [smem:$0x3FFE];
	[sflag:s23] =	ssyncadd.s32 $0xFFFFFFFF  }
0xa5: {  	s26 =	simm.s32 $execute0_lowered;
	[smem:$0x3FD2] =	sst s25  }
0xa6: {  	s5 =	sshll.u32 s26, $0x1;
	_ =	strace $0x80000046;
	[dreg:$0x1] =	wrdreg $0xFFFFFFFF  }
0xa7: {  	s28 =	simm.s32 $_size_execute0_lowered;
	s3 =	sadd.s32 s3, s5;
	[dreg:$0x0] =	wrdreg $0x0  }
0xa8: {  	s5 =	sshll.u32 s28, $0x1;
	[dreg:$0x2] =	wrdreg s3  }
0xa9: {  	[dreg:$0x3] =	wrdreg s5  }
0xaa: {  	[dreg:$0x4] =	wrdreg $0xC0  }
0xab: {  	_ =	task [dreg:s7], $0x5FFFF  }
0xac: {  	[dreg:$0x1] =	wrdreg $0xFFFFFFFF  }
0xad: {  	[dreg:$0x0] =	wrdreg $0x60  }
0xae: {  	[dreg:$0x2] =	wrdreg s2  }
0xaf: {  	[dreg:$0x3] =	wrdreg s24  }
0xb0: {  	[dreg:$0x4] =	wrdreg $0xA  }
0xb1: {  	_ =	task.clear_ibuf [dreg:s7], $0x5FFFF;
	_ =	strace $0x90000046  }
0xb2: {  	s29 =	simm.s32 $0xA;
	_ =	strace $0x80000048  }
0xb3: {  	_ =	swait.ge [sflag:s29], $0x1  }
0xb4: {  	[sflag:s29] =	ssyncadd.s32 $0xFFFFFFFF  }
0xb5: {  	_ =	strace $0x90000048  }
0xb6: {  	_ =	sfence  }
0xb7: {  	s30 =	sld [smem:$0x0];
	_ =	sdelay $0x2  }
0xb8: {  	s31 =	sshll.u32 s1, $0xD;
	s1 =	sshrl.u32 s1, $0x2  }
0xb9: {  	s3 =	sand.u32 $0x4000, s31;
	s1 =	sadd.s32 s1, s30  }
0xba: {  	s0 =	sor.u32 s3, s0;
	s1 =	sshll.u32 s1, $0x11  }
0xbb: {  	s0 =	sor.u32 s1, s0  }
0xbc: {  	s0 =	sadd.s32 $0x8F2B, s0  }
0xbd: {  	[sflag:s0] =	ssyncadd.remote.s32 $0x1  }
0xbe: {  	_ =	sfence.sel $0xFFFF  }
0xbf: {  	[dreg:$0x0] =	wrdreg $0xFFFFFFFF;
	(pc) =	sbr.abs _section_cstart, $3  }
0xc0: {  	[dreg:$0x1] =	wrdreg $0xFFFFFFFF  }
0xc1: {  	_ =	task.clear_ibuf [dreg:s7], $0x2FFFF;
	_ =	strace $0x9FFFFFFF  }
0xc2: {  	(tm) =	ssettm $0x7FFFFFFF  }
0xc3: {  	_ =	shalt  }
tec
execute0_lowered:
.L_overlay_start_1:
0x0: {  	(tag) =	ssettag $0x1  }
0x1: {  	s2 =	rddreg [dreg:$0x0]  }
0x2: {  	s7 =	rddreg [dreg:$0x1]  }
0x3: {  	s0 =	rddreg [dreg:$0x2]  }
0x4: {  	s1 =	srdreg.scid;
	_ =	strace $0x80000047;
	s4 =	simm.s32 $0x1  }
0x5: {  	s9 =	simm.s32 $0x3;
	s12 =	simm.s32 $0x0;
	s5 =	sshll.u32 s1, $0x4  }
.Ltmp0:
0x6: {  	s1 =	stileid.u32;
	s5 =	sand.u32 $0x10, s5;
	(pc) =	sbr.rel .LBB2_1-.Ltmp0, $4  }
0x7: {  	s10 =	simm.s32 $0x0;
	s3 =	sadd.s32 $0x2000, s7;
	s6 =	sor.u32 s1, s5  }
0x8: {  	[sflag:s4] =	ssyncpa.u1 $0x0;
	s5 =	simm.s32 $0x2;
	s6 =	sshll.u32 s6, $0x7  }
0x9: {  	s7 =	sadd.s32 $0x2200, s7;
	[sflag:s5] =	ssyncpa.u1 $0x0;
	s8 =	sadd.s32 $0x80, s6  }
0xa: {  	vm0 =	vmmov $0xff;
	vm1 =	vcmask $0x3F20;
	[sflag:s9] =	ssyncpa.u1 $0x0;
	s9 =	simm.s32 $0x80;
	s11 =	smov.u32 s6  }
.LBB2_10:
0xb: {  	[hbm:s16] =	stream.linear.scatter [tilespmem:s13], [sflag:$0x3], $0x800, $0x38;
	[tilespmem:$0x10100] =	vst v63  }
.LBB2_11:
0xc: {  	p0 =	seq.s32 s10, $0x2  }
.Ltmp1:
0xd: {  	_ = 	snop;
	(pc) =	sbr.rel @p0 .LBB2_13-.Ltmp1, $1  }
0xe: {  	_ =	sdelay $0x3  }
.LBB2_12:
0xf: {  	s12 =	sadd.s32 $0x80, s11  }
0x10: {  	s13 =	smov.u32 s6;
	p0 =	slt.s32 s12, s8  }
0x11: {  	s13 =	smov.u32 @p0 s12  }
0x12: {  	s10 =	sadd.s32 $0x1, s10;
	s12 =	smov.u32 s11;
	s11 =	smov.u32 s13  }
.LBB2_1:
0x13: {  	p0 =	sne.s32 s10, $0x0  }
.Ltmp2:
0x14: {  	_ = 	snop;
	(pc) =	sbr.rel @!p0 .LBB2_2-.Ltmp2, $1  }
0x15: {  	_ =	sdelay $0x3  }
0x16: {  	s13 =	sand.u32 $0x1, s10  }
0x17: {  	p0 =	seq.s32 s13, $0x0  }
.Ltmp3:
0x18: {  	_ = 	snop;
	(pc) =	sbr.rel @p0 .LBB2_11-.Ltmp3, $1  }
0x19: {  	_ =	sdelay $0x3  }
0x1a: {  	_ =	swait.ge [sflag:s5], $0x80  }
0x1b: {  	[sflag:s5] =	ssyncset.done $0x0  }
0x1c: {  	s13 =	simm.s32 $0x0;
	[sflag:s5] =	ssyncadd.s32 $0xFFFFFF80  }
.LBB2_5:
0x1d: {  	s14 =	sshll.u32 s13, $0x4  }
0x1e: {  	s14 =	sand.u32 $0x3FFFFFF0, s14  }
0x1f: {  	v0 =	vld.msk [tilespmem:s14+$0x80 ss:$0x1], $0xffff;
	_ =	sdelay $0x4  }
0x20: {  	v1 =	vshrl.u32 v0, $0x6  }
0x21: {  	vm2 =	veq.s32 v0, $0x80000000;
	v1 =	vand.u32 $0x7F, v1  }
0x22: {  	v0 =	vshll.u32 v0, $0xF;
	v1 =	vsel vm2, $0xFFFFFFFF, v1  }
0x23: {  	v0 =	vand.u32 $0x1F8000, v0;
	v2 =	vshll.u32 v1, $0x8  }
0x24: {  	v0 =	vsel vm2, $0xFFFF8000, v0;
	v1 =	vshll.u32 v1, $0x7;
	v2 =	vand.u32 $0xFFFFF800, v2  }
0x25: {  	s31 =	sshll.u32 s13, $0xC;
	v1 =	vand.u32 $0x380, v1;
	v0 =	vadd.s32 v0, v2  }
0x26: {  	s14 =	sand.u32 $0x3FFFF000, s31;
	v0 =	vor.u32 v1, v0  }
0x27: {  	p0 =	por $0x1, $0x1;
	s15 =	simm.s32 $0x0;
	s14 =	sadd.s32 $0x8100, s14;
	v0 =	vshrl.u32 v0, $0x3  }
.LBB2_6:
0x28: {  	_ =	sdelay $0x1  }
0x29: {  	s15 =	sshra.s32 s15, $0x2;
	p1 =	por p0, p0  }
.Ltmp4:
0x2a: {  	s15 =	sadd.s32 s15, s14;
	(pc) =	sbr.rel @p1 .LBB2_6-.Ltmp4, $4  }
0x2b: {  	[tilespmem:s15], [sflag:$0x1] =	stream.indirect_vreg.gather [hbm:s2], $0x80, v0, vm0, $0x38;
	[tilespmem:$0x10100] =	vst v63  }
0x2c: {  	s15 =	sadd.s32 $0x800, s15  }
0x2d: {  	[tilespmem:s15], [sflag:$0x1] =	stream.indirect_vreg.gather [hbm:s2], $0x80, v0, vm1, $0x38;
	[tilespmem:$0x10100] =	vst v63  }
0x2e: {  	p0 =	por $0x0, $0x0;
	v0 =	vadd.s32 $0x80, v0;
	s15 =	simm.s32 $0x1000  }
0x2f: {  	s13 =	sadd.s32 $0x1, s13  }
0x30: {  	p0 =	sne.s32 s13, $0x8  }
.Ltmp5:
0x31: {  	_ = 	snop;
	(pc) =	sbr.rel @p0 .LBB2_5-.Ltmp5, $1  }
0x32: {  	_ =	sdelay $0x3  }
0x33: {  	s13 =	sshll.u32 s12, $0x5  }
0x34: {  	_ =	swait.ge [sflag:s4], $0x8000;
	s31 =	sshll.u32 s12, $0x4;
	s13 =	sand.u32 $0xFFFFFF00, s13  }
0x35: {  	s14 =	simm.s32 $0x100;
	s12 =	sand.u32 $0x70, s31;
	s13 =	sadd.s32 s13, s7  }
0x36: {  	s15 =	simm.s32 $0x8900;
	[sflag:s4] =	ssyncset.done $0x0;
	s12 =	sadd.s32 s12, s13  }
0x37: {  	[sflag:s4] =	ssyncadd.s32 $0xFFFF8000;
	s13 =	simm.s32 $0x8100;
	s16 =	sadd.s32 $0x0, s12  }
.LBB2_9:
0x38: {  	[hbm:s16] =	stream.linear.scatter [tilespmem:s13], [sflag:$0x3], $0x800, $0x38;
	[tilespmem:$0x10100] =	vst v63  }
0x39: {  	s16 =	smov.u32 s14;
	s13 =	smov.u32 s15;
	p0 =	sne.s32 s14, $0xF00  }
.Ltmp6:
0x3a: {  	s14 =	sadd.s32 $0x100, s14;
	(pc) =	sbr.rel @p0 .LBB2_9-.Ltmp6, $2  }
0x3b: {  	_ =	sdelay $0x2  }
0x3c: {  	s15 =	sadd.s32 $0x800, s15;
	s16 =	sadd.s32 s16, s12  }
.Ltmp7:
0x3d: {  	_ = 	snop;
	(pc) =	sbr.rel .LBB2_10-.Ltmp7, $1  }
0x3e: {  	_ =	sdelay $0x3  }
.LBB2_2:
.Ltmp8:
0x3f: {  	(pc) =	sbr.rel .LBB2_12-.Ltmp8, $4  }
0x40: {  	_ = 	snop  }
0x41: {  	s12 =	sshrl.u32 s11, $0x3  }
0x42: {  	s13 =	sand.u32 $0x7, s11;
	s12 =	sadd.s32 s3, s12  }
0x43: {  	[tilespmem:s9], [sflag:$0x2] =	stream.linear.gather [hbm4b:s12+s13], $0x80, $0x38;
	[tilespmem:$0x10100] =	vst v63  }
.LBB2_13:
0x44: {  	s2 =	simm.s32 $0x3  }
0x45: {  	_ =	swait.ge [sflag:s2], $0x8000  }
0x46: {  	[sflag:s2] =	ssyncset.done $0x0  }
0x47: {  	[sflag:s2] =	ssyncadd.s32 $0xFFFF8000  }
0x48: {  	_ =	sfence.sel $0x180000  }
0x49: {  	s3 =	simm.s32 $0x2;
	[bflag:$0x0] =	sbarrier.arrive $0xFFFF  }
0x4a: {  	[sflag:s3] =	ssyncpa.u1 $0x1  }
0x4b: {  	s31 =	simm.s32 $0x1;
	[sflag:s2] =	ssyncpa.u1 $0x1  }
0x4c: {  	[sflag:s31] =	ssyncpa.u1 $0x1  }
0x4d: {  	p0 =	sne.s32 s1, $0x0;
	_ =	strace $0x90000047  }
0x4e: {  	s0 =	sadd.s32 @!p0 $0x100000, s0;
	[bflag:$0x2] =	sbarrier.arrive $0xFFFF  }
0x4f: {  	[sflag:s0] =	ssyncadd.tile.s32 @!p0 $0x1;
	_ =	shalt  }
.Lfunc_end2:
_tile_overlayer_lowered:
.L_overlay_start_2:
0x50: {  	(tag) =	ssettag $0x2  }
0x51: {  	s0 =	rddreg [dreg:$0x0];
	s2 =	stileid.u32  }
0x52: {  	s1 =	rddreg [dreg:$0x1];
	p0 =	sne.s32 s2, $0x0  }
0x53: {  	s3 =	rddreg [dreg:$0x2];
	[bflag:$0x3] =	sbarrier.arrive $0xFFFF;
	s2 =	simm.s32 @!p0 $0x1C01  }
0x54: {  	[timem:s3], [sflag:s2] =	dma.local @!p0 [hbm:s0], s1  }
0x55: {  	s0 =	simm.s32 @!p0 $0x1  }
0x56: {  	_ =	swait.ge @!p0 [sflag:s0], s1  }
0x57: {  	s1 =	ssub.s32 @!p0 $0x0, s1;
	[sflag:s0] =	ssyncset.done @!p0 $0x0  }
0x58: {  	[sflag:s0] =	ssyncadd.s32 @!p0 s1  }
0x59: {  	[bflag:$0x3] =	sbarrier.arrive $0xFFFF  }
0x5a: {  	_ =	shalt  }

// kernel: gather_offload_async_start.20
scs
__scs_entry_jumppad:
0x0: {  	(pc) =	sbr.rel $0x88, $3  }
0x1: {  	(tag) =	ssettag $0x0;
	lr =	simm.s32 $0x1  }
0x2: {  	[smem:$0x3F95] =	sst lr;
	_ =	strace $0xD0000000  }
0x3: {  	_ = 	snop  }
0x4: {  	_ = 	snop  }
0x5: {  	_ = 	snop  }
0x6: {  	_ = 	snop  }
0x7: {  	_ = 	snop  }
__scs_overlays_trampoline_lowered:
0x8: {  	[smem:$0x3FA4] =	sst s0  }
0x9: {  	[smem:$0x3FA5] =	sst s1  }
0xa: {  	[smem:$0x3FA6] =	sst s2  }
0xb: {  	[smem:$0x3FA7] =	sst s3  }
0xc: {  	[smem:$0x3FA8] =	sst s4  }
0xd: {  	[smem:$0x3FA9] =	sst s5  }
0xe: {  	[smem:$0x3FAA] =	sst s6  }
0xf: {  	[smem:$0x3FAB] =	sst s7  }
0x10: {  	[smem:$0x3FAC] =	sst s8  }
0x11: {  	[smem:$0x3FAD] =	sst s9;
	s0 =	simm.s32 @!p0 $0x0  }
0x12: {  	s1 =	sld [smem:$0x3F93];
	s0 =	simm.s32 @p0 $0x1  }
0x13: {  	[smem:$0x3FAE] =	sst s0;
	s0 =	simm.s32 @!p1 $0x0  }
0x14: {  	s2 =	sld [smem:$0x3F92];
	s0 =	simm.s32 @p1 $0x1  }
0x15: {  	[smem:$0x3FAF] =	sst s0;
	s0 =	simm.s32 @!p2 $0x0  }
0x16: {  	s3 =	sld [smem:$0x3FDB];
	s0 =	simm.s32 @p2 $0x1  }
0x17: {  	s4 =	simm.s32 $0x1BF5;
	[smem:$0x3FB1] =	sst s0  }
0x18: {  	s0 =	sld [smem:$0x3F94];
	_ =	swait.ge [sflag:s4], $0x0  }
0x19: {  	s7 =	sld [smem:$0x3F95]  }
0x1a: {  	s8 =	sadd.s32 $0xFFFFE003, lr  }
0x1b: {  	s9 =	sadd.s32 $0xFFFFFEF7, lr;
	s5 =	simm.s32 $0xFFFFFFFF;
	p2 =	slt.u32 s8, $0xFFFFF086  }
0x1c: {  	p1 =	slt.u32 s9, $0xF7A;
	s5 =	simm.s32 @!p2 $0x0  }
0x1d: {  	s5 =	simm.s32 @p1 $0x1;
	p0 =	seq.s32 s7, s2  }
0x1e: {  	s7 =	smul.u32 @!p0 $0xF7A, s2;
	p2 =	seq.s32 @!p0 s5, $0x0  }
0x1f: {  	s9 =	smul.u32 $0xF7A, s1;
	s8 =	simm.s32 @!p0 $0x1BF5;
	p2 =	por !p2, p0  }
0x20: {  	[sflag:s8] =	ssyncset.s32 @!p0 $0xFFFFF086;
	s6 =	sadd.s32 @!p0 s3, s7;
	s7 =	simm.s32 @!p0 $0x108  }
0x21: {  	s3 =	sadd.s32 s3, s9;
	s6 =	sadd.s32 @!p0 $0x88, s6;
	s7 =	simm.s32 @p2 $0x1082  }
0x22: {  	[simem:s7], [sflag:s8] =	dma.local @!p0 [hbm:s6], $0xF7A  }
0x23: {  	s9 =	sor.u32 $0xD0000000, s2;
	s6 =	simm.s32 $0x108;
	_ =	swait.ge @!p0 [sflag:s8], $0x0  }
0x24: {  	s3 =	sadd.s32 $0x88, s3;
	s6 =	simm.s32 @!p1 $0x1082;
	[sflag:s4] =	ssyncset.s32 $0xFFFFF086  }
0x25: {  	[simem:s6], [sflag:s4] =	dma.local [hbm:s3], $0xF7A  }
0x26: {  	[smem:$0x3F95] =	sst s1;
	(tag) =	ssettag s2;
	_ =	strace s9  }
0x27: {  	s1 =	sld [smem:$0x3FA5]  }
0x28: {  	s2 =	sld [smem:$0x3FA6]  }
0x29: {  	s4 =	sld [smem:$0x3FA8]  }
0x2a: {  	p0 =	seq.s32 s5, $0x0;
	s5 =	sld [smem:$0x3FA9]  }
0x2b: {  	s6 =	sld [smem:$0x3FAA]  }
0x2c: {  	s7 =	sld [smem:$0x3FAB]  }
0x2d: {  	s3 =	simm.s32 $0x108;
	s8 =	sld [smem:$0x3FAC]  }
0x2e: {  	s3 =	simm.s32 @!p0 $0x1082;
	s9 =	sld [smem:$0x3FAD]  }
0x2f: {  	lr =	sadd.s32 s0, s3;
	s0 =	sld [smem:$0x3FA4]  }
0x30: {  	s3 =	sld [smem:$0x3FA7]  }
0x31: {  	[smem:$0x3FB0] =	sst s10  }
0x32: {  	s10 =	sld [smem:$0x3FAE];
	_ =	sdelay $0x3  }
0x33: {  	p0 =	seq.s32 s10, $0x1;
	s10 =	sld [smem:$0x3FB0];
	_ =	sdelay $0x3  }
0x34: {  	[smem:$0x3FB0] =	sst s10  }
0x35: {  	s10 =	sld [smem:$0x3FAF];
	_ =	sdelay $0x3  }
0x36: {  	p1 =	seq.s32 s10, $0x1;
	s10 =	sld [smem:$0x3FB0];
	_ =	sdelay $0x3  }
0x37: {  	[smem:$0x3FB0] =	sst s10  }
0x38: {  	s10 =	sld [smem:$0x3FB1]  }
0x39: {  	_ = 	snop;
	(pc) =	sbr.ind lr, $3  }
0x3a: {  	_ = 	snop  }
0x3b: {  	_ = 	snop  }
0x3c: {  	p2 =	seq.s32 s10, $0x1;
	s10 =	sld [smem:$0x3FB0]  }
0x3d: {  	_ =	shalt  }
0x3e: {  	_ =	shalt  }
0x3f: {  	_ =	shalt  }
0x40: {  	_ =	shalt  }
0x41: {  	_ =	shalt  }
0x42: {  	_ =	shalt  }
0x43: {  	_ =	shalt  }
0x44: {  	_ =	shalt  }
0x45: {  	_ =	shalt  }
0x46: {  	_ =	shalt  }
0x47: {  	_ =	shalt  }
0x48: {  	_ =	shalt  }
0x49: {  	_ =	shalt  }
0x4a: {  	_ =	shalt  }
0x4b: {  	_ =	shalt  }
0x4c: {  	_ =	shalt  }
0x4d: {  	_ =	shalt  }
0x4e: {  	_ =	shalt  }
0x4f: {  	_ =	shalt  }
0x50: {  	_ =	shalt  }
0x51: {  	_ =	shalt  }
0x52: {  	_ =	shalt  }
0x53: {  	_ =	shalt  }
0x54: {  	_ =	shalt  }
0x55: {  	_ =	shalt  }
0x56: {  	_ =	shalt  }
0x57: {  	_ =	shalt  }
0x58: {  	_ =	shalt  }
0x59: {  	_ =	shalt  }
0x5a: {  	_ =	shalt  }
0x5b: {  	_ =	shalt  }
0x5c: {  	_ =	shalt  }
0x5d: {  	_ =	shalt  }
0x5e: {  	_ =	shalt  }
0x5f: {  	_ =	shalt  }
0x60: {  	_ =	shalt  }
0x61: {  	_ =	shalt  }
0x62: {  	_ =	shalt  }
0x63: {  	_ =	shalt  }
0x64: {  	_ =	shalt  }
0x65: {  	_ =	shalt  }
0x66: {  	_ =	shalt  }
0x67: {  	_ =	shalt  }
0x68: {  	_ =	shalt  }
0x69: {  	_ =	shalt  }
0x6a: {  	_ =	shalt  }
0x6b: {  	_ =	shalt  }
0x6c: {  	_ =	shalt  }
0x6d: {  	_ =	shalt  }
0x6e: {  	_ =	shalt  }
0x6f: {  	_ =	shalt  }
0x70: {  	_ =	shalt  }
0x71: {  	_ =	shalt  }
0x72: {  	_ =	shalt  }
0x73: {  	_ =	shalt  }
0x74: {  	_ =	shalt  }
0x75: {  	_ =	shalt  }
0x76: {  	_ =	shalt  }
0x77: {  	_ =	shalt  }
0x78: {  	_ =	shalt  }
0x79: {  	_ =	shalt  }
0x7a: {  	_ =	shalt  }
0x7b: {  	_ =	shalt  }
0x7c: {  	_ =	shalt  }
0x7d: {  	_ =	shalt  }
0x7e: {  	_ =	shalt  }
0x7f: {  	_ =	shalt  }
0x80: {  	_ =	shalt  }
0x81: {  	_ =	shalt  }
0x82: {  	_ =	shalt  }
0x83: {  	_ =	shalt  }
0x84: {  	_ =	shalt  }
0x85: {  	_ =	shalt  }
0x86: {  	_ =	shalt  }
0x87: {  	_ =	shalt  }
.Lfunc_end0:
.L_simem_size_0:
called_computation.20_lowered:
.L_overlay_start_0:
0x88: {  	s2 =	sld [smem:$0x3FD9]  }
0x89: {  	s3 =	sld [smem:$0x3FFE];
	_ =	sdelay $0x1  }
0x8a: {  	s1 =	srdreg.scid  }
0x8b: {  	s0 =	sand.u32 $0x1, s1  }
0x8c: {  	s16 =	sshll.u32 s0, $0xA;
	s2 =	sadd.s32 s3, s2  }
0x8d: {  	s2 =	sadd.s32 s2, s16  }
0x8e: {  	[smem:$0x3FBC] =	sst s2  }
0x8f: {  	_ = 	snop  }
0x90: {  	(tm) =	ssettm $0x1  }
0x91: {  	s17 =	sld [smem:$0x3FFB];
	_ =	sdelay $0x3  }
0x92: {  	_ =	strace s17  }
0x93: {  	s2 =	sld [smem:$0x3FFC];
	_ =	sdelay $0x3  }
0x94: {  	_ =	strace s2  }
0x95: {  	s2 =	sld [smem:$0x3FFD];
	_ =	sdelay $0x3  }
0x96: {  	_ =	strace s2  }
0x97: {  	_ =	strace $0x8FFFFFFF  }
0x98: {  	s18 =	sld [smem:$0x3FDB];
	_ =	sdelay $0x1  }
0x99: {  	s19 =	simm.s32 $_scs_section_size  }
0x9a: {  	s4 =	simm.s32 $_size__tile_overlayer_lowered;
	s5 =	simm.s32 $_tile_overlayer_lowered  }
0x9b: {  	s22 =	simm.s32 $0x1BFF;
	s21 =	sshll.u32 s5, $0x1;
	s2 =	sadd.s32 s19, s18  }
0x9c: {  	s6 =	simm.s32 $0x0;
	s20 =	sshll.u32 s4, $0x1;
	s4 =	sadd.s32 s21, s2  }
0x9d: {  	[timem:s6], [sflag:s22] =	dma.local [hbm:s4], s20  }
0x9e: {  	_ =	swait.ge [sflag:s22], s20  }
0x9f: {  	s3 =	ssub.s32 $0x0, s20;
	[sflag:s22] =	ssyncset.done $0x0  }
0xa0: {  	[sflag:s22] =	ssyncadd.s32 s3;
	_ =	sdelay $0x1  }
0xa1: {  	s23 =	simm.s32 $0x1B8B  }
0xa2: {  	_ =	swait.ge [sflag:s23], $0x1  }
0xa3: {  	[sflag:s23] =	ssyncset.done $0x0  }
0xa4: {  	s25 =	simm.s32 $0x1B8E;
	s24 =	sld [smem:$0x3FFE];
	[sflag:s23] =	ssyncadd.s32 $0xFFFFFFFF  }
0xa5: {  	s26 =	simm.s32 $execute0_lowered;
	[smem:$0x3FD2] =	sst s25  }
0xa6: {  	s4 =	sshll.u32 s26, $0x1;
	_ =	strace $0x8000006D;
	[dreg:$0x1] =	wrdreg $0xFFFFFFFF  }
0xa7: {  	s28 =	simm.s32 $_size_execute0_lowered;
	s2 =	sadd.s32 s2, s4;
	[dreg:$0x0] =	wrdreg $0x0  }
0xa8: {  	s4 =	sshll.u32 s28, $0x1;
	[dreg:$0x2] =	wrdreg s2  }
0xa9: {  	[dreg:$0x3] =	wrdreg s4  }
0xaa: {  	[dreg:$0x4] =	wrdreg $0xC0  }
0xab: {  	_ =	task [dreg:s6], $0x5FFFF  }
0xac: {  	[dreg:$0x1] =	wrdreg $0xFFFFFFFF  }
0xad: {  	[dreg:$0x0] =	wrdreg $0x60  }
0xae: {  	[dreg:$0x2] =	wrdreg s24  }
0xaf: {  	[dreg:$0x3] =	wrdreg $0xE  }
0xb0: {  	_ =	task.clear_ibuf [dreg:s6], $0x4FFFF;
	_ =	strace $0x9000006D  }
0xb1: {  	s29 =	simm.s32 $0xE;
	_ =	strace $0x8000006F  }
0xb2: {  	_ =	swait.ge [sflag:s29], $0x1  }
0xb3: {  	[sflag:s29] =	ssyncadd.s32 $0xFFFFFFFF  }
0xb4: {  	_ =	strace $0x9000006F  }
0xb5: {  	_ =	sfence  }
0xb6: {  	s30 =	sld [smem:$0x0];
	_ =	sdelay $0x2  }
0xb7: {  	s31 =	sshll.u32 s1, $0xD;
	s1 =	sshrl.u32 s1, $0x2  }
0xb8: {  	s3 =	sand.u32 $0x4000, s31;
	s1 =	sadd.s32 s1, s30  }
0xb9: {  	s0 =	sor.u32 s3, s0;
	s1 =	sshll.u32 s1, $0x11  }
0xba: {  	s0 =	sor.u32 s1, s0  }
0xbb: {  	s0 =	sadd.s32 $0x8F2B, s0  }
0xbc: {  	[sflag:s0] =	ssyncadd.remote.s32 $0x1  }
0xbd: {  	_ =	sfence.sel $0xFFFF  }
0xbe: {  	[dreg:$0x0] =	wrdreg $0xFFFFFFFF;
	(pc) =	sbr.abs _section_cstart, $3  }
0xbf: {  	[dreg:$0x1] =	wrdreg $0xFFFFFFFF  }
0xc0: {  	_ =	task.clear_ibuf [dreg:s6], $0x2FFFF;
	_ =	strace $0x9FFFFFFF  }
0xc1: {  	(tm) =	ssettm $0x7FFFFFFF  }
tec
execute0_lowered:
.L_overlay_start_1:
0x0: {  	(tag) =	ssettag $0x1  }
0x1: {  	s1 =	srdreg.scid  }
0x2: {  	s0 =	stileid.u32;
	s8 =	rddreg [dreg:$0x0];
	s5 =	simm.s32 $0x1  }
0x3: {  	s9 =	simm.s32 $0x1;
	s10 =	simm.s32 $0x3;
	s1 =	sshll.u32 s1, $0x5  }
0x4: {  	s13 =	simm.s32 $0x0;
	s2 =	sshll.u32 s0, $0x6;
	s3 =	sand.u32 $0x20, s1  }
0x5: {  	s12 =	simm.s32 $0x0;
	s4 =	sadd.s32 $0x3BC00, s8;
	s2 =	sor.u32 s2, s3  }
0x6: {  	s1 =	rddreg [dreg:$0x1];
	_ =	strace $0x8000006E;
	s7 =	ssub.s32 $0x800, s2  }
.Ltmp0:
0x7: {  	s3 =	sadd.s32 $0x3B800, s8;
	s6 =	sand.u32 $0x3E0, s7;
	(pc) =	sbr.rel .LBB2_1-.Ltmp0, $4  }
0x8: {  	[sflag:s5] =	ssyncpa.u1 $0x0;
	s8 =	sadd.s32 $0x3C200, s8;
	p0 =	sne.s32 s6, $0x0  }
0x9: {  	s7 =	sshrl.u32 s7, $0xA;
	s6 =	simm.s32 $0x2;
	s9 =	simm.s32 @!p0 $0x0  }
0xa: {  	s11 =	smov.u32 s2;
	[sflag:s6] =	ssyncpa.u1 $0x0;
	s7 =	sadd.s32 s9, s7  }
0xb: {  	vm0 =	vmmov $0xffff;
	[sflag:s10] =	ssyncpa.u1 $0x0;
	s10 =	simm.s32 $0x0;
	s9 =	sadd.s32 $0x1, s7  }
.LBB2_5:
0xc: {  	s15 =	sadd.s32 $0x400, s11  }
0xd: {  	p1 =	sgt.s32 s15, $0x7FF  }
0xe: {  	s15 =	smov.u32 @p1 s2;
	p1 =	sne.s32 s12, s9  }
.Ltmp1:
0xf: {  	p0 =	slt.u32 s12, $0x2;
	(pc) =	sbr.rel @!p1 .LBB2_6-.Ltmp1, $4  }
0x10: {  	s14 =	simm.s32 @!p0 $0x3  }
0x11: {  	_ =	swait.ge @!p0 [sflag:s14], $0x20  }
0x12: {  	s16 =	sadd.s32 $0x1, s12;
	s13 =	smov.u32 s11;
	[sflag:s14] =	ssyncset.done @!p0 $0x0  }
0x13: {  	s12 =	smov.u32 s16;
	s11 =	smov.u32 s15;
	[sflag:s14] =	ssyncadd.s32 @!p0 $0xFFFFFFE0  }
.LBB2_1:
0x14: {  	p0 =	sge.u32 s12, s7  }
0x15: {  	s14 =	sxor.u32 @!p0 $0xFFFFFFFF, s12  }
0x16: {  	s31 =	sadd.s32 $0xFFFFFFFF, s12;
	s15 =	sshrl.u32 @!p0 s11, $0x3;
	s14 =	sshll.u32 @!p0 s14, $0x5  }
0x17: {  	s16 =	sand.u32 @!p0 $0x7, s11;
	s15 =	sadd.s32 @!p0 s4, s15;
	s14 =	sand.u32 @!p0 $0x20, s14  }
0x18: {  	[tilespmem:s14], [sflag:$0x2] =	stream.linear.gather @!p0 [hbm4b:s15+s16], $0x20, $0x38;
	[tilespmem:$0x80] =	vst v63  }
0x19: {  	p0 =	sge.u32 s31, s7  }
.Ltmp2:
0x1a: {  	_ = 	snop;
	(pc) =	sbr.rel @p0 .LBB2_5-.Ltmp2, $1  }
0x1b: {  	_ =	sdelay $0x3  }
0x1c: {  	_ =	swait.ge [sflag:s6], $0x20;
	s14 =	sshll.u32 s12, $0x5;
	s16 =	simm.s32 $0x0  }
0x1d: {  	p0 =	por $0x1, $0x1;
	[sflag:s6] =	ssyncset.done $0x0;
	s15 =	sand.u32 $0x20, s14  }
0x1e: {  	[sflag:s6] =	ssyncadd.s32 $0xFFFFFFE0;
	(ifvalue) =	ssetifvalue $0x7FFFFFFF;
	s14 =	sor.u32 $0x40, s15  }
.LBB2_3:
0x1f: {  	s17 =	sadd.s32 s16, s15  }
0x20: {  	v0 =	vld.msk [tilespmem:s17+$0x0 ss:$0x1], $0xffff;
	_ =	sdelay $0x4  }
0x21: {  	v1 =	vshrl.u32 v0, $0x4;
	v2 =	vshll.u32 v0, $0x7  }
0x22: {  	vm1 =	veq.s32 v0, $0x80000000;
	v61 =	vand.u32 $0x7F, v1;
	v62 =	vand.u32 $0x780, v2  }
0x23: {  	v0 =	vsel vm1, $0xFFFFFFFF, v61;
	v1 =	vsel vm1, $0xFFFFFF80, v62  }
0x24: {  	v63 =	vand.u32 $0xFFFFFC00, v1;
	v3 =	vand.u32 $0xFFFFFC00, v0  }
0x25: {  	v1 =	vand.u32 $0x380, v1;
	v2 =	vadd.s32 v3, v63  }
0x26: {  	v0 =	vand.u32 $0x7F, v0;
	v1 =	vor.u32 v1, v2  }
0x27: {  	p1 =	por p0, p0;
	v0 =	vor.u32 v0, v1  }
.Ltmp3:
0x28: {  	_ = 	snop;
	(pc) =	sbr.rel @p1 .LBB2_3-.Ltmp3, $4  }
0x29: {  	_ = 	snop  }
0x2a: {  	s31 =	sadd.s32 s16, s14  }
0x2b: {  	s16 =	simm.s32 $0x10;
	p0 =	por $0x0, $0x0;
	(ifvalue) =	ssetifvalue $0x7FFFFFFF  }
0x2c: {  	[tilespmem:s31], [sflag:$0x1] =	stream.indirect_vreg.gather [hbm4b:s3+s10], $0x1, v0, vm0, $0x4038;
	[tilespmem:$0x80] =	vst v63  }
.Ltmp4:
0x2d: {  	(pc) =	sbr.rel .LBB2_5-.Ltmp4, $4  }
0x2e: {  	_ =	swait.ge [sflag:s5], $0x20  }
0x2f: {  	s15 =	sshrl.u32 s13, $0x3;
	[sflag:s5] =	ssyncset.done $0x0  }
0x30: {  	s31 =	sand.u32 $0x7, s13;
	s15 =	sadd.s32 s8, s15;
	[sflag:s5] =	ssyncadd.s32 $0xFFFFFFE0  }
0x31: {  	[hbm4b:s15+s31] =	stream.linear.scatter [tilespmem:s14], [sflag:$0x3], $0x20, $0x38;
	[tilespmem:$0x80] =	vst v63  }
.LBB2_6:
0x32: {  	_ =	sfence.sel $0x180000  }
0x33: {  	s2 =	simm.s32 $0x2;
	[bflag:$0x0] =	sbarrier.arrive $0xFFFF  }
0x34: {  	s30 =	simm.s32 $0x3;
	[sflag:s2] =	ssyncpa.u1 $0x1  }
0x35: {  	s31 =	simm.s32 $0x1;
	[sflag:s30] =	ssyncpa.u1 $0x1  }
0x36: {  	[sflag:s31] =	ssyncpa.u1 $0x1  }
0x37: {  	p0 =	sne.s32 s0, $0x0;
	_ =	strace $0x9000006E  }
0x38: {  	s0 =	sadd.s32 @!p0 $0x100000, s1;
	[bflag:$0x2] =	sbarrier.arrive $0xFFFF  }
0x39: {  	[sflag:s0] =	ssyncadd.tile.s32 @!p0 $0x1;
	_ =	shalt  }
.Lfunc_end2:
_tile_overlayer_lowered:
.L_overlay_start_2:
0x3a: {  	(tag) =	ssettag $0x2  }
0x3b: {  	s0 =	rddreg [dreg:$0x0];
	s2 =	stileid.u32  }
0x3c: {  	s1 =	rddreg [dreg:$0x1];
	p0 =	sne.s32 s2, $0x0  }
0x3d: {  	s3 =	rddreg [dreg:$0x2];
	[bflag:$0x3] =	sbarrier.arrive $0xFFFF;
	s2 =	simm.s32 @!p0 $0x1C01  }
0x3e: {  	[timem:s3], [sflag:s2] =	dma.local @!p0 [hbm:s0], s1  }
0x3f: {  	s0 =	simm.s32 @!p0 $0x1  }
0x40: {  	_ =	swait.ge @!p0 [sflag:s0], s1  }
0x41: {  	s1 =	ssub.s32 @!p0 $0x0, s1;
	[sflag:s0] =	ssyncset.done @!p0 $0x0  }
0x42: {  	[sflag:s0] =	ssyncadd.s32 @!p0 s1  }
0x43: {  	[bflag:$0x3] =	sbarrier.arrive $0xFFFF  }
0x44: {  	_ =	shalt  }

// kernel: gather_offload_async_start.21
scs
__scs_entry_jumppad:
0x0: {  	(pc) =	sbr.rel $0x88, $3  }
0x1: {  	(tag) =	ssettag $0x0;
	lr =	simm.s32 $0x1  }
0x2: {  	[smem:$0x3F95] =	sst lr;
	_ =	strace $0xD0000000  }
0x3: {  	_ = 	snop  }
0x4: {  	_ = 	snop  }
0x5: {  	_ = 	snop  }
0x6: {  	_ = 	snop  }
0x7: {  	_ = 	snop  }
__scs_overlays_trampoline_lowered:
0x8: {  	[smem:$0x3FA4] =	sst s0  }
0x9: {  	[smem:$0x3FA5] =	sst s1  }
0xa: {  	[smem:$0x3FA6] =	sst s2  }
0xb: {  	[smem:$0x3FA7] =	sst s3  }
0xc: {  	[smem:$0x3FA8] =	sst s4  }
0xd: {  	[smem:$0x3FA9] =	sst s5  }
0xe: {  	[smem:$0x3FAA] =	sst s6  }
0xf: {  	[smem:$0x3FAB] =	sst s7  }
0x10: {  	[smem:$0x3FAC] =	sst s8  }
0x11: {  	[smem:$0x3FAD] =	sst s9;
	s0 =	simm.s32 @!p0 $0x0  }
0x12: {  	s1 =	sld [smem:$0x3F93];
	s0 =	simm.s32 @p0 $0x1  }
0x13: {  	[smem:$0x3FAE] =	sst s0;
	s0 =	simm.s32 @!p1 $0x0  }
0x14: {  	s2 =	sld [smem:$0x3F92];
	s0 =	simm.s32 @p1 $0x1  }
0x15: {  	[smem:$0x3FAF] =	sst s0;
	s0 =	simm.s32 @!p2 $0x0  }
0x16: {  	s3 =	sld [smem:$0x3FDB];
	s0 =	simm.s32 @p2 $0x1  }
0x17: {  	s4 =	simm.s32 $0x1BF5;
	[smem:$0x3FB1] =	sst s0  }
0x18: {  	s0 =	sld [smem:$0x3F94];
	_ =	swait.ge [sflag:s4], $0x0  }
0x19: {  	s7 =	sld [smem:$0x3F95]  }
0x1a: {  	s8 =	sadd.s32 $0xFFFFE003, lr  }
0x1b: {  	s9 =	sadd.s32 $0xFFFFFEF7, lr;
	s5 =	simm.s32 $0xFFFFFFFF;
	p2 =	slt.u32 s8, $0xFFFFF086  }
0x1c: {  	p1 =	slt.u32 s9, $0xF7A;
	s5 =	simm.s32 @!p2 $0x0  }
0x1d: {  	s5 =	simm.s32 @p1 $0x1;
	p0 =	seq.s32 s7, s2  }
0x1e: {  	s7 =	smul.u32 @!p0 $0xF7A, s2;
	p2 =	seq.s32 @!p0 s5, $0x0  }
0x1f: {  	s9 =	smul.u32 $0xF7A, s1;
	s8 =	simm.s32 @!p0 $0x1BF5;
	p2 =	por !p2, p0  }
0x20: {  	[sflag:s8] =	ssyncset.s32 @!p0 $0xFFFFF086;
	s6 =	sadd.s32 @!p0 s3, s7;
	s7 =	simm.s32 @!p0 $0x108  }
0x21: {  	s3 =	sadd.s32 s3, s9;
	s6 =	sadd.s32 @!p0 $0x88, s6;
	s7 =	simm.s32 @p2 $0x1082  }
0x22: {  	[simem:s7], [sflag:s8] =	dma.local @!p0 [hbm:s6], $0xF7A  }
0x23: {  	s9 =	sor.u32 $0xD0000000, s2;
	s6 =	simm.s32 $0x108;
	_ =	swait.ge @!p0 [sflag:s8], $0x0  }
0x24: {  	s3 =	sadd.s32 $0x88, s3;
	s6 =	simm.s32 @!p1 $0x1082;
	[sflag:s4] =	ssyncset.s32 $0xFFFFF086  }
0x25: {  	[simem:s6], [sflag:s4] =	dma.local [hbm:s3], $0xF7A  }
0x26: {  	[smem:$0x3F95] =	sst s1;
	(tag) =	ssettag s2;
	_ =	strace s9  }
0x27: {  	s1 =	sld [smem:$0x3FA5]  }
0x28: {  	s2 =	sld [smem:$0x3FA6]  }
0x29: {  	s4 =	sld [smem:$0x3FA8]  }
0x2a: {  	p0 =	seq.s32 s5, $0x0;
	s5 =	sld [smem:$0x3FA9]  }
0x2b: {  	s6 =	sld [smem:$0x3FAA]  }
0x2c: {  	s7 =	sld [smem:$0x3FAB]  }
0x2d: {  	s3 =	simm.s32 $0x108;
	s8 =	sld [smem:$0x3FAC]  }
0x2e: {  	s3 =	simm.s32 @!p0 $0x1082;
	s9 =	sld [smem:$0x3FAD]  }
0x2f: {  	lr =	sadd.s32 s0, s3;
	s0 =	sld [smem:$0x3FA4]  }
0x30: {  	s3 =	sld [smem:$0x3FA7]  }
0x31: {  	[smem:$0x3FB0] =	sst s10  }
0x32: {  	s10 =	sld [smem:$0x3FAE];
	_ =	sdelay $0x3  }
0x33: {  	p0 =	seq.s32 s10, $0x1;
	s10 =	sld [smem:$0x3FB0];
	_ =	sdelay $0x3  }
0x34: {  	[smem:$0x3FB0] =	sst s10  }
0x35: {  	s10 =	sld [smem:$0x3FAF];
	_ =	sdelay $0x3  }
0x36: {  	p1 =	seq.s32 s10, $0x1;
	s10 =	sld [smem:$0x3FB0];
	_ =	sdelay $0x3  }
0x37: {  	[smem:$0x3FB0] =	sst s10  }
0x38: {  	s10 =	sld [smem:$0x3FB1]  }
0x39: {  	_ = 	snop;
	(pc) =	sbr.ind lr, $3  }
0x3a: {  	_ = 	snop  }
0x3b: {  	_ = 	snop  }
0x3c: {  	p2 =	seq.s32 s10, $0x1;
	s10 =	sld [smem:$0x3FB0]  }
0x3d: {  	_ =	shalt  }
0x3e: {  	_ =	shalt  }
0x3f: {  	_ =	shalt  }
0x40: {  	_ =	shalt  }
0x41: {  	_ =	shalt  }
0x42: {  	_ =	shalt  }
0x43: {  	_ =	shalt  }
0x44: {  	_ =	shalt  }
0x45: {  	_ =	shalt  }
0x46: {  	_ =	shalt  }
0x47: {  	_ =	shalt  }
0x48: {  	_ =	shalt  }
0x49: {  	_ =	shalt  }
0x4a: {  	_ =	shalt  }
0x4b: {  	_ =	shalt  }
0x4c: {  	_ =	shalt  }
0x4d: {  	_ =	shalt  }
0x4e: {  	_ =	shalt  }
0x4f: {  	_ =	shalt  }
0x50: {  	_ =	shalt  }
0x51: {  	_ =	shalt  }
0x52: {  	_ =	shalt  }
0x53: {  	_ =	shalt  }
0x54: {  	_ =	shalt  }
0x55: {  	_ =	shalt  }
0x56: {  	_ =	shalt  }
0x57: {  	_ =	shalt  }
0x58: {  	_ =	shalt  }
0x59: {  	_ =	shalt  }
0x5a: {  	_ =	shalt  }
0x5b: {  	_ =	shalt  }
0x5c: {  	_ =	shalt  }
0x5d: {  	_ =	shalt  }
0x5e: {  	_ =	shalt  }
0x5f: {  	_ =	shalt  }
0x60: {  	_ =	shalt  }
0x61: {  	_ =	shalt  }
0x62: {  	_ =	shalt  }
0x63: {  	_ =	shalt  }
0x64: {  	_ =	shalt  }
0x65: {  	_ =	shalt  }
0x66: {  	_ =	shalt  }
0x67: {  	_ =	shalt  }
0x68: {  	_ =	shalt  }
0x69: {  	_ =	shalt  }
0x6a: {  	_ =	shalt  }
0x6b: {  	_ =	shalt  }
0x6c: {  	_ =	shalt  }
0x6d: {  	_ =	shalt  }
0x6e: {  	_ =	shalt  }
0x6f: {  	_ =	shalt  }
0x70: {  	_ =	shalt  }
0x71: {  	_ =	shalt  }
0x72: {  	_ =	shalt  }
0x73: {  	_ =	shalt  }
0x74: {  	_ =	shalt  }
0x75: {  	_ =	shalt  }
0x76: {  	_ =	shalt  }
0x77: {  	_ =	shalt  }
0x78: {  	_ =	shalt  }
0x79: {  	_ =	shalt  }
0x7a: {  	_ =	shalt  }
0x7b: {  	_ =	shalt  }
0x7c: {  	_ =	shalt  }
0x7d: {  	_ =	shalt  }
0x7e: {  	_ =	shalt  }
0x7f: {  	_ =	shalt  }
0x80: {  	_ =	shalt  }
0x81: {  	_ =	shalt  }
0x82: {  	_ =	shalt  }
0x83: {  	_ =	shalt  }
0x84: {  	_ =	shalt  }
0x85: {  	_ =	shalt  }
0x86: {  	_ =	shalt  }
0x87: {  	_ =	shalt  }
.Lfunc_end0:
.L_simem_size_0:
called_computation.21_lowered:
.L_overlay_start_0:
0x88: {  	s2 =	sld [smem:$0x3FD9]  }
0x89: {  	s3 =	sld [smem:$0x3FFE];
	_ =	sdelay $0x1  }
0x8a: {  	s1 =	srdreg.scid  }
0x8b: {  	s0 =	sand.u32 $0x1, s1  }
0x8c: {  	s17 =	sshll.u32 s0, $0xA;
	s2 =	sadd.s32 s3, s2  }
0x8d: {  	s2 =	sadd.s32 s2, s17  }
0x8e: {  	[smem:$0x3FBC] =	sst s2  }
0x8f: {  	_ = 	snop  }
0x90: {  	(tm) =	ssettm $0x1  }
0x91: {  	s18 =	sld [smem:$0x3FFB];
	_ =	sdelay $0x3  }
0x92: {  	_ =	strace s18  }
0x93: {  	s2 =	sld [smem:$0x3FFC];
	_ =	sdelay $0x3  }
0x94: {  	_ =	strace s2  }
0x95: {  	s2 =	sld [smem:$0x3FFD];
	_ =	sdelay $0x3  }
0x96: {  	_ =	strace s2  }
0x97: {  	_ =	strace $0x8FFFFFFF  }
0x98: {  	s19 =	sld [smem:$0x3FDB];
	_ =	sdelay $0x1  }
0x99: {  	s20 =	simm.s32 $_scs_section_size  }
0x9a: {  	s4 =	simm.s32 $_size__tile_overlayer_lowered;
	s5 =	simm.s32 $_tile_overlayer_lowered  }
0x9b: {  	s6 =	simm.s32 $0x1BFF;
	s21 =	sshll.u32 s5, $0x1;
	s3 =	sadd.s32 s20, s19  }
0x9c: {  	s22 =	simm.s32 $0x0;
	s4 =	sshll.u32 s4, $0x1;
	s5 =	sadd.s32 s21, s3  }
0x9d: {  	[timem:s22], [sflag:s6] =	dma.local [hbm:s5], s4  }
0x9e: {  	_ =	swait.ge [sflag:s6], s4  }
0x9f: {  	s4 =	ssub.s32 $0x0, s4;
	[sflag:s6] =	ssyncset.done $0x0  }
0xa0: {  	[sflag:s6] =	ssyncadd.s32 s4;
	_ =	sdelay $0x1  }
0xa1: {  	s23 =	simm.s32 $0x1B8B  }
0xa2: {  	_ =	swait.ge [sflag:s23], $0x1  }
0xa3: {  	[sflag:s23] =	ssyncset.done $0x0  }
0xa4: {  	[sflag:s23] =	ssyncadd.s32 $0xFFFFFFFF  }
0xa5: {  	s4 =	sld [smem:$0x0]  }
0xa6: {  	s5 =	sand.u32 $0xFFFFFFFE, s1  }
0xa7: {  	p0 =	sne.s32 s1, s5  }
0xa8: {  	s5 =	sshll.u32 @p0 s5, $0xE  }
0xa9: {  	s5 =	sadd.s32 @p0 $0x11B8D, s5;
	s6 =	sshll.u32 @p0 s4, $0x11  }
0xaa: {  	s5 =	sor.u32 @p0 s6, s5  }
0xab: {  	[sflag:s5] =	ssyncadd.remote.s32 @p0 $0x1;
	_ =	sdelay $0x1  }
0xac: {  	s5 =	simm.s32 @p0 $0x1B8D  }
0xad: {  	_ =	swait.eq @p0 [sflag:s5], $0x1  }
0xae: {  	[sflag:s5] =	ssyncadd.s32 @p0 $0xFFFFFFFF  }
0xaf: {  	s6 =	sshll.u32 @!p0 s1, $0xE  }
0xb0: {  	s6 =	sor.u32 @!p0 $0x4000, s6;
	s5 =	simm.s32 @!p0 $0x1B8D  }
0xb1: {  	s4 =	sshll.u32 @!p0 s4, $0x11;
	s6 =	sadd.s32 @!p0 $0x11B8D, s6;
	_ =	swait.eq @!p0 [sflag:s5], $0x1  }
0xb2: {  	s4 =	sor.u32 @!p0 s4, s6;
	[sflag:s5] =	ssyncadd.s32 @!p0 $0xFFFFFFFF  }
0xb3: {  	s25 =	simm.s32 $0x1B8E;
	s24 =	sld [smem:$0x3FFE];
	[sflag:s4] =	ssyncadd.remote.s32 @!p0 $0x1  }
0xb4: {  	s26 =	simm.s32 $execute0_lowered;
	[smem:$0x3FD2] =	sst s25  }
0xb5: {  	s5 =	sshll.u32 s26, $0x1;
	_ =	strace $0x80000070;
	[dreg:$0x1] =	wrdreg $0xFFFFFFFF  }
0xb6: {  	s28 =	simm.s32 $_size_execute0_lowered;
	s3 =	sadd.s32 s3, s5;
	[dreg:$0x0] =	wrdreg $0x0  }
0xb7: {  	s5 =	sshll.u32 s28, $0x1;
	[dreg:$0x2] =	wrdreg s3  }
0xb8: {  	[dreg:$0x3] =	wrdreg s5  }
0xb9: {  	[dreg:$0x4] =	wrdreg $0xC0  }
0xba: {  	_ =	task [dreg:s22], $0x5FFFF  }
0xbb: {  	[dreg:$0x1] =	wrdreg $0xFFFFFFFF  }
0xbc: {  	[dreg:$0x0] =	wrdreg $0x60  }
0xbd: {  	[dreg:$0x2] =	wrdreg s24  }
0xbe: {  	[dreg:$0x3] =	wrdreg $0xF  }
0xbf: {  	_ =	task.clear_ibuf [dreg:s22], $0x4FFFF;
	_ =	strace $0x90000070  }
0xc0: {  	s29 =	simm.s32 $0xF;
	_ =	strace $0x80000072  }
0xc1: {  	_ =	swait.ge [sflag:s29], $0x1  }
0xc2: {  	[sflag:s29] =	ssyncadd.s32 $0xFFFFFFFF  }
0xc3: {  	_ =	strace $0x90000072  }
0xc4: {  	_ =	sfence  }
0xc5: {  	s30 =	sld [smem:$0x0];
	_ =	sdelay $0x2  }
0xc6: {  	s31 =	sshll.u32 s1, $0xD;
	s1 =	sshrl.u32 s1, $0x2  }
0xc7: {  	s4 =	sand.u32 $0x4000, s31;
	s1 =	sadd.s32 s1, s30  }
0xc8: {  	s0 =	sor.u32 s4, s0;
	s1 =	sshll.u32 s1, $0x11  }
0xc9: {  	s0 =	sor.u32 s1, s0  }
0xca: {  	s0 =	sadd.s32 $0x8F2B, s0  }
0xcb: {  	[sflag:s0] =	ssyncadd.remote.s32 $0x1  }
0xcc: {  	_ =	sfence.sel $0xFFFF  }
0xcd: {  	[dreg:$0x0] =	wrdreg $0xFFFFFFFF;
	(pc) =	sbr.abs _section_cstart, $3  }
0xce: {  	[dreg:$0x1] =	wrdreg $0xFFFFFFFF  }
0xcf: {  	_ =	task.clear_ibuf [dreg:s22], $0x2FFFF;
	_ =	strace $0x9FFFFFFF  }
0xd0: {  	(tm) =	ssettm $0x7FFFFFFF  }
0xd1: {  	_ =	shalt  }
tec
execute0_lowered:
.L_overlay_start_1:
0x0: {  	(tag) =	ssettag $0x1  }
0x1: {  	s1 =	srdreg.scid  }
0x2: {  	s0 =	stileid.u32;
	s8 =	rddreg [dreg:$0x0];
	s5 =	simm.s32 $0x1  }
0x3: {  	s9 =	simm.s32 $0x1;
	s10 =	simm.s32 $0x3;
	s1 =	sshll.u32 s1, $0x5  }
0x4: {  	s13 =	simm.s32 $0x0;
	s2 =	sshll.u32 s0, $0x6;
	s3 =	sand.u32 $0x20, s1  }
0x5: {  	s12 =	simm.s32 $0x0;
	s4 =	sadd.s32 $0x3BE00, s8;
	s2 =	sor.u32 s2, s3  }
0x6: {  	s1 =	rddreg [dreg:$0x1];
	_ =	strace $0x80000071;
	s7 =	ssub.s32 $0x800, s2  }
.Ltmp0:
0x7: {  	s3 =	sadd.s32 $0x3BA00, s8;
	s6 =	sand.u32 $0x3E0, s7;
	(pc) =	sbr.rel .LBB2_1-.Ltmp0, $4  }
0x8: {  	[sflag:s5] =	ssyncpa.u1 $0x0;
	s8 =	sadd.s32 $0x3C400, s8;
	p0 =	sne.s32 s6, $0x0  }
0x9: {  	s7 =	sshrl.u32 s7, $0xA;
	s6 =	simm.s32 $0x2;
	s9 =	simm.s32 @!p0 $0x0  }
0xa: {  	s11 =	smov.u32 s2;
	[sflag:s6] =	ssyncpa.u1 $0x0;
	s7 =	sadd.s32 s9, s7  }
0xb: {  	vm0 =	vmmov $0xffff;
	[sflag:s10] =	ssyncpa.u1 $0x0;
	s10 =	simm.s32 $0x0;
	s9 =	sadd.s32 $0x1, s7  }
.LBB2_5:
0xc: {  	s15 =	sadd.s32 $0x400, s11  }
0xd: {  	p1 =	sgt.s32 s15, $0x7FF  }
0xe: {  	s15 =	smov.u32 @p1 s2;
	p1 =	sne.s32 s12, s9  }
.Ltmp1:
0xf: {  	p0 =	slt.u32 s12, $0x2;
	(pc) =	sbr.rel @!p1 .LBB2_6-.Ltmp1, $4  }
0x10: {  	s14 =	simm.s32 @!p0 $0x3  }
0x11: {  	_ =	swait.ge @!p0 [sflag:s14], $0x20  }
0x12: {  	s16 =	sadd.s32 $0x1, s12;
	s13 =	smov.u32 s11;
	[sflag:s14] =	ssyncset.done @!p0 $0x0  }
0x13: {  	s12 =	smov.u32 s16;
	s11 =	smov.u32 s15;
	[sflag:s14] =	ssyncadd.s32 @!p0 $0xFFFFFFE0  }
.LBB2_1:
0x14: {  	p0 =	sge.u32 s12, s7  }
0x15: {  	s14 =	sxor.u32 @!p0 $0xFFFFFFFF, s12  }
0x16: {  	s31 =	sadd.s32 $0xFFFFFFFF, s12;
	s15 =	sshrl.u32 @!p0 s11, $0x3;
	s14 =	sshll.u32 @!p0 s14, $0x5  }
0x17: {  	s16 =	sand.u32 @!p0 $0x7, s11;
	s15 =	sadd.s32 @!p0 s4, s15;
	s14 =	sand.u32 @!p0 $0x20, s14  }
0x18: {  	[tilespmem:s14], [sflag:$0x2] =	stream.linear.gather @!p0 [hbm4b:s15+s16], $0x20, $0x38;
	[tilespmem:$0x80] =	vst v63  }
0x19: {  	p0 =	sge.u32 s31, s7  }
.Ltmp2:
0x1a: {  	_ = 	snop;
	(pc) =	sbr.rel @p0 .LBB2_5-.Ltmp2, $1  }
0x1b: {  	_ =	sdelay $0x3  }
0x1c: {  	_ =	swait.ge [sflag:s6], $0x20;
	s14 =	sshll.u32 s12, $0x5;
	s16 =	simm.s32 $0x0  }
0x1d: {  	p0 =	por $0x1, $0x1;
	[sflag:s6] =	ssyncset.done $0x0;
	s15 =	sand.u32 $0x20, s14  }
0x1e: {  	[sflag:s6] =	ssyncadd.s32 $0xFFFFFFE0;
	(ifvalue) =	ssetifvalue $0x7FFFFFFF;
	s14 =	sor.u32 $0x40, s15  }
.LBB2_3:
0x1f: {  	s17 =	sadd.s32 s16, s15  }
0x20: {  	v0 =	vld.msk [tilespmem:s17+$0x0 ss:$0x1], $0xffff;
	_ =	sdelay $0x4  }
0x21: {  	v1 =	vshrl.u32 v0, $0x4;
	v2 =	vshll.u32 v0, $0x7  }
0x22: {  	vm1 =	veq.s32 v0, $0x80000000;
	v61 =	vand.u32 $0x7F, v1;
	v62 =	vand.u32 $0x780, v2  }
0x23: {  	v0 =	vsel vm1, $0xFFFFFFFF, v61;
	v1 =	vsel vm1, $0xFFFFFF80, v62  }
0x24: {  	v63 =	vand.u32 $0xFFFFFC00, v1;
	v3 =	vand.u32 $0xFFFFFC00, v0  }
0x25: {  	v1 =	vand.u32 $0x380, v1;
	v2 =	vadd.s32 v3, v63  }
0x26: {  	v0 =	vand.u32 $0x7F, v0;
	v1 =	vor.u32 v1, v2  }
0x27: {  	p1 =	por p0, p0;
	v0 =	vor.u32 v0, v1  }
.Ltmp3:
0x28: {  	_ = 	snop;
	(pc) =	sbr.rel @p1 .LBB2_3-.Ltmp3, $4  }
0x29: {  	_ = 	snop  }
0x2a: {  	s31 =	sadd.s32 s16, s14  }
0x2b: {  	s16 =	simm.s32 $0x10;
	p0 =	por $0x0, $0x0;
	(ifvalue) =	ssetifvalue $0x7FFFFFFF  }
0x2c: {  	[tilespmem:s31], [sflag:$0x1] =	stream.indirect_vreg.gather [hbm4b:s3+s10], $0x1, v0, vm0, $0x4038;
	[tilespmem:$0x80] =	vst v63  }
.Ltmp4:
0x2d: {  	(pc) =	sbr.rel .LBB2_5-.Ltmp4, $4  }
0x2e: {  	_ =	swait.ge [sflag:s5], $0x20  }
0x2f: {  	s15 =	sshrl.u32 s13, $0x3;
	[sflag:s5] =	ssyncset.done $0x0  }
0x30: {  	s31 =	sand.u32 $0x7, s13;
	s15 =	sadd.s32 s8, s15;
	[sflag:s5] =	ssyncadd.s32 $0xFFFFFFE0  }
0x31: {  	[hbm4b:s15+s31] =	stream.linear.scatter [tilespmem:s14], [sflag:$0x3], $0x20, $0x38;
	[tilespmem:$0x80] =	vst v63  }
.LBB2_6:
0x32: {  	_ =	sfence.sel $0x180000  }
0x33: {  	s2 =	simm.s32 $0x2;
	[bflag:$0x0] =	sbarrier.arrive $0xFFFF  }
0x34: {  	s30 =	simm.s32 $0x3;
	[sflag:s2] =	ssyncpa.u1 $0x1  }
0x35: {  	s31 =	simm.s32 $0x1;
	[sflag:s30] =	ssyncpa.u1 $0x1  }
0x36: {  	[sflag:s31] =	ssyncpa.u1 $0x1  }
0x37: {  	p0 =	sne.s32 s0, $0x0;
	_ =	strace $0x90000071  }
0x38: {  	s0 =	sadd.s32 @!p0 $0x100000, s1;
	[bflag:$0x2] =	sbarrier.arrive $0xFFFF  }
0x39: {  	[sflag:s0] =	ssyncadd.tile.s32 @!p0 $0x1;
	_ =	shalt  }
.Lfunc_end2:
_tile_overlayer_lowered:
.L_overlay_start_2:
0x3a: {  	(tag) =	ssettag $0x2  }
0x3b: {  	s0 =	rddreg [dreg:$0x0];
	s2 =	stileid.u32  }
0x3c: {  	s1 =	rddreg [dreg:$0x1];
	p0 =	sne.s32 s2, $0x0  }
0x3d: {  	s3 =	rddreg [dreg:$0x2];
	[bflag:$0x3] =	sbarrier.arrive $0xFFFF;
	s2 =	simm.s32 @!p0 $0x1C01  }
0x3e: {  	[timem:s3], [sflag:s2] =	dma.local @!p0 [hbm:s0], s1  }
0x3f: {  	s0 =	simm.s32 @!p0 $0x1  }
0x40: {  	_ =	swait.ge @!p0 [sflag:s0], s1  }
0x41: {  	s1 =	ssub.s32 @!p0 $0x0, s1;
	[sflag:s0] =	ssyncset.done @!p0 $0x0  }
0x42: {  	[sflag:s0] =	ssyncadd.s32 @!p0 s1  }
0x43: {  	[bflag:$0x3] =	sbarrier.arrive $0xFFFF  }
0x44: {  	_ =	shalt  }

// kernel: gather_offload_async_start.2
scs
__scs_entry_jumppad:
0x0: {  	(pc) =	sbr.rel $0x88, $3  }
0x1: {  	(tag) =	ssettag $0x0;
	lr =	simm.s32 $0x1  }
0x2: {  	[smem:$0x3F95] =	sst lr;
	_ =	strace $0xD0000000  }
0x3: {  	_ = 	snop  }
0x4: {  	_ = 	snop  }
0x5: {  	_ = 	snop  }
0x6: {  	_ = 	snop  }
0x7: {  	_ = 	snop  }
__scs_overlays_trampoline_lowered:
0x8: {  	[smem:$0x3FA4] =	sst s0  }
0x9: {  	[smem:$0x3FA5] =	sst s1  }
0xa: {  	[smem:$0x3FA6] =	sst s2  }
0xb: {  	[smem:$0x3FA7] =	sst s3  }
0xc: {  	[smem:$0x3FA8] =	sst s4  }
0xd: {  	[smem:$0x3FA9] =	sst s5  }
0xe: {  	[smem:$0x3FAA] =	sst s6  }
0xf: {  	[smem:$0x3FAB] =	sst s7  }
0x10: {  	[smem:$0x3FAC] =	sst s8  }
0x11: {  	[smem:$0x3FAD] =	sst s9;
	s0 =	simm.s32 @!p0 $0x0  }
0x12: {  	s1 =	sld [smem:$0x3F93];
	s0 =	simm.s32 @p0 $0x1  }
0x13: {  	[smem:$0x3FAE] =	sst s0;
	s0 =	simm.s32 @!p1 $0x0  }
0x14: {  	s2 =	sld [smem:$0x3F92];
	s0 =	simm.s32 @p1 $0x1  }
0x15: {  	[smem:$0x3FAF] =	sst s0;
	s0 =	simm.s32 @!p2 $0x0  }
0x16: {  	s3 =	sld [smem:$0x3FDB];
	s0 =	simm.s32 @p2 $0x1  }
0x17: {  	s4 =	simm.s32 $0x1BF5;
	[smem:$0x3FB1] =	sst s0  }
0x18: {  	s0 =	sld [smem:$0x3F94];
	_ =	swait.ge [sflag:s4], $0x0  }
0x19: {  	s7 =	sld [smem:$0x3F95]  }
0x1a: {  	s8 =	sadd.s32 $0xFFFFE003, lr  }
0x1b: {  	s9 =	sadd.s32 $0xFFFFFEF7, lr;
	s5 =	simm.s32 $0xFFFFFFFF;
	p2 =	slt.u32 s8, $0xFFFFF086  }
0x1c: {  	p1 =	slt.u32 s9, $0xF7A;
	s5 =	simm.s32 @!p2 $0x0  }
0x1d: {  	s5 =	simm.s32 @p1 $0x1;
	p0 =	seq.s32 s7, s2  }
0x1e: {  	s7 =	smul.u32 @!p0 $0xF7A, s2;
	p2 =	seq.s32 @!p0 s5, $0x0  }
0x1f: {  	s9 =	smul.u32 $0xF7A, s1;
	s8 =	simm.s32 @!p0 $0x1BF5;
	p2 =	por !p2, p0  }
0x20: {  	[sflag:s8] =	ssyncset.s32 @!p0 $0xFFFFF086;
	s6 =	sadd.s32 @!p0 s3, s7;
	s7 =	simm.s32 @!p0 $0x108  }
0x21: {  	s3 =	sadd.s32 s3, s9;
	s6 =	sadd.s32 @!p0 $0x88, s6;
	s7 =	simm.s32 @p2 $0x1082  }
0x22: {  	[simem:s7], [sflag:s8] =	dma.local @!p0 [hbm:s6], $0xF7A  }
0x23: {  	s9 =	sor.u32 $0xD0000000, s2;
	s6 =	simm.s32 $0x108;
	_ =	swait.ge @!p0 [sflag:s8], $0x0  }
0x24: {  	s3 =	sadd.s32 $0x88, s3;
	s6 =	simm.s32 @!p1 $0x1082;
	[sflag:s4] =	ssyncset.s32 $0xFFFFF086  }
0x25: {  	[simem:s6], [sflag:s4] =	dma.local [hbm:s3], $0xF7A  }
0x26: {  	[smem:$0x3F95] =	sst s1;
	(tag) =	ssettag s2;
	_ =	strace s9  }
0x27: {  	s1 =	sld [smem:$0x3FA5]  }
0x28: {  	s2 =	sld [smem:$0x3FA6]  }
0x29: {  	s4 =	sld [smem:$0x3FA8]  }
0x2a: {  	p0 =	seq.s32 s5, $0x0;
	s5 =	sld [smem:$0x3FA9]  }
0x2b: {  	s6 =	sld [smem:$0x3FAA]  }
0x2c: {  	s7 =	sld [smem:$0x3FAB]  }
0x2d: {  	s3 =	simm.s32 $0x108;
	s8 =	sld [smem:$0x3FAC]  }
0x2e: {  	s3 =	simm.s32 @!p0 $0x1082;
	s9 =	sld [smem:$0x3FAD]  }
0x2f: {  	lr =	sadd.s32 s0, s3;
	s0 =	sld [smem:$0x3FA4]  }
0x30: {  	s3 =	sld [smem:$0x3FA7]  }
0x31: {  	[smem:$0x3FB0] =	sst s10  }
0x32: {  	s10 =	sld [smem:$0x3FAE];
	_ =	sdelay $0x3  }
0x33: {  	p0 =	seq.s32 s10, $0x1;
	s10 =	sld [smem:$0x3FB0];
	_ =	sdelay $0x3  }
0x34: {  	[smem:$0x3FB0] =	sst s10  }
0x35: {  	s10 =	sld [smem:$0x3FAF];
	_ =	sdelay $0x3  }
0x36: {  	p1 =	seq.s32 s10, $0x1;
	s10 =	sld [smem:$0x3FB0];
	_ =	sdelay $0x3  }
0x37: {  	[smem:$0x3FB0] =	sst s10  }
0x38: {  	s10 =	sld [smem:$0x3FB1]  }
0x39: {  	_ = 	snop;
	(pc) =	sbr.ind lr, $3  }
0x3a: {  	_ = 	snop  }
0x3b: {  	_ = 	snop  }
0x3c: {  	p2 =	seq.s32 s10, $0x1;
	s10 =	sld [smem:$0x3FB0]  }
0x3d: {  	_ =	shalt  }
0x3e: {  	_ =	shalt  }
0x3f: {  	_ =	shalt  }
0x40: {  	_ =	shalt  }
0x41: {  	_ =	shalt  }
0x42: {  	_ =	shalt  }
0x43: {  	_ =	shalt  }
0x44: {  	_ =	shalt  }
0x45: {  	_ =	shalt  }
0x46: {  	_ =	shalt  }
0x47: {  	_ =	shalt  }
0x48: {  	_ =	shalt  }
0x49: {  	_ =	shalt  }
0x4a: {  	_ =	shalt  }
0x4b: {  	_ =	shalt  }
0x4c: {  	_ =	shalt  }
0x4d: {  	_ =	shalt  }
0x4e: {  	_ =	shalt  }
0x4f: {  	_ =	shalt  }
0x50: {  	_ =	shalt  }
0x51: {  	_ =	shalt  }
0x52: {  	_ =	shalt  }
0x53: {  	_ =	shalt  }
0x54: {  	_ =	shalt  }
0x55: {  	_ =	shalt  }
0x56: {  	_ =	shalt  }
0x57: {  	_ =	shalt  }
0x58: {  	_ =	shalt  }
0x59: {  	_ =	shalt  }
0x5a: {  	_ =	shalt  }
0x5b: {  	_ =	shalt  }
0x5c: {  	_ =	shalt  }
0x5d: {  	_ =	shalt  }
0x5e: {  	_ =	shalt  }
0x5f: {  	_ =	shalt  }
0x60: {  	_ =	shalt  }
0x61: {  	_ =	shalt  }
0x62: {  	_ =	shalt  }
0x63: {  	_ =	shalt  }
0x64: {  	_ =	shalt  }
0x65: {  	_ =	shalt  }
0x66: {  	_ =	shalt  }
0x67: {  	_ =	shalt  }
0x68: {  	_ =	shalt  }
0x69: {  	_ =	shalt  }
0x6a: {  	_ =	shalt  }
0x6b: {  	_ =	shalt  }
0x6c: {  	_ =	shalt  }
0x6d: {  	_ =	shalt  }
0x6e: {  	_ =	shalt  }
0x6f: {  	_ =	shalt  }
0x70: {  	_ =	shalt  }
0x71: {  	_ =	shalt  }
0x72: {  	_ =	shalt  }
0x73: {  	_ =	shalt  }
0x74: {  	_ =	shalt  }
0x75: {  	_ =	shalt  }
0x76: {  	_ =	shalt  }
0x77: {  	_ =	shalt  }
0x78: {  	_ =	shalt  }
0x79: {  	_ =	shalt  }
0x7a: {  	_ =	shalt  }
0x7b: {  	_ =	shalt  }
0x7c: {  	_ =	shalt  }
0x7d: {  	_ =	shalt  }
0x7e: {  	_ =	shalt  }
0x7f: {  	_ =	shalt  }
0x80: {  	_ =	shalt  }
0x81: {  	_ =	shalt  }
0x82: {  	_ =	shalt  }
0x83: {  	_ =	shalt  }
0x84: {  	_ =	shalt  }
0x85: {  	_ =	shalt  }
0x86: {  	_ =	shalt  }
0x87: {  	_ =	shalt  }
.Lfunc_end0:
.L_simem_size_0:
called_computation.2_lowered:
.L_overlay_start_0:
0x88: {  	s2 =	sld [smem:$0x3FD9]  }
0x89: {  	s3 =	sld [smem:$0x3FFE];
	_ =	sdelay $0x1  }
0x8a: {  	s1 =	srdreg.scid  }
0x8b: {  	s0 =	sand.u32 $0x1, s1  }
0x8c: {  	s17 =	sshll.u32 s0, $0xA;
	s2 =	sadd.s32 s3, s2  }
0x8d: {  	s2 =	sadd.s32 s2, s17  }
0x8e: {  	[smem:$0x3FBC] =	sst s2  }
0x8f: {  	_ = 	snop  }
0x90: {  	s18 =	sld [smem:$0x3FC9];
	(tm) =	ssettm $0x1  }
0x91: {  	s19 =	sld [smem:$0x3FFB];
	_ =	sdelay $0x3  }
0x92: {  	_ =	strace s19  }
0x93: {  	s2 =	sld [smem:$0x3FFC];
	_ =	sdelay $0x3  }
0x94: {  	_ =	strace s2  }
0x95: {  	s2 =	sld [smem:$0x3FFD];
	_ =	sdelay $0x3  }
0x96: {  	_ =	strace s2  }
0x97: {  	_ =	strace $0x8FFFFFFF  }
0x98: {  	s20 =	sld [smem:$0x3FDB];
	_ =	sdelay $0x1  }
0x99: {  	s4 =	simm.s32 $_scs_section_size  }
0x9a: {  	s5 =	simm.s32 $_size__tile_overlayer_lowered;
	s6 =	simm.s32 $_tile_overlayer_lowered  }
0x9b: {  	s7 =	simm.s32 $0x1BFF;
	s21 =	sshll.u32 s6, $0x1;
	s4 =	sadd.s32 s4, s20  }
0x9c: {  	s22 =	simm.s32 $0x0;
	s5 =	sshll.u32 s5, $0x1;
	s6 =	sadd.s32 s21, s4  }
0x9d: {  	[timem:s22], [sflag:s7] =	dma.local [hbm:s6], s5  }
0x9e: {  	_ =	swait.ge [sflag:s7], s5  }
0x9f: {  	s5 =	ssub.s32 $0x0, s5;
	[sflag:s7] =	ssyncset.done $0x0  }
0xa0: {  	[sflag:s7] =	ssyncadd.s32 s5;
	_ =	sdelay $0x1  }
0xa1: {  	s23 =	simm.s32 $0x1B8B  }
0xa2: {  	_ =	swait.ge [sflag:s23], $0x1  }
0xa3: {  	[sflag:s23] =	ssyncset.done $0x0  }
0xa4: {  	[sflag:s23] =	ssyncadd.s32 $0xFFFFFFFF  }
0xa5: {  	s5 =	sld [smem:$0x0]  }
0xa6: {  	s6 =	sand.u32 $0xFFFFFFFE, s1  }
0xa7: {  	p0 =	sne.s32 s1, s6  }
0xa8: {  	s6 =	sshll.u32 @p0 s6, $0xE  }
0xa9: {  	s6 =	sadd.s32 @p0 $0x11B8D, s6;
	s7 =	sshll.u32 @p0 s5, $0x11  }
0xaa: {  	s6 =	sor.u32 @p0 s7, s6  }
0xab: {  	[sflag:s6] =	ssyncadd.remote.s32 @p0 $0x1;
	_ =	sdelay $0x1  }
0xac: {  	s6 =	simm.s32 @p0 $0x1B8D  }
0xad: {  	_ =	swait.eq @p0 [sflag:s6], $0x1  }
0xae: {  	[sflag:s6] =	ssyncadd.s32 @p0 $0xFFFFFFFF  }
0xaf: {  	s7 =	sshll.u32 @!p0 s1, $0xE  }
0xb0: {  	s7 =	sor.u32 @!p0 $0x4000, s7;
	s6 =	simm.s32 @!p0 $0x1B8D  }
0xb1: {  	s5 =	sshll.u32 @!p0 s5, $0x11;
	s7 =	sadd.s32 @!p0 $0x11B8D, s7;
	_ =	swait.eq @!p0 [sflag:s6], $0x1  }
0xb2: {  	s5 =	sor.u32 @!p0 s5, s7;
	[sflag:s6] =	ssyncadd.s32 @!p0 $0xFFFFFFFF  }
0xb3: {  	s25 =	simm.s32 $0x1B8E;
	s24 =	sld [smem:$0x3FFE];
	[sflag:s5] =	ssyncadd.remote.s32 @!p0 $0x1  }
0xb4: {  	s26 =	simm.s32 $execute0_lowered;
	[smem:$0x3FD2] =	sst s25  }
0xb5: {  	s6 =	sshll.u32 s26, $0x1;
	_ =	strace $0x80000061;
	[dreg:$0x1] =	wrdreg $0xFFFFFFFF  }
0xb6: {  	s28 =	simm.s32 $_size_execute0_lowered;
	s4 =	sadd.s32 s4, s6;
	[dreg:$0x0] =	wrdreg $0x0  }
0xb7: {  	s6 =	sshll.u32 s28, $0x1;
	[dreg:$0x2] =	wrdreg s4  }
0xb8: {  	[dreg:$0x3] =	wrdreg s6  }
0xb9: {  	[dreg:$0x4] =	wrdreg $0xC0  }
0xba: {  	_ =	task [dreg:s22], $0x5FFFF  }
0xbb: {  	[dreg:$0x1] =	wrdreg $0xFFFFFFFF  }
0xbc: {  	[dreg:$0x0] =	wrdreg $0x60  }
0xbd: {  	[dreg:$0x2] =	wrdreg s18  }
0xbe: {  	[dreg:$0x3] =	wrdreg s24  }
0xbf: {  	[dreg:$0x4] =	wrdreg $0x9  }
0xc0: {  	_ =	task.clear_ibuf [dreg:s22], $0x5FFFF;
	_ =	strace $0x90000061  }
0xc1: {  	s29 =	simm.s32 $0x9;
	_ =	strace $0x80000063  }
0xc2: {  	_ =	swait.ge [sflag:s29], $0x1  }
0xc3: {  	[sflag:s29] =	ssyncadd.s32 $0xFFFFFFFF  }
0xc4: {  	_ =	strace $0x90000063  }
0xc5: {  	_ =	sfence  }
0xc6: {  	s30 =	sld [smem:$0x0];
	_ =	sdelay $0x2  }
0xc7: {  	s31 =	sshll.u32 s1, $0xD;
	s1 =	sshrl.u32 s1, $0x2  }
0xc8: {  	s4 =	sand.u32 $0x4000, s31;
	s1 =	sadd.s32 s1, s30  }
0xc9: {  	s0 =	sor.u32 s4, s0;
	s1 =	sshll.u32 s1, $0x11  }
0xca: {  	s0 =	sor.u32 s1, s0  }
0xcb: {  	s0 =	sadd.s32 $0x8F2B, s0  }
0xcc: {  	[sflag:s0] =	ssyncadd.remote.s32 $0x1  }
0xcd: {  	_ =	sfence.sel $0xFFFF  }
0xce: {  	[dreg:$0x0] =	wrdreg $0xFFFFFFFF;
	(pc) =	sbr.abs _section_cstart, $3  }
0xcf: {  	[dreg:$0x1] =	wrdreg $0xFFFFFFFF  }
0xd0: {  	_ =	task.clear_ibuf [dreg:s22], $0x2FFFF;
	_ =	strace $0x9FFFFFFF  }
0xd1: {  	(tm) =	ssettm $0x7FFFFFFF  }
tec
execute0_lowered:
.L_overlay_start_1:
0x0: {  	(tag) =	ssettag $0x1  }
0x1: {  	s2 =	rddreg [dreg:$0x0]  }
0x2: {  	s7 =	rddreg [dreg:$0x1]  }
0x3: {  	s0 =	rddreg [dreg:$0x2]  }
0x4: {  	s1 =	srdreg.scid;
	_ =	strace $0x80000062;
	s4 =	simm.s32 $0x1  }
0x5: {  	s9 =	simm.s32 $0x3;
	s12 =	simm.s32 $0x0;
	s5 =	sshll.u32 s1, $0x4  }
.Ltmp0:
0x6: {  	s1 =	stileid.u32;
	s5 =	sand.u32 $0x10, s5;
	(pc) =	sbr.rel .LBB2_1-.Ltmp0, $4  }
0x7: {  	s10 =	simm.s32 $0x0;
	s3 =	sadd.s32 $0x13000, s7;
	s6 =	sor.u32 s1, s5  }
0x8: {  	[sflag:s4] =	ssyncpa.u1 $0x0;
	s5 =	simm.s32 $0x2;
	s6 =	sshll.u32 s6, $0x7  }
0x9: {  	s7 =	sadd.s32 $0x13200, s7;
	[sflag:s5] =	ssyncpa.u1 $0x0;
	s8 =	sadd.s32 $0x80, s6  }
0xa: {  	vm0 =	vmmov $0xff;
	vm1 =	vcmask $0x3F20;
	[sflag:s9] =	ssyncpa.u1 $0x0;
	s9 =	simm.s32 $0x80;
	s11 =	smov.u32 s6  }
.LBB2_10:
0xb: {  	[hbm:s16] =	stream.linear.scatter [tilespmem:s13], [sflag:$0x3], $0x800, $0x38;
	[tilespmem:$0x10100] =	vst v63  }
.LBB2_11:
0xc: {  	p0 =	seq.s32 s10, $0x2  }
.Ltmp1:
0xd: {  	_ = 	snop;
	(pc) =	sbr.rel @p0 .LBB2_13-.Ltmp1, $1  }
0xe: {  	_ =	sdelay $0x3  }
.LBB2_12:
0xf: {  	s12 =	sadd.s32 $0x80, s11  }
0x10: {  	s13 =	smov.u32 s6;
	p0 =	slt.s32 s12, s8  }
0x11: {  	s13 =	smov.u32 @p0 s12  }
0x12: {  	s10 =	sadd.s32 $0x1, s10;
	s12 =	smov.u32 s11;
	s11 =	smov.u32 s13  }
.LBB2_1:
0x13: {  	p0 =	sne.s32 s10, $0x0  }
.Ltmp2:
0x14: {  	_ = 	snop;
	(pc) =	sbr.rel @!p0 .LBB2_2-.Ltmp2, $1  }
0x15: {  	_ =	sdelay $0x3  }
0x16: {  	s13 =	sand.u32 $0x1, s10  }
0x17: {  	p0 =	seq.s32 s13, $0x0  }
.Ltmp3:
0x18: {  	_ = 	snop;
	(pc) =	sbr.rel @p0 .LBB2_11-.Ltmp3, $1  }
0x19: {  	_ =	sdelay $0x3  }
0x1a: {  	_ =	swait.ge [sflag:s5], $0x80  }
0x1b: {  	[sflag:s5] =	ssyncset.done $0x0  }
0x1c: {  	s13 =	simm.s32 $0x0;
	[sflag:s5] =	ssyncadd.s32 $0xFFFFFF80  }
.LBB2_5:
0x1d: {  	s14 =	sshll.u32 s13, $0x4  }
0x1e: {  	s14 =	sand.u32 $0x3FFFFFF0, s14  }
0x1f: {  	v0 =	vld.msk [tilespmem:s14+$0x80 ss:$0x1], $0xffff;
	_ =	sdelay $0x4  }
0x20: {  	v1 =	vshrl.u32 v0, $0x6  }
0x21: {  	vm2 =	veq.s32 v0, $0x80000000;
	v1 =	vand.u32 $0x7F, v1  }
0x22: {  	v0 =	vshll.u32 v0, $0xF;
	v1 =	vsel vm2, $0xFFFFFFFF, v1  }
0x23: {  	v0 =	vand.u32 $0x1F8000, v0;
	v2 =	vshll.u32 v1, $0x8  }
0x24: {  	v0 =	vsel vm2, $0xFFFF8000, v0;
	v1 =	vshll.u32 v1, $0x7;
	v2 =	vand.u32 $0xFFFFF800, v2  }
0x25: {  	s31 =	sshll.u32 s13, $0xC;
	v1 =	vand.u32 $0x380, v1;
	v0 =	vadd.s32 v0, v2  }
0x26: {  	s14 =	sand.u32 $0x3FFFF000, s31;
	v0 =	vor.u32 v1, v0  }
0x27: {  	p0 =	por $0x1, $0x1;
	s15 =	simm.s32 $0x0;
	s14 =	sadd.s32 $0x8100, s14;
	v0 =	vshrl.u32 v0, $0x3  }
.LBB2_6:
0x28: {  	_ =	sdelay $0x1  }
0x29: {  	s15 =	sshra.s32 s15, $0x2;
	p1 =	por p0, p0  }
.Ltmp4:
0x2a: {  	s15 =	sadd.s32 s15, s14;
	(pc) =	sbr.rel @p1 .LBB2_6-.Ltmp4, $4  }
0x2b: {  	[tilespmem:s15], [sflag:$0x1] =	stream.indirect_vreg.gather [hbm:s2], $0x80, v0, vm0, $0x38;
	[tilespmem:$0x10100] =	vst v63  }
0x2c: {  	s15 =	sadd.s32 $0x800, s15  }
0x2d: {  	[tilespmem:s15], [sflag:$0x1] =	stream.indirect_vreg.gather [hbm:s2], $0x80, v0, vm1, $0x38;
	[tilespmem:$0x10100] =	vst v63  }
0x2e: {  	p0 =	por $0x0, $0x0;
	v0 =	vadd.s32 $0x80, v0;
	s15 =	simm.s32 $0x1000  }
0x2f: {  	s13 =	sadd.s32 $0x1, s13  }
0x30: {  	p0 =	sne.s32 s13, $0x8  }
.Ltmp5:
0x31: {  	_ = 	snop;
	(pc) =	sbr.rel @p0 .LBB2_5-.Ltmp5, $1  }
0x32: {  	_ =	sdelay $0x3  }
0x33: {  	s13 =	sshll.u32 s12, $0x5  }
0x34: {  	_ =	swait.ge [sflag:s4], $0x8000;
	s31 =	sshll.u32 s12, $0x4;
	s13 =	sand.u32 $0xFFFFFF00, s13  }
0x35: {  	s14 =	simm.s32 $0x100;
	s12 =	sand.u32 $0x70, s31;
	s13 =	sadd.s32 s13, s7  }
0x36: {  	s15 =	simm.s32 $0x8900;
	[sflag:s4] =	ssyncset.done $0x0;
	s12 =	sadd.s32 s12, s13  }
0x37: {  	[sflag:s4] =	ssyncadd.s32 $0xFFFF8000;
	s13 =	simm.s32 $0x8100;
	s16 =	sadd.s32 $0x0, s12  }
.LBB2_9:
0x38: {  	[hbm:s16] =	stream.linear.scatter [tilespmem:s13], [sflag:$0x3], $0x800, $0x38;
	[tilespmem:$0x10100] =	vst v63  }
0x39: {  	s16 =	smov.u32 s14;
	s13 =	smov.u32 s15;
	p0 =	sne.s32 s14, $0xF00  }
.Ltmp6:
0x3a: {  	s14 =	sadd.s32 $0x100, s14;
	(pc) =	sbr.rel @p0 .LBB2_9-.Ltmp6, $2  }
0x3b: {  	_ =	sdelay $0x2  }
0x3c: {  	s15 =	sadd.s32 $0x800, s15;
	s16 =	sadd.s32 s16, s12  }
.Ltmp7:
0x3d: {  	_ = 	snop;
	(pc) =	sbr.rel .LBB2_10-.Ltmp7, $1  }
0x3e: {  	_ =	sdelay $0x3  }
.LBB2_2:
.Ltmp8:
0x3f: {  	(pc) =	sbr.rel .LBB2_12-.Ltmp8, $4  }
0x40: {  	_ = 	snop  }
0x41: {  	s12 =	sshrl.u32 s11, $0x3  }
0x42: {  	s13 =	sand.u32 $0x7, s11;
	s12 =	sadd.s32 s3, s12  }
0x43: {  	[tilespmem:s9], [sflag:$0x2] =	stream.linear.gather [hbm4b:s12+s13], $0x80, $0x38;
	[tilespmem:$0x10100] =	vst v63  }
.LBB2_13:
0x44: {  	s2 =	simm.s32 $0x3  }
0x45: {  	_ =	swait.ge [sflag:s2], $0x8000  }
0x46: {  	[sflag:s2] =	ssyncset.done $0x0  }
0x47: {  	[sflag:s2] =	ssyncadd.s32 $0xFFFF8000  }
0x48: {  	_ =	sfence.sel $0x180000  }
0x49: {  	s3 =	simm.s32 $0x2;
	[bflag:$0x0] =	sbarrier.arrive $0xFFFF  }
0x4a: {  	[sflag:s3] =	ssyncpa.u1 $0x1  }
0x4b: {  	s31 =	simm.s32 $0x1;
	[sflag:s2] =	ssyncpa.u1 $0x1  }
0x4c: {  	[sflag:s31] =	ssyncpa.u1 $0x1  }
0x4d: {  	p0 =	sne.s32 s1, $0x0;
	_ =	strace $0x90000062  }
0x4e: {  	s0 =	sadd.s32 @!p0 $0x100000, s0;
	[bflag:$0x2] =	sbarrier.arrive $0xFFFF  }
0x4f: {  	[sflag:s0] =	ssyncadd.tile.s32 @!p0 $0x1;
	_ =	shalt  }
.Lfunc_end2:
_tile_overlayer_lowered:
.L_overlay_start_2:
0x50: {  	(tag) =	ssettag $0x2  }
0x51: {  	s0 =	rddreg [dreg:$0x0];
	s2 =	stileid.u32  }
0x52: {  	s1 =	rddreg [dreg:$0x1];
	p0 =	sne.s32 s2, $0x0  }
0x53: {  	s3 =	rddreg [dreg:$0x2];
	[bflag:$0x3] =	sbarrier.arrive $0xFFFF;
	s2 =	simm.s32 @!p0 $0x1C01  }
0x54: {  	[timem:s3], [sflag:s2] =	dma.local @!p0 [hbm:s0], s1  }
0x55: {  	s0 =	simm.s32 @!p0 $0x1  }
0x56: {  	_ =	swait.ge @!p0 [sflag:s0], s1  }
0x57: {  	s1 =	ssub.s32 @!p0 $0x0, s1;
	[sflag:s0] =	ssyncset.done @!p0 $0x0  }
0x58: {  	[sflag:s0] =	ssyncadd.s32 @!p0 s1  }
0x59: {  	[bflag:$0x3] =	sbarrier.arrive $0xFFFF  }
0x5a: {  	_ =	shalt  }

// kernel: gather_offload_async_start.3
scs
__scs_entry_jumppad:
0x0: {  	(pc) =	sbr.rel $0x88, $3  }
0x1: {  	(tag) =	ssettag $0x0;
	lr =	simm.s32 $0x1  }
0x2: {  	[smem:$0x3F95] =	sst lr;
	_ =	strace $0xD0000000  }
0x3: {  	_ = 	snop  }
0x4: {  	_ = 	snop  }
0x5: {  	_ = 	snop  }
0x6: {  	_ = 	snop  }
0x7: {  	_ = 	snop  }
__scs_overlays_trampoline_lowered:
0x8: {  	[smem:$0x3FA4] =	sst s0  }
0x9: {  	[smem:$0x3FA5] =	sst s1  }
0xa: {  	[smem:$0x3FA6] =	sst s2  }
0xb: {  	[smem:$0x3FA7] =	sst s3  }
0xc: {  	[smem:$0x3FA8] =	sst s4  }
0xd: {  	[smem:$0x3FA9] =	sst s5  }
0xe: {  	[smem:$0x3FAA] =	sst s6  }
0xf: {  	[smem:$0x3FAB] =	sst s7  }
0x10: {  	[smem:$0x3FAC] =	sst s8  }
0x11: {  	[smem:$0x3FAD] =	sst s9;
	s0 =	simm.s32 @!p0 $0x0  }
0x12: {  	s1 =	sld [smem:$0x3F93];
	s0 =	simm.s32 @p0 $0x1  }
0x13: {  	[smem:$0x3FAE] =	sst s0;
	s0 =	simm.s32 @!p1 $0x0  }
0x14: {  	s2 =	sld [smem:$0x3F92];
	s0 =	simm.s32 @p1 $0x1  }
0x15: {  	[smem:$0x3FAF] =	sst s0;
	s0 =	simm.s32 @!p2 $0x0  }
0x16: {  	s3 =	sld [smem:$0x3FDB];
	s0 =	simm.s32 @p2 $0x1  }
0x17: {  	s4 =	simm.s32 $0x1BF5;
	[smem:$0x3FB1] =	sst s0  }
0x18: {  	s0 =	sld [smem:$0x3F94];
	_ =	swait.ge [sflag:s4], $0x0  }
0x19: {  	s7 =	sld [smem:$0x3F95]  }
0x1a: {  	s8 =	sadd.s32 $0xFFFFE003, lr  }
0x1b: {  	s9 =	sadd.s32 $0xFFFFFEF7, lr;
	s5 =	simm.s32 $0xFFFFFFFF;
	p2 =	slt.u32 s8, $0xFFFFF086  }
0x1c: {  	p1 =	slt.u32 s9, $0xF7A;
	s5 =	simm.s32 @!p2 $0x0  }
0x1d: {  	s5 =	simm.s32 @p1 $0x1;
	p0 =	seq.s32 s7, s2  }
0x1e: {  	s7 =	smul.u32 @!p0 $0xF7A, s2;
	p2 =	seq.s32 @!p0 s5, $0x0  }
0x1f: {  	s9 =	smul.u32 $0xF7A, s1;
	s8 =	simm.s32 @!p0 $0x1BF5;
	p2 =	por !p2, p0  }
0x20: {  	[sflag:s8] =	ssyncset.s32 @!p0 $0xFFFFF086;
	s6 =	sadd.s32 @!p0 s3, s7;
	s7 =	simm.s32 @!p0 $0x108  }
0x21: {  	s3 =	sadd.s32 s3, s9;
	s6 =	sadd.s32 @!p0 $0x88, s6;
	s7 =	simm.s32 @p2 $0x1082  }
0x22: {  	[simem:s7], [sflag:s8] =	dma.local @!p0 [hbm:s6], $0xF7A  }
0x23: {  	s9 =	sor.u32 $0xD0000000, s2;
	s6 =	simm.s32 $0x108;
	_ =	swait.ge @!p0 [sflag:s8], $0x0  }
0x24: {  	s3 =	sadd.s32 $0x88, s3;
	s6 =	simm.s32 @!p1 $0x1082;
	[sflag:s4] =	ssyncset.s32 $0xFFFFF086  }
0x25: {  	[simem:s6], [sflag:s4] =	dma.local [hbm:s3], $0xF7A  }
0x26: {  	[smem:$0x3F95] =	sst s1;
	(tag) =	ssettag s2;
	_ =	strace s9  }
0x27: {  	s1 =	sld [smem:$0x3FA5]  }
0x28: {  	s2 =	sld [smem:$0x3FA6]  }
0x29: {  	s4 =	sld [smem:$0x3FA8]  }
0x2a: {  	p0 =	seq.s32 s5, $0x0;
	s5 =	sld [smem:$0x3FA9]  }
0x2b: {  	s6 =	sld [smem:$0x3FAA]  }
0x2c: {  	s7 =	sld [smem:$0x3FAB]  }
0x2d: {  	s3 =	simm.s32 $0x108;
	s8 =	sld [smem:$0x3FAC]  }
0x2e: {  	s3 =	simm.s32 @!p0 $0x1082;
	s9 =	sld [smem:$0x3FAD]  }
0x2f: {  	lr =	sadd.s32 s0, s3;
	s0 =	sld [smem:$0x3FA4]  }
0x30: {  	s3 =	sld [smem:$0x3FA7]  }
0x31: {  	[smem:$0x3FB0] =	sst s10  }
0x32: {  	s10 =	sld [smem:$0x3FAE];
	_ =	sdelay $0x3  }
0x33: {  	p0 =	seq.s32 s10, $0x1;
	s10 =	sld [smem:$0x3FB0];
	_ =	sdelay $0x3  }
0x34: {  	[smem:$0x3FB0] =	sst s10  }
0x35: {  	s10 =	sld [smem:$0x3FAF];
	_ =	sdelay $0x3  }
0x36: {  	p1 =	seq.s32 s10, $0x1;
	s10 =	sld [smem:$0x3FB0];
	_ =	sdelay $0x3  }
0x37: {  	[smem:$0x3FB0] =	sst s10  }
0x38: {  	s10 =	sld [smem:$0x3FB1]  }
0x39: {  	_ = 	snop;
	(pc) =	sbr.ind lr, $3  }
0x3a: {  	_ = 	snop  }
0x3b: {  	_ = 	snop  }
0x3c: {  	p2 =	seq.s32 s10, $0x1;
	s10 =	sld [smem:$0x3FB0]  }
0x3d: {  	_ =	shalt  }
0x3e: {  	_ =	shalt  }
0x3f: {  	_ =	shalt  }
0x40: {  	_ =	shalt  }
0x41: {  	_ =	shalt  }
0x42: {  	_ =	shalt  }
0x43: {  	_ =	shalt  }
0x44: {  	_ =	shalt  }
0x45: {  	_ =	shalt  }
0x46: {  	_ =	shalt  }
0x47: {  	_ =	shalt  }
0x48: {  	_ =	shalt  }
0x49: {  	_ =	shalt  }
0x4a: {  	_ =	shalt  }
0x4b: {  	_ =	shalt  }
0x4c: {  	_ =	shalt  }
0x4d: {  	_ =	shalt  }
0x4e: {  	_ =	shalt  }
0x4f: {  	_ =	shalt  }
0x50: {  	_ =	shalt  }
0x51: {  	_ =	shalt  }
0x52: {  	_ =	shalt  }
0x53: {  	_ =	shalt  }
0x54: {  	_ =	shalt  }
0x55: {  	_ =	shalt  }
0x56: {  	_ =	shalt  }
0x57: {  	_ =	shalt  }
0x58: {  	_ =	shalt  }
0x59: {  	_ =	shalt  }
0x5a: {  	_ =	shalt  }
0x5b: {  	_ =	shalt  }
0x5c: {  	_ =	shalt  }
0x5d: {  	_ =	shalt  }
0x5e: {  	_ =	shalt  }
0x5f: {  	_ =	shalt  }
0x60: {  	_ =	shalt  }
0x61: {  	_ =	shalt  }
0x62: {  	_ =	shalt  }
0x63: {  	_ =	shalt  }
0x64: {  	_ =	shalt  }
0x65: {  	_ =	shalt  }
0x66: {  	_ =	shalt  }
0x67: {  	_ =	shalt  }
0x68: {  	_ =	shalt  }
0x69: {  	_ =	shalt  }
0x6a: {  	_ =	shalt  }
0x6b: {  	_ =	shalt  }
0x6c: {  	_ =	shalt  }
0x6d: {  	_ =	shalt  }
0x6e: {  	_ =	shalt  }
0x6f: {  	_ =	shalt  }
0x70: {  	_ =	shalt  }
0x71: {  	_ =	shalt  }
0x72: {  	_ =	shalt  }
0x73: {  	_ =	shalt  }
0x74: {  	_ =	shalt  }
0x75: {  	_ =	shalt  }
0x76: {  	_ =	shalt  }
0x77: {  	_ =	shalt  }
0x78: {  	_ =	shalt  }
0x79: {  	_ =	shalt  }
0x7a: {  	_ =	shalt  }
0x7b: {  	_ =	shalt  }
0x7c: {  	_ =	shalt  }
0x7d: {  	_ =	shalt  }
0x7e: {  	_ =	shalt  }
0x7f: {  	_ =	shalt  }
0x80: {  	_ =	shalt  }
0x81: {  	_ =	shalt  }
0x82: {  	_ =	shalt  }
0x83: {  	_ =	shalt  }
0x84: {  	_ =	shalt  }
0x85: {  	_ =	shalt  }
0x86: {  	_ =	shalt  }
0x87: {  	_ =	shalt  }
.Lfunc_end0:
.L_simem_size_0:
called_computation.3_lowered:
.L_overlay_start_0:
0x88: {  	s2 =	sld [smem:$0x3FD9]  }
0x89: {  	s3 =	sld [smem:$0x3FFE];
	_ =	sdelay $0x1  }
0x8a: {  	s1 =	srdreg.scid  }
0x8b: {  	s0 =	sand.u32 $0x1, s1  }
0x8c: {  	s17 =	sshll.u32 s0, $0xA;
	s2 =	sadd.s32 s3, s2  }
0x8d: {  	s2 =	sadd.s32 s2, s17  }
0x8e: {  	[smem:$0x3FBC] =	sst s2  }
0x8f: {  	_ = 	snop  }
0x90: {  	s18 =	sld [smem:$0x3FC9];
	(tm) =	ssettm $0x1  }
0x91: {  	s19 =	sld [smem:$0x3FFB];
	_ =	sdelay $0x3  }
0x92: {  	_ =	strace s19  }
0x93: {  	s2 =	sld [smem:$0x3FFC];
	_ =	sdelay $0x3  }
0x94: {  	_ =	strace s2  }
0x95: {  	s2 =	sld [smem:$0x3FFD];
	_ =	sdelay $0x3  }
0x96: {  	_ =	strace s2  }
0x97: {  	_ =	strace $0x8FFFFFFF  }
0x98: {  	s20 =	sld [smem:$0x3FDB];
	_ =	sdelay $0x1  }
0x99: {  	s4 =	simm.s32 $_scs_section_size  }
0x9a: {  	s5 =	simm.s32 $_size__tile_overlayer_lowered;
	s6 =	simm.s32 $_tile_overlayer_lowered  }
0x9b: {  	s7 =	simm.s32 $0x1BFF;
	s21 =	sshll.u32 s6, $0x1;
	s4 =	sadd.s32 s4, s20  }
0x9c: {  	s22 =	simm.s32 $0x0;
	s5 =	sshll.u32 s5, $0x1;
	s6 =	sadd.s32 s21, s4  }
0x9d: {  	[timem:s22], [sflag:s7] =	dma.local [hbm:s6], s5  }
0x9e: {  	_ =	swait.ge [sflag:s7], s5  }
0x9f: {  	s5 =	ssub.s32 $0x0, s5;
	[sflag:s7] =	ssyncset.done $0x0  }
0xa0: {  	[sflag:s7] =	ssyncadd.s32 s5;
	_ =	sdelay $0x1  }
0xa1: {  	s23 =	simm.s32 $0x1B8B  }
0xa2: {  	_ =	swait.ge [sflag:s23], $0x1  }
0xa3: {  	[sflag:s23] =	ssyncset.done $0x0  }
0xa4: {  	[sflag:s23] =	ssyncadd.s32 $0xFFFFFFFF  }
0xa5: {  	s5 =	sld [smem:$0x0]  }
0xa6: {  	s6 =	sand.u32 $0xFFFFFFFE, s1  }
0xa7: {  	p0 =	sne.s32 s1, s6  }
0xa8: {  	s6 =	sshll.u32 @p0 s6, $0xE  }
0xa9: {  	s6 =	sadd.s32 @p0 $0x11B8D, s6;
	s7 =	sshll.u32 @p0 s5, $0x11  }
0xaa: {  	s6 =	sor.u32 @p0 s7, s6  }
0xab: {  	[sflag:s6] =	ssyncadd.remote.s32 @p0 $0x1;
	_ =	sdelay $0x1  }
0xac: {  	s6 =	simm.s32 @p0 $0x1B8D  }
0xad: {  	_ =	swait.eq @p0 [sflag:s6], $0x1  }
0xae: {  	[sflag:s6] =	ssyncadd.s32 @p0 $0xFFFFFFFF  }
0xaf: {  	s7 =	sshll.u32 @!p0 s1, $0xE  }
0xb0: {  	s7 =	sor.u32 @!p0 $0x4000, s7;
	s6 =	simm.s32 @!p0 $0x1B8D  }
0xb1: {  	s5 =	sshll.u32 @!p0 s5, $0x11;
	s7 =	sadd.s32 @!p0 $0x11B8D, s7;
	_ =	swait.eq @!p0 [sflag:s6], $0x1  }
0xb2: {  	s5 =	sor.u32 @!p0 s5, s7;
	[sflag:s6] =	ssyncadd.s32 @!p0 $0xFFFFFFFF  }
0xb3: {  	s25 =	simm.s32 $0x1B8E;
	s24 =	sld [smem:$0x3FFE];
	[sflag:s5] =	ssyncadd.remote.s32 @!p0 $0x1  }
0xb4: {  	s26 =	simm.s32 $execute0_lowered;
	[smem:$0x3FD2] =	sst s25  }
0xb5: {  	s6 =	sshll.u32 s26, $0x1;
	_ =	strace $0x80000064;
	[dreg:$0x1] =	wrdreg $0xFFFFFFFF  }
0xb6: {  	s28 =	simm.s32 $_size_execute0_lowered;
	s4 =	sadd.s32 s4, s6;
	[dreg:$0x0] =	wrdreg $0x0  }
0xb7: {  	s6 =	sshll.u32 s28, $0x1;
	[dreg:$0x2] =	wrdreg s4  }
0xb8: {  	[dreg:$0x3] =	wrdreg s6  }
0xb9: {  	[dreg:$0x4] =	wrdreg $0xC0  }
0xba: {  	_ =	task [dreg:s22], $0x5FFFF  }
0xbb: {  	[dreg:$0x1] =	wrdreg $0xFFFFFFFF  }
0xbc: {  	[dreg:$0x0] =	wrdreg $0x60  }
0xbd: {  	[dreg:$0x2] =	wrdreg s18  }
0xbe: {  	[dreg:$0x3] =	wrdreg s24  }
0xbf: {  	[dreg:$0x4] =	wrdreg $0xA  }
0xc0: {  	_ =	task.clear_ibuf [dreg:s22], $0x5FFFF;
	_ =	strace $0x90000064  }
0xc1: {  	s29 =	simm.s32 $0xA;
	_ =	strace $0x80000066  }
0xc2: {  	_ =	swait.ge [sflag:s29], $0x1  }
0xc3: {  	[sflag:s29] =	ssyncadd.s32 $0xFFFFFFFF  }
0xc4: {  	_ =	strace $0x90000066  }
0xc5: {  	_ =	sfence  }
0xc6: {  	s30 =	sld [smem:$0x0];
	_ =	sdelay $0x2  }
0xc7: {  	s31 =	sshll.u32 s1, $0xD;
	s1 =	sshrl.u32 s1, $0x2  }
0xc8: {  	s4 =	sand.u32 $0x4000, s31;
	s1 =	sadd.s32 s1, s30  }
0xc9: {  	s0 =	sor.u32 s4, s0;
	s1 =	sshll.u32 s1, $0x11  }
0xca: {  	s0 =	sor.u32 s1, s0  }
0xcb: {  	s0 =	sadd.s32 $0x8F2B, s0  }
0xcc: {  	[sflag:s0] =	ssyncadd.remote.s32 $0x1  }
0xcd: {  	_ =	sfence.sel $0xFFFF  }
0xce: {  	[dreg:$0x0] =	wrdreg $0xFFFFFFFF;
	(pc) =	sbr.abs _section_cstart, $3  }
0xcf: {  	[dreg:$0x1] =	wrdreg $0xFFFFFFFF  }
0xd0: {  	_ =	task.clear_ibuf [dreg:s22], $0x2FFFF;
	_ =	strace $0x9FFFFFFF  }
0xd1: {  	(tm) =	ssettm $0x7FFFFFFF  }
tec
execute0_lowered:
.L_overlay_start_1:
0x0: {  	(tag) =	ssettag $0x1  }
0x1: {  	s2 =	rddreg [dreg:$0x0]  }
0x2: {  	s7 =	rddreg [dreg:$0x1]  }
0x3: {  	s0 =	rddreg [dreg:$0x2]  }
0x4: {  	s1 =	srdreg.scid;
	_ =	strace $0x80000065;
	s4 =	simm.s32 $0x1  }
0x5: {  	s9 =	simm.s32 $0x3;
	s12 =	simm.s32 $0x0;
	s5 =	sshll.u32 s1, $0x4  }
.Ltmp0:
0x6: {  	s1 =	stileid.u32;
	s5 =	sand.u32 $0x10, s5;
	(pc) =	sbr.rel .LBB2_1-.Ltmp0, $4  }
0x7: {  	s10 =	simm.s32 $0x0;
	s3 =	sadd.s32 $0x33200, s7;
	s6 =	sor.u32 s1, s5  }
0x8: {  	[sflag:s4] =	ssyncpa.u1 $0x0;
	s5 =	simm.s32 $0x2;
	s6 =	sshll.u32 s6, $0x7  }
0x9: {  	s7 =	sadd.s32 $0x43800, s7;
	[sflag:s5] =	ssyncpa.u1 $0x0;
	s8 =	sadd.s32 $0x80, s6  }
0xa: {  	vm0 =	vmmov $0xff;
	vm1 =	vcmask $0x3F20;
	[sflag:s9] =	ssyncpa.u1 $0x0;
	s9 =	simm.s32 $0x80;
	s11 =	smov.u32 s6  }
.LBB2_10:
0xb: {  	[hbm:s16] =	stream.linear.scatter [tilespmem:s13], [sflag:$0x3], $0x800, $0x38;
	[tilespmem:$0x10100] =	vst v63  }
.LBB2_11:
0xc: {  	p0 =	seq.s32 s10, $0x2  }
.Ltmp1:
0xd: {  	_ = 	snop;
	(pc) =	sbr.rel @p0 .LBB2_13-.Ltmp1, $1  }
0xe: {  	_ =	sdelay $0x3  }
.LBB2_12:
0xf: {  	s12 =	sadd.s32 $0x80, s11  }
0x10: {  	s13 =	smov.u32 s6;
	p0 =	slt.s32 s12, s8  }
0x11: {  	s13 =	smov.u32 @p0 s12  }
0x12: {  	s10 =	sadd.s32 $0x1, s10;
	s12 =	smov.u32 s11;
	s11 =	smov.u32 s13  }
.LBB2_1:
0x13: {  	p0 =	sne.s32 s10, $0x0  }
.Ltmp2:
0x14: {  	_ = 	snop;
	(pc) =	sbr.rel @!p0 .LBB2_2-.Ltmp2, $1  }
0x15: {  	_ =	sdelay $0x3  }
0x16: {  	s13 =	sand.u32 $0x1, s10  }
0x17: {  	p0 =	seq.s32 s13, $0x0  }
.Ltmp3:
0x18: {  	_ = 	snop;
	(pc) =	sbr.rel @p0 .LBB2_11-.Ltmp3, $1  }
0x19: {  	_ =	sdelay $0x3  }
0x1a: {  	_ =	swait.ge [sflag:s5], $0x80  }
0x1b: {  	[sflag:s5] =	ssyncset.done $0x0  }
0x1c: {  	s13 =	simm.s32 $0x0;
	[sflag:s5] =	ssyncadd.s32 $0xFFFFFF80  }
.LBB2_5:
0x1d: {  	s14 =	sshll.u32 s13, $0x4  }
0x1e: {  	s14 =	sand.u32 $0x3FFFFFF0, s14  }
0x1f: {  	v0 =	vld.msk [tilespmem:s14+$0x80 ss:$0x1], $0xffff;
	_ =	sdelay $0x4  }
0x20: {  	v1 =	vshrl.u32 v0, $0x6  }
0x21: {  	vm2 =	veq.s32 v0, $0x80000000;
	v1 =	vand.u32 $0x7F, v1  }
0x22: {  	v0 =	vshll.u32 v0, $0xF;
	v1 =	vsel vm2, $0xFFFFFFFF, v1  }
0x23: {  	v0 =	vand.u32 $0x1F8000, v0;
	v2 =	vshll.u32 v1, $0x8  }
0x24: {  	v0 =	vsel vm2, $0xFFFF8000, v0;
	v1 =	vshll.u32 v1, $0x7;
	v2 =	vand.u32 $0xFFFFF800, v2  }
0x25: {  	s31 =	sshll.u32 s13, $0xC;
	v1 =	vand.u32 $0x380, v1;
	v0 =	vadd.s32 v0, v2  }
0x26: {  	s14 =	sand.u32 $0x3FFFF000, s31;
	v0 =	vor.u32 v1, v0  }
0x27: {  	p0 =	por $0x1, $0x1;
	s15 =	simm.s32 $0x0;
	s14 =	sadd.s32 $0x8100, s14;
	v0 =	vshrl.u32 v0, $0x3  }
.LBB2_6:
0x28: {  	_ =	sdelay $0x1  }
0x29: {  	s15 =	sshra.s32 s15, $0x2;
	p1 =	por p0, p0  }
.Ltmp4:
0x2a: {  	s15 =	sadd.s32 s15, s14;
	(pc) =	sbr.rel @p1 .LBB2_6-.Ltmp4, $4  }
0x2b: {  	[tilespmem:s15], [sflag:$0x1] =	stream.indirect_vreg.gather [hbm:s2], $0x80, v0, vm0, $0x38;
	[tilespmem:$0x10100] =	vst v63  }
0x2c: {  	s15 =	sadd.s32 $0x800, s15  }
0x2d: {  	[tilespmem:s15], [sflag:$0x1] =	stream.indirect_vreg.gather [hbm:s2], $0x80, v0, vm1, $0x38;
	[tilespmem:$0x10100] =	vst v63  }
0x2e: {  	p0 =	por $0x0, $0x0;
	v0 =	vadd.s32 $0x80, v0;
	s15 =	simm.s32 $0x1000  }
0x2f: {  	s13 =	sadd.s32 $0x1, s13  }
0x30: {  	p0 =	sne.s32 s13, $0x8  }
.Ltmp5:
0x31: {  	_ = 	snop;
	(pc) =	sbr.rel @p0 .LBB2_5-.Ltmp5, $1  }
0x32: {  	_ =	sdelay $0x3  }
0x33: {  	s13 =	sshll.u32 s12, $0x5  }
0x34: {  	_ =	swait.ge [sflag:s4], $0x8000;
	s31 =	sshll.u32 s12, $0x4;
	s13 =	sand.u32 $0xFFFFFF00, s13  }
0x35: {  	s14 =	simm.s32 $0x100;
	s12 =	sand.u32 $0x70, s31;
	s13 =	sadd.s32 s13, s7  }
0x36: {  	s15 =	simm.s32 $0x8900;
	[sflag:s4] =	ssyncset.done $0x0;
	s12 =	sadd.s32 s12, s13  }
0x37: {  	[sflag:s4] =	ssyncadd.s32 $0xFFFF8000;
	s13 =	simm.s32 $0x8100;
	s16 =	sadd.s32 $0x0, s12  }
.LBB2_9:
0x38: {  	[hbm:s16] =	stream.linear.scatter [tilespmem:s13], [sflag:$0x3], $0x800, $0x38;
	[tilespmem:$0x10100] =	vst v63  }
0x39: {  	s16 =	smov.u32 s14;
	s13 =	smov.u32 s15;
	p0 =	sne.s32 s14, $0xF00  }
.Ltmp6:
0x3a: {  	s14 =	sadd.s32 $0x100, s14;
	(pc) =	sbr.rel @p0 .LBB2_9-.Ltmp6, $2  }
0x3b: {  	_ =	sdelay $0x2  }
0x3c: {  	s15 =	sadd.s32 $0x800, s15;
	s16 =	sadd.s32 s16, s12  }
.Ltmp7:
0x3d: {  	_ = 	snop;
	(pc) =	sbr.rel .LBB2_10-.Ltmp7, $1  }
0x3e: {  	_ =	sdelay $0x3  }
.LBB2_2:
.Ltmp8:
0x3f: {  	(pc) =	sbr.rel .LBB2_12-.Ltmp8, $4  }
0x40: {  	_ = 	snop  }
0x41: {  	s12 =	sshrl.u32 s11, $0x3  }
0x42: {  	s13 =	sand.u32 $0x7, s11;
	s12 =	sadd.s32 s3, s12  }
0x43: {  	[tilespmem:s9], [sflag:$0x2] =	stream.linear.gather [hbm4b:s12+s13], $0x80, $0x38;
	[tilespmem:$0x10100] =	vst v63  }
.LBB2_13:
0x44: {  	s2 =	simm.s32 $0x3  }
0x45: {  	_ =	swait.ge [sflag:s2], $0x8000  }
0x46: {  	[sflag:s2] =	ssyncset.done $0x0  }
0x47: {  	[sflag:s2] =	ssyncadd.s32 $0xFFFF8000  }
0x48: {  	_ =	sfence.sel $0x180000  }
0x49: {  	s3 =	simm.s32 $0x2;
	[bflag:$0x0] =	sbarrier.arrive $0xFFFF  }
0x4a: {  	[sflag:s3] =	ssyncpa.u1 $0x1  }
0x4b: {  	s31 =	simm.s32 $0x1;
	[sflag:s2] =	ssyncpa.u1 $0x1  }
0x4c: {  	[sflag:s31] =	ssyncpa.u1 $0x1  }
0x4d: {  	p0 =	sne.s32 s1, $0x0;
	_ =	strace $0x90000065  }
0x4e: {  	s0 =	sadd.s32 @!p0 $0x100000, s0;
	[bflag:$0x2] =	sbarrier.arrive $0xFFFF  }
0x4f: {  	[sflag:s0] =	ssyncadd.tile.s32 @!p0 $0x1;
	_ =	shalt  }
.Lfunc_end2:
_tile_overlayer_lowered:
.L_overlay_start_2:
0x50: {  	(tag) =	ssettag $0x2  }
0x51: {  	s0 =	rddreg [dreg:$0x0];
	s2 =	stileid.u32  }
0x52: {  	s1 =	rddreg [dreg:$0x1];
	p0 =	sne.s32 s2, $0x0  }
0x53: {  	s3 =	rddreg [dreg:$0x2];
	[bflag:$0x3] =	sbarrier.arrive $0xFFFF;
	s2 =	simm.s32 @!p0 $0x1C01  }
0x54: {  	[timem:s3], [sflag:s2] =	dma.local @!p0 [hbm:s0], s1  }
0x55: {  	s0 =	simm.s32 @!p0 $0x1  }
0x56: {  	_ =	swait.ge @!p0 [sflag:s0], s1  }
0x57: {  	s1 =	ssub.s32 @!p0 $0x0, s1;
	[sflag:s0] =	ssyncset.done @!p0 $0x0  }
0x58: {  	[sflag:s0] =	ssyncadd.s32 @!p0 s1  }
0x59: {  	[bflag:$0x3] =	sbarrier.arrive $0xFFFF  }
0x5a: {  	_ =	shalt  }

// kernel: gather_offload_async_start.4
scs
__scs_entry_jumppad:
0x0: {  	(pc) =	sbr.rel $0x88, $3  }
0x1: {  	(tag) =	ssettag $0x0;
	lr =	simm.s32 $0x1  }
0x2: {  	[smem:$0x3F95] =	sst lr;
	_ =	strace $0xD0000000  }
0x3: {  	_ = 	snop  }
0x4: {  	_ = 	snop  }
0x5: {  	_ = 	snop  }
0x6: {  	_ = 	snop  }
0x7: {  	_ = 	snop  }
__scs_overlays_trampoline_lowered:
0x8: {  	[smem:$0x3FA4] =	sst s0  }
0x9: {  	[smem:$0x3FA5] =	sst s1  }
0xa: {  	[smem:$0x3FA6] =	sst s2  }
0xb: {  	[smem:$0x3FA7] =	sst s3  }
0xc: {  	[smem:$0x3FA8] =	sst s4  }
0xd: {  	[smem:$0x3FA9] =	sst s5  }
0xe: {  	[smem:$0x3FAA] =	sst s6  }
0xf: {  	[smem:$0x3FAB] =	sst s7  }
0x10: {  	[smem:$0x3FAC] =	sst s8  }
0x11: {  	[smem:$0x3FAD] =	sst s9;
	s0 =	simm.s32 @!p0 $0x0  }
0x12: {  	s1 =	sld [smem:$0x3F93];
	s0 =	simm.s32 @p0 $0x1  }
0x13: {  	[smem:$0x3FAE] =	sst s0;
	s0 =	simm.s32 @!p1 $0x0  }
0x14: {  	s2 =	sld [smem:$0x3F92];
	s0 =	simm.s32 @p1 $0x1  }
0x15: {  	[smem:$0x3FAF] =	sst s0;
	s0 =	simm.s32 @!p2 $0x0  }
0x16: {  	s3 =	sld [smem:$0x3FDB];
	s0 =	simm.s32 @p2 $0x1  }
0x17: {  	s4 =	simm.s32 $0x1BF5;
	[smem:$0x3FB1] =	sst s0  }
0x18: {  	s0 =	sld [smem:$0x3F94];
	_ =	swait.ge [sflag:s4], $0x0  }
0x19: {  	s7 =	sld [smem:$0x3F95]  }
0x1a: {  	s8 =	sadd.s32 $0xFFFFE003, lr  }
0x1b: {  	s9 =	sadd.s32 $0xFFFFFEF7, lr;
	s5 =	simm.s32 $0xFFFFFFFF;
	p2 =	slt.u32 s8, $0xFFFFF086  }
0x1c: {  	p1 =	slt.u32 s9, $0xF7A;
	s5 =	simm.s32 @!p2 $0x0  }
0x1d: {  	s5 =	simm.s32 @p1 $0x1;
	p0 =	seq.s32 s7, s2  }
0x1e: {  	s7 =	smul.u32 @!p0 $0xF7A, s2;
	p2 =	seq.s32 @!p0 s5, $0x0  }
0x1f: {  	s9 =	smul.u32 $0xF7A, s1;
	s8 =	simm.s32 @!p0 $0x1BF5;
	p2 =	por !p2, p0  }
0x20: {  	[sflag:s8] =	ssyncset.s32 @!p0 $0xFFFFF086;
	s6 =	sadd.s32 @!p0 s3, s7;
	s7 =	simm.s32 @!p0 $0x108  }
0x21: {  	s3 =	sadd.s32 s3, s9;
	s6 =	sadd.s32 @!p0 $0x88, s6;
	s7 =	simm.s32 @p2 $0x1082  }
0x22: {  	[simem:s7], [sflag:s8] =	dma.local @!p0 [hbm:s6], $0xF7A  }
0x23: {  	s9 =	sor.u32 $0xD0000000, s2;
	s6 =	simm.s32 $0x108;
	_ =	swait.ge @!p0 [sflag:s8], $0x0  }
0x24: {  	s3 =	sadd.s32 $0x88, s3;
	s6 =	simm.s32 @!p1 $0x1082;
	[sflag:s4] =	ssyncset.s32 $0xFFFFF086  }
0x25: {  	[simem:s6], [sflag:s4] =	dma.local [hbm:s3], $0xF7A  }
0x26: {  	[smem:$0x3F95] =	sst s1;
	(tag) =	ssettag s2;
	_ =	strace s9  }
0x27: {  	s1 =	sld [smem:$0x3FA5]  }
0x28: {  	s2 =	sld [smem:$0x3FA6]  }
0x29: {  	s4 =	sld [smem:$0x3FA8]  }
0x2a: {  	p0 =	seq.s32 s5, $0x0;
	s5 =	sld [smem:$0x3FA9]  }
0x2b: {  	s6 =	sld [smem:$0x3FAA]  }
0x2c: {  	s7 =	sld [smem:$0x3FAB]  }
0x2d: {  	s3 =	simm.s32 $0x108;
	s8 =	sld [smem:$0x3FAC]  }
0x2e: {  	s3 =	simm.s32 @!p0 $0x1082;
	s9 =	sld [smem:$0x3FAD]  }
0x2f: {  	lr =	sadd.s32 s0, s3;
	s0 =	sld [smem:$0x3FA4]  }
0x30: {  	s3 =	sld [smem:$0x3FA7]  }
0x31: {  	[smem:$0x3FB0] =	sst s10  }
0x32: {  	s10 =	sld [smem:$0x3FAE];
	_ =	sdelay $0x3  }
0x33: {  	p0 =	seq.s32 s10, $0x1;
	s10 =	sld [smem:$0x3FB0];
	_ =	sdelay $0x3  }
0x34: {  	[smem:$0x3FB0] =	sst s10  }
0x35: {  	s10 =	sld [smem:$0x3FAF];
	_ =	sdelay $0x3  }
0x36: {  	p1 =	seq.s32 s10, $0x1;
	s10 =	sld [smem:$0x3FB0];
	_ =	sdelay $0x3  }
0x37: {  	[smem:$0x3FB0] =	sst s10  }
0x38: {  	s10 =	sld [smem:$0x3FB1]  }
0x39: {  	_ = 	snop;
	(pc) =	sbr.ind lr, $3  }
0x3a: {  	_ = 	snop  }
0x3b: {  	_ = 	snop  }
0x3c: {  	p2 =	seq.s32 s10, $0x1;
	s10 =	sld [smem:$0x3FB0]  }
0x3d: {  	_ =	shalt  }
0x3e: {  	_ =	shalt  }
0x3f: {  	_ =	shalt  }
0x40: {  	_ =	shalt  }
0x41: {  	_ =	shalt  }
0x42: {  	_ =	shalt  }
0x43: {  	_ =	shalt  }
0x44: {  	_ =	shalt  }
0x45: {  	_ =	shalt  }
0x46: {  	_ =	shalt  }
0x47: {  	_ =	shalt  }
0x48: {  	_ =	shalt  }
0x49: {  	_ =	shalt  }
0x4a: {  	_ =	shalt  }
0x4b: {  	_ =	shalt  }
0x4c: {  	_ =	shalt  }
0x4d: {  	_ =	shalt  }
0x4e: {  	_ =	shalt  }
0x4f: {  	_ =	shalt  }
0x50: {  	_ =	shalt  }
0x51: {  	_ =	shalt  }
0x52: {  	_ =	shalt  }
0x53: {  	_ =	shalt  }
0x54: {  	_ =	shalt  }
0x55: {  	_ =	shalt  }
0x56: {  	_ =	shalt  }
0x57: {  	_ =	shalt  }
0x58: {  	_ =	shalt  }
0x59: {  	_ =	shalt  }
0x5a: {  	_ =	shalt  }
0x5b: {  	_ =	shalt  }
0x5c: {  	_ =	shalt  }
0x5d: {  	_ =	shalt  }
0x5e: {  	_ =	shalt  }
0x5f: {  	_ =	shalt  }
0x60: {  	_ =	shalt  }
0x61: {  	_ =	shalt  }
0x62: {  	_ =	shalt  }
0x63: {  	_ =	shalt  }
0x64: {  	_ =	shalt  }
0x65: {  	_ =	shalt  }
0x66: {  	_ =	shalt  }
0x67: {  	_ =	shalt  }
0x68: {  	_ =	shalt  }
0x69: {  	_ =	shalt  }
0x6a: {  	_ =	shalt  }
0x6b: {  	_ =	shalt  }
0x6c: {  	_ =	shalt  }
0x6d: {  	_ =	shalt  }
0x6e: {  	_ =	shalt  }
0x6f: {  	_ =	shalt  }
0x70: {  	_ =	shalt  }
0x71: {  	_ =	shalt  }
0x72: {  	_ =	shalt  }
0x73: {  	_ =	shalt  }
0x74: {  	_ =	shalt  }
0x75: {  	_ =	shalt  }
0x76: {  	_ =	shalt  }
0x77: {  	_ =	shalt  }
0x78: {  	_ =	shalt  }
0x79: {  	_ =	shalt  }
0x7a: {  	_ =	shalt  }
0x7b: {  	_ =	shalt  }
0x7c: {  	_ =	shalt  }
0x7d: {  	_ =	shalt  }
0x7e: {  	_ =	shalt  }
0x7f: {  	_ =	shalt  }
0x80: {  	_ =	shalt  }
0x81: {  	_ =	shalt  }
0x82: {  	_ =	shalt  }
0x83: {  	_ =	shalt  }
0x84: {  	_ =	shalt  }
0x85: {  	_ =	shalt  }
0x86: {  	_ =	shalt  }
0x87: {  	_ =	shalt  }
.Lfunc_end0:
.L_simem_size_0:
called_computation.4_lowered:
.L_overlay_start_0:
0x88: {  	s2 =	sld [smem:$0x3FD9]  }
0x89: {  	s3 =	sld [smem:$0x3FFE];
	_ =	sdelay $0x1  }
0x8a: {  	s1 =	srdreg.scid  }
0x8b: {  	s0 =	sand.u32 $0x1, s1  }
0x8c: {  	s17 =	sshll.u32 s0, $0xA;
	s2 =	sadd.s32 s3, s2  }
0x8d: {  	s2 =	sadd.s32 s2, s17  }
0x8e: {  	[smem:$0x3FBC] =	sst s2  }
0x8f: {  	_ = 	snop  }
0x90: {  	s2 =	sld [smem:$0x3FD0];
	_ =	sdelay $0x2  }
0x91: {  	s4 =	simm.s32 $0x10;
	s18 =	sld [smem:$0x3FC9]  }
0x92: {  	[smem:s4], [sflag:s4] =	dma.local [hbm:s2], $0x1  }
0x93: {  	_ =	swait.eq [sflag:s4], $0x1  }
0x94: {  	[sflag:s4] =	ssyncset.done $0x0  }
0x95: {  	[sflag:s4] =	ssyncadd.s32 $0xFFFFFFFF  }
0x96: {  	s4 =	sld [smem:$0x11];
	(tm) =	ssettm $0x1  }
0x97: {  	s19 =	sld [smem:$0x3FFB];
	_ =	sdelay $0x3  }
0x98: {  	_ =	strace s19  }
0x99: {  	s2 =	sld [smem:$0x3FFC];
	_ =	sdelay $0x3  }
0x9a: {  	_ =	strace s2  }
0x9b: {  	s2 =	sld [smem:$0x3FFD];
	_ =	sdelay $0x3  }
0x9c: {  	_ =	strace s2  }
0x9d: {  	_ =	strace $0x8FFFFFFF  }
0x9e: {  	s20 =	sld [smem:$0x3FDB];
	_ =	sdelay $0x1  }
0x9f: {  	s5 =	simm.s32 $_scs_section_size  }
0xa0: {  	s6 =	simm.s32 $_size__tile_overlayer_lowered;
	s7 =	simm.s32 $_tile_overlayer_lowered  }
0xa1: {  	s8 =	simm.s32 $0x1BFF;
	s21 =	sshll.u32 s7, $0x1;
	s5 =	sadd.s32 s5, s20  }
0xa2: {  	s22 =	simm.s32 $0x0;
	s6 =	sshll.u32 s6, $0x1;
	s7 =	sadd.s32 s21, s5  }
0xa3: {  	[timem:s22], [sflag:s8] =	dma.local [hbm:s7], s6  }
0xa4: {  	_ =	swait.ge [sflag:s8], s6  }
0xa5: {  	s6 =	ssub.s32 $0x0, s6;
	[sflag:s8] =	ssyncset.done $0x0  }
0xa6: {  	[sflag:s8] =	ssyncadd.s32 s6;
	_ =	sdelay $0x1  }
0xa7: {  	s23 =	simm.s32 $0x1B8B  }
0xa8: {  	_ =	swait.ge [sflag:s23], $0x1  }
0xa9: {  	[sflag:s23] =	ssyncset.done $0x0  }
0xaa: {  	[sflag:s23] =	ssyncadd.s32 $0xFFFFFFFF  }
0xab: {  	s6 =	sld [smem:$0x0]  }
0xac: {  	s7 =	sand.u32 $0xFFFFFFFE, s1  }
0xad: {  	p0 =	sne.s32 s1, s7  }
0xae: {  	s7 =	sshll.u32 @p0 s7, $0xE  }
0xaf: {  	s7 =	sadd.s32 @p0 $0x11B8D, s7;
	s8 =	sshll.u32 @p0 s6, $0x11  }
0xb0: {  	s7 =	sor.u32 @p0 s8, s7  }
0xb1: {  	[sflag:s7] =	ssyncadd.remote.s32 @p0 $0x1;
	_ =	sdelay $0x1  }
0xb2: {  	s7 =	simm.s32 @p0 $0x1B8D  }
0xb3: {  	_ =	swait.eq @p0 [sflag:s7], $0x1  }
0xb4: {  	[sflag:s7] =	ssyncadd.s32 @p0 $0xFFFFFFFF  }
0xb5: {  	s8 =	sshll.u32 @!p0 s1, $0xE  }
0xb6: {  	s8 =	sor.u32 @!p0 $0x4000, s8;
	s7 =	simm.s32 @!p0 $0x1B8D  }
0xb7: {  	s6 =	sshll.u32 @!p0 s6, $0x11;
	s8 =	sadd.s32 @!p0 $0x11B8D, s8;
	_ =	swait.eq @!p0 [sflag:s7], $0x1  }
0xb8: {  	s6 =	sor.u32 @!p0 s6, s8;
	[sflag:s7] =	ssyncadd.s32 @!p0 $0xFFFFFFFF  }
0xb9: {  	s25 =	simm.s32 $0x1B8E;
	s24 =	sld [smem:$0x3FFE];
	[sflag:s6] =	ssyncadd.remote.s32 @!p0 $0x1  }
0xba: {  	s26 =	simm.s32 $execute0_lowered;
	[smem:$0x3FD2] =	sst s25  }
0xbb: {  	s7 =	sshll.u32 s26, $0x1;
	_ =	strace $0x8000007F;
	[dreg:$0x1] =	wrdreg $0xFFFFFFFF  }
0xbc: {  	s28 =	simm.s32 $_size_execute0_lowered;
	s5 =	sadd.s32 s5, s7;
	[dreg:$0x0] =	wrdreg $0x0  }
0xbd: {  	s7 =	sshll.u32 s28, $0x1;
	[dreg:$0x2] =	wrdreg s5  }
0xbe: {  	[dreg:$0x3] =	wrdreg s7  }
0xbf: {  	[dreg:$0x4] =	wrdreg $0xC0  }
0xc0: {  	_ =	task [dreg:s22], $0x5FFFF  }
0xc1: {  	[dreg:$0x1] =	wrdreg $0xFFFFFFFF  }
0xc2: {  	[dreg:$0x0] =	wrdreg $0x60  }
0xc3: {  	[dreg:$0x2] =	wrdreg s18  }
0xc4: {  	[dreg:$0x3] =	wrdreg s4  }
0xc5: {  	[dreg:$0x4] =	wrdreg s24  }
0xc6: {  	[dreg:$0x5] =	wrdreg $0x9  }
0xc7: {  	_ =	task.clear_ibuf [dreg:s22], $0x6FFFF;
	_ =	strace $0x9000007F  }
0xc8: {  	s29 =	simm.s32 $0x9;
	_ =	strace $0x80000081  }
0xc9: {  	_ =	swait.ge [sflag:s29], $0x1  }
0xca: {  	[sflag:s29] =	ssyncadd.s32 $0xFFFFFFFF  }
0xcb: {  	_ =	strace $0x90000081  }
0xcc: {  	_ =	sfence  }
0xcd: {  	s30 =	sld [smem:$0x0];
	_ =	sdelay $0x2  }
0xce: {  	s31 =	sshll.u32 s1, $0xD;
	s1 =	sshrl.u32 s1, $0x2  }
0xcf: {  	s4 =	sand.u32 $0x4000, s31;
	s1 =	sadd.s32 s1, s30  }
0xd0: {  	s0 =	sor.u32 s4, s0;
	s1 =	sshll.u32 s1, $0x11  }
0xd1: {  	s0 =	sor.u32 s1, s0  }
0xd2: {  	s0 =	sadd.s32 $0x8F2B, s0  }
0xd3: {  	[sflag:s0] =	ssyncadd.remote.s32 $0x1  }
0xd4: {  	_ =	sfence.sel $0xFFFF  }
0xd5: {  	[dreg:$0x0] =	wrdreg $0xFFFFFFFF;
	(pc) =	sbr.abs _section_cstart, $3  }
0xd6: {  	[dreg:$0x1] =	wrdreg $0xFFFFFFFF  }
0xd7: {  	_ =	task.clear_ibuf [dreg:s22], $0x2FFFF;
	_ =	strace $0x9FFFFFFF  }
0xd8: {  	(tm) =	ssettm $0x7FFFFFFF  }
0xd9: {  	_ =	shalt  }
tec
execute0_lowered:
.L_overlay_start_1:
0x0: {  	(tag) =	ssettag $0x1  }
0x1: {  	s2 =	rddreg [dreg:$0x0]  }
0x2: {  	s3 =	rddreg [dreg:$0x1]  }
0x3: {  	s7 =	rddreg [dreg:$0x2]  }
0x4: {  	s0 =	rddreg [dreg:$0x3];
	s1 =	srdreg.scid;
	_ =	strace $0x80000080  }
0x5: {  	s4 =	simm.s32 $0x1;
	s9 =	simm.s32 $0x3;
	s5 =	sshll.u32 s1, $0x4  }
.Ltmp0:
0x6: {  	s1 =	stileid.u32;
	s5 =	sand.u32 $0x10, s5;
	(pc) =	sbr.rel .LBB2_1-.Ltmp0, $4  }
0x7: {  	s12 =	simm.s32 $0x0;
	s10 =	simm.s32 $0x0;
	s6 =	sor.u32 s1, s5  }
0x8: {  	[sflag:s4] =	ssyncpa.u1 $0x0;
	s5 =	simm.s32 $0x2;
	s6 =	sshll.u32 s6, $0x7  }
0x9: {  	s7 =	sadd.s32 $0x54400, s7;
	[sflag:s5] =	ssyncpa.u1 $0x0;
	s8 =	sadd.s32 $0x80, s6  }
0xa: {  	vm0 =	vmmov $0xff;
	vm1 =	vcmask $0x3F20;
	[sflag:s9] =	ssyncpa.u1 $0x0;
	s9 =	simm.s32 $0x80;
	s11 =	smov.u32 s6  }
.LBB2_10:
0xb: {  	[hbm:s16] =	stream.linear.scatter [tilespmem:s13], [sflag:$0x3], $0x800, $0x38;
	[tilespmem:$0x10100] =	vst v63  }
.LBB2_11:
0xc: {  	p0 =	seq.s32 s10, $0x2  }
.Ltmp1:
0xd: {  	_ = 	snop;
	(pc) =	sbr.rel @p0 .LBB2_13-.Ltmp1, $1  }
0xe: {  	_ =	sdelay $0x3  }
.LBB2_12:
0xf: {  	s12 =	sadd.s32 $0x80, s11  }
0x10: {  	s13 =	smov.u32 s6;
	p0 =	slt.s32 s12, s8  }
0x11: {  	s13 =	smov.u32 @p0 s12  }
0x12: {  	s10 =	sadd.s32 $0x1, s10;
	s12 =	smov.u32 s11;
	s11 =	smov.u32 s13  }
.LBB2_1:
0x13: {  	p0 =	sne.s32 s10, $0x0  }
.Ltmp2:
0x14: {  	_ = 	snop;
	(pc) =	sbr.rel @!p0 .LBB2_2-.Ltmp2, $1  }
0x15: {  	_ =	sdelay $0x3  }
0x16: {  	s13 =	sand.u32 $0x1, s10  }
0x17: {  	p0 =	seq.s32 s13, $0x0  }
.Ltmp3:
0x18: {  	_ = 	snop;
	(pc) =	sbr.rel @p0 .LBB2_11-.Ltmp3, $1  }
0x19: {  	_ =	sdelay $0x3  }
0x1a: {  	_ =	swait.ge [sflag:s5], $0x80  }
0x1b: {  	[sflag:s5] =	ssyncset.done $0x0  }
0x1c: {  	s13 =	simm.s32 $0x0;
	[sflag:s5] =	ssyncadd.s32 $0xFFFFFF80  }
.LBB2_5:
0x1d: {  	s14 =	sshll.u32 s13, $0x4  }
0x1e: {  	s14 =	sand.u32 $0x3FFFFFF0, s14  }
0x1f: {  	v0 =	vld.msk [tilespmem:s14+$0x80 ss:$0x1], $0xffff;
	_ =	sdelay $0x4  }
0x20: {  	v1 =	vshrl.u32 v0, $0x6  }
0x21: {  	vm2 =	veq.s32 v0, $0x80000000;
	v1 =	vand.u32 $0x7F, v1  }
0x22: {  	v0 =	vshll.u32 v0, $0xF;
	v1 =	vsel vm2, $0xFFFFFFFF, v1  }
0x23: {  	v0 =	vand.u32 $0x1F8000, v0;
	v2 =	vshll.u32 v1, $0x8  }
0x24: {  	v0 =	vsel vm2, $0xFFFF8000, v0;
	v1 =	vshll.u32 v1, $0x7;
	v2 =	vand.u32 $0xFFFFF800, v2  }
0x25: {  	s31 =	sshll.u32 s13, $0xC;
	v1 =	vand.u32 $0x380, v1;
	v0 =	vadd.s32 v0, v2  }
0x26: {  	s14 =	sand.u32 $0x3FFFF000, s31;
	v0 =	vor.u32 v1, v0  }
0x27: {  	p0 =	por $0x1, $0x1;
	s15 =	simm.s32 $0x0;
	s14 =	sadd.s32 $0x8100, s14;
	v0 =	vshrl.u32 v0, $0x3  }
.LBB2_6:
0x28: {  	_ =	sdelay $0x1  }
0x29: {  	s15 =	sshra.s32 s15, $0x2;
	p1 =	por p0, p0  }
.Ltmp4:
0x2a: {  	s15 =	sadd.s32 s15, s14;
	(pc) =	sbr.rel @p1 .LBB2_6-.Ltmp4, $4  }
0x2b: {  	[tilespmem:s15], [sflag:$0x1] =	stream.indirect_vreg.gather [hbm:s2], $0x80, v0, vm0, $0x38;
	[tilespmem:$0x10100] =	vst v63  }
0x2c: {  	s15 =	sadd.s32 $0x800, s15  }
0x2d: {  	[tilespmem:s15], [sflag:$0x1] =	stream.indirect_vreg.gather [hbm:s2], $0x80, v0, vm1, $0x38;
	[tilespmem:$0x10100] =	vst v63  }
0x2e: {  	p0 =	por $0x0, $0x0;
	v0 =	vadd.s32 $0x80, v0;
	s15 =	simm.s32 $0x1000  }
0x2f: {  	s13 =	sadd.s32 $0x1, s13  }
0x30: {  	p0 =	sne.s32 s13, $0x8  }
.Ltmp5:
0x31: {  	_ = 	snop;
	(pc) =	sbr.rel @p0 .LBB2_5-.Ltmp5, $1  }
0x32: {  	_ =	sdelay $0x3  }
0x33: {  	s13 =	sshll.u32 s12, $0x5  }
0x34: {  	_ =	swait.ge [sflag:s4], $0x8000;
	s31 =	sshll.u32 s12, $0x4;
	s13 =	sand.u32 $0xFFFFFF00, s13  }
0x35: {  	s14 =	simm.s32 $0x100;
	s12 =	sand.u32 $0x70, s31;
	s13 =	sadd.s32 s13, s7  }
0x36: {  	s15 =	simm.s32 $0x8900;
	[sflag:s4] =	ssyncset.done $0x0;
	s12 =	sadd.s32 s12, s13  }
0x37: {  	[sflag:s4] =	ssyncadd.s32 $0xFFFF8000;
	s13 =	simm.s32 $0x8100;
	s16 =	sadd.s32 $0x0, s12  }
.LBB2_9:
0x38: {  	[hbm:s16] =	stream.linear.scatter [tilespmem:s13], [sflag:$0x3], $0x800, $0x38;
	[tilespmem:$0x10100] =	vst v63  }
0x39: {  	s16 =	smov.u32 s14;
	s13 =	smov.u32 s15;
	p0 =	sne.s32 s14, $0xF00  }
.Ltmp6:
0x3a: {  	s14 =	sadd.s32 $0x100, s14;
	(pc) =	sbr.rel @p0 .LBB2_9-.Ltmp6, $2  }
0x3b: {  	_ =	sdelay $0x2  }
0x3c: {  	s15 =	sadd.s32 $0x800, s15;
	s16 =	sadd.s32 s16, s12  }
.Ltmp7:
0x3d: {  	_ = 	snop;
	(pc) =	sbr.rel .LBB2_10-.Ltmp7, $1  }
0x3e: {  	_ =	sdelay $0x3  }
.LBB2_2:
.Ltmp8:
0x3f: {  	(pc) =	sbr.rel .LBB2_12-.Ltmp8, $4  }
0x40: {  	_ = 	snop  }
0x41: {  	s12 =	sshrl.u32 s11, $0x3  }
0x42: {  	s13 =	sand.u32 $0x7, s11;
	s12 =	sadd.s32 s3, s12  }
0x43: {  	[tilespmem:s9], [sflag:$0x2] =	stream.linear.gather [hbm4b:s12+s13], $0x80, $0x38;
	[tilespmem:$0x10100] =	vst v63  }
.LBB2_13:
0x44: {  	s2 =	simm.s32 $0x3  }
0x45: {  	_ =	swait.ge [sflag:s2], $0x8000  }
0x46: {  	[sflag:s2] =	ssyncset.done $0x0  }
0x47: {  	[sflag:s2] =	ssyncadd.s32 $0xFFFF8000  }
0x48: {  	_ =	sfence.sel $0x180000  }
0x49: {  	s3 =	simm.s32 $0x2;
	[bflag:$0x0] =	sbarrier.arrive $0xFFFF  }
0x4a: {  	[sflag:s3] =	ssyncpa.u1 $0x1  }
0x4b: {  	s31 =	simm.s32 $0x1;
	[sflag:s2] =	ssyncpa.u1 $0x1  }
0x4c: {  	[sflag:s31] =	ssyncpa.u1 $0x1  }
0x4d: {  	p0 =	sne.s32 s1, $0x0;
	_ =	strace $0x90000080  }
0x4e: {  	s0 =	sadd.s32 @!p0 $0x100000, s0;
	[bflag:$0x2] =	sbarrier.arrive $0xFFFF  }
0x4f: {  	[sflag:s0] =	ssyncadd.tile.s32 @!p0 $0x1;
	_ =	shalt  }
.Lfunc_end2:
_tile_overlayer_lowered:
.L_overlay_start_2:
0x50: {  	(tag) =	ssettag $0x2  }
0x51: {  	s0 =	rddreg [dreg:$0x0];
	s2 =	stileid.u32  }
0x52: {  	s1 =	rddreg [dreg:$0x1];
	p0 =	sne.s32 s2, $0x0  }
0x53: {  	s3 =	rddreg [dreg:$0x2];
	[bflag:$0x3] =	sbarrier.arrive $0xFFFF;
	s2 =	simm.s32 @!p0 $0x1C01  }
0x54: {  	[timem:s3], [sflag:s2] =	dma.local @!p0 [hbm:s0], s1  }
0x55: {  	s0 =	simm.s32 @!p0 $0x1  }
0x56: {  	_ =	swait.ge @!p0 [sflag:s0], s1  }
0x57: {  	s1 =	ssub.s32 @!p0 $0x0, s1;
	[sflag:s0] =	ssyncset.done @!p0 $0x0  }
0x58: {  	[sflag:s0] =	ssyncadd.s32 @!p0 s1  }
0x59: {  	[bflag:$0x3] =	sbarrier.arrive $0xFFFF  }
0x5a: {  	_ =	shalt  }

// kernel: gather_offload_async_start.5
scs
__scs_entry_jumppad:
0x0: {  	(pc) =	sbr.rel $0x88, $3  }
0x1: {  	(tag) =	ssettag $0x0;
	lr =	simm.s32 $0x1  }
0x2: {  	[smem:$0x3F95] =	sst lr;
	_ =	strace $0xD0000000  }
0x3: {  	_ = 	snop  }
0x4: {  	_ = 	snop  }
0x5: {  	_ = 	snop  }
0x6: {  	_ = 	snop  }
0x7: {  	_ = 	snop  }
__scs_overlays_trampoline_lowered:
0x8: {  	[smem:$0x3FA4] =	sst s0  }
0x9: {  	[smem:$0x3FA5] =	sst s1  }
0xa: {  	[smem:$0x3FA6] =	sst s2  }
0xb: {  	[smem:$0x3FA7] =	sst s3  }
0xc: {  	[smem:$0x3FA8] =	sst s4  }
0xd: {  	[smem:$0x3FA9] =	sst s5  }
0xe: {  	[smem:$0x3FAA] =	sst s6  }
0xf: {  	[smem:$0x3FAB] =	sst s7  }
0x10: {  	[smem:$0x3FAC] =	sst s8  }
0x11: {  	[smem:$0x3FAD] =	sst s9;
	s0 =	simm.s32 @!p0 $0x0  }
0x12: {  	s1 =	sld [smem:$0x3F93];
	s0 =	simm.s32 @p0 $0x1  }
0x13: {  	[smem:$0x3FAE] =	sst s0;
	s0 =	simm.s32 @!p1 $0x0  }
0x14: {  	s2 =	sld [smem:$0x3F92];
	s0 =	simm.s32 @p1 $0x1  }
0x15: {  	[smem:$0x3FAF] =	sst s0;
	s0 =	simm.s32 @!p2 $0x0  }
0x16: {  	s3 =	sld [smem:$0x3FDB];
	s0 =	simm.s32 @p2 $0x1  }
0x17: {  	s4 =	simm.s32 $0x1BF5;
	[smem:$0x3FB1] =	sst s0  }
0x18: {  	s0 =	sld [smem:$0x3F94];
	_ =	swait.ge [sflag:s4], $0x0  }
0x19: {  	s7 =	sld [smem:$0x3F95]  }
0x1a: {  	s8 =	sadd.s32 $0xFFFFE003, lr  }
0x1b: {  	s9 =	sadd.s32 $0xFFFFFEF7, lr;
	s5 =	simm.s32 $0xFFFFFFFF;
	p2 =	slt.u32 s8, $0xFFFFF086  }
0x1c: {  	p1 =	slt.u32 s9, $0xF7A;
	s5 =	simm.s32 @!p2 $0x0  }
0x1d: {  	s5 =	simm.s32 @p1 $0x1;
	p0 =	seq.s32 s7, s2  }
0x1e: {  	s7 =	smul.u32 @!p0 $0xF7A, s2;
	p2 =	seq.s32 @!p0 s5, $0x0  }
0x1f: {  	s9 =	smul.u32 $0xF7A, s1;
	s8 =	simm.s32 @!p0 $0x1BF5;
	p2 =	por !p2, p0  }
0x20: {  	[sflag:s8] =	ssyncset.s32 @!p0 $0xFFFFF086;
	s6 =	sadd.s32 @!p0 s3, s7;
	s7 =	simm.s32 @!p0 $0x108  }
0x21: {  	s3 =	sadd.s32 s3, s9;
	s6 =	sadd.s32 @!p0 $0x88, s6;
	s7 =	simm.s32 @p2 $0x1082  }
0x22: {  	[simem:s7], [sflag:s8] =	dma.local @!p0 [hbm:s6], $0xF7A  }
0x23: {  	s9 =	sor.u32 $0xD0000000, s2;
	s6 =	simm.s32 $0x108;
	_ =	swait.ge @!p0 [sflag:s8], $0x0  }
0x24: {  	s3 =	sadd.s32 $0x88, s3;
	s6 =	simm.s32 @!p1 $0x1082;
	[sflag:s4] =	ssyncset.s32 $0xFFFFF086  }
0x25: {  	[simem:s6], [sflag:s4] =	dma.local [hbm:s3], $0xF7A  }
0x26: {  	[smem:$0x3F95] =	sst s1;
	(tag) =	ssettag s2;
	_ =	strace s9  }
0x27: {  	s1 =	sld [smem:$0x3FA5]  }
0x28: {  	s2 =	sld [smem:$0x3FA6]  }
0x29: {  	s4 =	sld [smem:$0x3FA8]  }
0x2a: {  	p0 =	seq.s32 s5, $0x0;
	s5 =	sld [smem:$0x3FA9]  }
0x2b: {  	s6 =	sld [smem:$0x3FAA]  }
0x2c: {  	s7 =	sld [smem:$0x3FAB]  }
0x2d: {  	s3 =	simm.s32 $0x108;
	s8 =	sld [smem:$0x3FAC]  }
0x2e: {  	s3 =	simm.s32 @!p0 $0x1082;
	s9 =	sld [smem:$0x3FAD]  }
0x2f: {  	lr =	sadd.s32 s0, s3;
	s0 =	sld [smem:$0x3FA4]  }
0x30: {  	s3 =	sld [smem:$0x3FA7]  }
0x31: {  	[smem:$0x3FB0] =	sst s10  }
0x32: {  	s10 =	sld [smem:$0x3FAE];
	_ =	sdelay $0x3  }
0x33: {  	p0 =	seq.s32 s10, $0x1;
	s10 =	sld [smem:$0x3FB0];
	_ =	sdelay $0x3  }
0x34: {  	[smem:$0x3FB0] =	sst s10  }
0x35: {  	s10 =	sld [smem:$0x3FAF];
	_ =	sdelay $0x3  }
0x36: {  	p1 =	seq.s32 s10, $0x1;
	s10 =	sld [smem:$0x3FB0];
	_ =	sdelay $0x3  }
0x37: {  	[smem:$0x3FB0] =	sst s10  }
0x38: {  	s10 =	sld [smem:$0x3FB1]  }
0x39: {  	_ = 	snop;
	(pc) =	sbr.ind lr, $3  }
0x3a: {  	_ = 	snop  }
0x3b: {  	_ = 	snop  }
0x3c: {  	p2 =	seq.s32 s10, $0x1;
	s10 =	sld [smem:$0x3FB0]  }
0x3d: {  	_ =	shalt  }
0x3e: {  	_ =	shalt  }
0x3f: {  	_ =	shalt  }
0x40: {  	_ =	shalt  }
0x41: {  	_ =	shalt  }
0x42: {  	_ =	shalt  }
0x43: {  	_ =	shalt  }
0x44: {  	_ =	shalt  }
0x45: {  	_ =	shalt  }
0x46: {  	_ =	shalt  }
0x47: {  	_ =	shalt  }
0x48: {  	_ =	shalt  }
0x49: {  	_ =	shalt  }
0x4a: {  	_ =	shalt  }
0x4b: {  	_ =	shalt  }
0x4c: {  	_ =	shalt  }
0x4d: {  	_ =	shalt  }
0x4e: {  	_ =	shalt  }
0x4f: {  	_ =	shalt  }
0x50: {  	_ =	shalt  }
0x51: {  	_ =	shalt  }
0x52: {  	_ =	shalt  }
0x53: {  	_ =	shalt  }
0x54: {  	_ =	shalt  }
0x55: {  	_ =	shalt  }
0x56: {  	_ =	shalt  }
0x57: {  	_ =	shalt  }
0x58: {  	_ =	shalt  }
0x59: {  	_ =	shalt  }
0x5a: {  	_ =	shalt  }
0x5b: {  	_ =	shalt  }
0x5c: {  	_ =	shalt  }
0x5d: {  	_ =	shalt  }
0x5e: {  	_ =	shalt  }
0x5f: {  	_ =	shalt  }
0x60: {  	_ =	shalt  }
0x61: {  	_ =	shalt  }
0x62: {  	_ =	shalt  }
0x63: {  	_ =	shalt  }
0x64: {  	_ =	shalt  }
0x65: {  	_ =	shalt  }
0x66: {  	_ =	shalt  }
0x67: {  	_ =	shalt  }
0x68: {  	_ =	shalt  }
0x69: {  	_ =	shalt  }
0x6a: {  	_ =	shalt  }
0x6b: {  	_ =	shalt  }
0x6c: {  	_ =	shalt  }
0x6d: {  	_ =	shalt  }
0x6e: {  	_ =	shalt  }
0x6f: {  	_ =	shalt  }
0x70: {  	_ =	shalt  }
0x71: {  	_ =	shalt  }
0x72: {  	_ =	shalt  }
0x73: {  	_ =	shalt  }
0x74: {  	_ =	shalt  }
0x75: {  	_ =	shalt  }
0x76: {  	_ =	shalt  }
0x77: {  	_ =	shalt  }
0x78: {  	_ =	shalt  }
0x79: {  	_ =	shalt  }
0x7a: {  	_ =	shalt  }
0x7b: {  	_ =	shalt  }
0x7c: {  	_ =	shalt  }
0x7d: {  	_ =	shalt  }
0x7e: {  	_ =	shalt  }
0x7f: {  	_ =	shalt  }
0x80: {  	_ =	shalt  }
0x81: {  	_ =	shalt  }
0x82: {  	_ =	shalt  }
0x83: {  	_ =	shalt  }
0x84: {  	_ =	shalt  }
0x85: {  	_ =	shalt  }
0x86: {  	_ =	shalt  }
0x87: {  	_ =	shalt  }
.Lfunc_end0:
.L_simem_size_0:
called_computation.5_lowered:
.L_overlay_start_0:
0x88: {  	s2 =	sld [smem:$0x3FD9]  }
0x89: {  	s3 =	sld [smem:$0x3FFE];
	_ =	sdelay $0x1  }
0x8a: {  	s1 =	srdreg.scid  }
0x8b: {  	s0 =	sand.u32 $0x1, s1  }
0x8c: {  	s17 =	sshll.u32 s0, $0xA;
	s2 =	sadd.s32 s3, s2  }
0x8d: {  	s2 =	sadd.s32 s2, s17  }
0x8e: {  	[smem:$0x3FBC] =	sst s2  }
0x8f: {  	_ = 	snop  }
0x90: {  	s18 =	sld [smem:$0x3FC9];
	(tm) =	ssettm $0x1  }
0x91: {  	s19 =	sld [smem:$0x3FFB];
	_ =	sdelay $0x3  }
0x92: {  	_ =	strace s19  }
0x93: {  	s2 =	sld [smem:$0x3FFC];
	_ =	sdelay $0x3  }
0x94: {  	_ =	strace s2  }
0x95: {  	s2 =	sld [smem:$0x3FFD];
	_ =	sdelay $0x3  }
0x96: {  	_ =	strace s2  }
0x97: {  	_ =	strace $0x8FFFFFFF  }
0x98: {  	s20 =	sld [smem:$0x3FDB];
	_ =	sdelay $0x1  }
0x99: {  	s4 =	simm.s32 $_scs_section_size  }
0x9a: {  	s5 =	simm.s32 $_size__tile_overlayer_lowered;
	s6 =	simm.s32 $_tile_overlayer_lowered  }
0x9b: {  	s7 =	simm.s32 $0x1BFF;
	s21 =	sshll.u32 s6, $0x1;
	s4 =	sadd.s32 s4, s20  }
0x9c: {  	s22 =	simm.s32 $0x0;
	s5 =	sshll.u32 s5, $0x1;
	s6 =	sadd.s32 s21, s4  }
0x9d: {  	[timem:s22], [sflag:s7] =	dma.local [hbm:s6], s5  }
0x9e: {  	_ =	swait.ge [sflag:s7], s5  }
0x9f: {  	s5 =	ssub.s32 $0x0, s5;
	[sflag:s7] =	ssyncset.done $0x0  }
0xa0: {  	[sflag:s7] =	ssyncadd.s32 s5;
	_ =	sdelay $0x1  }
0xa1: {  	s23 =	simm.s32 $0x1B8B  }
0xa2: {  	_ =	swait.ge [sflag:s23], $0x1  }
0xa3: {  	[sflag:s23] =	ssyncset.done $0x0  }
0xa4: {  	[sflag:s23] =	ssyncadd.s32 $0xFFFFFFFF  }
0xa5: {  	s5 =	sld [smem:$0x0]  }
0xa6: {  	s6 =	sand.u32 $0xFFFFFFFE, s1  }
0xa7: {  	p0 =	sne.s32 s1, s6  }
0xa8: {  	s6 =	sshll.u32 @p0 s6, $0xE  }
0xa9: {  	s6 =	sadd.s32 @p0 $0x11B8D, s6;
	s7 =	sshll.u32 @p0 s5, $0x11  }
0xaa: {  	s6 =	sor.u32 @p0 s7, s6  }
0xab: {  	[sflag:s6] =	ssyncadd.remote.s32 @p0 $0x1;
	_ =	sdelay $0x1  }
0xac: {  	s6 =	simm.s32 @p0 $0x1B8D  }
0xad: {  	_ =	swait.eq @p0 [sflag:s6], $0x1  }
0xae: {  	[sflag:s6] =	ssyncadd.s32 @p0 $0xFFFFFFFF  }
0xaf: {  	s7 =	sshll.u32 @!p0 s1, $0xE  }
0xb0: {  	s7 =	sor.u32 @!p0 $0x4000, s7;
	s6 =	simm.s32 @!p0 $0x1B8D  }
0xb1: {  	s5 =	sshll.u32 @!p0 s5, $0x11;
	s7 =	sadd.s32 @!p0 $0x11B8D, s7;
	_ =	swait.eq @!p0 [sflag:s6], $0x1  }
0xb2: {  	s5 =	sor.u32 @!p0 s5, s7;
	[sflag:s6] =	ssyncadd.s32 @!p0 $0xFFFFFFFF  }
0xb3: {  	s25 =	simm.s32 $0x1B8E;
	s24 =	sld [smem:$0x3FFE];
	[sflag:s5] =	ssyncadd.remote.s32 @!p0 $0x1  }
0xb4: {  	s26 =	simm.s32 $execute0_lowered;
	[smem:$0x3FD2] =	sst s25  }
0xb5: {  	s6 =	sshll.u32 s26, $0x1;
	_ =	strace $0x8000007C;
	[dreg:$0x1] =	wrdreg $0xFFFFFFFF  }
0xb6: {  	s28 =	simm.s32 $_size_execute0_lowered;
	s4 =	sadd.s32 s4, s6;
	[dreg:$0x0] =	wrdreg $0x0  }
0xb7: {  	s6 =	sshll.u32 s28, $0x1;
	[dreg:$0x2] =	wrdreg s4  }
0xb8: {  	[dreg:$0x3] =	wrdreg s6  }
0xb9: {  	[dreg:$0x4] =	wrdreg $0xC0  }
0xba: {  	_ =	task [dreg:s22], $0x5FFFF  }
0xbb: {  	[dreg:$0x1] =	wrdreg $0xFFFFFFFF  }
0xbc: {  	[dreg:$0x0] =	wrdreg $0x60  }
0xbd: {  	[dreg:$0x2] =	wrdreg s18  }
0xbe: {  	[dreg:$0x3] =	wrdreg s24  }
0xbf: {  	[dreg:$0x4] =	wrdreg $0xA  }
0xc0: {  	_ =	task.clear_ibuf [dreg:s22], $0x5FFFF;
	_ =	strace $0x9000007C  }
0xc1: {  	s29 =	simm.s32 $0xA;
	_ =	strace $0x8000007E  }
0xc2: {  	_ =	swait.ge [sflag:s29], $0x1  }
0xc3: {  	[sflag:s29] =	ssyncadd.s32 $0xFFFFFFFF  }
0xc4: {  	_ =	strace $0x9000007E  }
0xc5: {  	_ =	sfence  }
0xc6: {  	s30 =	sld [smem:$0x0];
	_ =	sdelay $0x2  }
0xc7: {  	s31 =	sshll.u32 s1, $0xD;
	s1 =	sshrl.u32 s1, $0x2  }
0xc8: {  	s4 =	sand.u32 $0x4000, s31;
	s1 =	sadd.s32 s1, s30  }
0xc9: {  	s0 =	sor.u32 s4, s0;
	s1 =	sshll.u32 s1, $0x11  }
0xca: {  	s0 =	sor.u32 s1, s0  }
0xcb: {  	s0 =	sadd.s32 $0x8F2B, s0  }
0xcc: {  	[sflag:s0] =	ssyncadd.remote.s32 $0x1  }
0xcd: {  	_ =	sfence.sel $0xFFFF  }
0xce: {  	[dreg:$0x0] =	wrdreg $0xFFFFFFFF;
	(pc) =	sbr.abs _section_cstart, $3  }
0xcf: {  	[dreg:$0x1] =	wrdreg $0xFFFFFFFF  }
0xd0: {  	_ =	task.clear_ibuf [dreg:s22], $0x2FFFF;
	_ =	strace $0x9FFFFFFF  }
0xd1: {  	(tm) =	ssettm $0x7FFFFFFF  }
tec
execute0_lowered:
.L_overlay_start_1:
0x0: {  	(tag) =	ssettag $0x1  }
0x1: {  	s2 =	rddreg [dreg:$0x0]  }
0x2: {  	s7 =	rddreg [dreg:$0x1]  }
0x3: {  	s0 =	rddreg [dreg:$0x2]  }
0x4: {  	s1 =	srdreg.scid;
	_ =	strace $0x8000007D;
	s4 =	simm.s32 $0x1  }
0x5: {  	s9 =	simm.s32 $0x3;
	s12 =	simm.s32 $0x0;
	s5 =	sshll.u32 s1, $0x4  }
.Ltmp0:
0x6: {  	s1 =	stileid.u32;
	s5 =	sand.u32 $0x10, s5;
	(pc) =	sbr.rel .LBB2_1-.Ltmp0, $4  }
0x7: {  	s10 =	simm.s32 $0x0;
	s3 =	sadd.s32 $0x3CC00, s7;
	s6 =	sor.u32 s1, s5  }
0x8: {  	[sflag:s4] =	ssyncpa.u1 $0x0;
	s5 =	simm.s32 $0x2;
	s6 =	sshll.u32 s6, $0x7  }
0x9: {  	s7 =	sadd.s32 $0x1E00, s7;
	[sflag:s5] =	ssyncpa.u1 $0x0;
	s8 =	sadd.s32 $0x80, s6  }
0xa: {  	vm0 =	vmmov $0xff;
	vm1 =	vcmask $0x3F20;
	[sflag:s9] =	ssyncpa.u1 $0x0;
	s9 =	simm.s32 $0x80;
	s11 =	smov.u32 s6  }
.LBB2_10:
0xb: {  	[hbm:s16] =	stream.linear.scatter [tilespmem:s13], [sflag:$0x3], $0x800, $0x38;
	[tilespmem:$0x10100] =	vst v63  }
.LBB2_11:
0xc: {  	p0 =	seq.s32 s10, $0x2  }
.Ltmp1:
0xd: {  	_ = 	snop;
	(pc) =	sbr.rel @p0 .LBB2_13-.Ltmp1, $1  }
0xe: {  	_ =	sdelay $0x3  }
.LBB2_12:
0xf: {  	s12 =	sadd.s32 $0x80, s11  }
0x10: {  	s13 =	smov.u32 s6;
	p0 =	slt.s32 s12, s8  }
0x11: {  	s13 =	smov.u32 @p0 s12  }
0x12: {  	s10 =	sadd.s32 $0x1, s10;
	s12 =	smov.u32 s11;
	s11 =	smov.u32 s13  }
.LBB2_1:
0x13: {  	p0 =	sne.s32 s10, $0x0  }
.Ltmp2:
0x14: {  	_ = 	snop;
	(pc) =	sbr.rel @!p0 .LBB2_2-.Ltmp2, $1  }
0x15: {  	_ =	sdelay $0x3  }
0x16: {  	s13 =	sand.u32 $0x1, s10  }
0x17: {  	p0 =	seq.s32 s13, $0x0  }
.Ltmp3:
0x18: {  	_ = 	snop;
	(pc) =	sbr.rel @p0 .LBB2_11-.Ltmp3, $1  }
0x19: {  	_ =	sdelay $0x3  }
0x1a: {  	_ =	swait.ge [sflag:s5], $0x80  }
0x1b: {  	[sflag:s5] =	ssyncset.done $0x0  }
0x1c: {  	s13 =	simm.s32 $0x0;
	[sflag:s5] =	ssyncadd.s32 $0xFFFFFF80  }
.LBB2_5:
0x1d: {  	s14 =	sshll.u32 s13, $0x4  }
0x1e: {  	s14 =	sand.u32 $0x3FFFFFF0, s14  }
0x1f: {  	v0 =	vld.msk [tilespmem:s14+$0x80 ss:$0x1], $0xffff;
	_ =	sdelay $0x4  }
0x20: {  	v1 =	vshrl.u32 v0, $0x6  }
0x21: {  	vm2 =	veq.s32 v0, $0x80000000;
	v1 =	vand.u32 $0x7F, v1  }
0x22: {  	v0 =	vshll.u32 v0, $0xF;
	v1 =	vsel vm2, $0xFFFFFFFF, v1  }
0x23: {  	v0 =	vand.u32 $0x1F8000, v0;
	v2 =	vshll.u32 v1, $0x8  }
0x24: {  	v0 =	vsel vm2, $0xFFFF8000, v0;
	v1 =	vshll.u32 v1, $0x7;
	v2 =	vand.u32 $0xFFFFF800, v2  }
0x25: {  	s31 =	sshll.u32 s13, $0xC;
	v1 =	vand.u32 $0x380, v1;
	v0 =	vadd.s32 v0, v2  }
0x26: {  	s14 =	sand.u32 $0x3FFFF000, s31;
	v0 =	vor.u32 v1, v0  }
0x27: {  	p0 =	por $0x1, $0x1;
	s15 =	simm.s32 $0x0;
	s14 =	sadd.s32 $0x8100, s14;
	v0 =	vshrl.u32 v0, $0x3  }
.LBB2_6:
0x28: {  	_ =	sdelay $0x1  }
0x29: {  	s15 =	sshra.s32 s15, $0x2;
	p1 =	por p0, p0  }
.Ltmp4:
0x2a: {  	s15 =	sadd.s32 s15, s14;
	(pc) =	sbr.rel @p1 .LBB2_6-.Ltmp4, $4  }
0x2b: {  	[tilespmem:s15], [sflag:$0x1] =	stream.indirect_vreg.gather [hbm:s2], $0x80, v0, vm0, $0x38;
	[tilespmem:$0x10100] =	vst v63  }
0x2c: {  	s15 =	sadd.s32 $0x800, s15  }
0x2d: {  	[tilespmem:s15], [sflag:$0x1] =	stream.indirect_vreg.gather [hbm:s2], $0x80, v0, vm1, $0x38;
	[tilespmem:$0x10100] =	vst v63  }
0x2e: {  	p0 =	por $0x0, $0x0;
	v0 =	vadd.s32 $0x80, v0;
	s15 =	simm.s32 $0x1000  }
0x2f: {  	s13 =	sadd.s32 $0x1, s13  }
0x30: {  	p0 =	sne.s32 s13, $0x8  }
.Ltmp5:
0x31: {  	_ = 	snop;
	(pc) =	sbr.rel @p0 .LBB2_5-.Ltmp5, $1  }
0x32: {  	_ =	sdelay $0x3  }
0x33: {  	s13 =	sshll.u32 s12, $0x5  }
0x34: {  	_ =	swait.ge [sflag:s4], $0x8000;
	s31 =	sshll.u32 s12, $0x4;
	s13 =	sand.u32 $0xFFFFFF00, s13  }
0x35: {  	s14 =	simm.s32 $0x100;
	s12 =	sand.u32 $0x70, s31;
	s13 =	sadd.s32 s13, s7  }
0x36: {  	s15 =	simm.s32 $0x8900;
	[sflag:s4] =	ssyncset.done $0x0;
	s12 =	sadd.s32 s12, s13  }
0x37: {  	[sflag:s4] =	ssyncadd.s32 $0xFFFF8000;
	s13 =	simm.s32 $0x8100;
	s16 =	sadd.s32 $0x0, s12  }
.LBB2_9:
0x38: {  	[hbm:s16] =	stream.linear.scatter [tilespmem:s13], [sflag:$0x3], $0x800, $0x38;
	[tilespmem:$0x10100] =	vst v63  }
0x39: {  	s16 =	smov.u32 s14;
	s13 =	smov.u32 s15;
	p0 =	sne.s32 s14, $0xF00  }
.Ltmp6:
0x3a: {  	s14 =	sadd.s32 $0x100, s14;
	(pc) =	sbr.rel @p0 .LBB2_9-.Ltmp6, $2  }
0x3b: {  	_ =	sdelay $0x2  }
0x3c: {  	s15 =	sadd.s32 $0x800, s15;
	s16 =	sadd.s32 s16, s12  }
.Ltmp7:
0x3d: {  	_ = 	snop;
	(pc) =	sbr.rel .LBB2_10-.Ltmp7, $1  }
0x3e: {  	_ =	sdelay $0x3  }
.LBB2_2:
.Ltmp8:
0x3f: {  	(pc) =	sbr.rel .LBB2_12-.Ltmp8, $4  }
0x40: {  	_ = 	snop  }
0x41: {  	s12 =	sshrl.u32 s11, $0x3  }
0x42: {  	s13 =	sand.u32 $0x7, s11;
	s12 =	sadd.s32 s3, s12  }
0x43: {  	[tilespmem:s9], [sflag:$0x2] =	stream.linear.gather [hbm4b:s12+s13], $0x80, $0x38;
	[tilespmem:$0x10100] =	vst v63  }
.LBB2_13:
0x44: {  	s2 =	simm.s32 $0x3  }
0x45: {  	_ =	swait.ge [sflag:s2], $0x8000  }
0x46: {  	[sflag:s2] =	ssyncset.done $0x0  }
0x47: {  	[sflag:s2] =	ssyncadd.s32 $0xFFFF8000  }
0x48: {  	_ =	sfence.sel $0x180000  }
0x49: {  	s3 =	simm.s32 $0x2;
	[bflag:$0x0] =	sbarrier.arrive $0xFFFF  }
0x4a: {  	[sflag:s3] =	ssyncpa.u1 $0x1  }
0x4b: {  	s31 =	simm.s32 $0x1;
	[sflag:s2] =	ssyncpa.u1 $0x1  }
0x4c: {  	[sflag:s31] =	ssyncpa.u1 $0x1  }
0x4d: {  	p0 =	sne.s32 s1, $0x0;
	_ =	strace $0x9000007D  }
0x4e: {  	s0 =	sadd.s32 @!p0 $0x100000, s0;
	[bflag:$0x2] =	sbarrier.arrive $0xFFFF  }
0x4f: {  	[sflag:s0] =	ssyncadd.tile.s32 @!p0 $0x1;
	_ =	shalt  }
.Lfunc_end2:
_tile_overlayer_lowered:
.L_overlay_start_2:
0x50: {  	(tag) =	ssettag $0x2  }
0x51: {  	s0 =	rddreg [dreg:$0x0];
	s2 =	stileid.u32  }
0x52: {  	s1 =	rddreg [dreg:$0x1];
	p0 =	sne.s32 s2, $0x0  }
0x53: {  	s3 =	rddreg [dreg:$0x2];
	[bflag:$0x3] =	sbarrier.arrive $0xFFFF;
	s2 =	simm.s32 @!p0 $0x1C01  }
0x54: {  	[timem:s3], [sflag:s2] =	dma.local @!p0 [hbm:s0], s1  }
0x55: {  	s0 =	simm.s32 @!p0 $0x1  }
0x56: {  	_ =	swait.ge @!p0 [sflag:s0], s1  }
0x57: {  	s1 =	ssub.s32 @!p0 $0x0, s1;
	[sflag:s0] =	ssyncset.done @!p0 $0x0  }
0x58: {  	[sflag:s0] =	ssyncadd.s32 @!p0 s1  }
0x59: {  	[bflag:$0x3] =	sbarrier.arrive $0xFFFF  }
0x5a: {  	_ =	shalt  }

// kernel: gather_offload_async_start.6
scs
__scs_entry_jumppad:
0x0: {  	(pc) =	sbr.rel $0x88, $3  }
0x1: {  	(tag) =	ssettag $0x0;
	lr =	simm.s32 $0x1  }
0x2: {  	[smem:$0x3F95] =	sst lr;
	_ =	strace $0xD0000000  }
0x3: {  	_ = 	snop  }
0x4: {  	_ = 	snop  }
0x5: {  	_ = 	snop  }
0x6: {  	_ = 	snop  }
0x7: {  	_ = 	snop  }
__scs_overlays_trampoline_lowered:
0x8: {  	[smem:$0x3FA4] =	sst s0  }
0x9: {  	[smem:$0x3FA5] =	sst s1  }
0xa: {  	[smem:$0x3FA6] =	sst s2  }
0xb: {  	[smem:$0x3FA7] =	sst s3  }
0xc: {  	[smem:$0x3FA8] =	sst s4  }
0xd: {  	[smem:$0x3FA9] =	sst s5  }
0xe: {  	[smem:$0x3FAA] =	sst s6  }
0xf: {  	[smem:$0x3FAB] =	sst s7  }
0x10: {  	[smem:$0x3FAC] =	sst s8  }
0x11: {  	[smem:$0x3FAD] =	sst s9;
	s0 =	simm.s32 @!p0 $0x0  }
0x12: {  	s1 =	sld [smem:$0x3F93];
	s0 =	simm.s32 @p0 $0x1  }
0x13: {  	[smem:$0x3FAE] =	sst s0;
	s0 =	simm.s32 @!p1 $0x0  }
0x14: {  	s2 =	sld [smem:$0x3F92];
	s0 =	simm.s32 @p1 $0x1  }
0x15: {  	[smem:$0x3FAF] =	sst s0;
	s0 =	simm.s32 @!p2 $0x0  }
0x16: {  	s3 =	sld [smem:$0x3FDB];
	s0 =	simm.s32 @p2 $0x1  }
0x17: {  	s4 =	simm.s32 $0x1BF5;
	[smem:$0x3FB1] =	sst s0  }
0x18: {  	s0 =	sld [smem:$0x3F94];
	_ =	swait.ge [sflag:s4], $0x0  }
0x19: {  	s7 =	sld [smem:$0x3F95]  }
0x1a: {  	s8 =	sadd.s32 $0xFFFFE003, lr  }
0x1b: {  	s9 =	sadd.s32 $0xFFFFFEF7, lr;
	s5 =	simm.s32 $0xFFFFFFFF;
	p2 =	slt.u32 s8, $0xFFFFF086  }
0x1c: {  	p1 =	slt.u32 s9, $0xF7A;
	s5 =	simm.s32 @!p2 $0x0  }
0x1d: {  	s5 =	simm.s32 @p1 $0x1;
	p0 =	seq.s32 s7, s2  }
0x1e: {  	s7 =	smul.u32 @!p0 $0xF7A, s2;
	p2 =	seq.s32 @!p0 s5, $0x0  }
0x1f: {  	s9 =	smul.u32 $0xF7A, s1;
	s8 =	simm.s32 @!p0 $0x1BF5;
	p2 =	por !p2, p0  }
0x20: {  	[sflag:s8] =	ssyncset.s32 @!p0 $0xFFFFF086;
	s6 =	sadd.s32 @!p0 s3, s7;
	s7 =	simm.s32 @!p0 $0x108  }
0x21: {  	s3 =	sadd.s32 s3, s9;
	s6 =	sadd.s32 @!p0 $0x88, s6;
	s7 =	simm.s32 @p2 $0x1082  }
0x22: {  	[simem:s7], [sflag:s8] =	dma.local @!p0 [hbm:s6], $0xF7A  }
0x23: {  	s9 =	sor.u32 $0xD0000000, s2;
	s6 =	simm.s32 $0x108;
	_ =	swait.ge @!p0 [sflag:s8], $0x0  }
0x24: {  	s3 =	sadd.s32 $0x88, s3;
	s6 =	simm.s32 @!p1 $0x1082;
	[sflag:s4] =	ssyncset.s32 $0xFFFFF086  }
0x25: {  	[simem:s6], [sflag:s4] =	dma.local [hbm:s3], $0xF7A  }
0x26: {  	[smem:$0x3F95] =	sst s1;
	(tag) =	ssettag s2;
	_ =	strace s9  }
0x27: {  	s1 =	sld [smem:$0x3FA5]  }
0x28: {  	s2 =	sld [smem:$0x3FA6]  }
0x29: {  	s4 =	sld [smem:$0x3FA8]  }
0x2a: {  	p0 =	seq.s32 s5, $0x0;
	s5 =	sld [smem:$0x3FA9]  }
0x2b: {  	s6 =	sld [smem:$0x3FAA]  }
0x2c: {  	s7 =	sld [smem:$0x3FAB]  }
0x2d: {  	s3 =	simm.s32 $0x108;
	s8 =	sld [smem:$0x3FAC]  }
0x2e: {  	s3 =	simm.s32 @!p0 $0x1082;
	s9 =	sld [smem:$0x3FAD]  }
0x2f: {  	lr =	sadd.s32 s0, s3;
	s0 =	sld [smem:$0x3FA4]  }
0x30: {  	s3 =	sld [smem:$0x3FA7]  }
0x31: {  	[smem:$0x3FB0] =	sst s10  }
0x32: {  	s10 =	sld [smem:$0x3FAE];
	_ =	sdelay $0x3  }
0x33: {  	p0 =	seq.s32 s10, $0x1;
	s10 =	sld [smem:$0x3FB0];
	_ =	sdelay $0x3  }
0x34: {  	[smem:$0x3FB0] =	sst s10  }
0x35: {  	s10 =	sld [smem:$0x3FAF];
	_ =	sdelay $0x3  }
0x36: {  	p1 =	seq.s32 s10, $0x1;
	s10 =	sld [smem:$0x3FB0];
	_ =	sdelay $0x3  }
0x37: {  	[smem:$0x3FB0] =	sst s10  }
0x38: {  	s10 =	sld [smem:$0x3FB1]  }
0x39: {  	_ = 	snop;
	(pc) =	sbr.ind lr, $3  }
0x3a: {  	_ = 	snop  }
0x3b: {  	_ = 	snop  }
0x3c: {  	p2 =	seq.s32 s10, $0x1;
	s10 =	sld [smem:$0x3FB0]  }
0x3d: {  	_ =	shalt  }
0x3e: {  	_ =	shalt  }
0x3f: {  	_ =	shalt  }
0x40: {  	_ =	shalt  }
0x41: {  	_ =	shalt  }
0x42: {  	_ =	shalt  }
0x43: {  	_ =	shalt  }
0x44: {  	_ =	shalt  }
0x45: {  	_ =	shalt  }
0x46: {  	_ =	shalt  }
0x47: {  	_ =	shalt  }
0x48: {  	_ =	shalt  }
0x49: {  	_ =	shalt  }
0x4a: {  	_ =	shalt  }
0x4b: {  	_ =	shalt  }
0x4c: {  	_ =	shalt  }
0x4d: {  	_ =	shalt  }
0x4e: {  	_ =	shalt  }
0x4f: {  	_ =	shalt  }
0x50: {  	_ =	shalt  }
0x51: {  	_ =	shalt  }
0x52: {  	_ =	shalt  }
0x53: {  	_ =	shalt  }
0x54: {  	_ =	shalt  }
0x55: {  	_ =	shalt  }
0x56: {  	_ =	shalt  }
0x57: {  	_ =	shalt  }
0x58: {  	_ =	shalt  }
0x59: {  	_ =	shalt  }
0x5a: {  	_ =	shalt  }
0x5b: {  	_ =	shalt  }
0x5c: {  	_ =	shalt  }
0x5d: {  	_ =	shalt  }
0x5e: {  	_ =	shalt  }
0x5f: {  	_ =	shalt  }
0x60: {  	_ =	shalt  }
0x61: {  	_ =	shalt  }
0x62: {  	_ =	shalt  }
0x63: {  	_ =	shalt  }
0x64: {  	_ =	shalt  }
0x65: {  	_ =	shalt  }
0x66: {  	_ =	shalt  }
0x67: {  	_ =	shalt  }
0x68: {  	_ =	shalt  }
0x69: {  	_ =	shalt  }
0x6a: {  	_ =	shalt  }
0x6b: {  	_ =	shalt  }
0x6c: {  	_ =	shalt  }
0x6d: {  	_ =	shalt  }
0x6e: {  	_ =	shalt  }
0x6f: {  	_ =	shalt  }
0x70: {  	_ =	shalt  }
0x71: {  	_ =	shalt  }
0x72: {  	_ =	shalt  }
0x73: {  	_ =	shalt  }
0x74: {  	_ =	shalt  }
0x75: {  	_ =	shalt  }
0x76: {  	_ =	shalt  }
0x77: {  	_ =	shalt  }
0x78: {  	_ =	shalt  }
0x79: {  	_ =	shalt  }
0x7a: {  	_ =	shalt  }
0x7b: {  	_ =	shalt  }
0x7c: {  	_ =	shalt  }
0x7d: {  	_ =	shalt  }
0x7e: {  	_ =	shalt  }
0x7f: {  	_ =	shalt  }
0x80: {  	_ =	shalt  }
0x81: {  	_ =	shalt  }
0x82: {  	_ =	shalt  }
0x83: {  	_ =	shalt  }
0x84: {  	_ =	shalt  }
0x85: {  	_ =	shalt  }
0x86: {  	_ =	shalt  }
0x87: {  	_ =	shalt  }
.Lfunc_end0:
.L_simem_size_0:
called_computation.6_lowered:
.L_overlay_start_0:
0x88: {  	s2 =	sld [smem:$0x3FD9]  }
0x89: {  	s3 =	sld [smem:$0x3FFE];
	_ =	sdelay $0x1  }
0x8a: {  	s1 =	srdreg.scid  }
0x8b: {  	s0 =	sand.u32 $0x1, s1  }
0x8c: {  	s17 =	sshll.u32 s0, $0xA;
	s2 =	sadd.s32 s3, s2  }
0x8d: {  	s2 =	sadd.s32 s2, s17  }
0x8e: {  	[smem:$0x3FBC] =	sst s2  }
0x8f: {  	_ = 	snop  }
0x90: {  	s18 =	sld [smem:$0x3FC9];
	(tm) =	ssettm $0x1  }
0x91: {  	s19 =	sld [smem:$0x3FFB];
	_ =	sdelay $0x3  }
0x92: {  	_ =	strace s19  }
0x93: {  	s2 =	sld [smem:$0x3FFC];
	_ =	sdelay $0x3  }
0x94: {  	_ =	strace s2  }
0x95: {  	s2 =	sld [smem:$0x3FFD];
	_ =	sdelay $0x3  }
0x96: {  	_ =	strace s2  }
0x97: {  	_ =	strace $0x8FFFFFFF  }
0x98: {  	s20 =	sld [smem:$0x3FDB];
	_ =	sdelay $0x1  }
0x99: {  	s4 =	simm.s32 $_scs_section_size  }
0x9a: {  	s5 =	simm.s32 $_size__tile_overlayer_lowered;
	s6 =	simm.s32 $_tile_overlayer_lowered  }
0x9b: {  	s7 =	simm.s32 $0x1BFF;
	s21 =	sshll.u32 s6, $0x1;
	s4 =	sadd.s32 s4, s20  }
0x9c: {  	s22 =	simm.s32 $0x0;
	s5 =	sshll.u32 s5, $0x1;
	s6 =	sadd.s32 s21, s4  }
0x9d: {  	[timem:s22], [sflag:s7] =	dma.local [hbm:s6], s5  }
0x9e: {  	_ =	swait.ge [sflag:s7], s5  }
0x9f: {  	s5 =	ssub.s32 $0x0, s5;
	[sflag:s7] =	ssyncset.done $0x0  }
0xa0: {  	[sflag:s7] =	ssyncadd.s32 s5;
	_ =	sdelay $0x1  }
0xa1: {  	s23 =	simm.s32 $0x1B8B  }
0xa2: {  	_ =	swait.ge [sflag:s23], $0x1  }
0xa3: {  	[sflag:s23] =	ssyncset.done $0x0  }
0xa4: {  	[sflag:s23] =	ssyncadd.s32 $0xFFFFFFFF  }
0xa5: {  	s5 =	sld [smem:$0x0]  }
0xa6: {  	s6 =	sand.u32 $0xFFFFFFFE, s1  }
0xa7: {  	p0 =	sne.s32 s1, s6  }
0xa8: {  	s6 =	sshll.u32 @p0 s6, $0xE  }
0xa9: {  	s6 =	sadd.s32 @p0 $0x11B8D, s6;
	s7 =	sshll.u32 @p0 s5, $0x11  }
0xaa: {  	s6 =	sor.u32 @p0 s7, s6  }
0xab: {  	[sflag:s6] =	ssyncadd.remote.s32 @p0 $0x1;
	_ =	sdelay $0x1  }
0xac: {  	s6 =	simm.s32 @p0 $0x1B8D  }
0xad: {  	_ =	swait.eq @p0 [sflag:s6], $0x1  }
0xae: {  	[sflag:s6] =	ssyncadd.s32 @p0 $0xFFFFFFFF  }
0xaf: {  	s7 =	sshll.u32 @!p0 s1, $0xE  }
0xb0: {  	s7 =	sor.u32 @!p0 $0x4000, s7;
	s6 =	simm.s32 @!p0 $0x1B8D  }
0xb1: {  	s5 =	sshll.u32 @!p0 s5, $0x11;
	s7 =	sadd.s32 @!p0 $0x11B8D, s7;
	_ =	swait.eq @!p0 [sflag:s6], $0x1  }
0xb2: {  	s5 =	sor.u32 @!p0 s5, s7;
	[sflag:s6] =	ssyncadd.s32 @!p0 $0xFFFFFFFF  }
0xb3: {  	s25 =	simm.s32 $0x1B8E;
	s24 =	sld [smem:$0x3FFE];
	[sflag:s5] =	ssyncadd.remote.s32 @!p0 $0x1  }
0xb4: {  	s26 =	simm.s32 $execute0_lowered;
	[smem:$0x3FD2] =	sst s25  }
0xb5: {  	s6 =	sshll.u32 s26, $0x1;
	_ =	strace $0x80000085;
	[dreg:$0x1] =	wrdreg $0xFFFFFFFF  }
0xb6: {  	s28 =	simm.s32 $_size_execute0_lowered;
	s4 =	sadd.s32 s4, s6;
	[dreg:$0x0] =	wrdreg $0x0  }
0xb7: {  	s6 =	sshll.u32 s28, $0x1;
	[dreg:$0x2] =	wrdreg s4  }
0xb8: {  	[dreg:$0x3] =	wrdreg s6  }
0xb9: {  	[dreg:$0x4] =	wrdreg $0xC0  }
0xba: {  	_ =	task [dreg:s22], $0x5FFFF  }
0xbb: {  	[dreg:$0x1] =	wrdreg $0xFFFFFFFF  }
0xbc: {  	[dreg:$0x0] =	wrdreg $0x60  }
0xbd: {  	[dreg:$0x2] =	wrdreg s18  }
0xbe: {  	[dreg:$0x3] =	wrdreg s24  }
0xbf: {  	[dreg:$0x4] =	wrdreg $0x9  }
0xc0: {  	_ =	task.clear_ibuf [dreg:s22], $0x5FFFF;
	_ =	strace $0x90000085  }
0xc1: {  	s29 =	simm.s32 $0x9;
	_ =	strace $0x80000087  }
0xc2: {  	_ =	swait.ge [sflag:s29], $0x1  }
0xc3: {  	[sflag:s29] =	ssyncadd.s32 $0xFFFFFFFF  }
0xc4: {  	_ =	strace $0x90000087  }
0xc5: {  	_ =	sfence  }
0xc6: {  	s30 =	sld [smem:$0x0];
	_ =	sdelay $0x2  }
0xc7: {  	s31 =	sshll.u32 s1, $0xD;
	s1 =	sshrl.u32 s1, $0x2  }
0xc8: {  	s4 =	sand.u32 $0x4000, s31;
	s1 =	sadd.s32 s1, s30  }
0xc9: {  	s0 =	sor.u32 s4, s0;
	s1 =	sshll.u32 s1, $0x11  }
0xca: {  	s0 =	sor.u32 s1, s0  }
0xcb: {  	s0 =	sadd.s32 $0x8F2B, s0  }
0xcc: {  	[sflag:s0] =	ssyncadd.remote.s32 $0x1  }
0xcd: {  	_ =	sfence.sel $0xFFFF  }
0xce: {  	[dreg:$0x0] =	wrdreg $0xFFFFFFFF;
	(pc) =	sbr.abs _section_cstart, $3  }
0xcf: {  	[dreg:$0x1] =	wrdreg $0xFFFFFFFF  }
0xd0: {  	_ =	task.clear_ibuf [dreg:s22], $0x2FFFF;
	_ =	strace $0x9FFFFFFF  }
0xd1: {  	(tm) =	ssettm $0x7FFFFFFF  }
tec
execute0_lowered:
.L_overlay_start_1:
0x0: {  	(tag) =	ssettag $0x1  }
0x1: {  	s2 =	rddreg [dreg:$0x0]  }
0x2: {  	s7 =	rddreg [dreg:$0x1]  }
0x3: {  	s0 =	rddreg [dreg:$0x2]  }
0x4: {  	s1 =	srdreg.scid;
	_ =	strace $0x80000086;
	s4 =	simm.s32 $0x1  }
0x5: {  	s9 =	simm.s32 $0x3;
	s12 =	simm.s32 $0x0;
	s5 =	sshll.u32 s1, $0x4  }
.Ltmp0:
0x6: {  	s1 =	stileid.u32;
	s5 =	sand.u32 $0x10, s5;
	(pc) =	sbr.rel .LBB2_1-.Ltmp0, $4  }
0x7: {  	s10 =	simm.s32 $0x0;
	s3 =	sadd.s32 $0x22000, s7;
	s6 =	sor.u32 s1, s5  }
0x8: {  	[sflag:s4] =	ssyncpa.u1 $0x0;
	s5 =	simm.s32 $0x2;
	s6 =	sshll.u32 s6, $0x7  }
0x9: {  	s7 =	sadd.s32 $0x22200, s7;
	[sflag:s5] =	ssyncpa.u1 $0x0;
	s8 =	sadd.s32 $0x80, s6  }
0xa: {  	vm0 =	vmmov $0xff;
	vm1 =	vcmask $0x3F20;
	[sflag:s9] =	ssyncpa.u1 $0x0;
	s9 =	simm.s32 $0x80;
	s11 =	smov.u32 s6  }
.LBB2_10:
0xb: {  	[hbm:s16] =	stream.linear.scatter [tilespmem:s13], [sflag:$0x3], $0x800, $0x38;
	[tilespmem:$0x10100] =	vst v63  }
.LBB2_11:
0xc: {  	p0 =	seq.s32 s10, $0x2  }
.Ltmp1:
0xd: {  	_ = 	snop;
	(pc) =	sbr.rel @p0 .LBB2_13-.Ltmp1, $1  }
0xe: {  	_ =	sdelay $0x3  }
.LBB2_12:
0xf: {  	s12 =	sadd.s32 $0x80, s11  }
0x10: {  	s13 =	smov.u32 s6;
	p0 =	slt.s32 s12, s8  }
0x11: {  	s13 =	smov.u32 @p0 s12  }
0x12: {  	s10 =	sadd.s32 $0x1, s10;
	s12 =	smov.u32 s11;
	s11 =	smov.u32 s13  }
.LBB2_1:
0x13: {  	p0 =	sne.s32 s10, $0x0  }
.Ltmp2:
0x14: {  	_ = 	snop;
	(pc) =	sbr.rel @!p0 .LBB2_2-.Ltmp2, $1  }
0x15: {  	_ =	sdelay $0x3  }
0x16: {  	s13 =	sand.u32 $0x1, s10  }
0x17: {  	p0 =	seq.s32 s13, $0x0  }
.Ltmp3:
0x18: {  	_ = 	snop;
	(pc) =	sbr.rel @p0 .LBB2_11-.Ltmp3, $1  }
0x19: {  	_ =	sdelay $0x3  }
0x1a: {  	_ =	swait.ge [sflag:s5], $0x80  }
0x1b: {  	[sflag:s5] =	ssyncset.done $0x0  }
0x1c: {  	s13 =	simm.s32 $0x0;
	[sflag:s5] =	ssyncadd.s32 $0xFFFFFF80  }
.LBB2_5:
0x1d: {  	s14 =	sshll.u32 s13, $0x4  }
0x1e: {  	s14 =	sand.u32 $0x3FFFFFF0, s14  }
0x1f: {  	v0 =	vld.msk [tilespmem:s14+$0x80 ss:$0x1], $0xffff;
	_ =	sdelay $0x4  }
0x20: {  	v1 =	vshrl.u32 v0, $0x6  }
0x21: {  	vm2 =	veq.s32 v0, $0x80000000;
	v1 =	vand.u32 $0x7F, v1  }
0x22: {  	v0 =	vshll.u32 v0, $0xF;
	v1 =	vsel vm2, $0xFFFFFFFF, v1  }
0x23: {  	v0 =	vand.u32 $0x1F8000, v0;
	v2 =	vshll.u32 v1, $0x8  }
0x24: {  	v0 =	vsel vm2, $0xFFFF8000, v0;
	v1 =	vshll.u32 v1, $0x7;
	v2 =	vand.u32 $0xFFFFF800, v2  }
0x25: {  	s31 =	sshll.u32 s13, $0xC;
	v1 =	vand.u32 $0x380, v1;
	v0 =	vadd.s32 v0, v2  }
0x26: {  	s14 =	sand.u32 $0x3FFFF000, s31;
	v0 =	vor.u32 v1, v0  }
0x27: {  	p0 =	por $0x1, $0x1;
	s15 =	simm.s32 $0x0;
	s14 =	sadd.s32 $0x8100, s14;
	v0 =	vshrl.u32 v0, $0x3  }
.LBB2_6:
0x28: {  	_ =	sdelay $0x1  }
0x29: {  	s15 =	sshra.s32 s15, $0x2;
	p1 =	por p0, p0  }
.Ltmp4:
0x2a: {  	s15 =	sadd.s32 s15, s14;
	(pc) =	sbr.rel @p1 .LBB2_6-.Ltmp4, $4  }
0x2b: {  	[tilespmem:s15], [sflag:$0x1] =	stream.indirect_vreg.gather [hbm:s2], $0x80, v0, vm0, $0x38;
	[tilespmem:$0x10100] =	vst v63  }
0x2c: {  	s15 =	sadd.s32 $0x800, s15  }
0x2d: {  	[tilespmem:s15], [sflag:$0x1] =	stream.indirect_vreg.gather [hbm:s2], $0x80, v0, vm1, $0x38;
	[tilespmem:$0x10100] =	vst v63  }
0x2e: {  	p0 =	por $0x0, $0x0;
	v0 =	vadd.s32 $0x80, v0;
	s15 =	simm.s32 $0x1000  }
0x2f: {  	s13 =	sadd.s32 $0x1, s13  }
0x30: {  	p0 =	sne.s32 s13, $0x8  }
.Ltmp5:
0x31: {  	_ = 	snop;
	(pc) =	sbr.rel @p0 .LBB2_5-.Ltmp5, $1  }
0x32: {  	_ =	sdelay $0x3  }
0x33: {  	s13 =	sshll.u32 s12, $0x5  }
0x34: {  	_ =	swait.ge [sflag:s4], $0x8000;
	s31 =	sshll.u32 s12, $0x4;
	s13 =	sand.u32 $0xFFFFFF00, s13  }
0x35: {  	s14 =	simm.s32 $0x100;
	s12 =	sand.u32 $0x70, s31;
	s13 =	sadd.s32 s13, s7  }
0x36: {  	s15 =	simm.s32 $0x8900;
	[sflag:s4] =	ssyncset.done $0x0;
	s12 =	sadd.s32 s12, s13  }
0x37: {  	[sflag:s4] =	ssyncadd.s32 $0xFFFF8000;
	s13 =	simm.s32 $0x8100;
	s16 =	sadd.s32 $0x0, s12  }
.LBB2_9:
0x38: {  	[hbm:s16] =	stream.linear.scatter [tilespmem:s13], [sflag:$0x3], $0x800, $0x38;
	[tilespmem:$0x10100] =	vst v63  }
0x39: {  	s16 =	smov.u32 s14;
	s13 =	smov.u32 s15;
	p0 =	sne.s32 s14, $0xF00  }
.Ltmp6:
0x3a: {  	s14 =	sadd.s32 $0x100, s14;
	(pc) =	sbr.rel @p0 .LBB2_9-.Ltmp6, $2  }
0x3b: {  	_ =	sdelay $0x2  }
0x3c: {  	s15 =	sadd.s32 $0x800, s15;
	s16 =	sadd.s32 s16, s12  }
.Ltmp7:
0x3d: {  	_ = 	snop;
	(pc) =	sbr.rel .LBB2_10-.Ltmp7, $1  }
0x3e: {  	_ =	sdelay $0x3  }
.LBB2_2:
.Ltmp8:
0x3f: {  	(pc) =	sbr.rel .LBB2_12-.Ltmp8, $4  }
0x40: {  	_ = 	snop  }
0x41: {  	s12 =	sshrl.u32 s11, $0x3  }
0x42: {  	s13 =	sand.u32 $0x7, s11;
	s12 =	sadd.s32 s3, s12  }
0x43: {  	[tilespmem:s9], [sflag:$0x2] =	stream.linear.gather [hbm4b:s12+s13], $0x80, $0x38;
	[tilespmem:$0x10100] =	vst v63  }
.LBB2_13:
0x44: {  	s2 =	simm.s32 $0x3  }
0x45: {  	_ =	swait.ge [sflag:s2], $0x8000  }
0x46: {  	[sflag:s2] =	ssyncset.done $0x0  }
0x47: {  	[sflag:s2] =	ssyncadd.s32 $0xFFFF8000  }
0x48: {  	_ =	sfence.sel $0x180000  }
0x49: {  	s3 =	simm.s32 $0x2;
	[bflag:$0x0] =	sbarrier.arrive $0xFFFF  }
0x4a: {  	[sflag:s3] =	ssyncpa.u1 $0x1  }
0x4b: {  	s31 =	simm.s32 $0x1;
	[sflag:s2] =	ssyncpa.u1 $0x1  }
0x4c: {  	[sflag:s31] =	ssyncpa.u1 $0x1  }
0x4d: {  	p0 =	sne.s32 s1, $0x0;
	_ =	strace $0x90000086  }
0x4e: {  	s0 =	sadd.s32 @!p0 $0x100000, s0;
	[bflag:$0x2] =	sbarrier.arrive $0xFFFF  }
0x4f: {  	[sflag:s0] =	ssyncadd.tile.s32 @!p0 $0x1;
	_ =	shalt  }
.Lfunc_end2:
_tile_overlayer_lowered:
.L_overlay_start_2:
0x50: {  	(tag) =	ssettag $0x2  }
0x51: {  	s0 =	rddreg [dreg:$0x0];
	s2 =	stileid.u32  }
0x52: {  	s1 =	rddreg [dreg:$0x1];
	p0 =	sne.s32 s2, $0x0  }
0x53: {  	s3 =	rddreg [dreg:$0x2];
	[bflag:$0x3] =	sbarrier.arrive $0xFFFF;
	s2 =	simm.s32 @!p0 $0x1C01  }
0x54: {  	[timem:s3], [sflag:s2] =	dma.local @!p0 [hbm:s0], s1  }
0x55: {  	s0 =	simm.s32 @!p0 $0x1  }
0x56: {  	_ =	swait.ge @!p0 [sflag:s0], s1  }
0x57: {  	s1 =	ssub.s32 @!p0 $0x0, s1;
	[sflag:s0] =	ssyncset.done @!p0 $0x0  }
0x58: {  	[sflag:s0] =	ssyncadd.s32 @!p0 s1  }
0x59: {  	[bflag:$0x3] =	sbarrier.arrive $0xFFFF  }
0x5a: {  	_ =	shalt  }

// kernel: gather_offload_async_start.7
scs
__scs_entry_jumppad:
0x0: {  	(pc) =	sbr.rel $0x88, $3  }
0x1: {  	(tag) =	ssettag $0x0;
	lr =	simm.s32 $0x1  }
0x2: {  	[smem:$0x3F95] =	sst lr;
	_ =	strace $0xD0000000  }
0x3: {  	_ = 	snop  }
0x4: {  	_ = 	snop  }
0x5: {  	_ = 	snop  }
0x6: {  	_ = 	snop  }
0x7: {  	_ = 	snop  }
__scs_overlays_trampoline_lowered:
0x8: {  	[smem:$0x3FA4] =	sst s0  }
0x9: {  	[smem:$0x3FA5] =	sst s1  }
0xa: {  	[smem:$0x3FA6] =	sst s2  }
0xb: {  	[smem:$0x3FA7] =	sst s3  }
0xc: {  	[smem:$0x3FA8] =	sst s4  }
0xd: {  	[smem:$0x3FA9] =	sst s5  }
0xe: {  	[smem:$0x3FAA] =	sst s6  }
0xf: {  	[smem:$0x3FAB] =	sst s7  }
0x10: {  	[smem:$0x3FAC] =	sst s8  }
0x11: {  	[smem:$0x3FAD] =	sst s9;
	s0 =	simm.s32 @!p0 $0x0  }
0x12: {  	s1 =	sld [smem:$0x3F93];
	s0 =	simm.s32 @p0 $0x1  }
0x13: {  	[smem:$0x3FAE] =	sst s0;
	s0 =	simm.s32 @!p1 $0x0  }
0x14: {  	s2 =	sld [smem:$0x3F92];
	s0 =	simm.s32 @p1 $0x1  }
0x15: {  	[smem:$0x3FAF] =	sst s0;
	s0 =	simm.s32 @!p2 $0x0  }
0x16: {  	s3 =	sld [smem:$0x3FDB];
	s0 =	simm.s32 @p2 $0x1  }
0x17: {  	s4 =	simm.s32 $0x1BF5;
	[smem:$0x3FB1] =	sst s0  }
0x18: {  	s0 =	sld [smem:$0x3F94];
	_ =	swait.ge [sflag:s4], $0x0  }
0x19: {  	s7 =	sld [smem:$0x3F95]  }
0x1a: {  	s8 =	sadd.s32 $0xFFFFE003, lr  }
0x1b: {  	s9 =	sadd.s32 $0xFFFFFEF7, lr;
	s5 =	simm.s32 $0xFFFFFFFF;
	p2 =	slt.u32 s8, $0xFFFFF086  }
0x1c: {  	p1 =	slt.u32 s9, $0xF7A;
	s5 =	simm.s32 @!p2 $0x0  }
0x1d: {  	s5 =	simm.s32 @p1 $0x1;
	p0 =	seq.s32 s7, s2  }
0x1e: {  	s7 =	smul.u32 @!p0 $0xF7A, s2;
	p2 =	seq.s32 @!p0 s5, $0x0  }
0x1f: {  	s9 =	smul.u32 $0xF7A, s1;
	s8 =	simm.s32 @!p0 $0x1BF5;
	p2 =	por !p2, p0  }
0x20: {  	[sflag:s8] =	ssyncset.s32 @!p0 $0xFFFFF086;
	s6 =	sadd.s32 @!p0 s3, s7;
	s7 =	simm.s32 @!p0 $0x108  }
0x21: {  	s3 =	sadd.s32 s3, s9;
	s6 =	sadd.s32 @!p0 $0x88, s6;
	s7 =	simm.s32 @p2 $0x1082  }
0x22: {  	[simem:s7], [sflag:s8] =	dma.local @!p0 [hbm:s6], $0xF7A  }
0x23: {  	s9 =	sor.u32 $0xD0000000, s2;
	s6 =	simm.s32 $0x108;
	_ =	swait.ge @!p0 [sflag:s8], $0x0  }
0x24: {  	s3 =	sadd.s32 $0x88, s3;
	s6 =	simm.s32 @!p1 $0x1082;
	[sflag:s4] =	ssyncset.s32 $0xFFFFF086  }
0x25: {  	[simem:s6], [sflag:s4] =	dma.local [hbm:s3], $0xF7A  }
0x26: {  	[smem:$0x3F95] =	sst s1;
	(tag) =	ssettag s2;
	_ =	strace s9  }
0x27: {  	s1 =	sld [smem:$0x3FA5]  }
0x28: {  	s2 =	sld [smem:$0x3FA6]  }
0x29: {  	s4 =	sld [smem:$0x3FA8]  }
0x2a: {  	p0 =	seq.s32 s5, $0x0;
	s5 =	sld [smem:$0x3FA9]  }
0x2b: {  	s6 =	sld [smem:$0x3FAA]  }
0x2c: {  	s7 =	sld [smem:$0x3FAB]  }
0x2d: {  	s3 =	simm.s32 $0x108;
	s8 =	sld [smem:$0x3FAC]  }
0x2e: {  	s3 =	simm.s32 @!p0 $0x1082;
	s9 =	sld [smem:$0x3FAD]  }
0x2f: {  	lr =	sadd.s32 s0, s3;
	s0 =	sld [smem:$0x3FA4]  }
0x30: {  	s3 =	sld [smem:$0x3FA7]  }
0x31: {  	[smem:$0x3FB0] =	sst s10  }
0x32: {  	s10 =	sld [smem:$0x3FAE];
	_ =	sdelay $0x3  }
0x33: {  	p0 =	seq.s32 s10, $0x1;
	s10 =	sld [smem:$0x3FB0];
	_ =	sdelay $0x3  }
0x34: {  	[smem:$0x3FB0] =	sst s10  }
0x35: {  	s10 =	sld [smem:$0x3FAF];
	_ =	sdelay $0x3  }
0x36: {  	p1 =	seq.s32 s10, $0x1;
	s10 =	sld [smem:$0x3FB0];
	_ =	sdelay $0x3  }
0x37: {  	[smem:$0x3FB0] =	sst s10  }
0x38: {  	s10 =	sld [smem:$0x3FB1]  }
0x39: {  	_ = 	snop;
	(pc) =	sbr.ind lr, $3  }
0x3a: {  	_ = 	snop  }
0x3b: {  	_ = 	snop  }
0x3c: {  	p2 =	seq.s32 s10, $0x1;
	s10 =	sld [smem:$0x3FB0]  }
0x3d: {  	_ =	shalt  }
0x3e: {  	_ =	shalt  }
0x3f: {  	_ =	shalt  }
0x40: {  	_ =	shalt  }
0x41: {  	_ =	shalt  }
0x42: {  	_ =	shalt  }
0x43: {  	_ =	shalt  }
0x44: {  	_ =	shalt  }
0x45: {  	_ =	shalt  }
0x46: {  	_ =	shalt  }
0x47: {  	_ =	shalt  }
0x48: {  	_ =	shalt  }
0x49: {  	_ =	shalt  }
0x4a: {  	_ =	shalt  }
0x4b: {  	_ =	shalt  }
0x4c: {  	_ =	shalt  }
0x4d: {  	_ =	shalt  }
0x4e: {  	_ =	shalt  }
0x4f: {  	_ =	shalt  }
0x50: {  	_ =	shalt  }
0x51: {  	_ =	shalt  }
0x52: {  	_ =	shalt  }
0x53: {  	_ =	shalt  }
0x54: {  	_ =	shalt  }
0x55: {  	_ =	shalt  }
0x56: {  	_ =	shalt  }
0x57: {  	_ =	shalt  }
0x58: {  	_ =	shalt  }
0x59: {  	_ =	shalt  }
0x5a: {  	_ =	shalt  }
0x5b: {  	_ =	shalt  }
0x5c: {  	_ =	shalt  }
0x5d: {  	_ =	shalt  }
0x5e: {  	_ =	shalt  }
0x5f: {  	_ =	shalt  }
0x60: {  	_ =	shalt  }
0x61: {  	_ =	shalt  }
0x62: {  	_ =	shalt  }
0x63: {  	_ =	shalt  }
0x64: {  	_ =	shalt  }
0x65: {  	_ =	shalt  }
0x66: {  	_ =	shalt  }
0x67: {  	_ =	shalt  }
0x68: {  	_ =	shalt  }
0x69: {  	_ =	shalt  }
0x6a: {  	_ =	shalt  }
0x6b: {  	_ =	shalt  }
0x6c: {  	_ =	shalt  }
0x6d: {  	_ =	shalt  }
0x6e: {  	_ =	shalt  }
0x6f: {  	_ =	shalt  }
0x70: {  	_ =	shalt  }
0x71: {  	_ =	shalt  }
0x72: {  	_ =	shalt  }
0x73: {  	_ =	shalt  }
0x74: {  	_ =	shalt  }
0x75: {  	_ =	shalt  }
0x76: {  	_ =	shalt  }
0x77: {  	_ =	shalt  }
0x78: {  	_ =	shalt  }
0x79: {  	_ =	shalt  }
0x7a: {  	_ =	shalt  }
0x7b: {  	_ =	shalt  }
0x7c: {  	_ =	shalt  }
0x7d: {  	_ =	shalt  }
0x7e: {  	_ =	shalt  }
0x7f: {  	_ =	shalt  }
0x80: {  	_ =	shalt  }
0x81: {  	_ =	shalt  }
0x82: {  	_ =	shalt  }
0x83: {  	_ =	shalt  }
0x84: {  	_ =	shalt  }
0x85: {  	_ =	shalt  }
0x86: {  	_ =	shalt  }
0x87: {  	_ =	shalt  }
.Lfunc_end0:
.L_simem_size_0:
called_computation.7_lowered:
.L_overlay_start_0:
0x88: {  	s2 =	sld [smem:$0x3FD9]  }
0x89: {  	s3 =	sld [smem:$0x3FFE];
	_ =	sdelay $0x1  }
0x8a: {  	s1 =	srdreg.scid  }
0x8b: {  	s0 =	sand.u32 $0x1, s1  }
0x8c: {  	s17 =	sshll.u32 s0, $0xA;
	s2 =	sadd.s32 s3, s2  }
0x8d: {  	s2 =	sadd.s32 s2, s17  }
0x8e: {  	[smem:$0x3FBC] =	sst s2  }
0x8f: {  	_ = 	snop  }
0x90: {  	s2 =	sld [smem:$0x3FC9];
	(tm) =	ssettm $0x1  }
0x91: {  	s18 =	sld [smem:$0x3FFB];
	_ =	sdelay $0x3  }
0x92: {  	_ =	strace s18  }
0x93: {  	s3 =	sld [smem:$0x3FFC];
	_ =	sdelay $0x3  }
0x94: {  	_ =	strace s3  }
0x95: {  	s3 =	sld [smem:$0x3FFD];
	_ =	sdelay $0x3  }
0x96: {  	_ =	strace s3  }
0x97: {  	_ =	strace $0x8FFFFFFF  }
0x98: {  	s19 =	sld [smem:$0x3FDB];
	_ =	sdelay $0x1  }
0x99: {  	s4 =	simm.s32 $_scs_section_size  }
0x9a: {  	s5 =	simm.s32 $_size__tile_overlayer_lowered;
	s6 =	simm.s32 $_tile_overlayer_lowered  }
0x9b: {  	s22 =	simm.s32 $0x1BFF;
	s21 =	sshll.u32 s6, $0x1;
	s3 =	sadd.s32 s4, s19  }
0x9c: {  	s7 =	simm.s32 $0x0;
	s20 =	sshll.u32 s5, $0x1;
	s5 =	sadd.s32 s21, s3  }
0x9d: {  	[timem:s7], [sflag:s22] =	dma.local [hbm:s5], s20  }
0x9e: {  	_ =	swait.ge [sflag:s22], s20  }
0x9f: {  	s4 =	ssub.s32 $0x0, s20;
	[sflag:s22] =	ssyncset.done $0x0  }
0xa0: {  	[sflag:s22] =	ssyncadd.s32 s4;
	_ =	sdelay $0x1  }
0xa1: {  	s23 =	simm.s32 $0x1B8B  }
0xa2: {  	_ =	swait.ge [sflag:s23], $0x1  }
0xa3: {  	[sflag:s23] =	ssyncset.done $0x0  }
0xa4: {  	s25 =	simm.s32 $0x1B8E;
	s24 =	sld [smem:$0x3FFE];
	[sflag:s23] =	ssyncadd.s32 $0xFFFFFFFF  }
0xa5: {  	s26 =	simm.s32 $execute0_lowered;
	[smem:$0x3FD2] =	sst s25  }
0xa6: {  	s5 =	sshll.u32 s26, $0x1;
	_ =	strace $0x80000082;
	[dreg:$0x1] =	wrdreg $0xFFFFFFFF  }
0xa7: {  	s28 =	simm.s32 $_size_execute0_lowered;
	s3 =	sadd.s32 s3, s5;
	[dreg:$0x0] =	wrdreg $0x0  }
0xa8: {  	s5 =	sshll.u32 s28, $0x1;
	[dreg:$0x2] =	wrdreg s3  }
0xa9: {  	[dreg:$0x3] =	wrdreg s5  }
0xaa: {  	[dreg:$0x4] =	wrdreg $0xC0  }
0xab: {  	_ =	task [dreg:s7], $0x5FFFF  }
0xac: {  	[dreg:$0x1] =	wrdreg $0xFFFFFFFF  }
0xad: {  	[dreg:$0x0] =	wrdreg $0x60  }
0xae: {  	[dreg:$0x2] =	wrdreg s2  }
0xaf: {  	[dreg:$0x3] =	wrdreg s24  }
0xb0: {  	[dreg:$0x4] =	wrdreg $0xA  }
0xb1: {  	_ =	task.clear_ibuf [dreg:s7], $0x5FFFF;
	_ =	strace $0x90000082  }
0xb2: {  	s29 =	simm.s32 $0xA;
	_ =	strace $0x80000084  }
0xb3: {  	_ =	swait.ge [sflag:s29], $0x1  }
0xb4: {  	[sflag:s29] =	ssyncadd.s32 $0xFFFFFFFF  }
0xb5: {  	_ =	strace $0x90000084  }
0xb6: {  	_ =	sfence  }
0xb7: {  	s30 =	sld [smem:$0x0];
	_ =	sdelay $0x2  }
0xb8: {  	s31 =	sshll.u32 s1, $0xD;
	s1 =	sshrl.u32 s1, $0x2  }
0xb9: {  	s3 =	sand.u32 $0x4000, s31;
	s1 =	sadd.s32 s1, s30  }
0xba: {  	s0 =	sor.u32 s3, s0;
	s1 =	sshll.u32 s1, $0x11  }
0xbb: {  	s0 =	sor.u32 s1, s0  }
0xbc: {  	s0 =	sadd.s32 $0x8F2B, s0  }
0xbd: {  	[sflag:s0] =	ssyncadd.remote.s32 $0x1  }
0xbe: {  	_ =	sfence.sel $0xFFFF  }
0xbf: {  	[dreg:$0x0] =	wrdreg $0xFFFFFFFF;
	(pc) =	sbr.abs _section_cstart, $3  }
0xc0: {  	[dreg:$0x1] =	wrdreg $0xFFFFFFFF  }
0xc1: {  	_ =	task.clear_ibuf [dreg:s7], $0x2FFFF;
	_ =	strace $0x9FFFFFFF  }
0xc2: {  	(tm) =	ssettm $0x7FFFFFFF  }
0xc3: {  	_ =	shalt  }
tec
execute0_lowered:
.L_overlay_start_1:
0x0: {  	(tag) =	ssettag $0x1  }
0x1: {  	s2 =	rddreg [dreg:$0x0]  }
0x2: {  	s7 =	rddreg [dreg:$0x1]  }
0x3: {  	s0 =	rddreg [dreg:$0x2]  }
0x4: {  	s1 =	srdreg.scid;
	_ =	strace $0x80000083;
	s4 =	simm.s32 $0x1  }
0x5: {  	s9 =	simm.s32 $0x3;
	s12 =	simm.s32 $0x0;
	s5 =	sshll.u32 s1, $0x4  }
.Ltmp0:
0x6: {  	s1 =	stileid.u32;
	s5 =	sand.u32 $0x10, s5;
	(pc) =	sbr.rel .LBB2_1-.Ltmp0, $4  }
0x7: {  	s10 =	simm.s32 $0x0;
	s3 =	sadd.s32 $0x1E00, s7;
	s6 =	sor.u32 s1, s5  }
0x8: {  	[sflag:s4] =	ssyncpa.u1 $0x0;
	s5 =	simm.s32 $0x2;
	s6 =	sshll.u32 s6, $0x7  }
0x9: {  	s7 =	sadd.s32 $0x2000, s7;
	[sflag:s5] =	ssyncpa.u1 $0x0;
	s8 =	sadd.s32 $0x80, s6  }
0xa: {  	vm0 =	vmmov $0xff;
	vm1 =	vcmask $0x3F20;
	[sflag:s9] =	ssyncpa.u1 $0x0;
	s9 =	simm.s32 $0x80;
	s11 =	smov.u32 s6  }
.LBB2_10:
0xb: {  	[hbm:s16] =	stream.linear.scatter [tilespmem:s13], [sflag:$0x3], $0x800, $0x38;
	[tilespmem:$0x10100] =	vst v63  }
.LBB2_11:
0xc: {  	p0 =	seq.s32 s10, $0x2  }
.Ltmp1:
0xd: {  	_ = 	snop;
	(pc) =	sbr.rel @p0 .LBB2_13-.Ltmp1, $1  }
0xe: {  	_ =	sdelay $0x3  }
.LBB2_12:
0xf: {  	s12 =	sadd.s32 $0x80, s11  }
0x10: {  	s13 =	smov.u32 s6;
	p0 =	slt.s32 s12, s8  }
0x11: {  	s13 =	smov.u32 @p0 s12  }
0x12: {  	s10 =	sadd.s32 $0x1, s10;
	s12 =	smov.u32 s11;
	s11 =	smov.u32 s13  }
.LBB2_1:
0x13: {  	p0 =	sne.s32 s10, $0x0  }
.Ltmp2:
0x14: {  	_ = 	snop;
	(pc) =	sbr.rel @!p0 .LBB2_2-.Ltmp2, $1  }
0x15: {  	_ =	sdelay $0x3  }
0x16: {  	s13 =	sand.u32 $0x1, s10  }
0x17: {  	p0 =	seq.s32 s13, $0x0  }
.Ltmp3:
0x18: {  	_ = 	snop;
	(pc) =	sbr.rel @p0 .LBB2_11-.Ltmp3, $1  }
0x19: {  	_ =	sdelay $0x3  }
0x1a: {  	_ =	swait.ge [sflag:s5], $0x80  }
0x1b: {  	[sflag:s5] =	ssyncset.done $0x0  }
0x1c: {  	s13 =	simm.s32 $0x0;
	[sflag:s5] =	ssyncadd.s32 $0xFFFFFF80  }
.LBB2_5:
0x1d: {  	s14 =	sshll.u32 s13, $0x4  }
0x1e: {  	s14 =	sand.u32 $0x3FFFFFF0, s14  }
0x1f: {  	v0 =	vld.msk [tilespmem:s14+$0x80 ss:$0x1], $0xffff;
	_ =	sdelay $0x4  }
0x20: {  	v1 =	vshrl.u32 v0, $0x6  }
0x21: {  	vm2 =	veq.s32 v0, $0x80000000;
	v1 =	vand.u32 $0x7F, v1  }
0x22: {  	v0 =	vshll.u32 v0, $0xF;
	v1 =	vsel vm2, $0xFFFFFFFF, v1  }
0x23: {  	v0 =	vand.u32 $0x1F8000, v0;
	v2 =	vshll.u32 v1, $0x8  }
0x24: {  	v0 =	vsel vm2, $0xFFFF8000, v0;
	v1 =	vshll.u32 v1, $0x7;
	v2 =	vand.u32 $0xFFFFF800, v2  }
0x25: {  	s31 =	sshll.u32 s13, $0xC;
	v1 =	vand.u32 $0x380, v1;
	v0 =	vadd.s32 v0, v2  }
0x26: {  	s14 =	sand.u32 $0x3FFFF000, s31;
	v0 =	vor.u32 v1, v0  }
0x27: {  	p0 =	por $0x1, $0x1;
	s15 =	simm.s32 $0x0;
	s14 =	sadd.s32 $0x8100, s14;
	v0 =	vshrl.u32 v0, $0x3  }
.LBB2_6:
0x28: {  	_ =	sdelay $0x1  }
0x29: {  	s15 =	sshra.s32 s15, $0x2;
	p1 =	por p0, p0  }
.Ltmp4:
0x2a: {  	s15 =	sadd.s32 s15, s14;
	(pc) =	sbr.rel @p1 .LBB2_6-.Ltmp4, $4  }
0x2b: {  	[tilespmem:s15], [sflag:$0x1] =	stream.indirect_vreg.gather [hbm:s2], $0x80, v0, vm0, $0x38;
	[tilespmem:$0x10100] =	vst v63  }
0x2c: {  	s15 =	sadd.s32 $0x800, s15  }
0x2d: {  	[tilespmem:s15], [sflag:$0x1] =	stream.indirect_vreg.gather [hbm:s2], $0x80, v0, vm1, $0x38;
	[tilespmem:$0x10100] =	vst v63  }
0x2e: {  	p0 =	por $0x0, $0x0;
	v0 =	vadd.s32 $0x80, v0;
	s15 =	simm.s32 $0x1000  }
0x2f: {  	s13 =	sadd.s32 $0x1, s13  }
0x30: {  	p0 =	sne.s32 s13, $0x8  }
.Ltmp5:
0x31: {  	_ = 	snop;
	(pc) =	sbr.rel @p0 .LBB2_5-.Ltmp5, $1  }
0x32: {  	_ =	sdelay $0x3  }
0x33: {  	s13 =	sshll.u32 s12, $0x5  }
0x34: {  	_ =	swait.ge [sflag:s4], $0x8000;
	s31 =	sshll.u32 s12, $0x4;
	s13 =	sand.u32 $0xFFFFFF00, s13  }
0x35: {  	s14 =	simm.s32 $0x100;
	s12 =	sand.u32 $0x70, s31;
	s13 =	sadd.s32 s13, s7  }
0x36: {  	s15 =	simm.s32 $0x8900;
	[sflag:s4] =	ssyncset.done $0x0;
	s12 =	sadd.s32 s12, s13  }
0x37: {  	[sflag:s4] =	ssyncadd.s32 $0xFFFF8000;
	s13 =	simm.s32 $0x8100;
	s16 =	sadd.s32 $0x0, s12  }
.LBB2_9:
0x38: {  	[hbm:s16] =	stream.linear.scatter [tilespmem:s13], [sflag:$0x3], $0x800, $0x38;
	[tilespmem:$0x10100] =	vst v63  }
0x39: {  	s16 =	smov.u32 s14;
	s13 =	smov.u32 s15;
	p0 =	sne.s32 s14, $0xF00  }
.Ltmp6:
0x3a: {  	s14 =	sadd.s32 $0x100, s14;
	(pc) =	sbr.rel @p0 .LBB2_9-.Ltmp6, $2  }
0x3b: {  	_ =	sdelay $0x2  }
0x3c: {  	s15 =	sadd.s32 $0x800, s15;
	s16 =	sadd.s32 s16, s12  }
.Ltmp7:
0x3d: {  	_ = 	snop;
	(pc) =	sbr.rel .LBB2_10-.Ltmp7, $1  }
0x3e: {  	_ =	sdelay $0x3  }
.LBB2_2:
.Ltmp8:
0x3f: {  	(pc) =	sbr.rel .LBB2_12-.Ltmp8, $4  }
0x40: {  	_ = 	snop  }
0x41: {  	s12 =	sshrl.u32 s11, $0x3  }
0x42: {  	s13 =	sand.u32 $0x7, s11;
	s12 =	sadd.s32 s3, s12  }
0x43: {  	[tilespmem:s9], [sflag:$0x2] =	stream.linear.gather [hbm4b:s12+s13], $0x80, $0x38;
	[tilespmem:$0x10100] =	vst v63  }
.LBB2_13:
0x44: {  	s2 =	simm.s32 $0x3  }
0x45: {  	_ =	swait.ge [sflag:s2], $0x8000  }
0x46: {  	[sflag:s2] =	ssyncset.done $0x0  }
0x47: {  	[sflag:s2] =	ssyncadd.s32 $0xFFFF8000  }
0x48: {  	_ =	sfence.sel $0x180000  }
0x49: {  	s3 =	simm.s32 $0x2;
	[bflag:$0x0] =	sbarrier.arrive $0xFFFF  }
0x4a: {  	[sflag:s3] =	ssyncpa.u1 $0x1  }
0x4b: {  	s31 =	simm.s32 $0x1;
	[sflag:s2] =	ssyncpa.u1 $0x1  }
0x4c: {  	[sflag:s31] =	ssyncpa.u1 $0x1  }
0x4d: {  	p0 =	sne.s32 s1, $0x0;
	_ =	strace $0x90000083  }
0x4e: {  	s0 =	sadd.s32 @!p0 $0x100000, s0;
	[bflag:$0x2] =	sbarrier.arrive $0xFFFF  }
0x4f: {  	[sflag:s0] =	ssyncadd.tile.s32 @!p0 $0x1;
	_ =	shalt  }
.Lfunc_end2:
_tile_overlayer_lowered:
.L_overlay_start_2:
0x50: {  	(tag) =	ssettag $0x2  }
0x51: {  	s0 =	rddreg [dreg:$0x0];
	s2 =	stileid.u32  }
0x52: {  	s1 =	rddreg [dreg:$0x1];
	p0 =	sne.s32 s2, $0x0  }
0x53: {  	s3 =	rddreg [dreg:$0x2];
	[bflag:$0x3] =	sbarrier.arrive $0xFFFF;
	s2 =	simm.s32 @!p0 $0x1C01  }
0x54: {  	[timem:s3], [sflag:s2] =	dma.local @!p0 [hbm:s0], s1  }
0x55: {  	s0 =	simm.s32 @!p0 $0x1  }
0x56: {  	_ =	swait.ge @!p0 [sflag:s0], s1  }
0x57: {  	s1 =	ssub.s32 @!p0 $0x0, s1;
	[sflag:s0] =	ssyncset.done @!p0 $0x0  }
0x58: {  	[sflag:s0] =	ssyncadd.s32 @!p0 s1  }
0x59: {  	[bflag:$0x3] =	sbarrier.arrive $0xFFFF  }
0x5a: {  	_ =	shalt  }

// kernel: gather_offload_async_start.8
scs
__scs_entry_jumppad:
0x0: {  	(pc) =	sbr.rel $0x88, $3  }
0x1: {  	(tag) =	ssettag $0x0;
	lr =	simm.s32 $0x1  }
0x2: {  	[smem:$0x3F95] =	sst lr;
	_ =	strace $0xD0000000  }
0x3: {  	_ = 	snop  }
0x4: {  	_ = 	snop  }
0x5: {  	_ = 	snop  }
0x6: {  	_ = 	snop  }
0x7: {  	_ = 	snop  }
__scs_overlays_trampoline_lowered:
0x8: {  	[smem:$0x3FA4] =	sst s0  }
0x9: {  	[smem:$0x3FA5] =	sst s1  }
0xa: {  	[smem:$0x3FA6] =	sst s2  }
0xb: {  	[smem:$0x3FA7] =	sst s3  }
0xc: {  	[smem:$0x3FA8] =	sst s4  }
0xd: {  	[smem:$0x3FA9] =	sst s5  }
0xe: {  	[smem:$0x3FAA] =	sst s6  }
0xf: {  	[smem:$0x3FAB] =	sst s7  }
0x10: {  	[smem:$0x3FAC] =	sst s8  }
0x11: {  	[smem:$0x3FAD] =	sst s9;
	s0 =	simm.s32 @!p0 $0x0  }
0x12: {  	s1 =	sld [smem:$0x3F93];
	s0 =	simm.s32 @p0 $0x1  }
0x13: {  	[smem:$0x3FAE] =	sst s0;
	s0 =	simm.s32 @!p1 $0x0  }
0x14: {  	s2 =	sld [smem:$0x3F92];
	s0 =	simm.s32 @p1 $0x1  }
0x15: {  	[smem:$0x3FAF] =	sst s0;
	s0 =	simm.s32 @!p2 $0x0  }
0x16: {  	s3 =	sld [smem:$0x3FDB];
	s0 =	simm.s32 @p2 $0x1  }
0x17: {  	s4 =	simm.s32 $0x1BF5;
	[smem:$0x3FB1] =	sst s0  }
0x18: {  	s0 =	sld [smem:$0x3F94];
	_ =	swait.ge [sflag:s4], $0x0  }
0x19: {  	s7 =	sld [smem:$0x3F95]  }
0x1a: {  	s8 =	sadd.s32 $0xFFFFE003, lr  }
0x1b: {  	s9 =	sadd.s32 $0xFFFFFEF7, lr;
	s5 =	simm.s32 $0xFFFFFFFF;
	p2 =	slt.u32 s8, $0xFFFFF086  }
0x1c: {  	p1 =	slt.u32 s9, $0xF7A;
	s5 =	simm.s32 @!p2 $0x0  }
0x1d: {  	s5 =	simm.s32 @p1 $0x1;
	p0 =	seq.s32 s7, s2  }
0x1e: {  	s7 =	smul.u32 @!p0 $0xF7A, s2;
	p2 =	seq.s32 @!p0 s5, $0x0  }
0x1f: {  	s9 =	smul.u32 $0xF7A, s1;
	s8 =	simm.s32 @!p0 $0x1BF5;
	p2 =	por !p2, p0  }
0x20: {  	[sflag:s8] =	ssyncset.s32 @!p0 $0xFFFFF086;
	s6 =	sadd.s32 @!p0 s3, s7;
	s7 =	simm.s32 @!p0 $0x108  }
0x21: {  	s3 =	sadd.s32 s3, s9;
	s6 =	sadd.s32 @!p0 $0x88, s6;
	s7 =	simm.s32 @p2 $0x1082  }
0x22: {  	[simem:s7], [sflag:s8] =	dma.local @!p0 [hbm:s6], $0xF7A  }
0x23: {  	s9 =	sor.u32 $0xD0000000, s2;
	s6 =	simm.s32 $0x108;
	_ =	swait.ge @!p0 [sflag:s8], $0x0  }
0x24: {  	s3 =	sadd.s32 $0x88, s3;
	s6 =	simm.s32 @!p1 $0x1082;
	[sflag:s4] =	ssyncset.s32 $0xFFFFF086  }
0x25: {  	[simem:s6], [sflag:s4] =	dma.local [hbm:s3], $0xF7A  }
0x26: {  	[smem:$0x3F95] =	sst s1;
	(tag) =	ssettag s2;
	_ =	strace s9  }
0x27: {  	s1 =	sld [smem:$0x3FA5]  }
0x28: {  	s2 =	sld [smem:$0x3FA6]  }
0x29: {  	s4 =	sld [smem:$0x3FA8]  }
0x2a: {  	p0 =	seq.s32 s5, $0x0;
	s5 =	sld [smem:$0x3FA9]  }
0x2b: {  	s6 =	sld [smem:$0x3FAA]  }
0x2c: {  	s7 =	sld [smem:$0x3FAB]  }
0x2d: {  	s3 =	simm.s32 $0x108;
	s8 =	sld [smem:$0x3FAC]  }
0x2e: {  	s3 =	simm.s32 @!p0 $0x1082;
	s9 =	sld [smem:$0x3FAD]  }
0x2f: {  	lr =	sadd.s32 s0, s3;
	s0 =	sld [smem:$0x3FA4]  }
0x30: {  	s3 =	sld [smem:$0x3FA7]  }
0x31: {  	[smem:$0x3FB0] =	sst s10  }
0x32: {  	s10 =	sld [smem:$0x3FAE];
	_ =	sdelay $0x3  }
0x33: {  	p0 =	seq.s32 s10, $0x1;
	s10 =	sld [smem:$0x3FB0];
	_ =	sdelay $0x3  }
0x34: {  	[smem:$0x3FB0] =	sst s10  }
0x35: {  	s10 =	sld [smem:$0x3FAF];
	_ =	sdelay $0x3  }
0x36: {  	p1 =	seq.s32 s10, $0x1;
	s10 =	sld [smem:$0x3FB0];
	_ =	sdelay $0x3  }
0x37: {  	[smem:$0x3FB0] =	sst s10  }
0x38: {  	s10 =	sld [smem:$0x3FB1]  }
0x39: {  	_ = 	snop;
	(pc) =	sbr.ind lr, $3  }
0x3a: {  	_ = 	snop  }
0x3b: {  	_ = 	snop  }
0x3c: {  	p2 =	seq.s32 s10, $0x1;
	s10 =	sld [smem:$0x3FB0]  }
0x3d: {  	_ =	shalt  }
0x3e: {  	_ =	shalt  }
0x3f: {  	_ =	shalt  }
0x40: {  	_ =	shalt  }
0x41: {  	_ =	shalt  }
0x42: {  	_ =	shalt  }
0x43: {  	_ =	shalt  }
0x44: {  	_ =	shalt  }
0x45: {  	_ =	shalt  }
0x46: {  	_ =	shalt  }
0x47: {  	_ =	shalt  }
0x48: {  	_ =	shalt  }
0x49: {  	_ =	shalt  }
0x4a: {  	_ =	shalt  }
0x4b: {  	_ =	shalt  }
0x4c: {  	_ =	shalt  }
0x4d: {  	_ =	shalt  }
0x4e: {  	_ =	shalt  }
0x4f: {  	_ =	shalt  }
0x50: {  	_ =	shalt  }
0x51: {  	_ =	shalt  }
0x52: {  	_ =	shalt  }
0x53: {  	_ =	shalt  }
0x54: {  	_ =	shalt  }
0x55: {  	_ =	shalt  }
0x56: {  	_ =	shalt  }
0x57: {  	_ =	shalt  }
0x58: {  	_ =	shalt  }
0x59: {  	_ =	shalt  }
0x5a: {  	_ =	shalt  }
0x5b: {  	_ =	shalt  }
0x5c: {  	_ =	shalt  }
0x5d: {  	_ =	shalt  }
0x5e: {  	_ =	shalt  }
0x5f: {  	_ =	shalt  }
0x60: {  	_ =	shalt  }
0x61: {  	_ =	shalt  }
0x62: {  	_ =	shalt  }
0x63: {  	_ =	shalt  }
0x64: {  	_ =	shalt  }
0x65: {  	_ =	shalt  }
0x66: {  	_ =	shalt  }
0x67: {  	_ =	shalt  }
0x68: {  	_ =	shalt  }
0x69: {  	_ =	shalt  }
0x6a: {  	_ =	shalt  }
0x6b: {  	_ =	shalt  }
0x6c: {  	_ =	shalt  }
0x6d: {  	_ =	shalt  }
0x6e: {  	_ =	shalt  }
0x6f: {  	_ =	shalt  }
0x70: {  	_ =	shalt  }
0x71: {  	_ =	shalt  }
0x72: {  	_ =	shalt  }
0x73: {  	_ =	shalt  }
0x74: {  	_ =	shalt  }
0x75: {  	_ =	shalt  }
0x76: {  	_ =	shalt  }
0x77: {  	_ =	shalt  }
0x78: {  	_ =	shalt  }
0x79: {  	_ =	shalt  }
0x7a: {  	_ =	shalt  }
0x7b: {  	_ =	shalt  }
0x7c: {  	_ =	shalt  }
0x7d: {  	_ =	shalt  }
0x7e: {  	_ =	shalt  }
0x7f: {  	_ =	shalt  }
0x80: {  	_ =	shalt  }
0x81: {  	_ =	shalt  }
0x82: {  	_ =	shalt  }
0x83: {  	_ =	shalt  }
0x84: {  	_ =	shalt  }
0x85: {  	_ =	shalt  }
0x86: {  	_ =	shalt  }
0x87: {  	_ =	shalt  }
.Lfunc_end0:
.L_simem_size_0:
called_computation.8_lowered:
.L_overlay_start_0:
0x88: {  	s2 =	sld [smem:$0x3FD9]  }
0x89: {  	s3 =	sld [smem:$0x3FFE];
	_ =	sdelay $0x1  }
0x8a: {  	s1 =	srdreg.scid  }
0x8b: {  	s0 =	sand.u32 $0x1, s1  }
0x8c: {  	s16 =	sshll.u32 s0, $0xA;
	s2 =	sadd.s32 s3, s2  }
0x8d: {  	s2 =	sadd.s32 s2, s16  }
0x8e: {  	[smem:$0x3FBC] =	sst s2  }
0x8f: {  	_ = 	snop  }
0x90: {  	(tm) =	ssettm $0x1  }
0x91: {  	s17 =	sld [smem:$0x3FFB];
	_ =	sdelay $0x3  }
0x92: {  	_ =	strace s17  }
0x93: {  	s2 =	sld [smem:$0x3FFC];
	_ =	sdelay $0x3  }
0x94: {  	_ =	strace s2  }
0x95: {  	s2 =	sld [smem:$0x3FFD];
	_ =	sdelay $0x3  }
0x96: {  	_ =	strace s2  }
0x97: {  	_ =	strace $0x8FFFFFFF  }
0x98: {  	s18 =	sld [smem:$0x3FDB];
	_ =	sdelay $0x1  }
0x99: {  	s19 =	simm.s32 $_scs_section_size  }
0x9a: {  	s4 =	simm.s32 $_size__tile_overlayer_lowered;
	s5 =	simm.s32 $_tile_overlayer_lowered  }
0x9b: {  	s22 =	simm.s32 $0x1BFF;
	s21 =	sshll.u32 s5, $0x1;
	s2 =	sadd.s32 s19, s18  }
0x9c: {  	s6 =	simm.s32 $0x0;
	s20 =	sshll.u32 s4, $0x1;
	s4 =	sadd.s32 s21, s2  }
0x9d: {  	[timem:s6], [sflag:s22] =	dma.local [hbm:s4], s20  }
0x9e: {  	_ =	swait.ge [sflag:s22], s20  }
0x9f: {  	s3 =	ssub.s32 $0x0, s20;
	[sflag:s22] =	ssyncset.done $0x0  }
0xa0: {  	[sflag:s22] =	ssyncadd.s32 s3;
	_ =	sdelay $0x1  }
0xa1: {  	s23 =	simm.s32 $0x1B8B  }
0xa2: {  	_ =	swait.ge [sflag:s23], $0x1  }
0xa3: {  	[sflag:s23] =	ssyncset.done $0x0  }
0xa4: {  	s25 =	simm.s32 $0x1B8E;
	s24 =	sld [smem:$0x3FFE];
	[sflag:s23] =	ssyncadd.s32 $0xFFFFFFFF  }
0xa5: {  	s26 =	simm.s32 $execute0_lowered;
	[smem:$0x3FD2] =	sst s25  }
0xa6: {  	s4 =	sshll.u32 s26, $0x1;
	_ =	strace $0x80000052;
	[dreg:$0x1] =	wrdreg $0xFFFFFFFF  }
0xa7: {  	s28 =	simm.s32 $_size_execute0_lowered;
	s2 =	sadd.s32 s2, s4;
	[dreg:$0x0] =	wrdreg $0x0  }
0xa8: {  	s4 =	sshll.u32 s28, $0x1;
	[dreg:$0x2] =	wrdreg s2  }
0xa9: {  	[dreg:$0x3] =	wrdreg s4  }
0xaa: {  	[dreg:$0x4] =	wrdreg $0xC0  }
0xab: {  	_ =	task [dreg:s6], $0x5FFFF  }
0xac: {  	[dreg:$0x1] =	wrdreg $0xFFFFFFFF  }
0xad: {  	[dreg:$0x0] =	wrdreg $0x60  }
0xae: {  	[dreg:$0x2] =	wrdreg s24  }
0xaf: {  	[dreg:$0x3] =	wrdreg $0xB  }
0xb0: {  	_ =	task.clear_ibuf [dreg:s6], $0x4FFFF;
	_ =	strace $0x90000052  }
0xb1: {  	s29 =	simm.s32 $0xB;
	_ =	strace $0x80000054  }
0xb2: {  	_ =	swait.ge [sflag:s29], $0x1  }
0xb3: {  	[sflag:s29] =	ssyncadd.s32 $0xFFFFFFFF  }
0xb4: {  	_ =	strace $0x90000054  }
0xb5: {  	_ =	sfence  }
0xb6: {  	s30 =	sld [smem:$0x0];
	_ =	sdelay $0x2  }
0xb7: {  	s31 =	sshll.u32 s1, $0xD;
	s1 =	sshrl.u32 s1, $0x2  }
0xb8: {  	s3 =	sand.u32 $0x4000, s31;
	s1 =	sadd.s32 s1, s30  }
0xb9: {  	s0 =	sor.u32 s3, s0;
	s1 =	sshll.u32 s1, $0x11  }
0xba: {  	s0 =	sor.u32 s1, s0  }
0xbb: {  	s0 =	sadd.s32 $0x8F2B, s0  }
0xbc: {  	[sflag:s0] =	ssyncadd.remote.s32 $0x1  }
0xbd: {  	_ =	sfence.sel $0xFFFF  }
0xbe: {  	[dreg:$0x0] =	wrdreg $0xFFFFFFFF;
	(pc) =	sbr.abs _section_cstart, $3  }
0xbf: {  	[dreg:$0x1] =	wrdreg $0xFFFFFFFF  }
0xc0: {  	_ =	task.clear_ibuf [dreg:s6], $0x2FFFF;
	_ =	strace $0x9FFFFFFF  }
0xc1: {  	(tm) =	ssettm $0x7FFFFFFF  }
tec
execute0_lowered:
.L_overlay_start_1:
0x0: {  	(tag) =	ssettag $0x1  }
0x1: {  	s0 =	srdreg.scid;
	s5 =	rddreg [dreg:$0x0]  }
0x2: {  	s1 =	stileid.u32;
	s6 =	simm.s32 $0x1;
	s9 =	simm.s32 $0x1  }
0x3: {  	s10 =	simm.s32 $0x3;
	s13 =	simm.s32 $0x0;
	s2 =	sshll.u32 s0, $0x6  }
0x4: {  	s12 =	simm.s32 $0x0;
	s3 =	sshll.u32 s1, $0x7;
	s2 =	sand.u32 $0x40, s2  }
0x5: {  	s0 =	rddreg [dreg:$0x1];
	_ =	strace $0x80000053;
	s2 =	sor.u32 s3, s2  }
0x6: {  	s4 =	sadd.s32 $0x1E00, s5;
	[sflag:s6] =	ssyncpa.u1 $0x0;
	s8 =	ssub.s32 $0x1000, s2  }
.Ltmp0:
0x7: {  	s3 =	sadd.s32 $0x2600, s5;
	s7 =	sand.u32 $0x7C0, s8;
	(pc) =	sbr.rel .LBB2_1-.Ltmp0, $4  }
0x8: {  	s5 =	sadd.s32 $0x2400, s5;
	s11 =	smov.u32 s2;
	p0 =	sne.s32 s7, $0x0  }
0x9: {  	s8 =	sshrl.u32 s8, $0xB;
	s7 =	simm.s32 $0x2;
	s9 =	simm.s32 @!p0 $0x0  }
0xa: {  	[sflag:s7] =	ssyncpa.u1 $0x0;
	p0 =	por $0x0, $0x0;
	s8 =	sadd.s32 s9, s8  }
0xb: {  	vm0 =	vmmov $0xffff;
	[sflag:s10] =	ssyncpa.u1 $0x0;
	s10 =	simm.s32 $0x0;
	s9 =	sadd.s32 $0x1, s8  }
.LBB2_4:
0xc: {  	vm1 =	veq.s32 v0, $0x80000000;
	v63 =	vand.u32 $0x1F, v0;
	v2 =	vand.u32 $0x3FFF, v2  }
0xd: {  	v0 =	vsel vm1, $0xFFFFFFFF, v63;
	v2 =	vsel vm1, $0xFFFFFFFF, v2  }
0xe: {  	v3 =	vshll.u32 v0, $0xE;
	v4 =	vshll.u32 v2, $0x3  }
0xf: {  	v0 =	vshll.u32 v0, $0x7;
	v3 =	vand.u32 $0xFFFE0000, v3;
	v4 =	vand.u32 $0xFFFFFC00, v4  }
0x10: {  	v0 =	vand.u32 $0x380, v0;
	v3 =	vadd.s32 v3, v4  }
0x11: {  	v2 =	vand.u32 $0x7F, v2;
	v0 =	vor.u32 v0, v3  }
0x12: {  	v0 =	vor.u32 v2, v0;
	_ =	sdelay $0x1  }
0x13: {  	(ifvalue) =	ssetifvalue $0x7FFFFFFF;
	s14 =	sadd.s32 $0x10, s14  }
0x14: {  	[tilespmem:s14], [sflag:$0x1] =	stream.indirect_vreg.gather [hbm4b:s3+s10], $0x1, v1, vm0, $0x4038;
	[tilespmem:$0x100] =	vst v63  }
0x15: {  	(ifvalue) =	ssetifvalue $0x7FFFFFFF;
	s14 =	sadd.s32 $0x10, s14  }
0x16: {  	[tilespmem:s14], [sflag:$0x1] =	stream.indirect_vreg.gather [hbm4b:s3+s10], $0x1, v0, vm0, $0x4038;
	[tilespmem:$0x100] =	vst v63  }
0x17: {  	_ =	swait.ge [sflag:s6], $0x40  }
0x18: {  	s30 =	sshrl.u32 s13, $0x3;
	[sflag:s6] =	ssyncset.done $0x0  }
0x19: {  	s31 =	sand.u32 $0x7, s13;
	s14 =	sadd.s32 s5, s30;
	[sflag:s6] =	ssyncadd.s32 $0xFFFFFFC0  }
0x1a: {  	[hbm4b:s14+s31] =	stream.linear.scatter [tilespmem:s15], [sflag:$0x3], $0x40, $0x38;
	[tilespmem:$0x100] =	vst v63  }
.LBB2_5:
0x1b: {  	s15 =	sadd.s32 $0x800, s11  }
0x1c: {  	p2 =	sgt.s32 s15, $0xFFF  }
0x1d: {  	s15 =	smov.u32 @p2 s2;
	p2 =	sne.s32 s12, s9  }
.Ltmp1:
0x1e: {  	p1 =	slt.u32 s12, $0x2;
	(pc) =	sbr.rel @!p2 .LBB2_6-.Ltmp1, $4  }
0x1f: {  	s14 =	simm.s32 @!p1 $0x3  }
0x20: {  	s16 =	sadd.s32 $0x1, s12;
	_ =	swait.ge @!p1 [sflag:s14], $0x40  }
0x21: {  	s13 =	smov.u32 s11;
	p0 =	por !p0, !p0;
	[sflag:s14] =	ssyncset.done @!p1 $0x0  }
0x22: {  	s12 =	smov.u32 s16;
	s11 =	smov.u32 s15;
	[sflag:s14] =	ssyncadd.s32 @!p1 $0xFFFFFFC0  }
.LBB2_1:
0x23: {  	p1 =	sge.u32 s12, s8  }
0x24: {  	s14 =	sxor.u32 @!p1 $0xFFFFFFFF, s12  }
0x25: {  	s31 =	sadd.s32 $0xFFFFFFFF, s12;
	s15 =	sshrl.u32 @!p1 s11, $0x3;
	s14 =	sshll.u32 @!p1 s14, $0x6  }
0x26: {  	s16 =	sand.u32 @!p1 $0x7, s11;
	s15 =	sadd.s32 @!p1 s4, s15;
	s14 =	sand.u32 @!p1 $0x40, s14  }
0x27: {  	[tilespmem:s14], [sflag:$0x2] =	stream.linear.gather @!p1 [hbm4b:s15+s16], $0x40, $0x38;
	[tilespmem:$0x100] =	vst v63  }
0x28: {  	p1 =	sge.u32 s31, s8  }
.Ltmp2:
0x29: {  	_ = 	snop;
	(pc) =	sbr.rel @p1 .LBB2_5-.Ltmp2, $1  }
0x2a: {  	_ =	sdelay $0x3  }
0x2b: {  	s14 =	simm.s32 $0x1  }
0x2c: {  	_ =	swait.ge [sflag:s7], $0x40;
	s14 =	simm.s32 @!p0 $0x0  }
0x2d: {  	[sflag:s7] =	ssyncset.done $0x0;
	s14 =	sshll.u32 s14, $0x6  }
0x2e: {  	[sflag:s7] =	ssyncadd.s32 $0xFFFFFFC0;
	(ifvalue) =	ssetifvalue $0x7FFFFFFF;
	v0 =	vld.msk [tilespmem:s14+$0x0 ss:$0x1], $0xffff;
	_ =	sdelay $0x3  }
0x2f: {  	s15 =	sadd.s32 $0x10, s14  }
0x30: {  	v2 =	vld.msk [tilespmem:s15+$0x0 ss:$0x1], $0xffff;
	v1 =	vshrl.u32 v0, $0x5  }
0x31: {  	vm1 =	veq.s32 v0, $0x80000000;
	v0 =	vand.u32 $0x1F, v0;
	v1 =	vand.u32 $0x3FFF, v1  }
0x32: {  	v0 =	vsel vm1, $0xFFFFFFFF, v0;
	v1 =	vsel vm1, $0xFFFFFFFF, v1  }
0x33: {  	v3 =	vshll.u32 v0, $0xE;
	v4 =	vshll.u32 v1, $0x3  }
0x34: {  	v0 =	vshll.u32 v0, $0x7;
	v3 =	vand.u32 $0xFFFE0000, v3;
	v4 =	vand.u32 $0xFFFFFC00, v4  }
0x35: {  	vm1 =	veq.s32 v2, $0x80000000;
	v0 =	vand.u32 $0x380, v0;
	v3 =	vadd.s32 v3, v4  }
0x36: {  	v1 =	vand.u32 $0x7F, v1;
	v0 =	vor.u32 v0, v3;
	v3 =	vshrl.u32 v2, $0x5  }
0x37: {  	s17 =	sadd.s32 $0x10, s15;
	v2 =	vand.u32 $0x1F, v2;
	v1 =	vor.u32 v1, v0;
	v3 =	vand.u32 $0x3FFF, v3  }
0x38: {  	v0 =	vld.msk [tilespmem:s17+$0x0 ss:$0x1], $0xffff;
	v2 =	vsel vm1, $0xFFFFFFFF, v2;
	v3 =	vsel vm1, $0xFFFFFFFF, v3  }
0x39: {  	v63 =	vshll.u32 v2, $0xE;
	v5 =	vshll.u32 v3, $0x3  }
0x3a: {  	s31 =	sshll.u32 s12, $0x6;
	v2 =	vshll.u32 v2, $0x7;
	v4 =	vand.u32 $0xFFFE0000, v63;
	v5 =	vand.u32 $0xFFFFFC00, v5  }
0x3b: {  	s14 =	sor.u32 $0x80, s14;
	s15 =	sand.u32 $0x40, s31;
	(ifvalue) =	ssetifvalue $0x7FFFFFFF;
	v2 =	vand.u32 $0x380, v2;
	v4 =	vadd.s32 v4, v5  }
0x3c: {  	[tilespmem:s14], [sflag:$0x1] =	stream.indirect_vreg.gather [hbm4b:s3+s10], $0x1, v1, vm0, $0x4038;
	v1 =	vand.u32 $0x7F, v3;
	v3 =	vor.u32 v2, v4;
	[tilespmem:$0x100] =	vst v63  }
0x3d: {  	s16 =	simm.s32 $0x20;
	s15 =	sor.u32 $0x80, s15;
	s17 =	sadd.s32 $0x10, s17;
	v2 =	vshrl.u32 v0, $0x5;
	v1 =	vor.u32 v1, v3  }
.LBB2_3:
0x3e: {  	s16 =	sadd.s32 $0x10, s16;
	vm1 =	veq.s32 v0, $0x80000000;
	v3 =	vand.u32 $0x1F, v0;
	v0 =	vld.msk [tilespmem:s17+$0x0 ss:$0x1], $0xffff;
	v2 =	vand.u32 $0x3FFF, v2  }
0x3f: {  	p1 =	slt.u32 s16, $0x30;
	v3 =	vsel vm1, $0xFFFFFFFF, v3;
	v2 =	vsel vm1, $0xFFFFFFFF, v2  }
.Ltmp3:
0x40: {  	v4 =	vshll.u32 v3, $0xE;
	v5 =	vshll.u32 v2, $0x3;
	(pc) =	sbr.rel @p1 .LBB2_3-.Ltmp3, $4  }
0x41: {  	s14 =	sadd.s32 $0x10, s14;
	v3 =	vshll.u32 v3, $0x7;
	v4 =	vand.u32 $0xFFFE0000, v4;
	v5 =	vand.u32 $0xFFFFFC00, v5;
	(ifvalue) =	ssetifvalue $0x7FFFFFFF  }
0x42: {  	v3 =	vand.u32 $0x380, v3;
	v4 =	vadd.s32 v4, v5;
	[tilespmem:s14], [sflag:$0x1] =	stream.indirect_vreg.gather [hbm4b:s3+s10], $0x1, v1, vm0, $0x4038;
	[tilespmem:$0x100] =	vst v63  }
0x43: {  	v1 =	vand.u32 $0x7F, v2;
	v3 =	vor.u32 v3, v4  }
0x44: {  	s17 =	sadd.s32 $0x10, s17;
	v2 =	vshrl.u32 v0, $0x5;
	v1 =	vor.u32 v1, v3  }
.Ltmp4:
0x45: {  	_ = 	snop;
	(pc) =	sbr.rel .LBB2_4-.Ltmp4, $1  }
0x46: {  	_ =	sdelay $0x3  }
.LBB2_6:
0x47: {  	_ =	sfence.sel $0x180000  }
0x48: {  	s2 =	simm.s32 $0x2;
	[bflag:$0x0] =	sbarrier.arrive $0xFFFF  }
0x49: {  	s30 =	simm.s32 $0x3;
	[sflag:s2] =	ssyncpa.u1 $0x1  }
0x4a: {  	s31 =	simm.s32 $0x1;
	[sflag:s30] =	ssyncpa.u1 $0x1  }
0x4b: {  	[sflag:s31] =	ssyncpa.u1 $0x1  }
0x4c: {  	p0 =	sne.s32 s1, $0x0;
	_ =	strace $0x90000053  }
0x4d: {  	s0 =	sadd.s32 @!p0 $0x100000, s0;
	[bflag:$0x2] =	sbarrier.arrive $0xFFFF  }
0x4e: {  	[sflag:s0] =	ssyncadd.tile.s32 @!p0 $0x1;
	_ =	shalt  }
.Lfunc_end2:
_tile_overlayer_lowered:
.L_overlay_start_2:
0x4f: {  	(tag) =	ssettag $0x2  }
0x50: {  	s0 =	rddreg [dreg:$0x0];
	s2 =	stileid.u32  }
0x51: {  	s1 =	rddreg [dreg:$0x1];
	p0 =	sne.s32 s2, $0x0  }
0x52: {  	s3 =	rddreg [dreg:$0x2];
	[bflag:$0x3] =	sbarrier.arrive $0xFFFF;
	s2 =	simm.s32 @!p0 $0x1C01  }
0x53: {  	[timem:s3], [sflag:s2] =	dma.local @!p0 [hbm:s0], s1  }
0x54: {  	s0 =	simm.s32 @!p0 $0x1  }
0x55: {  	_ =	swait.ge @!p0 [sflag:s0], s1  }
0x56: {  	s1 =	ssub.s32 @!p0 $0x0, s1;
	[sflag:s0] =	ssyncset.done @!p0 $0x0  }
0x57: {  	[sflag:s0] =	ssyncadd.s32 @!p0 s1  }
0x58: {  	[bflag:$0x3] =	sbarrier.arrive $0xFFFF  }
0x59: {  	_ =	shalt  }

// kernel: gather_offload_async_start.9
scs
__scs_entry_jumppad:
0x0: {  	(pc) =	sbr.rel $0x88, $3  }
0x1: {  	(tag) =	ssettag $0x0;
	lr =	simm.s32 $0x1  }
0x2: {  	[smem:$0x3F95] =	sst lr;
	_ =	strace $0xD0000000  }
0x3: {  	_ = 	snop  }
0x4: {  	_ = 	snop  }
0x5: {  	_ = 	snop  }
0x6: {  	_ = 	snop  }
0x7: {  	_ = 	snop  }
__scs_overlays_trampoline_lowered:
0x8: {  	[smem:$0x3FA4] =	sst s0  }
0x9: {  	[smem:$0x3FA5] =	sst s1  }
0xa: {  	[smem:$0x3FA6] =	sst s2  }
0xb: {  	[smem:$0x3FA7] =	sst s3  }
0xc: {  	[smem:$0x3FA8] =	sst s4  }
0xd: {  	[smem:$0x3FA9] =	sst s5  }
0xe: {  	[smem:$0x3FAA] =	sst s6  }
0xf: {  	[smem:$0x3FAB] =	sst s7  }
0x10: {  	[smem:$0x3FAC] =	sst s8  }
0x11: {  	[smem:$0x3FAD] =	sst s9;
	s0 =	simm.s32 @!p0 $0x0  }
0x12: {  	s1 =	sld [smem:$0x3F93];
	s0 =	simm.s32 @p0 $0x1  }
0x13: {  	[smem:$0x3FAE] =	sst s0;
	s0 =	simm.s32 @!p1 $0x0  }
0x14: {  	s2 =	sld [smem:$0x3F92];
	s0 =	simm.s32 @p1 $0x1  }
0x15: {  	[smem:$0x3FAF] =	sst s0;
	s0 =	simm.s32 @!p2 $0x0  }
0x16: {  	s3 =	sld [smem:$0x3FDB];
	s0 =	simm.s32 @p2 $0x1  }
0x17: {  	s4 =	simm.s32 $0x1BF5;
	[smem:$0x3FB1] =	sst s0  }
0x18: {  	s0 =	sld [smem:$0x3F94];
	_ =	swait.ge [sflag:s4], $0x0  }
0x19: {  	s7 =	sld [smem:$0x3F95]  }
0x1a: {  	s8 =	sadd.s32 $0xFFFFE003, lr  }
0x1b: {  	s9 =	sadd.s32 $0xFFFFFEF7, lr;
	s5 =	simm.s32 $0xFFFFFFFF;
	p2 =	slt.u32 s8, $0xFFFFF086  }
0x1c: {  	p1 =	slt.u32 s9, $0xF7A;
	s5 =	simm.s32 @!p2 $0x0  }
0x1d: {  	s5 =	simm.s32 @p1 $0x1;
	p0 =	seq.s32 s7, s2  }
0x1e: {  	s7 =	smul.u32 @!p0 $0xF7A, s2;
	p2 =	seq.s32 @!p0 s5, $0x0  }
0x1f: {  	s9 =	smul.u32 $0xF7A, s1;
	s8 =	simm.s32 @!p0 $0x1BF5;
	p2 =	por !p2, p0  }
0x20: {  	[sflag:s8] =	ssyncset.s32 @!p0 $0xFFFFF086;
	s6 =	sadd.s32 @!p0 s3, s7;
	s7 =	simm.s32 @!p0 $0x108  }
0x21: {  	s3 =	sadd.s32 s3, s9;
	s6 =	sadd.s32 @!p0 $0x88, s6;
	s7 =	simm.s32 @p2 $0x1082  }
0x22: {  	[simem:s7], [sflag:s8] =	dma.local @!p0 [hbm:s6], $0xF7A  }
0x23: {  	s9 =	sor.u32 $0xD0000000, s2;
	s6 =	simm.s32 $0x108;
	_ =	swait.ge @!p0 [sflag:s8], $0x0  }
0x24: {  	s3 =	sadd.s32 $0x88, s3;
	s6 =	simm.s32 @!p1 $0x1082;
	[sflag:s4] =	ssyncset.s32 $0xFFFFF086  }
0x25: {  	[simem:s6], [sflag:s4] =	dma.local [hbm:s3], $0xF7A  }
0x26: {  	[smem:$0x3F95] =	sst s1;
	(tag) =	ssettag s2;
	_ =	strace s9  }
0x27: {  	s1 =	sld [smem:$0x3FA5]  }
0x28: {  	s2 =	sld [smem:$0x3FA6]  }
0x29: {  	s4 =	sld [smem:$0x3FA8]  }
0x2a: {  	p0 =	seq.s32 s5, $0x0;
	s5 =	sld [smem:$0x3FA9]  }
0x2b: {  	s6 =	sld [smem:$0x3FAA]  }
0x2c: {  	s7 =	sld [smem:$0x3FAB]  }
0x2d: {  	s3 =	simm.s32 $0x108;
	s8 =	sld [smem:$0x3FAC]  }
0x2e: {  	s3 =	simm.s32 @!p0 $0x1082;
	s9 =	sld [smem:$0x3FAD]  }
0x2f: {  	lr =	sadd.s32 s0, s3;
	s0 =	sld [smem:$0x3FA4]  }
0x30: {  	s3 =	sld [smem:$0x3FA7]  }
0x31: {  	[smem:$0x3FB0] =	sst s10  }
0x32: {  	s10 =	sld [smem:$0x3FAE];
	_ =	sdelay $0x3  }
0x33: {  	p0 =	seq.s32 s10, $0x1;
	s10 =	sld [smem:$0x3FB0];
	_ =	sdelay $0x3  }
0x34: {  	[smem:$0x3FB0] =	sst s10  }
0x35: {  	s10 =	sld [smem:$0x3FAF];
	_ =	sdelay $0x3  }
0x36: {  	p1 =	seq.s32 s10, $0x1;
	s10 =	sld [smem:$0x3FB0];
	_ =	sdelay $0x3  }
0x37: {  	[smem:$0x3FB0] =	sst s10  }
0x38: {  	s10 =	sld [smem:$0x3FB1]  }
0x39: {  	_ = 	snop;
	(pc) =	sbr.ind lr, $3  }
0x3a: {  	_ = 	snop  }
0x3b: {  	_ = 	snop  }
0x3c: {  	p2 =	seq.s32 s10, $0x1;
	s10 =	sld [smem:$0x3FB0]  }
0x3d: {  	_ =	shalt  }
0x3e: {  	_ =	shalt  }
0x3f: {  	_ =	shalt  }
0x40: {  	_ =	shalt  }
0x41: {  	_ =	shalt  }
0x42: {  	_ =	shalt  }
0x43: {  	_ =	shalt  }
0x44: {  	_ =	shalt  }
0x45: {  	_ =	shalt  }
0x46: {  	_ =	shalt  }
0x47: {  	_ =	shalt  }
0x48: {  	_ =	shalt  }
0x49: {  	_ =	shalt  }
0x4a: {  	_ =	shalt  }
0x4b: {  	_ =	shalt  }
0x4c: {  	_ =	shalt  }
0x4d: {  	_ =	shalt  }
0x4e: {  	_ =	shalt  }
0x4f: {  	_ =	shalt  }
0x50: {  	_ =	shalt  }
0x51: {  	_ =	shalt  }
0x52: {  	_ =	shalt  }
0x53: {  	_ =	shalt  }
0x54: {  	_ =	shalt  }
0x55: {  	_ =	shalt  }
0x56: {  	_ =	shalt  }
0x57: {  	_ =	shalt  }
0x58: {  	_ =	shalt  }
0x59: {  	_ =	shalt  }
0x5a: {  	_ =	shalt  }
0x5b: {  	_ =	shalt  }
0x5c: {  	_ =	shalt  }
0x5d: {  	_ =	shalt  }
0x5e: {  	_ =	shalt  }
0x5f: {  	_ =	shalt  }
0x60: {  	_ =	shalt  }
0x61: {  	_ =	shalt  }
0x62: {  	_ =	shalt  }
0x63: {  	_ =	shalt  }
0x64: {  	_ =	shalt  }
0x65: {  	_ =	shalt  }
0x66: {  	_ =	shalt  }
0x67: {  	_ =	shalt  }
0x68: {  	_ =	shalt  }
0x69: {  	_ =	shalt  }
0x6a: {  	_ =	shalt  }
0x6b: {  	_ =	shalt  }
0x6c: {  	_ =	shalt  }
0x6d: {  	_ =	shalt  }
0x6e: {  	_ =	shalt  }
0x6f: {  	_ =	shalt  }
0x70: {  	_ =	shalt  }
0x71: {  	_ =	shalt  }
0x72: {  	_ =	shalt  }
0x73: {  	_ =	shalt  }
0x74: {  	_ =	shalt  }
0x75: {  	_ =	shalt  }
0x76: {  	_ =	shalt  }
0x77: {  	_ =	shalt  }
0x78: {  	_ =	shalt  }
0x79: {  	_ =	shalt  }
0x7a: {  	_ =	shalt  }
0x7b: {  	_ =	shalt  }
0x7c: {  	_ =	shalt  }
0x7d: {  	_ =	shalt  }
0x7e: {  	_ =	shalt  }
0x7f: {  	_ =	shalt  }
0x80: {  	_ =	shalt  }
0x81: {  	_ =	shalt  }
0x82: {  	_ =	shalt  }
0x83: {  	_ =	shalt  }
0x84: {  	_ =	shalt  }
0x85: {  	_ =	shalt  }
0x86: {  	_ =	shalt  }
0x87: {  	_ =	shalt  }
.Lfunc_end0:
.L_simem_size_0:
called_computation.9_lowered:
.L_overlay_start_0:
0x88: {  	s2 =	sld [smem:$0x3FD9]  }
0x89: {  	s3 =	sld [smem:$0x3FFE];
	_ =	sdelay $0x1  }
0x8a: {  	s1 =	srdreg.scid  }
0x8b: {  	s0 =	sand.u32 $0x1, s1  }
0x8c: {  	s17 =	sshll.u32 s0, $0xA;
	s2 =	sadd.s32 s3, s2  }
0x8d: {  	s2 =	sadd.s32 s2, s17  }
0x8e: {  	[smem:$0x3FBC] =	sst s2  }
0x8f: {  	_ = 	snop  }
0x90: {  	(tm) =	ssettm $0x1  }
0x91: {  	s18 =	sld [smem:$0x3FFB];
	_ =	sdelay $0x3  }
0x92: {  	_ =	strace s18  }
0x93: {  	s2 =	sld [smem:$0x3FFC];
	_ =	sdelay $0x3  }
0x94: {  	_ =	strace s2  }
0x95: {  	s2 =	sld [smem:$0x3FFD];
	_ =	sdelay $0x3  }
0x96: {  	_ =	strace s2  }
0x97: {  	_ =	strace $0x8FFFFFFF  }
0x98: {  	s19 =	sld [smem:$0x3FDB];
	_ =	sdelay $0x1  }
0x99: {  	s20 =	simm.s32 $_scs_section_size  }
0x9a: {  	s4 =	simm.s32 $_size__tile_overlayer_lowered;
	s5 =	simm.s32 $_tile_overlayer_lowered  }
0x9b: {  	s6 =	simm.s32 $0x1BFF;
	s21 =	sshll.u32 s5, $0x1;
	s3 =	sadd.s32 s20, s19  }
0x9c: {  	s22 =	simm.s32 $0x0;
	s4 =	sshll.u32 s4, $0x1;
	s5 =	sadd.s32 s21, s3  }
0x9d: {  	[timem:s22], [sflag:s6] =	dma.local [hbm:s5], s4  }
0x9e: {  	_ =	swait.ge [sflag:s6], s4  }
0x9f: {  	s4 =	ssub.s32 $0x0, s4;
	[sflag:s6] =	ssyncset.done $0x0  }
0xa0: {  	[sflag:s6] =	ssyncadd.s32 s4;
	_ =	sdelay $0x1  }
0xa1: {  	s23 =	simm.s32 $0x1B8B  }
0xa2: {  	_ =	swait.ge [sflag:s23], $0x1  }
0xa3: {  	[sflag:s23] =	ssyncset.done $0x0  }
0xa4: {  	[sflag:s23] =	ssyncadd.s32 $0xFFFFFFFF  }
0xa5: {  	s4 =	sld [smem:$0x0]  }
0xa6: {  	s5 =	sand.u32 $0xFFFFFFFE, s1  }
0xa7: {  	p0 =	sne.s32 s1, s5  }
0xa8: {  	s5 =	sshll.u32 @p0 s5, $0xE  }
0xa9: {  	s5 =	sadd.s32 @p0 $0x11B8D, s5;
	s6 =	sshll.u32 @p0 s4, $0x11  }
0xaa: {  	s5 =	sor.u32 @p0 s6, s5  }
0xab: {  	[sflag:s5] =	ssyncadd.remote.s32 @p0 $0x1;
	_ =	sdelay $0x1  }
0xac: {  	s5 =	simm.s32 @p0 $0x1B8D  }
0xad: {  	_ =	swait.eq @p0 [sflag:s5], $0x1  }
0xae: {  	[sflag:s5] =	ssyncadd.s32 @p0 $0xFFFFFFFF  }
0xaf: {  	s6 =	sshll.u32 @!p0 s1, $0xE  }
0xb0: {  	s6 =	sor.u32 @!p0 $0x4000, s6;
	s5 =	simm.s32 @!p0 $0x1B8D  }
0xb1: {  	s4 =	sshll.u32 @!p0 s4, $0x11;
	s6 =	sadd.s32 @!p0 $0x11B8D, s6;
	_ =	swait.eq @!p0 [sflag:s5], $0x1  }
0xb2: {  	s4 =	sor.u32 @!p0 s4, s6;
	[sflag:s5] =	ssyncadd.s32 @!p0 $0xFFFFFFFF  }
0xb3: {  	s25 =	simm.s32 $0x1B8E;
	s24 =	sld [smem:$0x3FFE];
	[sflag:s4] =	ssyncadd.remote.s32 @!p0 $0x1  }
0xb4: {  	s26 =	simm.s32 $execute0_lowered;
	[smem:$0x3FD2] =	sst s25  }
0xb5: {  	s5 =	sshll.u32 s26, $0x1;
	_ =	strace $0x80000079;
	[dreg:$0x1] =	wrdreg $0xFFFFFFFF  }
0xb6: {  	s28 =	simm.s32 $_size_execute0_lowered;
	s3 =	sadd.s32 s3, s5;
	[dreg:$0x0] =	wrdreg $0x0  }
0xb7: {  	s5 =	sshll.u32 s28, $0x1;
	[dreg:$0x2] =	wrdreg s3  }
0xb8: {  	[dreg:$0x3] =	wrdreg s5  }
0xb9: {  	[dreg:$0x4] =	wrdreg $0xC0  }
0xba: {  	_ =	task [dreg:s22], $0x5FFFF  }
0xbb: {  	[dreg:$0x1] =	wrdreg $0xFFFFFFFF  }
0xbc: {  	[dreg:$0x0] =	wrdreg $0x60  }
0xbd: {  	[dreg:$0x2] =	wrdreg s24  }
0xbe: {  	[dreg:$0x3] =	wrdreg $0xB  }
0xbf: {  	_ =	task.clear_ibuf [dreg:s22], $0x4FFFF;
	_ =	strace $0x90000079  }
0xc0: {  	s29 =	simm.s32 $0xB;
	_ =	strace $0x8000007B  }
0xc1: {  	_ =	swait.ge [sflag:s29], $0x1  }
0xc2: {  	[sflag:s29] =	ssyncadd.s32 $0xFFFFFFFF  }
0xc3: {  	_ =	strace $0x9000007B  }
0xc4: {  	_ =	sfence  }
0xc5: {  	s30 =	sld [smem:$0x0];
	_ =	sdelay $0x2  }
0xc6: {  	s31 =	sshll.u32 s1, $0xD;
	s1 =	sshrl.u32 s1, $0x2  }
0xc7: {  	s4 =	sand.u32 $0x4000, s31;
	s1 =	sadd.s32 s1, s30  }
0xc8: {  	s0 =	sor.u32 s4, s0;
	s1 =	sshll.u32 s1, $0x11  }
0xc9: {  	s0 =	sor.u32 s1, s0  }
0xca: {  	s0 =	sadd.s32 $0x8F2B, s0  }
0xcb: {  	[sflag:s0] =	ssyncadd.remote.s32 $0x1  }
0xcc: {  	_ =	sfence.sel $0xFFFF  }
0xcd: {  	[dreg:$0x0] =	wrdreg $0xFFFFFFFF;
	(pc) =	sbr.abs _section_cstart, $3  }
0xce: {  	[dreg:$0x1] =	wrdreg $0xFFFFFFFF  }
0xcf: {  	_ =	task.clear_ibuf [dreg:s22], $0x2FFFF;
	_ =	strace $0x9FFFFFFF  }
0xd0: {  	(tm) =	ssettm $0x7FFFFFFF  }
0xd1: {  	_ =	shalt  }
tec
execute0_lowered:
.L_overlay_start_1:
0x0: {  	(tag) =	ssettag $0x1  }
0x1: {  	s1 =	srdreg.scid  }
0x2: {  	s0 =	stileid.u32;
	s8 =	rddreg [dreg:$0x0];
	s5 =	simm.s32 $0x1  }
0x3: {  	s9 =	simm.s32 $0x1;
	s10 =	simm.s32 $0x3;
	s1 =	sshll.u32 s1, $0x5  }
0x4: {  	s13 =	simm.s32 $0x0;
	s2 =	sshll.u32 s0, $0x6;
	s3 =	sand.u32 $0x20, s1  }
0x5: {  	s12 =	simm.s32 $0x0;
	s4 =	sadd.s32 $0x3C000, s8;
	s2 =	sor.u32 s2, s3  }
0x6: {  	s1 =	rddreg [dreg:$0x1];
	_ =	strace $0x8000007A;
	s7 =	ssub.s32 $0x800, s2  }
.Ltmp0:
0x7: {  	s3 =	sadd.s32 $0x4C400, s8;
	s6 =	sand.u32 $0x3E0, s7;
	(pc) =	sbr.rel .LBB2_1-.Ltmp0, $4  }
0x8: {  	[sflag:s5] =	ssyncpa.u1 $0x0;
	s8 =	sadd.s32 $0x3CA00, s8;
	p0 =	sne.s32 s6, $0x0  }
0x9: {  	s7 =	sshrl.u32 s7, $0xA;
	s6 =	simm.s32 $0x2;
	s9 =	simm.s32 @!p0 $0x0  }
0xa: {  	s11 =	smov.u32 s2;
	[sflag:s6] =	ssyncpa.u1 $0x0;
	s7 =	sadd.s32 s9, s7  }
0xb: {  	vm0 =	vmmov $0xffff;
	[sflag:s10] =	ssyncpa.u1 $0x0;
	s10 =	simm.s32 $0x0;
	s9 =	sadd.s32 $0x1, s7  }
.LBB2_5:
0xc: {  	s15 =	sadd.s32 $0x400, s11  }
0xd: {  	p1 =	sgt.s32 s15, $0x7FF  }
0xe: {  	s15 =	smov.u32 @p1 s2;
	p1 =	sne.s32 s12, s9  }
.Ltmp1:
0xf: {  	p0 =	slt.u32 s12, $0x2;
	(pc) =	sbr.rel @!p1 .LBB2_6-.Ltmp1, $4  }
0x10: {  	s14 =	simm.s32 @!p0 $0x3  }
0x11: {  	_ =	swait.ge @!p0 [sflag:s14], $0x20  }
0x12: {  	s16 =	sadd.s32 $0x1, s12;
	s13 =	smov.u32 s11;
	[sflag:s14] =	ssyncset.done @!p0 $0x0  }
0x13: {  	s12 =	smov.u32 s16;
	s11 =	smov.u32 s15;
	[sflag:s14] =	ssyncadd.s32 @!p0 $0xFFFFFFE0  }
.LBB2_1:
0x14: {  	p0 =	sge.u32 s12, s7  }
0x15: {  	s14 =	sxor.u32 @!p0 $0xFFFFFFFF, s12  }
0x16: {  	s31 =	sadd.s32 $0xFFFFFFFF, s12;
	s15 =	sshrl.u32 @!p0 s11, $0x3;
	s14 =	sshll.u32 @!p0 s14, $0x5  }
0x17: {  	s16 =	sand.u32 @!p0 $0x7, s11;
	s15 =	sadd.s32 @!p0 s4, s15;
	s14 =	sand.u32 @!p0 $0x20, s14  }
0x18: {  	[tilespmem:s14], [sflag:$0x2] =	stream.linear.gather @!p0 [hbm4b:s15+s16], $0x20, $0x38;
	[tilespmem:$0x80] =	vst v63  }
0x19: {  	p0 =	sge.u32 s31, s7  }
.Ltmp2:
0x1a: {  	_ = 	snop;
	(pc) =	sbr.rel @p0 .LBB2_5-.Ltmp2, $1  }
0x1b: {  	_ =	sdelay $0x3  }
0x1c: {  	_ =	swait.ge [sflag:s6], $0x20;
	s14 =	sshll.u32 s12, $0x5;
	s16 =	simm.s32 $0x0  }
0x1d: {  	p0 =	por $0x1, $0x1;
	[sflag:s6] =	ssyncset.done $0x0;
	s15 =	sand.u32 $0x20, s14  }
0x1e: {  	[sflag:s6] =	ssyncadd.s32 $0xFFFFFFE0;
	(ifvalue) =	ssetifvalue $0x7FFFFFFF;
	s14 =	sor.u32 $0x40, s15  }
.LBB2_3:
0x1f: {  	s17 =	sadd.s32 s16, s15  }
0x20: {  	v0 =	vld.msk [tilespmem:s17+$0x0 ss:$0x1], $0xffff;
	_ =	sdelay $0x4  }
0x21: {  	v1 =	vshrl.u32 v0, $0x4  }
0x22: {  	vm1 =	veq.s32 v0, $0x80000000;
	v0 =	vand.u32 $0xF, v0;
	v1 =	vand.u32 $0x3FFF, v1  }
0x23: {  	v0 =	vsel vm1, $0xFFFFFFFF, v0;
	v1 =	vsel vm1, $0xFFFFFFFF, v1  }
0x24: {  	v2 =	vshll.u32 v0, $0xE;
	v3 =	vshll.u32 v1, $0x3  }
0x25: {  	v0 =	vshll.u32 v0, $0x7;
	v2 =	vand.u32 $0xFFFE0000, v2;
	v3 =	vand.u32 $0xFFFFFC00, v3  }
0x26: {  	v0 =	vand.u32 $0x380, v0;
	v2 =	vadd.s32 v2, v3  }
0x27: {  	v1 =	vand.u32 $0x7F, v1;
	v0 =	vor.u32 v0, v2  }
0x28: {  	p1 =	por p0, p0;
	v0 =	vor.u32 v1, v0  }
.Ltmp3:
0x29: {  	_ = 	snop;
	(pc) =	sbr.rel @p1 .LBB2_3-.Ltmp3, $4  }
0x2a: {  	_ = 	snop  }
0x2b: {  	s31 =	sadd.s32 s16, s14  }
0x2c: {  	s16 =	simm.s32 $0x10;
	p0 =	por $0x0, $0x0;
	(ifvalue) =	ssetifvalue $0x7FFFFFFF  }
0x2d: {  	[tilespmem:s31], [sflag:$0x1] =	stream.indirect_vreg.gather [hbm4b:s3+s10], $0x1, v0, vm0, $0x4038;
	[tilespmem:$0x80] =	vst v63  }
.Ltmp4:
0x2e: {  	(pc) =	sbr.rel .LBB2_5-.Ltmp4, $4  }
0x2f: {  	_ =	swait.ge [sflag:s5], $0x20  }
0x30: {  	s15 =	sshrl.u32 s13, $0x3;
	[sflag:s5] =	ssyncset.done $0x0  }
0x31: {  	s31 =	sand.u32 $0x7, s13;
	s15 =	sadd.s32 s8, s15;
	[sflag:s5] =	ssyncadd.s32 $0xFFFFFFE0  }
0x32: {  	[hbm4b:s15+s31] =	stream.linear.scatter [tilespmem:s14], [sflag:$0x3], $0x20, $0x38;
	[tilespmem:$0x80] =	vst v63  }
.LBB2_6:
0x33: {  	_ =	sfence.sel $0x180000  }
0x34: {  	s2 =	simm.s32 $0x2;
	[bflag:$0x0] =	sbarrier.arrive $0xFFFF  }
0x35: {  	s30 =	simm.s32 $0x3;
	[sflag:s2] =	ssyncpa.u1 $0x1  }
0x36: {  	s31 =	simm.s32 $0x1;
	[sflag:s30] =	ssyncpa.u1 $0x1  }
0x37: {  	[sflag:s31] =	ssyncpa.u1 $0x1  }
0x38: {  	p0 =	sne.s32 s0, $0x0;
	_ =	strace $0x9000007A  }
0x39: {  	s0 =	sadd.s32 @!p0 $0x100000, s1;
	[bflag:$0x2] =	sbarrier.arrive $0xFFFF  }
0x3a: {  	[sflag:s0] =	ssyncadd.tile.s32 @!p0 $0x1;
	_ =	shalt  }
.Lfunc_end2:
_tile_overlayer_lowered:
.L_overlay_start_2:
0x3b: {  	(tag) =	ssettag $0x2  }
0x3c: {  	s0 =	rddreg [dreg:$0x0];
	s2 =	stileid.u32  }
0x3d: {  	s1 =	rddreg [dreg:$0x1];
	p0 =	sne.s32 s2, $0x0  }
0x3e: {  	s3 =	rddreg [dreg:$0x2];
	[bflag:$0x3] =	sbarrier.arrive $0xFFFF;
	s2 =	simm.s32 @!p0 $0x1C01  }
0x3f: {  	[timem:s3], [sflag:s2] =	dma.local @!p0 [hbm:s0], s1  }
0x40: {  	s0 =	simm.s32 @!p0 $0x1  }
0x41: {  	_ =	swait.ge @!p0 [sflag:s0], s1  }
0x42: {  	s1 =	ssub.s32 @!p0 $0x0, s1;
	[sflag:s0] =	ssyncset.done @!p0 $0x0  }
0x43: {  	[sflag:s0] =	ssyncadd.s32 @!p0 s1  }
0x44: {  	[bflag:$0x3] =	sbarrier.arrive $0xFFFF  }
0x45: {  	_ =	shalt  }

// kernel: gather_offload_async_start
scs
__scs_entry_jumppad:
0x0: {  	(pc) =	sbr.rel $0x88, $3  }
0x1: {  	(tag) =	ssettag $0x0;
	lr =	simm.s32 $0x1  }
0x2: {  	[smem:$0x3F95] =	sst lr;
	_ =	strace $0xD0000000  }
0x3: {  	_ = 	snop  }
0x4: {  	_ = 	snop  }
0x5: {  	_ = 	snop  }
0x6: {  	_ = 	snop  }
0x7: {  	_ = 	snop  }
__scs_overlays_trampoline_lowered:
0x8: {  	[smem:$0x3FA4] =	sst s0  }
0x9: {  	[smem:$0x3FA5] =	sst s1  }
0xa: {  	[smem:$0x3FA6] =	sst s2  }
0xb: {  	[smem:$0x3FA7] =	sst s3  }
0xc: {  	[smem:$0x3FA8] =	sst s4  }
0xd: {  	[smem:$0x3FA9] =	sst s5  }
0xe: {  	[smem:$0x3FAA] =	sst s6  }
0xf: {  	[smem:$0x3FAB] =	sst s7  }
0x10: {  	[smem:$0x3FAC] =	sst s8  }
0x11: {  	[smem:$0x3FAD] =	sst s9;
	s0 =	simm.s32 @!p0 $0x0  }
0x12: {  	s1 =	sld [smem:$0x3F93];
	s0 =	simm.s32 @p0 $0x1  }
0x13: {  	[smem:$0x3FAE] =	sst s0;
	s0 =	simm.s32 @!p1 $0x0  }
0x14: {  	s2 =	sld [smem:$0x3F92];
	s0 =	simm.s32 @p1 $0x1  }
0x15: {  	[smem:$0x3FAF] =	sst s0;
	s0 =	simm.s32 @!p2 $0x0  }
0x16: {  	s3 =	sld [smem:$0x3FDB];
	s0 =	simm.s32 @p2 $0x1  }
0x17: {  	s4 =	simm.s32 $0x1BF5;
	[smem:$0x3FB1] =	sst s0  }
0x18: {  	s0 =	sld [smem:$0x3F94];
	_ =	swait.ge [sflag:s4], $0x0  }
0x19: {  	s7 =	sld [smem:$0x3F95]  }
0x1a: {  	s8 =	sadd.s32 $0xFFFFE003, lr  }
0x1b: {  	s9 =	sadd.s32 $0xFFFFFEF7, lr;
	s5 =	simm.s32 $0xFFFFFFFF;
	p2 =	slt.u32 s8, $0xFFFFF086  }
0x1c: {  	p1 =	slt.u32 s9, $0xF7A;
	s5 =	simm.s32 @!p2 $0x0  }
0x1d: {  	s5 =	simm.s32 @p1 $0x1;
	p0 =	seq.s32 s7, s2  }
0x1e: {  	s7 =	smul.u32 @!p0 $0xF7A, s2;
	p2 =	seq.s32 @!p0 s5, $0x0  }
0x1f: {  	s9 =	smul.u32 $0xF7A, s1;
	s8 =	simm.s32 @!p0 $0x1BF5;
	p2 =	por !p2, p0  }
0x20: {  	[sflag:s8] =	ssyncset.s32 @!p0 $0xFFFFF086;
	s6 =	sadd.s32 @!p0 s3, s7;
	s7 =	simm.s32 @!p0 $0x108  }
0x21: {  	s3 =	sadd.s32 s3, s9;
	s6 =	sadd.s32 @!p0 $0x88, s6;
	s7 =	simm.s32 @p2 $0x1082  }
0x22: {  	[simem:s7], [sflag:s8] =	dma.local @!p0 [hbm:s6], $0xF7A  }
0x23: {  	s9 =	sor.u32 $0xD0000000, s2;
	s6 =	simm.s32 $0x108;
	_ =	swait.ge @!p0 [sflag:s8], $0x0  }
0x24: {  	s3 =	sadd.s32 $0x88, s3;
	s6 =	simm.s32 @!p1 $0x1082;
	[sflag:s4] =	ssyncset.s32 $0xFFFFF086  }
0x25: {  	[simem:s6], [sflag:s4] =	dma.local [hbm:s3], $0xF7A  }
0x26: {  	[smem:$0x3F95] =	sst s1;
	(tag) =	ssettag s2;
	_ =	strace s9  }
0x27: {  	s1 =	sld [smem:$0x3FA5]  }
0x28: {  	s2 =	sld [smem:$0x3FA6]  }
0x29: {  	s4 =	sld [smem:$0x3FA8]  }
0x2a: {  	p0 =	seq.s32 s5, $0x0;
	s5 =	sld [smem:$0x3FA9]  }
0x2b: {  	s6 =	sld [smem:$0x3FAA]  }
0x2c: {  	s7 =	sld [smem:$0x3FAB]  }
0x2d: {  	s3 =	simm.s32 $0x108;
	s8 =	sld [smem:$0x3FAC]  }
0x2e: {  	s3 =	simm.s32 @!p0 $0x1082;
	s9 =	sld [smem:$0x3FAD]  }
0x2f: {  	lr =	sadd.s32 s0, s3;
	s0 =	sld [smem:$0x3FA4]  }
0x30: {  	s3 =	sld [smem:$0x3FA7]  }
0x31: {  	[smem:$0x3FB0] =	sst s10  }
0x32: {  	s10 =	sld [smem:$0x3FAE];
	_ =	sdelay $0x3  }
0x33: {  	p0 =	seq.s32 s10, $0x1;
	s10 =	sld [smem:$0x3FB0];
	_ =	sdelay $0x3  }
0x34: {  	[smem:$0x3FB0] =	sst s10  }
0x35: {  	s10 =	sld [smem:$0x3FAF];
	_ =	sdelay $0x3  }
0x36: {  	p1 =	seq.s32 s10, $0x1;
	s10 =	sld [smem:$0x3FB0];
	_ =	sdelay $0x3  }
0x37: {  	[smem:$0x3FB0] =	sst s10  }
0x38: {  	s10 =	sld [smem:$0x3FB1]  }
0x39: {  	_ = 	snop;
	(pc) =	sbr.ind lr, $3  }
0x3a: {  	_ = 	snop  }
0x3b: {  	_ = 	snop  }
0x3c: {  	p2 =	seq.s32 s10, $0x1;
	s10 =	sld [smem:$0x3FB0]  }
0x3d: {  	_ =	shalt  }
0x3e: {  	_ =	shalt  }
0x3f: {  	_ =	shalt  }
0x40: {  	_ =	shalt  }
0x41: {  	_ =	shalt  }
0x42: {  	_ =	shalt  }
0x43: {  	_ =	shalt  }
0x44: {  	_ =	shalt  }
0x45: {  	_ =	shalt  }
0x46: {  	_ =	shalt  }
0x47: {  	_ =	shalt  }
0x48: {  	_ =	shalt  }
0x49: {  	_ =	shalt  }
0x4a: {  	_ =	shalt  }
0x4b: {  	_ =	shalt  }
0x4c: {  	_ =	shalt  }
0x4d: {  	_ =	shalt  }
0x4e: {  	_ =	shalt  }
0x4f: {  	_ =	shalt  }
0x50: {  	_ =	shalt  }
0x51: {  	_ =	shalt  }
0x52: {  	_ =	shalt  }
0x53: {  	_ =	shalt  }
0x54: {  	_ =	shalt  }
0x55: {  	_ =	shalt  }
0x56: {  	_ =	shalt  }
0x57: {  	_ =	shalt  }
0x58: {  	_ =	shalt  }
0x59: {  	_ =	shalt  }
0x5a: {  	_ =	shalt  }
0x5b: {  	_ =	shalt  }
0x5c: {  	_ =	shalt  }
0x5d: {  	_ =	shalt  }
0x5e: {  	_ =	shalt  }
0x5f: {  	_ =	shalt  }
0x60: {  	_ =	shalt  }
0x61: {  	_ =	shalt  }
0x62: {  	_ =	shalt  }
0x63: {  	_ =	shalt  }
0x64: {  	_ =	shalt  }
0x65: {  	_ =	shalt  }
0x66: {  	_ =	shalt  }
0x67: {  	_ =	shalt  }
0x68: {  	_ =	shalt  }
0x69: {  	_ =	shalt  }
0x6a: {  	_ =	shalt  }
0x6b: {  	_ =	shalt  }
0x6c: {  	_ =	shalt  }
0x6d: {  	_ =	shalt  }
0x6e: {  	_ =	shalt  }
0x6f: {  	_ =	shalt  }
0x70: {  	_ =	shalt  }
0x71: {  	_ =	shalt  }
0x72: {  	_ =	shalt  }
0x73: {  	_ =	shalt  }
0x74: {  	_ =	shalt  }
0x75: {  	_ =	shalt  }
0x76: {  	_ =	shalt  }
0x77: {  	_ =	shalt  }
0x78: {  	_ =	shalt  }
0x79: {  	_ =	shalt  }
0x7a: {  	_ =	shalt  }
0x7b: {  	_ =	shalt  }
0x7c: {  	_ =	shalt  }
0x7d: {  	_ =	shalt  }
0x7e: {  	_ =	shalt  }
0x7f: {  	_ =	shalt  }
0x80: {  	_ =	shalt  }
0x81: {  	_ =	shalt  }
0x82: {  	_ =	shalt  }
0x83: {  	_ =	shalt  }
0x84: {  	_ =	shalt  }
0x85: {  	_ =	shalt  }
0x86: {  	_ =	shalt  }
0x87: {  	_ =	shalt  }
.Lfunc_end0:
.L_simem_size_0:
called_computation_lowered:
.L_overlay_start_0:
0x88: {  	s2 =	sld [smem:$0x3FD9]  }
0x89: {  	s3 =	sld [smem:$0x3FFE];
	_ =	sdelay $0x1  }
0x8a: {  	s1 =	srdreg.scid  }
0x8b: {  	s0 =	sand.u32 $0x1, s1  }
0x8c: {  	s17 =	sshll.u32 s0, $0xA;
	s2 =	sadd.s32 s3, s2  }
0x8d: {  	s2 =	sadd.s32 s2, s17  }
0x8e: {  	[smem:$0x3FBC] =	sst s2  }
0x8f: {  	_ = 	snop  }
0x90: {  	s2 =	sld [smem:$0x3FD0];
	_ =	sdelay $0x2  }
0x91: {  	s4 =	simm.s32 $0x10;
	s18 =	sld [smem:$0x3FC9]  }
0x92: {  	[smem:s4], [sflag:s4] =	dma.local [hbm:s2], $0x1  }
0x93: {  	_ =	swait.eq [sflag:s4], $0x1  }
0x94: {  	[sflag:s4] =	ssyncset.done $0x0  }
0x95: {  	[sflag:s4] =	ssyncadd.s32 $0xFFFFFFFF  }
0x96: {  	s4 =	sld [smem:$0x11];
	(tm) =	ssettm $0x1  }
0x97: {  	s19 =	sld [smem:$0x3FFB];
	_ =	sdelay $0x3  }
0x98: {  	_ =	strace s19  }
0x99: {  	s2 =	sld [smem:$0x3FFC];
	_ =	sdelay $0x3  }
0x9a: {  	_ =	strace s2  }
0x9b: {  	s2 =	sld [smem:$0x3FFD];
	_ =	sdelay $0x3  }
0x9c: {  	_ =	strace s2  }
0x9d: {  	_ =	strace $0x8FFFFFFF  }
0x9e: {  	s20 =	sld [smem:$0x3FDB];
	_ =	sdelay $0x1  }
0x9f: {  	s5 =	simm.s32 $_scs_section_size  }
0xa0: {  	s6 =	simm.s32 $_size__tile_overlayer_lowered;
	s7 =	simm.s32 $_tile_overlayer_lowered  }
0xa1: {  	s8 =	simm.s32 $0x1BFF;
	s21 =	sshll.u32 s7, $0x1;
	s5 =	sadd.s32 s5, s20  }
0xa2: {  	s22 =	simm.s32 $0x0;
	s6 =	sshll.u32 s6, $0x1;
	s7 =	sadd.s32 s21, s5  }
0xa3: {  	[timem:s22], [sflag:s8] =	dma.local [hbm:s7], s6  }
0xa4: {  	_ =	swait.ge [sflag:s8], s6  }
0xa5: {  	s6 =	ssub.s32 $0x0, s6;
	[sflag:s8] =	ssyncset.done $0x0  }
0xa6: {  	[sflag:s8] =	ssyncadd.s32 s6;
	_ =	sdelay $0x1  }
0xa7: {  	s23 =	simm.s32 $0x1B8B  }
0xa8: {  	_ =	swait.ge [sflag:s23], $0x1  }
0xa9: {  	[sflag:s23] =	ssyncset.done $0x0  }
0xaa: {  	[sflag:s23] =	ssyncadd.s32 $0xFFFFFFFF  }
0xab: {  	s6 =	sld [smem:$0x0]  }
0xac: {  	s7 =	sand.u32 $0xFFFFFFFE, s1  }
0xad: {  	p0 =	sne.s32 s1, s7  }
0xae: {  	s7 =	sshll.u32 @p0 s7, $0xE  }
0xaf: {  	s7 =	sadd.s32 @p0 $0x11B8D, s7;
	s8 =	sshll.u32 @p0 s6, $0x11  }
0xb0: {  	s7 =	sor.u32 @p0 s8, s7  }
0xb1: {  	[sflag:s7] =	ssyncadd.remote.s32 @p0 $0x1;
	_ =	sdelay $0x1  }
0xb2: {  	s7 =	simm.s32 @p0 $0x1B8D  }
0xb3: {  	_ =	swait.eq @p0 [sflag:s7], $0x1  }
0xb4: {  	[sflag:s7] =	ssyncadd.s32 @p0 $0xFFFFFFFF  }
0xb5: {  	s8 =	sshll.u32 @!p0 s1, $0xE  }
0xb6: {  	s8 =	sor.u32 @!p0 $0x4000, s8;
	s7 =	simm.s32 @!p0 $0x1B8D  }
0xb7: {  	s6 =	sshll.u32 @!p0 s6, $0x11;
	s8 =	sadd.s32 @!p0 $0x11B8D, s8;
	_ =	swait.eq @!p0 [sflag:s7], $0x1  }
0xb8: {  	s6 =	sor.u32 @!p0 s6, s8;
	[sflag:s7] =	ssyncadd.s32 @!p0 $0xFFFFFFFF  }
0xb9: {  	s25 =	simm.s32 $0x1B8E;
	s24 =	sld [smem:$0x3FFE];
	[sflag:s6] =	ssyncadd.remote.s32 @!p0 $0x1  }
0xba: {  	s26 =	simm.s32 $execute0_lowered;
	[smem:$0x3FD2] =	sst s25  }
0xbb: {  	s7 =	sshll.u32 s26, $0x1;
	_ =	strace $0x80000049;
	[dreg:$0x1] =	wrdreg $0xFFFFFFFF  }
0xbc: {  	s28 =	simm.s32 $_size_execute0_lowered;
	s5 =	sadd.s32 s5, s7;
	[dreg:$0x0] =	wrdreg $0x0  }
0xbd: {  	s7 =	sshll.u32 s28, $0x1;
	[dreg:$0x2] =	wrdreg s5  }
0xbe: {  	[dreg:$0x3] =	wrdreg s7  }
0xbf: {  	[dreg:$0x4] =	wrdreg $0xC0  }
0xc0: {  	_ =	task [dreg:s22], $0x5FFFF  }
0xc1: {  	[dreg:$0x1] =	wrdreg $0xFFFFFFFF  }
0xc2: {  	[dreg:$0x0] =	wrdreg $0x60  }
0xc3: {  	[dreg:$0x2] =	wrdreg s18  }
0xc4: {  	[dreg:$0x3] =	wrdreg s4  }
0xc5: {  	[dreg:$0x4] =	wrdreg s24  }
0xc6: {  	[dreg:$0x5] =	wrdreg $0x9  }
0xc7: {  	_ =	task.clear_ibuf [dreg:s22], $0x6FFFF;
	_ =	strace $0x90000049  }
0xc8: {  	s29 =	simm.s32 $0x9;
	_ =	strace $0x8000004B  }
0xc9: {  	_ =	swait.ge [sflag:s29], $0x1  }
0xca: {  	[sflag:s29] =	ssyncadd.s32 $0xFFFFFFFF  }
0xcb: {  	_ =	strace $0x9000004B  }
0xcc: {  	_ =	sfence  }
0xcd: {  	s30 =	sld [smem:$0x0];
	_ =	sdelay $0x2  }
0xce: {  	s31 =	sshll.u32 s1, $0xD;
	s1 =	sshrl.u32 s1, $0x2  }
0xcf: {  	s4 =	sand.u32 $0x4000, s31;
	s1 =	sadd.s32 s1, s30  }
0xd0: {  	s0 =	sor.u32 s4, s0;
	s1 =	sshll.u32 s1, $0x11  }
0xd1: {  	s0 =	sor.u32 s1, s0  }
0xd2: {  	s0 =	sadd.s32 $0x8F2B, s0  }
0xd3: {  	[sflag:s0] =	ssyncadd.remote.s32 $0x1  }
0xd4: {  	_ =	sfence.sel $0xFFFF  }
0xd5: {  	[dreg:$0x0] =	wrdreg $0xFFFFFFFF;
	(pc) =	sbr.abs _section_cstart, $3  }
0xd6: {  	[dreg:$0x1] =	wrdreg $0xFFFFFFFF  }
0xd7: {  	_ =	task.clear_ibuf [dreg:s22], $0x2FFFF;
	_ =	strace $0x9FFFFFFF  }
0xd8: {  	(tm) =	ssettm $0x7FFFFFFF  }
0xd9: {  	_ =	shalt  }
tec
execute0_lowered:
.L_overlay_start_1:
0x0: {  	(tag) =	ssettag $0x1  }
0x1: {  	s2 =	rddreg [dreg:$0x0]  }
0x2: {  	s3 =	rddreg [dreg:$0x1]  }
0x3: {  	s7 =	rddreg [dreg:$0x2]  }
0x4: {  	s0 =	rddreg [dreg:$0x3];
	s1 =	srdreg.scid;
	_ =	strace $0x8000004A  }
0x5: {  	s4 =	simm.s32 $0x1;
	s9 =	simm.s32 $0x3;
	s5 =	sshll.u32 s1, $0x4  }
.Ltmp0:
0x6: {  	s1 =	stileid.u32;
	s5 =	sand.u32 $0x10, s5;
	(pc) =	sbr.rel .LBB2_1-.Ltmp0, $4  }
0x7: {  	s12 =	simm.s32 $0x0;
	s10 =	simm.s32 $0x0;
	s6 =	sor.u32 s1, s5  }
0x8: {  	[sflag:s4] =	ssyncpa.u1 $0x0;
	s5 =	simm.s32 $0x2;
	s6 =	sshll.u32 s6, $0x7  }
0x9: {  	s7 =	sadd.s32 $0x22200, s7;
	[sflag:s5] =	ssyncpa.u1 $0x0;
	s8 =	sadd.s32 $0x80, s6  }
0xa: {  	vm0 =	vmmov $0xff;
	vm1 =	vcmask $0x3F20;
	[sflag:s9] =	ssyncpa.u1 $0x0;
	s9 =	simm.s32 $0x80;
	s11 =	smov.u32 s6  }
.LBB2_10:
0xb: {  	[hbm:s16] =	stream.linear.scatter [tilespmem:s13], [sflag:$0x3], $0x800, $0x38;
	[tilespmem:$0x10100] =	vst v63  }
.LBB2_11:
0xc: {  	p0 =	seq.s32 s10, $0x2  }
.Ltmp1:
0xd: {  	_ = 	snop;
	(pc) =	sbr.rel @p0 .LBB2_13-.Ltmp1, $1  }
0xe: {  	_ =	sdelay $0x3  }
.LBB2_12:
0xf: {  	s12 =	sadd.s32 $0x80, s11  }
0x10: {  	s13 =	smov.u32 s6;
	p0 =	slt.s32 s12, s8  }
0x11: {  	s13 =	smov.u32 @p0 s12  }
0x12: {  	s10 =	sadd.s32 $0x1, s10;
	s12 =	smov.u32 s11;
	s11 =	smov.u32 s13  }
.LBB2_1:
0x13: {  	p0 =	sne.s32 s10, $0x0  }
.Ltmp2:
0x14: {  	_ = 	snop;
	(pc) =	sbr.rel @!p0 .LBB2_2-.Ltmp2, $1  }
0x15: {  	_ =	sdelay $0x3  }
0x16: {  	s13 =	sand.u32 $0x1, s10  }
0x17: {  	p0 =	seq.s32 s13, $0x0  }
.Ltmp3:
0x18: {  	_ = 	snop;
	(pc) =	sbr.rel @p0 .LBB2_11-.Ltmp3, $1  }
0x19: {  	_ =	sdelay $0x3  }
0x1a: {  	_ =	swait.ge [sflag:s5], $0x80  }
0x1b: {  	[sflag:s5] =	ssyncset.done $0x0  }
0x1c: {  	s13 =	simm.s32 $0x0;
	[sflag:s5] =	ssyncadd.s32 $0xFFFFFF80  }
.LBB2_5:
0x1d: {  	s14 =	sshll.u32 s13, $0x4  }
0x1e: {  	s14 =	sand.u32 $0x3FFFFFF0, s14  }
0x1f: {  	v0 =	vld.msk [tilespmem:s14+$0x80 ss:$0x1], $0xffff;
	_ =	sdelay $0x4  }
0x20: {  	v1 =	vshrl.u32 v0, $0x6  }
0x21: {  	vm2 =	veq.s32 v0, $0x80000000;
	v1 =	vand.u32 $0x7F, v1  }
0x22: {  	v0 =	vshll.u32 v0, $0xF;
	v1 =	vsel vm2, $0xFFFFFFFF, v1  }
0x23: {  	v0 =	vand.u32 $0x1F8000, v0;
	v2 =	vshll.u32 v1, $0x8  }
0x24: {  	v0 =	vsel vm2, $0xFFFF8000, v0;
	v1 =	vshll.u32 v1, $0x7;
	v2 =	vand.u32 $0xFFFFF800, v2  }
0x25: {  	s31 =	sshll.u32 s13, $0xC;
	v1 =	vand.u32 $0x380, v1;
	v0 =	vadd.s32 v0, v2  }
0x26: {  	s14 =	sand.u32 $0x3FFFF000, s31;
	v0 =	vor.u32 v1, v0  }
0x27: {  	p0 =	por $0x1, $0x1;
	s15 =	simm.s32 $0x0;
	s14 =	sadd.s32 $0x8100, s14;
	v0 =	vshrl.u32 v0, $0x3  }
.LBB2_6:
0x28: {  	_ =	sdelay $0x1  }
0x29: {  	s15 =	sshra.s32 s15, $0x2;
	p1 =	por p0, p0  }
.Ltmp4:
0x2a: {  	s15 =	sadd.s32 s15, s14;
	(pc) =	sbr.rel @p1 .LBB2_6-.Ltmp4, $4  }
0x2b: {  	[tilespmem:s15], [sflag:$0x1] =	stream.indirect_vreg.gather [hbm:s2], $0x80, v0, vm0, $0x38;
	[tilespmem:$0x10100] =	vst v63  }
0x2c: {  	s15 =	sadd.s32 $0x800, s15  }
0x2d: {  	[tilespmem:s15], [sflag:$0x1] =	stream.indirect_vreg.gather [hbm:s2], $0x80, v0, vm1, $0x38;
	[tilespmem:$0x10100] =	vst v63  }
0x2e: {  	p0 =	por $0x0, $0x0;
	v0 =	vadd.s32 $0x80, v0;
	s15 =	simm.s32 $0x1000  }
0x2f: {  	s13 =	sadd.s32 $0x1, s13  }
0x30: {  	p0 =	sne.s32 s13, $0x8  }
.Ltmp5:
0x31: {  	_ = 	snop;
	(pc) =	sbr.rel @p0 .LBB2_5-.Ltmp5, $1  }
0x32: {  	_ =	sdelay $0x3  }
0x33: {  	s13 =	sshll.u32 s12, $0x5  }
0x34: {  	_ =	swait.ge [sflag:s4], $0x8000;
	s31 =	sshll.u32 s12, $0x4;
	s13 =	sand.u32 $0xFFFFFF00, s13  }
0x35: {  	s14 =	simm.s32 $0x100;
	s12 =	sand.u32 $0x70, s31;
	s13 =	sadd.s32 s13, s7  }
0x36: {  	s15 =	simm.s32 $0x8900;
	[sflag:s4] =	ssyncset.done $0x0;
	s12 =	sadd.s32 s12, s13  }
0x37: {  	[sflag:s4] =	ssyncadd.s32 $0xFFFF8000;
	s13 =	simm.s32 $0x8100;
	s16 =	sadd.s32 $0x0, s12  }
.LBB2_9:
0x38: {  	[hbm:s16] =	stream.linear.scatter [tilespmem:s13], [sflag:$0x3], $0x800, $0x38;
	[tilespmem:$0x10100] =	vst v63  }
0x39: {  	s16 =	smov.u32 s14;
	s13 =	smov.u32 s15;
	p0 =	sne.s32 s14, $0xF00  }
.Ltmp6:
0x3a: {  	s14 =	sadd.s32 $0x100, s14;
	(pc) =	sbr.rel @p0 .LBB2_9-.Ltmp6, $2  }
0x3b: {  	_ =	sdelay $0x2  }
0x3c: {  	s15 =	sadd.s32 $0x800, s15;
	s16 =	sadd.s32 s16, s12  }
.Ltmp7:
0x3d: {  	_ = 	snop;
	(pc) =	sbr.rel .LBB2_10-.Ltmp7, $1  }
0x3e: {  	_ =	sdelay $0x3  }
.LBB2_2:
.Ltmp8:
0x3f: {  	(pc) =	sbr.rel .LBB2_12-.Ltmp8, $4  }
0x40: {  	_ = 	snop  }
0x41: {  	s12 =	sshrl.u32 s11, $0x3  }
0x42: {  	s13 =	sand.u32 $0x7, s11;
	s12 =	sadd.s32 s3, s12  }
0x43: {  	[tilespmem:s9], [sflag:$0x2] =	stream.linear.gather [hbm4b:s12+s13], $0x80, $0x38;
	[tilespmem:$0x10100] =	vst v63  }
.LBB2_13:
0x44: {  	s2 =	simm.s32 $0x3  }
0x45: {  	_ =	swait.ge [sflag:s2], $0x8000  }
0x46: {  	[sflag:s2] =	ssyncset.done $0x0  }
0x47: {  	[sflag:s2] =	ssyncadd.s32 $0xFFFF8000  }
0x48: {  	_ =	sfence.sel $0x180000  }
0x49: {  	s3 =	simm.s32 $0x2;
	[bflag:$0x0] =	sbarrier.arrive $0xFFFF  }
0x4a: {  	[sflag:s3] =	ssyncpa.u1 $0x1  }
0x4b: {  	s31 =	simm.s32 $0x1;
	[sflag:s2] =	ssyncpa.u1 $0x1  }
0x4c: {  	[sflag:s31] =	ssyncpa.u1 $0x1  }
0x4d: {  	p0 =	sne.s32 s1, $0x0;
	_ =	strace $0x9000004A  }
0x4e: {  	s0 =	sadd.s32 @!p0 $0x100000, s0;
	[bflag:$0x2] =	sbarrier.arrive $0xFFFF  }
0x4f: {  	[sflag:s0] =	ssyncadd.tile.s32 @!p0 $0x1;
	_ =	shalt  }
.Lfunc_end2:
_tile_overlayer_lowered:
.L_overlay_start_2:
0x50: {  	(tag) =	ssettag $0x2  }
0x51: {  	s0 =	rddreg [dreg:$0x0];
	s2 =	stileid.u32  }
0x52: {  	s1 =	rddreg [dreg:$0x1];
	p0 =	sne.s32 s2, $0x0  }
0x53: {  	s3 =	rddreg [dreg:$0x2];
	[bflag:$0x3] =	sbarrier.arrive $0xFFFF;
	s2 =	simm.s32 @!p0 $0x1C01  }
0x54: {  	[timem:s3], [sflag:s2] =	dma.local @!p0 [hbm:s0], s1  }
0x55: {  	s0 =	simm.s32 @!p0 $0x1  }
0x56: {  	_ =	swait.ge @!p0 [sflag:s0], s1  }
0x57: {  	s1 =	ssub.s32 @!p0 $0x0, s1;
	[sflag:s0] =	ssyncset.done @!p0 $0x0  }
0x58: {  	[sflag:s0] =	ssyncadd.s32 @!p0 s1  }
0x59: {  	[bflag:$0x3] =	sbarrier.arrive $0xFFFF  }
0x5a: {  	_ =	shalt  }

</sc_bundles>
